<compile_context>
chip_gen: v7x
topology: tpu7x:2x2x1
jax: 0.10.2.dev20260603
libtpu: 0.0.44.dev20260713+nightly
codegen_flags: <defaults>
</compile_context>

<pallas_src>
import functools

import jax
import jax.numpy as jnp
from jax import lax
from jax.experimental import pallas as pl
from jax.experimental.pallas import tpu as pltpu
from jax.experimental.pallas import tpu_sc as plsc

NC = 2
NS = 16
CH = 128
KCH = 20
G = 5



def _lin_in_body(x_ref, w_ref, b_ref, o_ref):
    o_ref[...] = jax.nn.relu(
        jnp.dot(x_ref[...], w_ref[...], preferred_element_type=jnp.float32)
        + b_ref[...])


def _lin_in(x, w, b, rb):
    n, d = x.shape
    hid = w.shape[1]
    return pl.pallas_call(
        _lin_in_body,
        grid=(n // rb,),
        in_specs=[
            pl.BlockSpec((rb, d), lambda i: (i, 0)),
            pl.BlockSpec((d, hid), lambda i: (0, 0)),
            pl.BlockSpec((1, hid), lambda i: (0, 0)),
        ],
        out_specs=pl.BlockSpec((rb, hid), lambda i: (i, 0)),
        out_shape=jax.ShapeDtypeStruct((n, hid), jnp.float32),
    )(x, w, b)



def _msg_body(ea_ref, hs_ref, wk_ref, bk_ref, o_ref):
    ew = jax.nn.relu(
        lax.dot_general(ea_ref[...], wk_ref[...], (((0,), (0,)), ((), ())),
                        preferred_element_type=jnp.float32)
        + bk_ref[...])
    be = ea_ref.shape[1]
    hp = hs_ref[...]
    hs = jnp.concatenate([hp[:, m * 16:(m + 1) * 16] for m in range(8)], axis=0)
    ji = lax.broadcasted_iota(jnp.int32, (16, 256), 1)
    ii = lax.broadcasted_iota(jnp.int32, (16, 256), 0)
    tmat = (ji - (ji // 16) * 16 == ii).astype(jnp.float32)
    h_tile = jnp.dot(hs, tmat, preferred_element_type=jnp.float32)
    prod = ew * h_tile
    jr = lax.broadcasted_iota(jnp.int32, (256, 32), 0) // 16
    oc = lax.broadcasted_iota(jnp.int32, (256, 32), 1)
    sel = (jr == oc).astype(jnp.bfloat16)
    msg = jnp.dot(prod.astype(jnp.bfloat16), sel,
                  preferred_element_type=jnp.float32)
    cone = (lax.broadcasted_iota(jnp.int32, (1, 32), 1) == 16).astype(jnp.float32)
    msg = msg + cone
    q = be // 4
    o_ref[...] = jnp.concatenate(
        [msg[m * q:(m + 1) * q, :] for m in range(4)], axis=1)


def _edge_messages(ea_t, h_src_p, wk_perm, bk_perm, be, eh, blk_off, hs_off=0):
    return pl.pallas_call(
        _msg_body,
        grid=(eh // be,),
        in_specs=[
            pl.BlockSpec((ea_t.shape[0], be), lambda i: (0, i + blk_off)),
            pl.BlockSpec((be // 8, 128), lambda i: (i + hs_off, 0)),
            pl.BlockSpec((ea_t.shape[0], 256), lambda i: (0, 0)),
            pl.BlockSpec((1, 256), lambda i: (0, 0)),
        ],
        out_specs=pl.BlockSpec((be // 4, 128), lambda i: (i, 0)),
        out_shape=jax.ShapeDtypeStruct((eh // 4, 128), jnp.float32),
    )(ea_t, h_src_p, wk_perm, bk_perm)



def _sc_gather_body(nch, coff, kch, g, h_hbm, src2d_hbm, out_hbm,
                    idx_v, rows_v, sem, wsem):
    tid = lax.axis_index("s") * NC + lax.axis_index("c")
    cbase = tid * kch
    nj = jnp.clip(nch - cbase, 0, kch)
    ng = nj // g

    def ldfire(gi):
        pltpu.sync_copy(src2d_hbm.at[pl.ds(coff + cbase + gi * g, g)],
                        idx_v.at[pl.ds(gi * g, g)])
        for b in range(g):
            j = gi * g + b
            pltpu.async_copy(
                h_hbm.at[idx_v.at[j]], rows_v.at[pl.ds(j * CH, CH)], sem)

    @pl.when(ng > 0)
    def _():
        ldfire(0)

    def group(gi, _):
        @pl.when(gi + 1 < ng)
        def _():
            ldfire(gi + 1)
        for _b in range(g):
            pltpu.make_async_copy(
                h_hbm.at[idx_v.at[0]], rows_v.at[pl.ds(0, CH)], sem).wait()
        pltpu.async_copy(
            rows_v.at[pl.ds(gi * g * CH, g * CH)],
            out_hbm.at[pl.ds((cbase + gi * g) * CH, g * CH)], wsem)
        return 0
    lax.fori_loop(0, ng, group, 0)

    def drain(gi, _):
        pltpu.make_async_copy(
            rows_v.at[pl.ds(0, g * CH)],
            out_hbm.at[pl.ds(cbase * CH, g * CH)], wsem).wait()
        return 0
    lax.fori_loop(0, ng, drain, 0)


def _sc_gather(h, src2d, nch, coff, kch, g):
    eh = nch * CH
    mesh = plsc.VectorSubcoreMesh(
        core_axis_name="c", subcore_axis_name="s",
        num_cores=NC, num_subcores=NS)
    body = functools.partial(_sc_gather_body, nch, coff, kch, g)
    fn = pl.kernel(
        body,
        out_type=jax.ShapeDtypeStruct((eh, 16), jnp.float32),
        mesh=mesh,
        compiler_params=pltpu.CompilerParams(use_tc_tiling_on_sc=False),
        scratch_types=[
            pltpu.VMEM((kch, CH), jnp.int32),
            pltpu.VMEM((kch * CH, 16), jnp.float32),
            pltpu.SemaphoreType.DMA,
            pltpu.SemaphoreType.DMA,
        ],
    )
    return fn(h, src2d)



def _sc_scatter_body(nch, coff, npad, msg_hbm, dst2d_hbm, parts_hbm,
                     idx_v, v0, v1, z_v, acc_sh, sem0, sem1, ss0, ss1):
    cid = lax.axis_index("c")
    sid = lax.axis_index("s")
    tid = cid * NS + sid
    cbase = tid * KCH
    nj = jnp.clip(nch - cbase, 0, KCH)
    rps = npad // NS

    def zrow(r, _):
        z_v[r, pl.ds(0, 16)] = jnp.zeros((16,), jnp.float32)
        z_v[r, pl.ds(16, 16)] = jnp.zeros((16,), jnp.float32)
        return 0
    lax.fori_loop(0, CH, zrow, 0)

    def zshared(k2, _):
        pltpu.async_copy(z_v, acc_sh.at[pl.ds(sid * rps + k2 * CH, CH)], ss0)
        return 0
    lax.fori_loop(0, rps // CH, zshared, 0)

    def ldidx(gi, _):
        pltpu.async_copy(dst2d_hbm.at[pl.ds(coff + cbase + gi * G, G)],
                         idx_v.at[pl.ds(gi * G, G)], ss1)
        return 0
    lax.fori_loop(0, nj // G, ldidx, 0)

    def zdrain(k2, _):
        pltpu.make_async_copy(z_v, acc_sh.at[pl.ds(0, CH)], ss0).wait()
        return 0
    lax.fori_loop(0, rps // CH, zdrain, 0)

    def idrain(gi, _):
        pltpu.make_async_copy(dst2d_hbm.at[pl.ds(0, G)],
                              idx_v.at[pl.ds(0, G)], ss1).wait()
        return 0
    lax.fori_loop(0, nj // G, idrain, 0)
    plsc.subcore_barrier()

    @pl.when(nj > 0)
    def _():
        pltpu.async_copy(msg_hbm.at[pl.ds(cbase * CH, CH)], v0, sem0)

    @pl.when(nj > 1)
    def _():
        pltpu.async_copy(msg_hbm.at[pl.ds((cbase + 1) * CH, CH)], v1, sem1)

    def pair(j2, _):
        j = 2 * j2
        pltpu.make_async_copy(msg_hbm.at[pl.ds(cbase * CH, CH)], v0, sem0).wait()
        pltpu.async_copy(v0, acc_sh.at[idx_v.at[j]], ss0, add=True)
        pltpu.make_async_copy(msg_hbm.at[pl.ds(cbase * CH, CH)], v1, sem1).wait()
        pltpu.async_copy(v1, acc_sh.at[idx_v.at[j + 1]], ss1, add=True)
        pltpu.make_async_copy(v0, acc_sh.at[idx_v.at[j]], ss0).wait()

        @pl.when(j + 2 < nj)
        def _():
            pltpu.async_copy(
                msg_hbm.at[pl.ds((cbase + j + 2) * CH, CH)], v0, sem0)
        pltpu.make_async_copy(v1, acc_sh.at[idx_v.at[j + 1]], ss1).wait()

        @pl.when(j + 3 < nj)
        def _():
            pltpu.async_copy(
                msg_hbm.at[pl.ds((cbase + j + 3) * CH, CH)], v1, sem1)
        return 0
    lax.fori_loop(0, nj // 2, pair, 0)

    @pl.when(nj % 2 == 1)
    def _():
        j = nj - 1
        pltpu.make_async_copy(msg_hbm.at[pl.ds(cbase * CH, CH)], v0, sem0).wait()
        pltpu.async_copy(v0, acc_sh.at[idx_v.at[j]], ss0, add=True)
        pltpu.make_async_copy(v0, acc_sh.at[idx_v.at[j]], ss0).wait()
    plsc.subcore_barrier()

    pltpu.sync_copy(acc_sh.at[pl.ds(sid * rps, rps)],
                    parts_hbm.at[cid, pl.ds(sid * rps, rps)])


def _sc_scatter(msg32, dst2d, nch, coff, npad):
    mesh = plsc.VectorSubcoreMesh(
        core_axis_name="c", subcore_axis_name="s",
        num_cores=NC, num_subcores=NS)
    body = functools.partial(_sc_scatter_body, nch, coff, npad)
    fn = pl.kernel(
        body,
        out_type=jax.ShapeDtypeStruct((NC, npad, 32), jnp.float32),
        mesh=mesh,
        compiler_params=pltpu.CompilerParams(use_tc_tiling_on_sc=False),
        scratch_types=[
            pltpu.VMEM((KCH, CH), jnp.int32),
            pltpu.VMEM((CH, 32), jnp.float32),
            pltpu.VMEM((CH, 32), jnp.float32),
            pltpu.VMEM((CH, 32), jnp.float32),
            pltpu.VMEM_SHARED((npad, 32), jnp.float32),
            pltpu.SemaphoreType.DMA,
            pltpu.SemaphoreType.DMA,
            pltpu.SemaphoreType.DMA,
            pltpu.SemaphoreType.DMA,
        ],
    )
    return fn(msg32, dst2d)



def _final_body(pa_ref, pb_ref, h_ref, wr_ref, bc_ref, wmu_ref, bmu_ref,
                wlv_ref, blv_ref, mu_ref, lv_ref):
    p = pa_ref[0] + pa_ref[1] + pb_ref[0] + pb_ref[1]
    cnt = jnp.maximum(p[:, 16:17], 1.0)
    agg = p[:, :16] / cnt
    h2 = jax.nn.relu(
        agg
        + jnp.dot(h_ref[...], wr_ref[...], preferred_element_type=jnp.float32)
        + bc_ref[...])
    mu_ref[...] = jnp.dot(h2, wmu_ref[...],
                          preferred_element_type=jnp.float32) + bmu_ref[...]
    lv_ref[...] = jnp.dot(h2, wlv_ref[...],
                          preferred_element_type=jnp.float32) + blv_ref[...]


def _final(pa, pb, h, wr, bc, wmu, bmu, wlv, blv, rb):
    n = h.shape[0]
    lat = wmu.shape[1]
    return pl.pallas_call(
        _final_body,
        grid=(n // rb,),
        in_specs=[
            pl.BlockSpec((2, rb, 32), lambda i: (0, i, 0)),
            pl.BlockSpec((2, rb, 32), lambda i: (0, i, 0)),
            pl.BlockSpec((rb, 16), lambda i: (i, 0)),
            pl.BlockSpec((16, 16), lambda i: (0, 0)),
            pl.BlockSpec((1, 16), lambda i: (0, 0)),
            pl.BlockSpec((16, lat), lambda i: (0, 0)),
            pl.BlockSpec((1, lat), lambda i: (0, 0)),
            pl.BlockSpec((16, lat), lambda i: (0, 0)),
            pl.BlockSpec((1, lat), lambda i: (0, 0)),
        ],
        out_specs=[
            pl.BlockSpec((rb, lat), lambda i: (i, 0)),
            pl.BlockSpec((rb, lat), lambda i: (i, 0)),
        ],
        out_shape=[
            jax.ShapeDtypeStruct((n, lat), jnp.float32),
            jax.ShapeDtypeStruct((n, lat), jnp.float32),
        ],
    )(pa, pb, h, wr, bc, wmu, bmu, wlv, blv)



def kernel(x, edge_index, edge_attr, W_in, b_in, Wk, bk, Wr, b_conv,
           Wmu, bmu, Wlv, blv):
    n, in_dim = x.shape
    e = edge_index.shape[1]
    ea_dim = edge_attr.shape[1]
    hid = W_in.shape[1]
    lat = Wmu.shape[1]

    npad = NS * CH * (-(-n // (NS * CH)))
    be = 3200
    nb = e // be
    eh = e // 2
    nch_h = eh // CH

    src = (edge_index[0].reshape(nb, 8, be // 8).transpose(0, 2, 1)
           .reshape(e // CH, CH))
    dst = (edge_index[1].reshape(nb, 4, be // 4).transpose(0, 2, 1)
           .reshape(e // CH, CH))
    wk_perm = Wk.reshape(ea_dim, hid, hid).transpose(0, 2, 1).reshape(ea_dim, hid * hid)
    bk_perm = bk.reshape(hid, hid).T.reshape(1, hid * hid)
    ea_t = edge_attr.T

    h = _lin_in(x, W_in, b_in.reshape(1, hid), rb=2000)

    hs_a = _sc_gather(h, src, nch_h, 0, kch=KCH, g=G)
    hs_b = _sc_gather(h, src, nch_h, nch_h, kch=KCH, g=G)
    msg_a = _edge_messages(ea_t, hs_a.reshape(eh * hid // 128, 128),
                           wk_perm, bk_perm, be, eh, 0)
    msg_b = _edge_messages(ea_t, hs_b.reshape(eh * hid // 128, 128),
                           wk_perm, bk_perm, be, eh, eh // be)
    parts_a = _sc_scatter(msg_a.reshape(eh, 32), dst, nch_h, 0, npad)
    parts_b = _sc_scatter(msg_b.reshape(eh, 32), dst, nch_h, nch_h, npad)
    mu, logvar = _final(parts_a, parts_b, h, Wr, b_conv.reshape(1, hid),
                        Wmu, bmu.reshape(1, lat), Wlv, blv.reshape(1, lat),
                        rb=2000)
    return (mu, logvar)

# --- scband reference (transcript-rebuilt; emitter-appended) ---
"""Pipeline reference for scband-vgaeencoder-71914932404372 (READ-ONLY COPY).

The authoritative reference and input builder live on the scoring server;
editing this copy changes nothing except your own understanding.
"""

import jax, jax.numpy as jnp
import numpy as np

N = 10000
E = 160000
IN_DIM = 128
HID = 16
LAT = 16
EA = 4


def setup_inputs(seed: int = 0) -> dict:
    key = jax.random.key(seed)
    ks = jax.random.split(key, 16)
    x = jax.random.normal(ks[0], (N, IN_DIM), dtype=jnp.float32)
    edge_index = jax.random.randint(ks[1], (2, E), 0, N, dtype=jnp.int32)
    edge_attr = jax.random.normal(ks[2], (E, EA), dtype=jnp.float32)
    W_in = jax.random.normal(ks[3], (IN_DIM, HID), dtype=jnp.float32) * 0.05
    b_in = jnp.zeros((HID,), dtype=jnp.float32)
    Wk = jax.random.normal(ks[4], (EA, HID * HID), dtype=jnp.float32) * 0.05
    bk = jnp.zeros((HID * HID,), dtype=jnp.float32)
    Wr = jax.random.normal(ks[5], (HID, HID), dtype=jnp.float32) * 0.05
    b_conv = jnp.zeros((HID,), dtype=jnp.float32)
    Wmu = jax.random.normal(ks[6], (HID, LAT), dtype=jnp.float32) * 0.05
    bmu = jnp.zeros((LAT,), dtype=jnp.float32)
    Wlv = jax.random.normal(ks[7], (HID, LAT), dtype=jnp.float32) * 0.05
    blv = jnp.zeros((LAT,), dtype=jnp.float32)
    return {"x": x, "edge_index": edge_index, "edge_attr": edge_attr,
            "W_in": W_in, "b_in": b_in, "Wk": Wk, "bk": bk,
            "Wr": Wr, "b_conv": b_conv, "Wmu": Wmu, "bmu": bmu,
            "Wlv": Wlv, "blv": blv}


def reference(x, edge_index, edge_attr, W_in, b_in, Wk, bk, Wr, b_conv, Wmu, bmu, Wlv, blv):
    # lin_in + relu
    h = jax.nn.relu(x @ W_in + b_in)
    # NNConv (edge-conditioned conv) with aggr='mean'
    # kernel1: Linear(edge_attr_dim, hid*hid) + ReLU -> per-edge weight matrices
    ew = jax.nn.relu(edge_attr @ Wk + bk).reshape(E, HID, HID)
    src = edge_index[0]
    dst = edge_index[1]
    h_src = jnp.take(h, src, axis=0)  # gather [E, HID]
    msg = jnp.einsum('ei,eio->eo', h_src, ew)  # per-edge matvec
    agg_sum = jax.ops.segment_sum(msg, dst, num_segments=N)
    cnt = jax.ops.segment_sum(jnp.ones((E,), dtype=jnp.float32), dst, num_segments=N)
    cnt = jnp.maximum(cnt, 1.0)
    agg = agg_sum / cnt[:, None]  # mean aggregation
    h2 = jax.nn.relu(agg + h @ Wr + b_conv)  # root weight + bias
    mu = h2 @ Wmu + bmu
    logvar = h2 @ Wlv + blv
    return (mu, logvar)

if __name__ == "__main__":
    import jax
    _d = setup_inputs()
    print(jax.jit(kernel)(*tuple(_d.values())))

</pallas_src>

<mosaic_0001>
#map = affine_map<(d0, d1) -> (0, 0)>
#map1 = affine_map<(d0, d1) -> (0, 0, 0)>
module attributes {stable_mosaic.version = 14 : i64} {
  func.func @_sc_scatter_body(%arg0: i32, %arg1: i32, %arg2: memref<80000x32xf32, #tpu.memory_space<hbm>>, %arg3: memref<1250x128xi32, #tpu.memory_space<hbm>>, %arg4: memref<2x10240x32xf32, #tpu.memory_space<hbm>>, %arg5: memref<20x128xi32, #tpu.memory_space<vmem>>, %arg6: memref<128x32xf32, #tpu.memory_space<vmem>>, %arg7: memref<128x32xf32, #tpu.memory_space<vmem>>, %arg8: memref<128x32xf32, #tpu.memory_space<vmem>>, %arg9: memref<10240x32xf32, #tpu.memory_space<vmem_shared>>, %arg10: memref<!tpu.dma_semaphore, #tpu.memory_space<semaphore_mem>>, %arg11: memref<!tpu.dma_semaphore, #tpu.memory_space<semaphore_mem>>, %arg12: memref<!tpu.dma_semaphore, #tpu.memory_space<semaphore_mem>>, %arg13: memref<!tpu.dma_semaphore, #tpu.memory_space<semaphore_mem>>) attributes {dimension_semantics = [#tpu.dimension_semantics<core_parallel>, #tpu.dimension_semantics<subcore_parallel>], iteration_bounds = array<i64: 2, 16>, scalar_prefetch = 0 : i64, scratch_operands = 9 : i64, tpu.core_type = #tpu.core_type<sc_vector_subcore>, window_params = [{transform_indices = #map}, {transform_indices = #map}, {transform_indices = #map1}]} {
    %mul3A = arith.constant 16 : i32
    %mul3A_0 = arith.muli %arg0, %mul3A : i32
    %add3A = arith.addi %mul3A_0, %arg1 : i32
    %mul3A_1 = arith.constant 20 : i32
    %mul3A_2 = arith.muli %add3A, %mul3A_1 : i32
    %sub3A = arith.constant 625 : i32
    %sub3A_3 = arith.subi %sub3A, %mul3A_2 : i32
    %jit3A = arith.constant 0 : i32
    %jit3A_4 = arith.constant 20 : i32
    %max3A = arith.maxsi %jit3A, %sub3A_3 : i32
    %min3A = arith.minsi %jit3A_4, %max3A : i32
    %scan3A = arith.constant 0 : i32
    %scan3A_5 = arith.constant 0 : i32
    %scan3A_6 = arith.constant 128 : i32
    %scan3A_7 = arith.addi %scan3A_5, %scan3A_6 : i32
    %scan3A_8 = arith.constant 1 : i32
    %scan3A_9 = scf.for %scan3A_157 = %scan3A_5 to %scan3A_7 step %scan3A_8 iter_args(%scan3A_158 = %scan3A) -> (i32)  : i32 {
      %broadcast_in_dim3A = arith.constant 0.000000e+00 : f32
      %broadcast_in_dim3A_159 = vector.broadcast %broadcast_in_dim3A : f32 to vector<16xf32>
      %swap3A = arith.index_cast %scan3A_157 : i32 to index
      %swap3A_160 = arith.constant 0 : index
      %swap3A_161 = tpu.vector_load %arg8[%swap3A, %swap3A_160] {strides = array<i32>} : memref<128x32xf32, #tpu.memory_space<vmem>>, vector<1x16xf32>,
      %swap3A_162 = vector.shape_cast %swap3A_161 : vector<1x16xf32> to vector<16xf32>
      %swap3A_163 = vector.shape_cast %broadcast_in_dim3A_159 : vector<16xf32> to vector<1x16xf32>
      tpu.vector_store %arg8[%swap3A, %swap3A_160], %swap3A_163 {strides = array<i32>} : memref<128x32xf32, #tpu.memory_space<vmem>>, vector<1x16xf32>,
      %broadcast_in_dim3A_164 = arith.constant 0.000000e+00 : f32
      %broadcast_in_dim3A_165 = vector.broadcast %broadcast_in_dim3A_164 : f32 to vector<16xf32>
      %swap3A_166 = arith.index_cast %scan3A_157 : i32 to index
      %swap3A_167 = arith.constant 16 : index
      %swap3A_168 = tpu.vector_load %arg8[%swap3A_166, %swap3A_167] {strides = array<i32>} : memref<128x32xf32, #tpu.memory_space<vmem>>, vector<1x16xf32>,
      %swap3A_169 = vector.shape_cast %swap3A_168 : vector<1x16xf32> to vector<16xf32>
      %swap3A_170 = vector.shape_cast %broadcast_in_dim3A_165 : vector<16xf32> to vector<1x16xf32>
      tpu.vector_store %arg8[%swap3A_166, %swap3A_167], %swap3A_170 {strides = array<i32>} : memref<128x32xf32, #tpu.memory_space<vmem>>, vector<1x16xf32>,
      %scan3A_171 = arith.constant 0 : i32
      scf.yield %scan3A_171 : i32
    }
    %scan3A_10 = arith.constant 128 : i32
    %scan3A_11 = arith.constant 0 : i32
    %scan3A_12 = arith.constant 0 : i32
    %scan3A_13 = arith.constant 5 : i32
    %scan3A_14 = arith.addi %scan3A_12, %scan3A_13 : i32
    %scan3A_15 = arith.constant 1 : i32
    %scan3A_16 = scf.for %scan3A_157 = %scan3A_12 to %scan3A_14 step %scan3A_15 iter_args(%scan3A_158 = %scan3A_11) -> (i32)  : i32 {
      %mul3A_159 = arith.constant 640 : i32
      %mul3A_160 = arith.muli %arg1, %mul3A_159 : i32
      %mul3A_161 = arith.constant 128 : i32
      %mul3A_162 = arith.muli %scan3A_157, %mul3A_161 : i32
      %add3A_163 = arith.addi %mul3A_160, %mul3A_162 : i32
      %dma_start3A = arith.constant 0 : i32
      %dma_start3A_164 = tpu.memref_slice %arg9[%add3A_163, %dma_start3A] : memref<10240x32xf32, #tpu.memory_space<vmem_shared>> -> memref<128x32xf32, #tpu.memory_space<vmem_shared>>
      %dma_start3A_165 = arith.constant 0 : i32
      %dma_start3A_166 = tpu.memref_slice %arg9[%add3A_163, %dma_start3A_165] : memref<10240x32xf32, #tpu.memory_space<vmem_shared>> -> memref<128x32xf32, #tpu.memory_space<vmem_shared>>
      tpu.enqueue_dma source(%arg8 : memref<128x32xf32, #tpu.memory_space<vmem>>) target(%dma_start3A_166 : memref<128x32xf32, #tpu.memory_space<vmem_shared>>) target_semaphore(%arg12 : memref<!tpu.dma_semaphore, #tpu.memory_space<semaphore_mem>>)
      %scan3A_167 = arith.constant 0 : i32
      scf.yield %scan3A_167 : i32
    }
    %scan3A_17 = arith.constant 5 : i32
    %jit3A_18 = arith.constant 5 : i32
    %div3A = arith.divsi %min3A, %jit3A_18 : i32
    %sign3A = arith.constant 0 : i32
    %sign3A_19 = arith.cmpi sgt, %min3A, %sign3A : i32
    %sign3A_20 = arith.extui %sign3A_19 : i1 to i32
    %sign3A_21 = arith.constant 0 : i32
    %sign3A_22 = arith.cmpi slt, %min3A, %sign3A_21 : i32
    %sign3A_23 = arith.extui %sign3A_22 : i1 to i32
    %sign3A_24 = arith.subi %sign3A_20, %sign3A_23 : i32
    %sign3A_25 = arith.constant 0 : i32
    %sign3A_26 = arith.cmpi sgt, %jit3A_18, %sign3A_25 : i32
    %sign3A_27 = arith.extui %sign3A_26 : i1 to i32
    %sign3A_28 = arith.constant 0 : i32
    %sign3A_29 = arith.cmpi slt, %jit3A_18, %sign3A_28 : i32
    %sign3A_30 = arith.extui %sign3A_29 : i1 to i32
    %sign3A_31 = arith.subi %sign3A_27, %sign3A_30 : i32
    %ne3A = arith.cmpi ne, %sign3A_24, %sign3A_31 : i32
    %rem3A = arith.remsi %min3A, %jit3A_18 : i32
    %ne3A_32 = arith.constant 0 : i32
    %ne3A_33 = arith.cmpi ne, %rem3A, %ne3A_32 : i32
    %and3A = arith.andi %ne3A, %ne3A_33 : i1
    %sub3A_34 = arith.constant 1 : i32
    %sub3A_35 = arith.subi %div3A, %sub3A_34 : i32
    %select_n3A = arith.select %and3A, %sub3A_35, %div3A : i32
    %while3A = arith.constant 0 : i32
    %while3A_36 = arith.constant 0 : i32
    %while3A_37 = arith.subi %select_n3A, %while3A : i32
    %while3A_38 = arith.addi %while3A, %while3A_37 : i32
    %while3A_39 = arith.constant 1 : i32
    %while3A_40 = arith.divsi %while3A_37, %while3A_39 : i32
    %while3A_41 = arith.muli %while3A_40, %while3A_39 : i32
    %while3A_42 = arith.addi %while3A, %while3A_41 : i32
    %while3A_43 = arith.constant 1 : i32
    %while3A_44 = scf.for %while3A_157 = %while3A to %while3A_42 step %while3A_43 iter_args(%while3A_158 = %while3A_36) -> (i32)  : i32 {
      %add3A_159 = arith.constant 0 : i32
      %add3A_160 = arith.addi %add3A_159, %mul3A_2 : i32
      %mul3A_161 = arith.constant 5 : i32
      %mul3A_162 = arith.muli %while3A_157, %mul3A_161 : i32
      %add3A_163 = arith.addi %add3A_160, %mul3A_162 : i32
      %mul3A_164 = arith.constant 5 : i32
      %mul3A_165 = arith.muli %while3A_157, %mul3A_164 : i32
      %dma_start3A = arith.constant 0 : i32
      %dma_start3A_166 = tpu.memref_slice %arg5[%mul3A_165, %dma_start3A] : memref<20x128xi32, #tpu.memory_space<vmem>> -> memref<5x128xi32, #tpu.memory_space<vmem>>
      %dma_start3A_167 = arith.constant 0 : i32
      %dma_start3A_168 = tpu.memref_slice %arg3[%add3A_163, %dma_start3A_167] : memref<1250x128xi32, #tpu.memory_space<hbm>> -> memref<5x128xi32, #tpu.memory_space<hbm>>
      %dma_start3A_169 = arith.constant 0 : i32
      %dma_start3A_170 = tpu.memref_slice %arg5[%mul3A_165, %dma_start3A_169] : memref<20x128xi32, #tpu.memory_space<vmem>> -> memref<5x128xi32, #tpu.memory_space<vmem>>
      %dma_start3A_171 = arith.constant 0 : i32
      %dma_start3A_172 = tpu.memref_slice %arg3[%add3A_163, %dma_start3A_171] : memref<1250x128xi32, #tpu.memory_space<hbm>> -> memref<5x128xi32, #tpu.memory_space<hbm>>
      tpu.enqueue_dma source(%dma_start3A_172 : memref<5x128xi32, #tpu.memory_space<hbm>>) target(%dma_start3A_170 : memref<5x128xi32, #tpu.memory_space<vmem>>) target_semaphore(%arg13 : memref<!tpu.dma_semaphore, #tpu.memory_space<semaphore_mem>>)
      %while3A_173 = arith.constant 0 : i32
      scf.yield %while3A_173 : i32
    }
    %while3A_45 = arith.constant 1 : i32
    %while3A_46 = scf.for %while3A_157 = %while3A_42 to %while3A_38 step %while3A_45 iter_args(%while3A_158 = %while3A_44) -> (i32)  : i32 {
      %add3A_159 = arith.constant 0 : i32
      %add3A_160 = arith.addi %add3A_159, %mul3A_2 : i32
      %mul3A_161 = arith.constant 5 : i32
      %mul3A_162 = arith.muli %while3A_157, %mul3A_161 : i32
      %add3A_163 = arith.addi %add3A_160, %mul3A_162 : i32
      %mul3A_164 = arith.constant 5 : i32
      %mul3A_165 = arith.muli %while3A_157, %mul3A_164 : i32
      %dma_start3A = arith.constant 0 : i32
      %dma_start3A_166 = tpu.memref_slice %arg5[%mul3A_165, %dma_start3A] : memref<20x128xi32, #tpu.memory_space<vmem>> -> memref<5x128xi32, #tpu.memory_space<vmem>>
      %dma_start3A_167 = arith.constant 0 : i32
      %dma_start3A_168 = tpu.memref_slice %arg3[%add3A_163, %dma_start3A_167] : memref<1250x128xi32, #tpu.memory_space<hbm>> -> memref<5x128xi32, #tpu.memory_space<hbm>>
      %dma_start3A_169 = arith.constant 0 : i32
      %dma_start3A_170 = tpu.memref_slice %arg5[%mul3A_165, %dma_start3A_169] : memref<20x128xi32, #tpu.memory_space<vmem>> -> memref<5x128xi32, #tpu.memory_space<vmem>>
      %dma_start3A_171 = arith.constant 0 : i32
      %dma_start3A_172 = tpu.memref_slice %arg3[%add3A_163, %dma_start3A_171] : memref<1250x128xi32, #tpu.memory_space<hbm>> -> memref<5x128xi32, #tpu.memory_space<hbm>>
      tpu.enqueue_dma source(%dma_start3A_172 : memref<5x128xi32, #tpu.memory_space<hbm>>) target(%dma_start3A_170 : memref<5x128xi32, #tpu.memory_space<vmem>>) target_semaphore(%arg13 : memref<!tpu.dma_semaphore, #tpu.memory_space<semaphore_mem>>)
      %while3A_173 = arith.constant 0 : i32
      scf.yield %while3A_173 : i32
    }
    %scan3A_47 = arith.constant 0 : i32
    %scan3A_48 = arith.constant 0 : i32
    %scan3A_49 = arith.constant 5 : i32
    %scan3A_50 = arith.addi %scan3A_48, %scan3A_49 : i32
    %scan3A_51 = arith.constant 1 : i32
    %scan3A_52 = scf.for %scan3A_157 = %scan3A_48 to %scan3A_50 step %scan3A_51 iter_args(%scan3A_158 = %scan3A_47) -> (i32)  : i32 {
      %dma_wait3A = arith.constant 0 : i32
      %dma_wait3A_159 = arith.constant 0 : i32
      %dma_wait3A_160 = tpu.memref_slice %arg9[%dma_wait3A, %dma_wait3A_159] : memref<10240x32xf32, #tpu.memory_space<vmem_shared>> -> memref<128x32xf32, #tpu.memory_space<vmem_shared>>
      %dma_wait3A_161 = arith.constant 0 : i32
      %dma_wait3A_162 = arith.constant 0 : i32
      %dma_wait3A_163 = tpu.memref_slice %arg9[%dma_wait3A_161, %dma_wait3A_162] : memref<10240x32xf32, #tpu.memory_space<vmem_shared>> -> memref<128x32xf32, #tpu.memory_space<vmem_shared>>
      tpu.wait_dma2 semaphore(%arg12 : memref<!tpu.dma_semaphore, #tpu.memory_space<semaphore_mem>>) src(%arg8 : memref<128x32xf32, #tpu.memory_space<vmem>>) dst(%dma_wait3A_163 : memref<128x32xf32, #tpu.memory_space<vmem_shared>>)
      %scan3A_164 = arith.constant 0 : i32
      scf.yield %scan3A_164 : i32
    }
    %scan3A_53 = arith.constant 5 : i32
    %jit3A_54 = arith.constant 5 : i32
    %div3A_55 = arith.divsi %min3A, %jit3A_54 : i32
    %sign3A_56 = arith.constant 0 : i32
    %sign3A_57 = arith.cmpi sgt, %min3A, %sign3A_56 : i32
    %sign3A_58 = arith.extui %sign3A_57 : i1 to i32
    %sign3A_59 = arith.constant 0 : i32
    %sign3A_60 = arith.cmpi slt, %min3A, %sign3A_59 : i32
    %sign3A_61 = arith.extui %sign3A_60 : i1 to i32
    %sign3A_62 = arith.subi %sign3A_58, %sign3A_61 : i32
    %sign3A_63 = arith.constant 0 : i32
    %sign3A_64 = arith.cmpi sgt, %jit3A_54, %sign3A_63 : i32
    %sign3A_65 = arith.extui %sign3A_64 : i1 to i32
    %sign3A_66 = arith.constant 0 : i32
    %sign3A_67 = arith.cmpi slt, %jit3A_54, %sign3A_66 : i32
    %sign3A_68 = arith.extui %sign3A_67 : i1 to i32
    %sign3A_69 = arith.subi %sign3A_65, %sign3A_68 : i32
    %ne3A_70 = arith.cmpi ne, %sign3A_62, %sign3A_69 : i32
    %rem3A_71 = arith.remsi %min3A, %jit3A_54 : i32
    %ne3A_72 = arith.constant 0 : i32
    %ne3A_73 = arith.cmpi ne, %rem3A_71, %ne3A_72 : i32
    %and3A_74 = arith.andi %ne3A_70, %ne3A_73 : i1
    %sub3A_75 = arith.constant 1 : i32
    %sub3A_76 = arith.subi %div3A_55, %sub3A_75 : i32
    %select_n3A_77 = arith.select %and3A_74, %sub3A_76, %div3A_55 : i32
    %while3A_78 = arith.constant 0 : i32
    %while3A_79 = arith.constant 0 : i32
    %while3A_80 = arith.subi %select_n3A_77, %while3A_78 : i32
    %while3A_81 = arith.addi %while3A_78, %while3A_80 : i32
    %while3A_82 = arith.constant 1 : i32
    %while3A_83 = arith.divsi %while3A_80, %while3A_82 : i32
    %while3A_84 = arith.muli %while3A_83, %while3A_82 : i32
    %while3A_85 = arith.addi %while3A_78, %while3A_84 : i32
    %while3A_86 = arith.constant 1 : i32
    %while3A_87 = scf.for %while3A_157 = %while3A_78 to %while3A_85 step %while3A_86 iter_args(%while3A_158 = %while3A_79) -> (i32)  : i32 {
      %dma_wait3A = arith.constant 0 : i32
      %dma_wait3A_159 = arith.constant 0 : i32
      %dma_wait3A_160 = tpu.memref_slice %arg5[%dma_wait3A, %dma_wait3A_159] : memref<20x128xi32, #tpu.memory_space<vmem>> -> memref<5x128xi32, #tpu.memory_space<vmem>>
      %dma_wait3A_161 = arith.constant 0 : i32
      %dma_wait3A_162 = arith.constant 0 : i32
      %dma_wait3A_163 = tpu.memref_slice %arg3[%dma_wait3A_161, %dma_wait3A_162] : memref<1250x128xi32, #tpu.memory_space<hbm>> -> memref<5x128xi32, #tpu.memory_space<hbm>>
      %dma_wait3A_164 = arith.constant 0 : i32
      %dma_wait3A_165 = arith.constant 0 : i32
      %dma_wait3A_166 = tpu.memref_slice %arg5[%dma_wait3A_164, %dma_wait3A_165] : memref<20x128xi32, #tpu.memory_space<vmem>> -> memref<5x128xi32, #tpu.memory_space<vmem>>
      %dma_wait3A_167 = arith.constant 0 : i32
      %dma_wait3A_168 = arith.constant 0 : i32
      %dma_wait3A_169 = tpu.memref_slice %arg3[%dma_wait3A_167, %dma_wait3A_168] : memref<1250x128xi32, #tpu.memory_space<hbm>> -> memref<5x128xi32, #tpu.memory_space<hbm>>
      tpu.wait_dma2 semaphore(%arg13 : memref<!tpu.dma_semaphore, #tpu.memory_space<semaphore_mem>>) src(%dma_wait3A_169 : memref<5x128xi32, #tpu.memory_space<hbm>>) dst(%dma_wait3A_166 : memref<5x128xi32, #tpu.memory_space<vmem>>)
      %while3A_170 = arith.constant 0 : i32
      scf.yield %while3A_170 : i32
    }
    %while3A_88 = arith.constant 1 : i32
    %while3A_89 = scf.for %while3A_157 = %while3A_85 to %while3A_81 step %while3A_88 iter_args(%while3A_158 = %while3A_87) -> (i32)  : i32 {
      %dma_wait3A = arith.constant 0 : i32
      %dma_wait3A_159 = arith.constant 0 : i32
      %dma_wait3A_160 = tpu.memref_slice %arg5[%dma_wait3A, %dma_wait3A_159] : memref<20x128xi32, #tpu.memory_space<vmem>> -> memref<5x128xi32, #tpu.memory_space<vmem>>
      %dma_wait3A_161 = arith.constant 0 : i32
      %dma_wait3A_162 = arith.constant 0 : i32
      %dma_wait3A_163 = tpu.memref_slice %arg3[%dma_wait3A_161, %dma_wait3A_162] : memref<1250x128xi32, #tpu.memory_space<hbm>> -> memref<5x128xi32, #tpu.memory_space<hbm>>
      %dma_wait3A_164 = arith.constant 0 : i32
      %dma_wait3A_165 = arith.constant 0 : i32
      %dma_wait3A_166 = tpu.memref_slice %arg5[%dma_wait3A_164, %dma_wait3A_165] : memref<20x128xi32, #tpu.memory_space<vmem>> -> memref<5x128xi32, #tpu.memory_space<vmem>>
      %dma_wait3A_167 = arith.constant 0 : i32
      %dma_wait3A_168 = arith.constant 0 : i32
      %dma_wait3A_169 = tpu.memref_slice %arg3[%dma_wait3A_167, %dma_wait3A_168] : memref<1250x128xi32, #tpu.memory_space<hbm>> -> memref<5x128xi32, #tpu.memory_space<hbm>>
      tpu.wait_dma2 semaphore(%arg13 : memref<!tpu.dma_semaphore, #tpu.memory_space<semaphore_mem>>) src(%dma_wait3A_169 : memref<5x128xi32, #tpu.memory_space<hbm>>) dst(%dma_wait3A_166 : memref<5x128xi32, #tpu.memory_space<vmem>>)
      %while3A_170 = arith.constant 0 : i32
      scf.yield %while3A_170 : i32
    }
    %barrier3A = arith.constant 0 : index
    tpu.barrier barrier_id(%barrier3A)
    %gt3A = arith.constant 0 : i32
    %gt3A_90 = arith.cmpi sgt, %min3A, %gt3A : i32
    %convert_element_type3A = arith.extui %gt3A_90 : i1 to i32
    %cond3A = arith.constant 0 : i32
    %cond3A_91 = arith.cmpi ne, %convert_element_type3A, %cond3A : i32
    scf.if %cond3A_91 {
      %mul3A_157 = arith.constant 128 : i32
      %mul3A_158 = arith.muli %mul3A_2, %mul3A_157 : i32
      %dma_start3A = arith.constant 0 : i32
      %dma_start3A_159 = tpu.memref_slice %arg2[%mul3A_158, %dma_start3A] : memref<80000x32xf32, #tpu.memory_space<hbm>> -> memref<128x32xf32, #tpu.memory_space<hbm>>
      %dma_start3A_160 = arith.constant 0 : i32
      %dma_start3A_161 = tpu.memref_slice %arg2[%mul3A_158, %dma_start3A_160] : memref<80000x32xf32, #tpu.memory_space<hbm>> -> memref<128x32xf32, #tpu.memory_space<hbm>>
      tpu.enqueue_dma source(%dma_start3A_161 : memref<128x32xf32, #tpu.memory_space<hbm>>) target(%arg6 : memref<128x32xf32, #tpu.memory_space<vmem>>) target_semaphore(%arg10 : memref<!tpu.dma_semaphore, #tpu.memory_space<semaphore_mem>>)
    } else {
    }
    %gt3A_92 = arith.constant 1 : i32
    %gt3A_93 = arith.cmpi sgt, %min3A, %gt3A_92 : i32
    %convert_element_type3A_94 = arith.extui %gt3A_93 : i1 to i32
    %cond3A_95 = arith.constant 0 : i32
    %cond3A_96 = arith.cmpi ne, %convert_element_type3A_94, %cond3A_95 : i32
    scf.if %cond3A_96 {
      %add3A_157 = arith.constant 1 : i32
      %add3A_158 = arith.addi %mul3A_2, %add3A_157 : i32
      %mul3A_159 = arith.constant 128 : i32
      %mul3A_160 = arith.muli %add3A_158, %mul3A_159 : i32
      %dma_start3A = arith.constant 0 : i32
      %dma_start3A_161 = tpu.memref_slice %arg2[%mul3A_160, %dma_start3A] : memref<80000x32xf32, #tpu.memory_space<hbm>> -> memref<128x32xf32, #tpu.memory_space<hbm>>
      %dma_start3A_162 = arith.constant 0 : i32
      %dma_start3A_163 = tpu.memref_slice %arg2[%mul3A_160, %dma_start3A_162] : memref<80000x32xf32, #tpu.memory_space<hbm>> -> memref<128x32xf32, #tpu.memory_space<hbm>>
      tpu.enqueue_dma source(%dma_start3A_163 : memref<128x32xf32, #tpu.memory_space<hbm>>) target(%arg7 : memref<128x32xf32, #tpu.memory_space<vmem>>) target_semaphore(%arg11 : memref<!tpu.dma_semaphore, #tpu.memory_space<semaphore_mem>>)
    } else {
    }
    %jit3A_97 = arith.constant 2 : i32
    %div3A_98 = arith.divsi %min3A, %jit3A_97 : i32
    %sign3A_99 = arith.constant 0 : i32
    %sign3A_100 = arith.cmpi sgt, %min3A, %sign3A_99 : i32
    %sign3A_101 = arith.extui %sign3A_100 : i1 to i32
    %sign3A_102 = arith.constant 0 : i32
    %sign3A_103 = arith.cmpi slt, %min3A, %sign3A_102 : i32
    %sign3A_104 = arith.extui %sign3A_103 : i1 to i32
    %sign3A_105 = arith.subi %sign3A_101, %sign3A_104 : i32
    %sign3A_106 = arith.constant 0 : i32
    %sign3A_107 = arith.cmpi sgt, %jit3A_97, %sign3A_106 : i32
    %sign3A_108 = arith.extui %sign3A_107 : i1 to i32
    %sign3A_109 = arith.constant 0 : i32
    %sign3A_110 = arith.cmpi slt, %jit3A_97, %sign3A_109 : i32
    %sign3A_111 = arith.extui %sign3A_110 : i1 to i32
    %sign3A_112 = arith.subi %sign3A_108, %sign3A_111 : i32
    %ne3A_113 = arith.cmpi ne, %sign3A_105, %sign3A_112 : i32
    %rem3A_114 = arith.remsi %min3A, %jit3A_97 : i32
    %ne3A_115 = arith.constant 0 : i32
    %ne3A_116 = arith.cmpi ne, %rem3A_114, %ne3A_115 : i32
    %and3A_117 = arith.andi %ne3A_113, %ne3A_116 : i1
    %sub3A_118 = arith.constant 1 : i32
    %sub3A_119 = arith.subi %div3A_98, %sub3A_118 : i32
    %select_n3A_120 = arith.select %and3A_117, %sub3A_119, %div3A_98 : i32
    %while3A_121 = arith.constant 0 : i32
    %while3A_122 = arith.constant 0 : i32
    %while3A_123 = arith.subi %select_n3A_120, %while3A_121 : i32
    %while3A_124 = arith.addi %while3A_121, %while3A_123 : i32
    %while3A_125 = arith.constant 1 : i32
    %while3A_126 = arith.divsi %while3A_123, %while3A_125 : i32
    %while3A_127 = arith.muli %while3A_126, %while3A_125 : i32
    %while3A_128 = arith.addi %while3A_121, %while3A_127 : i32
    %while3A_129 = arith.constant 1 : i32
    %while3A_130 = scf.for %while3A_157 = %while3A_121 to %while3A_128 step %while3A_129 iter_args(%while3A_158 = %while3A_122) -> (i32)  : i32 {
      %mul3A_159 = arith.constant 2 : i32
      %mul3A_160 = arith.muli %mul3A_159, %while3A_157 : i32
      %mul3A_161 = arith.constant 128 : i32
      %mul3A_162 = arith.muli %mul3A_2, %mul3A_161 : i32
      %dma_wait3A = arith.constant 0 : i32
      %dma_wait3A_163 = tpu.memref_slice %arg2[%mul3A_162, %dma_wait3A] : memref<80000x32xf32, #tpu.memory_space<hbm>> -> memref<128x32xf32, #tpu.memory_space<hbm>>
      %dma_wait3A_164 = arith.constant 0 : i32
      %dma_wait3A_165 = tpu.memref_slice %arg2[%mul3A_162, %dma_wait3A_164] : memref<80000x32xf32, #tpu.memory_space<hbm>> -> memref<128x32xf32, #tpu.memory_space<hbm>>
      tpu.wait_dma2 semaphore(%arg10 : memref<!tpu.dma_semaphore, #tpu.memory_space<semaphore_mem>>) src(%dma_wait3A_165 : memref<128x32xf32, #tpu.memory_space<hbm>>) dst(%arg6 : memref<128x32xf32, #tpu.memory_space<vmem>>)
      %dma_start3A = arith.constant 0 : i32
      %dma_start3A_166 = tpu.memref_slice %arg5[%mul3A_160, %dma_start3A] : memref<20x128xi32, #tpu.memory_space<vmem>> -> memref<1x128xi32, #tpu.memory_space<vmem>>
      %dma_start3A_167 = tpu.memref_squeeze %dma_start3A_166 : memref<1x128xi32, #tpu.memory_space<vmem>> -> memref<128xi32, #tpu.memory_space<vmem>>
      %dma_start3A_168 = arith.constant 0 : i32
      %dma_start3A_169 = arith.constant 0 : i32
      %dma_start3A_170 = tpu.memref_slice %arg9[%dma_start3A_168, %dma_start3A_169] : memref<10240x32xf32, #tpu.memory_space<vmem_shared>> -> memref<10240x32xf32, #tpu.memory_space<vmem_shared>>
      tpu.enqueue_indirect_dma source(%arg6 : memref<128x32xf32, #tpu.memory_space<vmem>>) target(%dma_start3A_170 : memref<10240x32xf32, #tpu.memory_space<vmem_shared>>) offsets(%dma_start3A_167 : memref<128xi32, #tpu.memory_space<vmem>>) semaphore(%arg12 : memref<!tpu.dma_semaphore, #tpu.memory_space<semaphore_mem>>) {add = true}
      %mul3A_171 = arith.constant 128 : i32
      %mul3A_172 = arith.muli %mul3A_2, %mul3A_171 : i32
      %dma_wait3A_173 = arith.constant 0 : i32
      %dma_wait3A_174 = tpu.memref_slice %arg2[%mul3A_172, %dma_wait3A_173] : memref<80000x32xf32, #tpu.memory_space<hbm>> -> memref<128x32xf32, #tpu.memory_space<hbm>>
      %dma_wait3A_175 = arith.constant 0 : i32
      %dma_wait3A_176 = tpu.memref_slice %arg2[%mul3A_172, %dma_wait3A_175] : memref<80000x32xf32, #tpu.memory_space<hbm>> -> memref<128x32xf32, #tpu.memory_space<hbm>>
      tpu.wait_dma2 semaphore(%arg11 : memref<!tpu.dma_semaphore, #tpu.memory_space<semaphore_mem>>) src(%dma_wait3A_176 : memref<128x32xf32, #tpu.memory_space<hbm>>) dst(%arg7 : memref<128x32xf32, #tpu.memory_space<vmem>>)
      %add3A_177 = arith.constant 1 : i32
      %add3A_178 = arith.addi %mul3A_160, %add3A_177 : i32
      %dma_start3A_179 = arith.constant 0 : i32
      %dma_start3A_180 = tpu.memref_slice %arg5[%add3A_178, %dma_start3A_179] : memref<20x128xi32, #tpu.memory_space<vmem>> -> memref<1x128xi32, #tpu.memory_space<vmem>>
      %dma_start3A_181 = tpu.memref_squeeze %dma_start3A_180 : memref<1x128xi32, #tpu.memory_space<vmem>> -> memref<128xi32, #tpu.memory_space<vmem>>
      %dma_start3A_182 = arith.constant 0 : i32
      %dma_start3A_183 = arith.constant 0 : i32
      %dma_start3A_184 = tpu.memref_slice %arg9[%dma_start3A_182, %dma_start3A_183] : memref<10240x32xf32, #tpu.memory_space<vmem_shared>> -> memref<10240x32xf32, #tpu.memory_space<vmem_shared>>
      tpu.enqueue_indirect_dma source(%arg7 : memref<128x32xf32, #tpu.memory_space<vmem>>) target(%dma_start3A_184 : memref<10240x32xf32, #tpu.memory_space<vmem_shared>>) offsets(%dma_start3A_181 : memref<128xi32, #tpu.memory_space<vmem>>) semaphore(%arg13 : memref<!tpu.dma_semaphore, #tpu.memory_space<semaphore_mem>>) {add = true}
      %dma_wait3A_185 = arith.constant 0 : i32
      %dma_wait3A_186 = tpu.memref_slice %arg5[%mul3A_160, %dma_wait3A_185] : memref<20x128xi32, #tpu.memory_space<vmem>> -> memref<1x128xi32, #tpu.memory_space<vmem>>
      %dma_wait3A_187 = tpu.memref_squeeze %dma_wait3A_186 : memref<1x128xi32, #tpu.memory_space<vmem>> -> memref<128xi32, #tpu.memory_space<vmem>>
      %dma_wait3A_188 = arith.constant 0 : i32
      %dma_wait3A_189 = arith.constant 0 : i32
      %dma_wait3A_190 = tpu.memref_slice %arg9[%dma_wait3A_188, %dma_wait3A_189] : memref<10240x32xf32, #tpu.memory_space<vmem_shared>> -> memref<10240x32xf32, #tpu.memory_space<vmem_shared>>
      tpu.wait_indirect_dma semaphore(%arg12 : memref<!tpu.dma_semaphore, #tpu.memory_space<semaphore_mem>>) src(%arg6 : memref<128x32xf32, #tpu.memory_space<vmem>>) dst(%dma_wait3A_190 : memref<10240x32xf32, #tpu.memory_space<vmem_shared>>)
      %add3A_191 = arith.constant 2 : i32
      %add3A_192 = arith.addi %mul3A_160, %add3A_191 : i32
      %lt3A_193 = arith.cmpi slt, %add3A_192, %min3A : i32
      %convert_element_type3A_194 = arith.extui %lt3A_193 : i1 to i32
      %cond3A_195 = arith.constant 0 : i32
      %cond3A_196 = arith.cmpi ne, %convert_element_type3A_194, %cond3A_195 : i32
      scf.if %cond3A_196 {
        %add3A_212 = arith.addi %mul3A_2, %mul3A_160 : i32
        %add3A_213 = arith.constant 2 : i32
        %add3A_214 = arith.addi %add3A_212, %add3A_213 : i32
        %mul3A_215 = arith.constant 128 : i32
        %mul3A_216 = arith.muli %add3A_214, %mul3A_215 : i32
        %dma_start3A_217 = arith.constant 0 : i32
        %dma_start3A_218 = tpu.memref_slice %arg2[%mul3A_216, %dma_start3A_217] : memref<80000x32xf32, #tpu.memory_space<hbm>> -> memref<128x32xf32, #tpu.memory_space<hbm>>
        %dma_start3A_219 = arith.constant 0 : i32
        %dma_start3A_220 = tpu.memref_slice %arg2[%mul3A_216, %dma_start3A_219] : memref<80000x32xf32, #tpu.memory_space<hbm>> -> memref<128x32xf32, #tpu.memory_space<hbm>>
        tpu.enqueue_dma source(%dma_start3A_220 : memref<128x32xf32, #tpu.memory_space<hbm>>) target(%arg6 : memref<128x32xf32, #tpu.memory_space<vmem>>) target_semaphore(%arg10 : memref<!tpu.dma_semaphore, #tpu.memory_space<semaphore_mem>>)
      } else {
      }
      %add3A_197 = arith.constant 1 : i32
      %add3A_198 = arith.addi %mul3A_160, %add3A_197 : i32
      %dma_wait3A_199 = arith.constant 0 : i32
      %dma_wait3A_200 = tpu.memref_slice %arg5[%add3A_198, %dma_wait3A_199] : memref<20x128xi32, #tpu.memory_space<vmem>> -> memref<1x128xi32, #tpu.memory_space<vmem>>
      %dma_wait3A_201 = tpu.memref_squeeze %dma_wait3A_200 : memref<1x128xi32, #tpu.memory_space<vmem>> -> memref<128xi32, #tpu.memory_space<vmem>>
      %dma_wait3A_202 = arith.constant 0 : i32
      %dma_wait3A_203 = arith.constant 0 : i32
      %dma_wait3A_204 = tpu.memref_slice %arg9[%dma_wait3A_202, %dma_wait3A_203] : memref<10240x32xf32, #tpu.memory_space<vmem_shared>> -> memref<10240x32xf32, #tpu.memory_space<vmem_shared>>
      tpu.wait_indirect_dma semaphore(%arg13 : memref<!tpu.dma_semaphore, #tpu.memory_space<semaphore_mem>>) src(%arg7 : memref<128x32xf32, #tpu.memory_space<vmem>>) dst(%dma_wait3A_204 : memref<10240x32xf32, #tpu.memory_space<vmem_shared>>)
      %add3A_205 = arith.constant 3 : i32
      %add3A_206 = arith.addi %mul3A_160, %add3A_205 : i32
      %lt3A_207 = arith.cmpi slt, %add3A_206, %min3A : i32
      %convert_element_type3A_208 = arith.extui %lt3A_207 : i1 to i32
      %cond3A_209 = arith.constant 0 : i32
      %cond3A_210 = arith.cmpi ne, %convert_element_type3A_208, %cond3A_209 : i32
      scf.if %cond3A_210 {
        %add3A_212 = arith.addi %mul3A_2, %mul3A_160 : i32
        %add3A_213 = arith.constant 3 : i32
        %add3A_214 = arith.addi %add3A_212, %add3A_213 : i32
        %mul3A_215 = arith.constant 128 : i32
        %mul3A_216 = arith.muli %add3A_214, %mul3A_215 : i32
        %dma_start3A_217 = arith.constant 0 : i32
        %dma_start3A_218 = tpu.memref_slice %arg2[%mul3A_216, %dma_start3A_217] : memref<80000x32xf32, #tpu.memory_space<hbm>> -> memref<128x32xf32, #tpu.memory_space<hbm>>
        %dma_start3A_219 = arith.constant 0 : i32
        %dma_start3A_220 = tpu.memref_slice %arg2[%mul3A_216, %dma_start3A_219] : memref<80000x32xf32, #tpu.memory_space<hbm>> -> memref<128x32xf32, #tpu.memory_space<hbm>>
        tpu.enqueue_dma source(%dma_start3A_220 : memref<128x32xf32, #tpu.memory_space<hbm>>) target(%arg7 : memref<128x32xf32, #tpu.memory_space<vmem>>) target_semaphore(%arg11 : memref<!tpu.dma_semaphore, #tpu.memory_space<semaphore_mem>>)
      } else {
      }
      %while3A_211 = arith.constant 0 : i32
      scf.yield %while3A_211 : i32
    }
    %while3A_131 = arith.constant 1 : i32
    %while3A_132 = scf.for %while3A_157 = %while3A_128 to %while3A_124 step %while3A_131 iter_args(%while3A_158 = %while3A_130) -> (i32)  : i32 {
      %mul3A_159 = arith.constant 2 : i32
      %mul3A_160 = arith.muli %mul3A_159, %while3A_157 : i32
      %mul3A_161 = arith.constant 128 : i32
      %mul3A_162 = arith.muli %mul3A_2, %mul3A_161 : i32
      %dma_wait3A = arith.constant 0 : i32
      %dma_wait3A_163 = tpu.memref_slice %arg2[%mul3A_162, %dma_wait3A] : memref<80000x32xf32, #tpu.memory_space<hbm>> -> memref<128x32xf32, #tpu.memory_space<hbm>>
      %dma_wait3A_164 = arith.constant 0 : i32
      %dma_wait3A_165 = tpu.memref_slice %arg2[%mul3A_162, %dma_wait3A_164] : memref<80000x32xf32, #tpu.memory_space<hbm>> -> memref<128x32xf32, #tpu.memory_space<hbm>>
      tpu.wait_dma2 semaphore(%arg10 : memref<!tpu.dma_semaphore, #tpu.memory_space<semaphore_mem>>) src(%dma_wait3A_165 : memref<128x32xf32, #tpu.memory_space<hbm>>) dst(%arg6 : memref<128x32xf32, #tpu.memory_space<vmem>>)
      %dma_start3A = arith.constant 0 : i32
      %dma_start3A_166 = tpu.memref_slice %arg5[%mul3A_160, %dma_start3A] : memref<20x128xi32, #tpu.memory_space<vmem>> -> memref<1x128xi32, #tpu.memory_space<vmem>>
      %dma_start3A_167 = tpu.memref_squeeze %dma_start3A_166 : memref<1x128xi32, #tpu.memory_space<vmem>> -> memref<128xi32, #tpu.memory_space<vmem>>
      %dma_start3A_168 = arith.constant 0 : i32
      %dma_start3A_169 = arith.constant 0 : i32
      %dma_start3A_170 = tpu.memref_slice %arg9[%dma_start3A_168, %dma_start3A_169] : memref<10240x32xf32, #tpu.memory_space<vmem_shared>> -> memref<10240x32xf32, #tpu.memory_space<vmem_shared>>
      tpu.enqueue_indirect_dma source(%arg6 : memref<128x32xf32, #tpu.memory_space<vmem>>) target(%dma_start3A_170 : memref<10240x32xf32, #tpu.memory_space<vmem_shared>>) offsets(%dma_start3A_167 : memref<128xi32, #tpu.memory_space<vmem>>) semaphore(%arg12 : memref<!tpu.dma_semaphore, #tpu.memory_space<semaphore_mem>>) {add = true}
      %mul3A_171 = arith.constant 128 : i32
      %mul3A_172 = arith.muli %mul3A_2, %mul3A_171 : i32
      %dma_wait3A_173 = arith.constant 0 : i32
      %dma_wait3A_174 = tpu.memref_slice %arg2[%mul3A_172, %dma_wait3A_173] : memref<80000x32xf32, #tpu.memory_space<hbm>> -> memref<128x32xf32, #tpu.memory_space<hbm>>
      %dma_wait3A_175 = arith.constant 0 : i32
      %dma_wait3A_176 = tpu.memref_slice %arg2[%mul3A_172, %dma_wait3A_175] : memref<80000x32xf32, #tpu.memory_space<hbm>> -> memref<128x32xf32, #tpu.memory_space<hbm>>
      tpu.wait_dma2 semaphore(%arg11 : memref<!tpu.dma_semaphore, #tpu.memory_space<semaphore_mem>>) src(%dma_wait3A_176 : memref<128x32xf32, #tpu.memory_space<hbm>>) dst(%arg7 : memref<128x32xf32, #tpu.memory_space<vmem>>)
      %add3A_177 = arith.constant 1 : i32
      %add3A_178 = arith.addi %mul3A_160, %add3A_177 : i32
      %dma_start3A_179 = arith.constant 0 : i32
      %dma_start3A_180 = tpu.memref_slice %arg5[%add3A_178, %dma_start3A_179] : memref<20x128xi32, #tpu.memory_space<vmem>> -> memref<1x128xi32, #tpu.memory_space<vmem>>
      %dma_start3A_181 = tpu.memref_squeeze %dma_start3A_180 : memref<1x128xi32, #tpu.memory_space<vmem>> -> memref<128xi32, #tpu.memory_space<vmem>>
      %dma_start3A_182 = arith.constant 0 : i32
      %dma_start3A_183 = arith.constant 0 : i32
      %dma_start3A_184 = tpu.memref_slice %arg9[%dma_start3A_182, %dma_start3A_183] : memref<10240x32xf32, #tpu.memory_space<vmem_shared>> -> memref<10240x32xf32, #tpu.memory_space<vmem_shared>>
      tpu.enqueue_indirect_dma source(%arg7 : memref<128x32xf32, #tpu.memory_space<vmem>>) target(%dma_start3A_184 : memref<10240x32xf32, #tpu.memory_space<vmem_shared>>) offsets(%dma_start3A_181 : memref<128xi32, #tpu.memory_space<vmem>>) semaphore(%arg13 : memref<!tpu.dma_semaphore, #tpu.memory_space<semaphore_mem>>) {add = true}
      %dma_wait3A_185 = arith.constant 0 : i32
      %dma_wait3A_186 = tpu.memref_slice %arg5[%mul3A_160, %dma_wait3A_185] : memref<20x128xi32, #tpu.memory_space<vmem>> -> memref<1x128xi32, #tpu.memory_space<vmem>>
      %dma_wait3A_187 = tpu.memref_squeeze %dma_wait3A_186 : memref<1x128xi32, #tpu.memory_space<vmem>> -> memref<128xi32, #tpu.memory_space<vmem>>
      %dma_wait3A_188 = arith.constant 0 : i32
      %dma_wait3A_189 = arith.constant 0 : i32
      %dma_wait3A_190 = tpu.memref_slice %arg9[%dma_wait3A_188, %dma_wait3A_189] : memref<10240x32xf32, #tpu.memory_space<vmem_shared>> -> memref<10240x32xf32, #tpu.memory_space<vmem_shared>>
      tpu.wait_indirect_dma semaphore(%arg12 : memref<!tpu.dma_semaphore, #tpu.memory_space<semaphore_mem>>) src(%arg6 : memref<128x32xf32, #tpu.memory_space<vmem>>) dst(%dma_wait3A_190 : memref<10240x32xf32, #tpu.memory_space<vmem_shared>>)
      %add3A_191 = arith.constant 2 : i32
      %add3A_192 = arith.addi %mul3A_160, %add3A_191 : i32
      %lt3A_193 = arith.cmpi slt, %add3A_192, %min3A : i32
      %convert_element_type3A_194 = arith.extui %lt3A_193 : i1 to i32
      %cond3A_195 = arith.constant 0 : i32
      %cond3A_196 = arith.cmpi ne, %convert_element_type3A_194, %cond3A_195 : i32
      scf.if %cond3A_196 {
        %add3A_212 = arith.addi %mul3A_2, %mul3A_160 : i32
        %add3A_213 = arith.constant 2 : i32
        %add3A_214 = arith.addi %add3A_212, %add3A_213 : i32
        %mul3A_215 = arith.constant 128 : i32
        %mul3A_216 = arith.muli %add3A_214, %mul3A_215 : i32
        %dma_start3A_217 = arith.constant 0 : i32
        %dma_start3A_218 = tpu.memref_slice %arg2[%mul3A_216, %dma_start3A_217] : memref<80000x32xf32, #tpu.memory_space<hbm>> -> memref<128x32xf32, #tpu.memory_space<hbm>>
        %dma_start3A_219 = arith.constant 0 : i32
        %dma_start3A_220 = tpu.memref_slice %arg2[%mul3A_216, %dma_start3A_219] : memref<80000x32xf32, #tpu.memory_space<hbm>> -> memref<128x32xf32, #tpu.memory_space<hbm>>
        tpu.enqueue_dma source(%dma_start3A_220 : memref<128x32xf32, #tpu.memory_space<hbm>>) target(%arg6 : memref<128x32xf32, #tpu.memory_space<vmem>>) target_semaphore(%arg10 : memref<!tpu.dma_semaphore, #tpu.memory_space<semaphore_mem>>)
      } else {
      }
      %add3A_197 = arith.constant 1 : i32
      %add3A_198 = arith.addi %mul3A_160, %add3A_197 : i32
      %dma_wait3A_199 = arith.constant 0 : i32
      %dma_wait3A_200 = tpu.memref_slice %arg5[%add3A_198, %dma_wait3A_199] : memref<20x128xi32, #tpu.memory_space<vmem>> -> memref<1x128xi32, #tpu.memory_space<vmem>>
      %dma_wait3A_201 = tpu.memref_squeeze %dma_wait3A_200 : memref<1x128xi32, #tpu.memory_space<vmem>> -> memref<128xi32, #tpu.memory_space<vmem>>
      %dma_wait3A_202 = arith.constant 0 : i32
      %dma_wait3A_203 = arith.constant 0 : i32
      %dma_wait3A_204 = tpu.memref_slice %arg9[%dma_wait3A_202, %dma_wait3A_203] : memref<10240x32xf32, #tpu.memory_space<vmem_shared>> -> memref<10240x32xf32, #tpu.memory_space<vmem_shared>>
      tpu.wait_indirect_dma semaphore(%arg13 : memref<!tpu.dma_semaphore, #tpu.memory_space<semaphore_mem>>) src(%arg7 : memref<128x32xf32, #tpu.memory_space<vmem>>) dst(%dma_wait3A_204 : memref<10240x32xf32, #tpu.memory_space<vmem_shared>>)
      %add3A_205 = arith.constant 3 : i32
      %add3A_206 = arith.addi %mul3A_160, %add3A_205 : i32
      %lt3A_207 = arith.cmpi slt, %add3A_206, %min3A : i32
      %convert_element_type3A_208 = arith.extui %lt3A_207 : i1 to i32
      %cond3A_209 = arith.constant 0 : i32
      %cond3A_210 = arith.cmpi ne, %convert_element_type3A_208, %cond3A_209 : i32
      scf.if %cond3A_210 {
        %add3A_212 = arith.addi %mul3A_2, %mul3A_160 : i32
        %add3A_213 = arith.constant 3 : i32
        %add3A_214 = arith.addi %add3A_212, %add3A_213 : i32
        %mul3A_215 = arith.constant 128 : i32
        %mul3A_216 = arith.muli %add3A_214, %mul3A_215 : i32
        %dma_start3A_217 = arith.constant 0 : i32
        %dma_start3A_218 = tpu.memref_slice %arg2[%mul3A_216, %dma_start3A_217] : memref<80000x32xf32, #tpu.memory_space<hbm>> -> memref<128x32xf32, #tpu.memory_space<hbm>>
        %dma_start3A_219 = arith.constant 0 : i32
        %dma_start3A_220 = tpu.memref_slice %arg2[%mul3A_216, %dma_start3A_219] : memref<80000x32xf32, #tpu.memory_space<hbm>> -> memref<128x32xf32, #tpu.memory_space<hbm>>
        tpu.enqueue_dma source(%dma_start3A_220 : memref<128x32xf32, #tpu.memory_space<hbm>>) target(%arg7 : memref<128x32xf32, #tpu.memory_space<vmem>>) target_semaphore(%arg11 : memref<!tpu.dma_semaphore, #tpu.memory_space<semaphore_mem>>)
      } else {
      }
      %while3A_211 = arith.constant 0 : i32
      scf.yield %while3A_211 : i32
    }
    %jit3A_133 = arith.constant 2 : i32
    %eq3A = arith.constant 0 : i32
    %eq3A_134 = arith.cmpi eq, %jit3A_133, %eq3A : i32
    %jit3A_135 = arith.constant 1 : i32
    %select_n3A_136 = arith.select %eq3A_134, %jit3A_135, %jit3A_133 : i32
    %rem3A_137 = arith.remsi %min3A, %select_n3A_136 : i32
    %ne3A_138 = arith.constant 0 : i32
    %ne3A_139 = arith.cmpi ne, %rem3A_137, %ne3A_138 : i32
    %lt3A = arith.constant 0 : i32
    %lt3A_140 = arith.cmpi slt, %rem3A_137, %lt3A : i32
    %lt3A_141 = arith.constant 0 : i32
    %lt3A_142 = arith.cmpi slt, %select_n3A_136, %lt3A_141 : i32
    %ne3A_143 = arith.xori %lt3A_140, %lt3A_142 : i1
    %and3A_144 = arith.andi %ne3A_143, %ne3A_139 : i1
    %add3A_145 = arith.addi %rem3A_137, %select_n3A_136 : i32
    %select_n3A_146 = arith.select %and3A_144, %add3A_145, %rem3A_137 : i32
    %eq3A_147 = arith.constant 1 : i32
    %eq3A_148 = arith.cmpi eq, %select_n3A_146, %eq3A_147 : i32
    %convert_element_type3A_149 = arith.extui %eq3A_148 : i1 to i32
    %cond3A_150 = arith.constant 0 : i32
    %cond3A_151 = arith.cmpi ne, %convert_element_type3A_149, %cond3A_150 : i32
    scf.if %cond3A_151 {
      %sub3A_157 = arith.constant 1 : i32
      %sub3A_158 = arith.subi %min3A, %sub3A_157 : i32
      %mul3A_159 = arith.constant 128 : i32
      %mul3A_160 = arith.muli %mul3A_2, %mul3A_159 : i32
      %dma_wait3A = arith.constant 0 : i32
      %dma_wait3A_161 = tpu.memref_slice %arg2[%mul3A_160, %dma_wait3A] : memref<80000x32xf32, #tpu.memory_space<hbm>> -> memref<128x32xf32, #tpu.memory_space<hbm>>
      %dma_wait3A_162 = arith.constant 0 : i32
      %dma_wait3A_163 = tpu.memref_slice %arg2[%mul3A_160, %dma_wait3A_162] : memref<80000x32xf32, #tpu.memory_space<hbm>> -> memref<128x32xf32, #tpu.memory_space<hbm>>
      tpu.wait_dma2 semaphore(%arg10 : memref<!tpu.dma_semaphore, #tpu.memory_space<semaphore_mem>>) src(%dma_wait3A_163 : memref<128x32xf32, #tpu.memory_space<hbm>>) dst(%arg6 : memref<128x32xf32, #tpu.memory_space<vmem>>)
      %dma_start3A = arith.constant 0 : i32
      %dma_start3A_164 = tpu.memref_slice %arg5[%sub3A_158, %dma_start3A] : memref<20x128xi32, #tpu.memory_space<vmem>> -> memref<1x128xi32, #tpu.memory_space<vmem>>
      %dma_start3A_165 = tpu.memref_squeeze %dma_start3A_164 : memref<1x128xi32, #tpu.memory_space<vmem>> -> memref<128xi32, #tpu.memory_space<vmem>>
      %dma_start3A_166 = arith.constant 0 : i32
      %dma_start3A_167 = arith.constant 0 : i32
      %dma_start3A_168 = tpu.memref_slice %arg9[%dma_start3A_166, %dma_start3A_167] : memref<10240x32xf32, #tpu.memory_space<vmem_shared>> -> memref<10240x32xf32, #tpu.memory_space<vmem_shared>>
      tpu.enqueue_indirect_dma source(%arg6 : memref<128x32xf32, #tpu.memory_space<vmem>>) target(%dma_start3A_168 : memref<10240x32xf32, #tpu.memory_space<vmem_shared>>) offsets(%dma_start3A_165 : memref<128xi32, #tpu.memory_space<vmem>>) semaphore(%arg12 : memref<!tpu.dma_semaphore, #tpu.memory_space<semaphore_mem>>) {add = true}
      %dma_wait3A_169 = arith.constant 0 : i32
      %dma_wait3A_170 = tpu.memref_slice %arg5[%sub3A_158, %dma_wait3A_169] : memref<20x128xi32, #tpu.memory_space<vmem>> -> memref<1x128xi32, #tpu.memory_space<vmem>>
      %dma_wait3A_171 = tpu.memref_squeeze %dma_wait3A_170 : memref<1x128xi32, #tpu.memory_space<vmem>> -> memref<128xi32, #tpu.memory_space<vmem>>
      %dma_wait3A_172 = arith.constant 0 : i32
      %dma_wait3A_173 = arith.constant 0 : i32
      %dma_wait3A_174 = tpu.memref_slice %arg9[%dma_wait3A_172, %dma_wait3A_173] : memref<10240x32xf32, #tpu.memory_space<vmem_shared>> -> memref<10240x32xf32, #tpu.memory_space<vmem_shared>>
      tpu.wait_indirect_dma semaphore(%arg12 : memref<!tpu.dma_semaphore, #tpu.memory_space<semaphore_mem>>) src(%arg6 : memref<128x32xf32, #tpu.memory_space<vmem>>) dst(%dma_wait3A_174 : memref<10240x32xf32, #tpu.memory_space<vmem_shared>>)
    } else {
    }
    %barrier3A_152 = arith.constant 0 : index
    tpu.barrier barrier_id(%barrier3A_152)
    %mul3A_153 = arith.constant 640 : i32
    %mul3A_154 = arith.muli %arg1, %mul3A_153 : i32
    %mul3A_155 = arith.constant 640 : i32
    %mul3A_156 = arith.muli %arg1, %mul3A_155 : i32
    "tpu.region"() ({
      %run_scoped3A = tpu.sem_alloc : memref<!tpu.dma_semaphore, #tpu.memory_space<semaphore_mem>>
      %dma_start3A = arith.constant 0 : i32
      %dma_start3A_157 = tpu.memref_slice %arg4[%arg0, %mul3A_156, %dma_start3A] : memref<2x10240x32xf32, #tpu.memory_space<hbm>> -> memref<1x640x32xf32, #tpu.memory_space<hbm>>
      %dma_start3A_158 = tpu.memref_squeeze %dma_start3A_157 : memref<1x640x32xf32, #tpu.memory_space<hbm>> -> memref<640x32xf32, #tpu.memory_space<hbm>>
      %dma_start3A_159 = arith.constant 0 : i32
      %dma_start3A_160 = tpu.memref_slice %arg9[%mul3A_154, %dma_start3A_159] : memref<10240x32xf32, #tpu.memory_space<vmem_shared>> -> memref<640x32xf32, #tpu.memory_space<vmem_shared>>
      tpu.enqueue_dma source(%dma_start3A_160 : memref<640x32xf32, #tpu.memory_space<vmem_shared>>) target(%dma_start3A_158 : memref<640x32xf32, #tpu.memory_space<hbm>>) target_semaphore(%run_scoped3A : memref<!tpu.dma_semaphore, #tpu.memory_space<semaphore_mem>>)
      %dma_wait3A = arith.constant 0 : i32
      %dma_wait3A_161 = tpu.memref_slice %arg4[%arg0, %mul3A_156, %dma_wait3A] : memref<2x10240x32xf32, #tpu.memory_space<hbm>> -> memref<1x640x32xf32, #tpu.memory_space<hbm>>
      %dma_wait3A_162 = tpu.memref_squeeze %dma_wait3A_161 : memref<1x640x32xf32, #tpu.memory_space<hbm>> -> memref<640x32xf32, #tpu.memory_space<hbm>>
      %dma_wait3A_163 = arith.constant 0 : i32
      %dma_wait3A_164 = tpu.memref_slice %arg9[%mul3A_154, %dma_wait3A_163] : memref<10240x32xf32, #tpu.memory_space<vmem_shared>> -> memref<640x32xf32, #tpu.memory_space<vmem_shared>>
      tpu.wait_dma2 semaphore(%run_scoped3A : memref<!tpu.dma_semaphore, #tpu.memory_space<semaphore_mem>>) src(%dma_wait3A_164 : memref<640x32xf32, #tpu.memory_space<vmem_shared>>) dst(%dma_wait3A_162 : memref<640x32xf32, #tpu.memory_space<hbm>>)
      tpu.yield
    }) : () -> ()
    return
  }
}

#map = affine_map<(d0, d1) -> (0, 0)>
#map1 = affine_map<(d0, d1) -> (0, 0, 0)>
module attributes {stable_mosaic.version = 14 : i64} {
  func.func @_sc_scatter_body(%arg0: i32, %arg1: i32, %arg2: memref<80000x32xf32, #tpu.memory_space<hbm>>, %arg3: memref<1250x128xi32, #tpu.memory_space<hbm>>, %arg4: memref<2x10240x32xf32, #tpu.memory_space<hbm>>, %arg5: memref<20x128xi32, #tpu.memory_space<vmem>>, %arg6: memref<128x32xf32, #tpu.memory_space<vmem>>, %arg7: memref<128x32xf32, #tpu.memory_space<vmem>>, %arg8: memref<128x32xf32, #tpu.memory_space<vmem>>, %arg9: memref<10240x32xf32, #tpu.memory_space<vmem_shared>>, %arg10: memref<!tpu.dma_semaphore, #tpu.memory_space<semaphore_mem>>, %arg11: memref<!tpu.dma_semaphore, #tpu.memory_space<semaphore_mem>>, %arg12: memref<!tpu.dma_semaphore, #tpu.memory_space<semaphore_mem>>, %arg13: memref<!tpu.dma_semaphore, #tpu.memory_space<semaphore_mem>>) attributes {dimension_semantics = [#tpu.dimension_semantics<core_parallel>, #tpu.dimension_semantics<subcore_parallel>], iteration_bounds = array<i64: 2, 16>, scalar_prefetch = 0 : i64, scratch_operands = 9 : i64, tpu.core_type = #tpu.core_type<sc_vector_subcore>, window_params = [{transform_indices = #map}, {transform_indices = #map}, {transform_indices = #map1}]} {
    %mul3A = arith.constant 16 : i32
    %mul3A_0 = arith.muli %arg0, %mul3A : i32
    %add3A = arith.addi %mul3A_0, %arg1 : i32
    %mul3A_1 = arith.constant 20 : i32
    %mul3A_2 = arith.muli %add3A, %mul3A_1 : i32
    %sub3A = arith.constant 625 : i32
    %sub3A_3 = arith.subi %sub3A, %mul3A_2 : i32
    %jit3A = arith.constant 0 : i32
    %jit3A_4 = arith.constant 20 : i32
    %max3A = arith.maxsi %jit3A, %sub3A_3 : i32
    %min3A = arith.minsi %jit3A_4, %max3A : i32
    %scan3A = arith.constant 0 : i32
    %scan3A_5 = arith.constant 0 : i32
    %scan3A_6 = arith.constant 128 : i32
    %scan3A_7 = arith.addi %scan3A_5, %scan3A_6 : i32
    %scan3A_8 = arith.constant 1 : i32
    %scan3A_9 = scf.for %scan3A_157 = %scan3A_5 to %scan3A_7 step %scan3A_8 iter_args(%scan3A_158 = %scan3A) -> (i32)  : i32 {
      %broadcast_in_dim3A = arith.constant 0.000000e+00 : f32
      %broadcast_in_dim3A_159 = vector.broadcast %broadcast_in_dim3A : f32 to vector<16xf32>
      %swap3A = arith.index_cast %scan3A_157 : i32 to index
      %swap3A_160 = arith.constant 0 : index
      %swap3A_161 = tpu.vector_load %arg8[%swap3A, %swap3A_160] {strides = array<i32>} : memref<128x32xf32, #tpu.memory_space<vmem>>, vector<1x16xf32>,
      %swap3A_162 = vector.shape_cast %swap3A_161 : vector<1x16xf32> to vector<16xf32>
      %swap3A_163 = vector.shape_cast %broadcast_in_dim3A_159 : vector<16xf32> to vector<1x16xf32>
      tpu.vector_store %arg8[%swap3A, %swap3A_160], %swap3A_163 {strides = array<i32>} : memref<128x32xf32, #tpu.memory_space<vmem>>, vector<1x16xf32>,
      %broadcast_in_dim3A_164 = arith.constant 0.000000e+00 : f32
      %broadcast_in_dim3A_165 = vector.broadcast %broadcast_in_dim3A_164 : f32 to vector<16xf32>
      %swap3A_166 = arith.index_cast %scan3A_157 : i32 to index
      %swap3A_167 = arith.constant 16 : index
      %swap3A_168 = tpu.vector_load %arg8[%swap3A_166, %swap3A_167] {strides = array<i32>} : memref<128x32xf32, #tpu.memory_space<vmem>>, vector<1x16xf32>,
      %swap3A_169 = vector.shape_cast %swap3A_168 : vector<1x16xf32> to vector<16xf32>
      %swap3A_170 = vector.shape_cast %broadcast_in_dim3A_165 : vector<16xf32> to vector<1x16xf32>
      tpu.vector_store %arg8[%swap3A_166, %swap3A_167], %swap3A_170 {strides = array<i32>} : memref<128x32xf32, #tpu.memory_space<vmem>>, vector<1x16xf32>,
      %scan3A_171 = arith.constant 0 : i32
      scf.yield %scan3A_171 : i32
    }
    %scan3A_10 = arith.constant 128 : i32
    %scan3A_11 = arith.constant 0 : i32
    %scan3A_12 = arith.constant 0 : i32
    %scan3A_13 = arith.constant 5 : i32
    %scan3A_14 = arith.addi %scan3A_12, %scan3A_13 : i32
    %scan3A_15 = arith.constant 1 : i32
    %scan3A_16 = scf.for %scan3A_157 = %scan3A_12 to %scan3A_14 step %scan3A_15 iter_args(%scan3A_158 = %scan3A_11) -> (i32)  : i32 {
      %mul3A_159 = arith.constant 640 : i32
      %mul3A_160 = arith.muli %arg1, %mul3A_159 : i32
      %mul3A_161 = arith.constant 128 : i32
      %mul3A_162 = arith.muli %scan3A_157, %mul3A_161 : i32
      %add3A_163 = arith.addi %mul3A_160, %mul3A_162 : i32
      %dma_start3A = arith.constant 0 : i32
      %dma_start3A_164 = tpu.memref_slice %arg9[%add3A_163, %dma_start3A] : memref<10240x32xf32, #tpu.memory_space<vmem_shared>> -> memref<128x32xf32, #tpu.memory_space<vmem_shared>>
      %dma_start3A_165 = arith.constant 0 : i32
      %dma_start3A_166 = tpu.memref_slice %arg9[%add3A_163, %dma_start3A_165] : memref<10240x32xf32, #tpu.memory_space<vmem_shared>> -> memref<128x32xf32, #tpu.memory_space<vmem_shared>>
      tpu.enqueue_dma source(%arg8 : memref<128x32xf32, #tpu.memory_space<vmem>>) target(%dma_start3A_166 : memref<128x32xf32, #tpu.memory_space<vmem_shared>>) target_semaphore(%arg12 : memref<!tpu.dma_semaphore, #tpu.memory_space<semaphore_mem>>)
      %scan3A_167 = arith.constant 0 : i32
      scf.yield %scan3A_167 : i32
    }
    %scan3A_17 = arith.constant 5 : i32
    %jit3A_18 = arith.constant 5 : i32
    %div3A = arith.divsi %min3A, %jit3A_18 : i32
    %sign3A = arith.constant 0 : i32
    %sign3A_19 = arith.cmpi sgt, %min3A, %sign3A : i32
    %sign3A_20 = arith.extui %sign3A_19 : i1 to i32
    %sign3A_21 = arith.constant 0 : i32
    %sign3A_22 = arith.cmpi slt, %min3A, %sign3A_21 : i32
    %sign3A_23 = arith.extui %sign3A_22 : i1 to i32
    %sign3A_24 = arith.subi %sign3A_20, %sign3A_23 : i32
    %sign3A_25 = arith.constant 0 : i32
    %sign3A_26 = arith.cmpi sgt, %jit3A_18, %sign3A_25 : i32
    %sign3A_27 = arith.extui %sign3A_26 : i1 to i32
    %sign3A_28 = arith.constant 0 : i32
    %sign3A_29 = arith.cmpi slt, %jit3A_18, %sign3A_28 : i32
    %sign3A_30 = arith.extui %sign3A_29 : i1 to i32
    %sign3A_31 = arith.subi %sign3A_27, %sign3A_30 : i32
    %ne3A = arith.cmpi ne, %sign3A_24, %sign3A_31 : i32
    %rem3A = arith.remsi %min3A, %jit3A_18 : i32
    %ne3A_32 = arith.constant 0 : i32
    %ne3A_33 = arith.cmpi ne, %rem3A, %ne3A_32 : i32
    %and3A = arith.andi %ne3A, %ne3A_33 : i1
    %sub3A_34 = arith.constant 1 : i32
    %sub3A_35 = arith.subi %div3A, %sub3A_34 : i32
    %select_n3A = arith.select %and3A, %sub3A_35, %div3A : i32
    %while3A = arith.constant 0 : i32
    %while3A_36 = arith.constant 0 : i32
    %while3A_37 = arith.subi %select_n3A, %while3A : i32
    %while3A_38 = arith.addi %while3A, %while3A_37 : i32
    %while3A_39 = arith.constant 1 : i32
    %while3A_40 = arith.divsi %while3A_37, %while3A_39 : i32
    %while3A_41 = arith.muli %while3A_40, %while3A_39 : i32
    %while3A_42 = arith.addi %while3A, %while3A_41 : i32
    %while3A_43 = arith.constant 1 : i32
    %while3A_44 = scf.for %while3A_157 = %while3A to %while3A_42 step %while3A_43 iter_args(%while3A_158 = %while3A_36) -> (i32)  : i32 {
      %add3A_159 = arith.constant 625 : i32
      %add3A_160 = arith.addi %add3A_159, %mul3A_2 : i32
      %mul3A_161 = arith.constant 5 : i32
      %mul3A_162 = arith.muli %while3A_157, %mul3A_161 : i32
      %add3A_163 = arith.addi %add3A_160, %mul3A_162 : i32
      %mul3A_164 = arith.constant 5 : i32
      %mul3A_165 = arith.muli %while3A_157, %mul3A_164 : i32
      %dma_start3A = arith.constant 0 : i32
      %dma_start3A_166 = tpu.memref_slice %arg5[%mul3A_165, %dma_start3A] : memref<20x128xi32, #tpu.memory_space<vmem>> -> memref<5x128xi32, #tpu.memory_space<vmem>>
      %dma_start3A_167 = arith.constant 0 : i32
      %dma_start3A_168 = tpu.memref_slice %arg3[%add3A_163, %dma_start3A_167] : memref<1250x128xi32, #tpu.memory_space<hbm>> -> memref<5x128xi32, #tpu.memory_space<hbm>>
      %dma_start3A_169 = arith.constant 0 : i32
      %dma_start3A_170 = tpu.memref_slice %arg5[%mul3A_165, %dma_start3A_169] : memref<20x128xi32, #tpu.memory_space<vmem>> -> memref<5x128xi32, #tpu.memory_space<vmem>>
      %dma_start3A_171 = arith.constant 0 : i32
      %dma_start3A_172 = tpu.memref_slice %arg3[%add3A_163, %dma_start3A_171] : memref<1250x128xi32, #tpu.memory_space<hbm>> -> memref<5x128xi32, #tpu.memory_space<hbm>>
      tpu.enqueue_dma source(%dma_start3A_172 : memref<5x128xi32, #tpu.memory_space<hbm>>) target(%dma_start3A_170 : memref<5x128xi32, #tpu.memory_space<vmem>>) target_semaphore(%arg13 : memref<!tpu.dma_semaphore, #tpu.memory_space<semaphore_mem>>)
      %while3A_173 = arith.constant 0 : i32
      scf.yield %while3A_173 : i32
    }
    %while3A_45 = arith.constant 1 : i32
    %while3A_46 = scf.for %while3A_157 = %while3A_42 to %while3A_38 step %while3A_45 iter_args(%while3A_158 = %while3A_44) -> (i32)  : i32 {
      %add3A_159 = arith.constant 625 : i32
      %add3A_160 = arith.addi %add3A_159, %mul3A_2 : i32
      %mul3A_161 = arith.constant 5 : i32
      %mul3A_162 = arith.muli %while3A_157, %mul3A_161 : i32
      %add3A_163 = arith.addi %add3A_160, %mul3A_162 : i32
      %mul3A_164 = arith.constant 5 : i32
      %mul3A_165 = arith.muli %while3A_157, %mul3A_164 : i32
      %dma_start3A = arith.constant 0 : i32
      %dma_start3A_166 = tpu.memref_slice %arg5[%mul3A_165, %dma_start3A] : memref<20x128xi32, #tpu.memory_space<vmem>> -> memref<5x128xi32, #tpu.memory_space<vmem>>
      %dma_start3A_167 = arith.constant 0 : i32
      %dma_start3A_168 = tpu.memref_slice %arg3[%add3A_163, %dma_start3A_167] : memref<1250x128xi32, #tpu.memory_space<hbm>> -> memref<5x128xi32, #tpu.memory_space<hbm>>
      %dma_start3A_169 = arith.constant 0 : i32
      %dma_start3A_170 = tpu.memref_slice %arg5[%mul3A_165, %dma_start3A_169] : memref<20x128xi32, #tpu.memory_space<vmem>> -> memref<5x128xi32, #tpu.memory_space<vmem>>
      %dma_start3A_171 = arith.constant 0 : i32
      %dma_start3A_172 = tpu.memref_slice %arg3[%add3A_163, %dma_start3A_171] : memref<1250x128xi32, #tpu.memory_space<hbm>> -> memref<5x128xi32, #tpu.memory_space<hbm>>
      tpu.enqueue_dma source(%dma_start3A_172 : memref<5x128xi32, #tpu.memory_space<hbm>>) target(%dma_start3A_170 : memref<5x128xi32, #tpu.memory_space<vmem>>) target_semaphore(%arg13 : memref<!tpu.dma_semaphore, #tpu.memory_space<semaphore_mem>>)
      %while3A_173 = arith.constant 0 : i32
      scf.yield %while3A_173 : i32
    }
    %scan3A_47 = arith.constant 0 : i32
    %scan3A_48 = arith.constant 0 : i32
    %scan3A_49 = arith.constant 5 : i32
    %scan3A_50 = arith.addi %scan3A_48, %scan3A_49 : i32
    %scan3A_51 = arith.constant 1 : i32
    %scan3A_52 = scf.for %scan3A_157 = %scan3A_48 to %scan3A_50 step %scan3A_51 iter_args(%scan3A_158 = %scan3A_47) -> (i32)  : i32 {
      %dma_wait3A = arith.constant 0 : i32
      %dma_wait3A_159 = arith.constant 0 : i32
      %dma_wait3A_160 = tpu.memref_slice %arg9[%dma_wait3A, %dma_wait3A_159] : memref<10240x32xf32, #tpu.memory_space<vmem_shared>> -> memref<128x32xf32, #tpu.memory_space<vmem_shared>>
      %dma_wait3A_161 = arith.constant 0 : i32
      %dma_wait3A_162 = arith.constant 0 : i32
      %dma_wait3A_163 = tpu.memref_slice %arg9[%dma_wait3A_161, %dma_wait3A_162] : memref<10240x32xf32, #tpu.memory_space<vmem_shared>> -> memref<128x32xf32, #tpu.memory_space<vmem_shared>>
      tpu.wait_dma2 semaphore(%arg12 : memref<!tpu.dma_semaphore, #tpu.memory_space<semaphore_mem>>) src(%arg8 : memref<128x32xf32, #tpu.memory_space<vmem>>) dst(%dma_wait3A_163 : memref<128x32xf32, #tpu.memory_space<vmem_shared>>)
      %scan3A_164 = arith.constant 0 : i32
      scf.yield %scan3A_164 : i32
    }
    %scan3A_53 = arith.constant 5 : i32
    %jit3A_54 = arith.constant 5 : i32
    %div3A_55 = arith.divsi %min3A, %jit3A_54 : i32
    %sign3A_56 = arith.constant 0 : i32
    %sign3A_57 = arith.cmpi sgt, %min3A, %sign3A_56 : i32
    %sign3A_58 = arith.extui %sign3A_57 : i1 to i32
    %sign3A_59 = arith.constant 0 : i32
    %sign3A_60 = arith.cmpi slt, %min3A, %sign3A_59 : i32
    %sign3A_61 = arith.extui %sign3A_60 : i1 to i32
    %sign3A_62 = arith.subi %sign3A_58, %sign3A_61 : i32
    %sign3A_63 = arith.constant 0 : i32
    %sign3A_64 = arith.cmpi sgt, %jit3A_54, %sign3A_63 : i32
    %sign3A_65 = arith.extui %sign3A_64 : i1 to i32
    %sign3A_66 = arith.constant 0 : i32
    %sign3A_67 = arith.cmpi slt, %jit3A_54, %sign3A_66 : i32
    %sign3A_68 = arith.extui %sign3A_67 : i1 to i32
    %sign3A_69 = arith.subi %sign3A_65, %sign3A_68 : i32
    %ne3A_70 = arith.cmpi ne, %sign3A_62, %sign3A_69 : i32
    %rem3A_71 = arith.remsi %min3A, %jit3A_54 : i32
    %ne3A_72 = arith.constant 0 : i32
    %ne3A_73 = arith.cmpi ne, %rem3A_71, %ne3A_72 : i32
    %and3A_74 = arith.andi %ne3A_70, %ne3A_73 : i1
    %sub3A_75 = arith.constant 1 : i32
    %sub3A_76 = arith.subi %div3A_55, %sub3A_75 : i32
    %select_n3A_77 = arith.select %and3A_74, %sub3A_76, %div3A_55 : i32
    %while3A_78 = arith.constant 0 : i32
    %while3A_79 = arith.constant 0 : i32
    %while3A_80 = arith.subi %select_n3A_77, %while3A_78 : i32
    %while3A_81 = arith.addi %while3A_78, %while3A_80 : i32
    %while3A_82 = arith.constant 1 : i32
    %while3A_83 = arith.divsi %while3A_80, %while3A_82 : i32
    %while3A_84 = arith.muli %while3A_83, %while3A_82 : i32
    %while3A_85 = arith.addi %while3A_78, %while3A_84 : i32
    %while3A_86 = arith.constant 1 : i32
    %while3A_87 = scf.for %while3A_157 = %while3A_78 to %while3A_85 step %while3A_86 iter_args(%while3A_158 = %while3A_79) -> (i32)  : i32 {
      %dma_wait3A = arith.constant 0 : i32
      %dma_wait3A_159 = arith.constant 0 : i32
      %dma_wait3A_160 = tpu.memref_slice %arg5[%dma_wait3A, %dma_wait3A_159] : memref<20x128xi32, #tpu.memory_space<vmem>> -> memref<5x128xi32, #tpu.memory_space<vmem>>
      %dma_wait3A_161 = arith.constant 0 : i32
      %dma_wait3A_162 = arith.constant 0 : i32
      %dma_wait3A_163 = tpu.memref_slice %arg3[%dma_wait3A_161, %dma_wait3A_162] : memref<1250x128xi32, #tpu.memory_space<hbm>> -> memref<5x128xi32, #tpu.memory_space<hbm>>
      %dma_wait3A_164 = arith.constant 0 : i32
      %dma_wait3A_165 = arith.constant 0 : i32
      %dma_wait3A_166 = tpu.memref_slice %arg5[%dma_wait3A_164, %dma_wait3A_165] : memref<20x128xi32, #tpu.memory_space<vmem>> -> memref<5x128xi32, #tpu.memory_space<vmem>>
      %dma_wait3A_167 = arith.constant 0 : i32
      %dma_wait3A_168 = arith.constant 0 : i32
      %dma_wait3A_169 = tpu.memref_slice %arg3[%dma_wait3A_167, %dma_wait3A_168] : memref<1250x128xi32, #tpu.memory_space<hbm>> -> memref<5x128xi32, #tpu.memory_space<hbm>>
      tpu.wait_dma2 semaphore(%arg13 : memref<!tpu.dma_semaphore, #tpu.memory_space<semaphore_mem>>) src(%dma_wait3A_169 : memref<5x128xi32, #tpu.memory_space<hbm>>) dst(%dma_wait3A_166 : memref<5x128xi32, #tpu.memory_space<vmem>>)
      %while3A_170 = arith.constant 0 : i32
      scf.yield %while3A_170 : i32
    }
    %while3A_88 = arith.constant 1 : i32
    %while3A_89 = scf.for %while3A_157 = %while3A_85 to %while3A_81 step %while3A_88 iter_args(%while3A_158 = %while3A_87) -> (i32)  : i32 {
      %dma_wait3A = arith.constant 0 : i32
      %dma_wait3A_159 = arith.constant 0 : i32
      %dma_wait3A_160 = tpu.memref_slice %arg5[%dma_wait3A, %dma_wait3A_159] : memref<20x128xi32, #tpu.memory_space<vmem>> -> memref<5x128xi32, #tpu.memory_space<vmem>>
      %dma_wait3A_161 = arith.constant 0 : i32
      %dma_wait3A_162 = arith.constant 0 : i32
      %dma_wait3A_163 = tpu.memref_slice %arg3[%dma_wait3A_161, %dma_wait3A_162] : memref<1250x128xi32, #tpu.memory_space<hbm>> -> memref<5x128xi32, #tpu.memory_space<hbm>>
      %dma_wait3A_164 = arith.constant 0 : i32
      %dma_wait3A_165 = arith.constant 0 : i32
      %dma_wait3A_166 = tpu.memref_slice %arg5[%dma_wait3A_164, %dma_wait3A_165] : memref<20x128xi32, #tpu.memory_space<vmem>> -> memref<5x128xi32, #tpu.memory_space<vmem>>
      %dma_wait3A_167 = arith.constant 0 : i32
      %dma_wait3A_168 = arith.constant 0 : i32
      %dma_wait3A_169 = tpu.memref_slice %arg3[%dma_wait3A_167, %dma_wait3A_168] : memref<1250x128xi32, #tpu.memory_space<hbm>> -> memref<5x128xi32, #tpu.memory_space<hbm>>
      tpu.wait_dma2 semaphore(%arg13 : memref<!tpu.dma_semaphore, #tpu.memory_space<semaphore_mem>>) src(%dma_wait3A_169 : memref<5x128xi32, #tpu.memory_space<hbm>>) dst(%dma_wait3A_166 : memref<5x128xi32, #tpu.memory_space<vmem>>)
      %while3A_170 = arith.constant 0 : i32
      scf.yield %while3A_170 : i32
    }
    %barrier3A = arith.constant 0 : index
    tpu.barrier barrier_id(%barrier3A)
    %gt3A = arith.constant 0 : i32
    %gt3A_90 = arith.cmpi sgt, %min3A, %gt3A : i32
    %convert_element_type3A = arith.extui %gt3A_90 : i1 to i32
    %cond3A = arith.constant 0 : i32
    %cond3A_91 = arith.cmpi ne, %convert_element_type3A, %cond3A : i32
    scf.if %cond3A_91 {
      %mul3A_157 = arith.constant 128 : i32
      %mul3A_158 = arith.muli %mul3A_2, %mul3A_157 : i32
      %dma_start3A = arith.constant 0 : i32
      %dma_start3A_159 = tpu.memref_slice %arg2[%mul3A_158, %dma_start3A] : memref<80000x32xf32, #tpu.memory_space<hbm>> -> memref<128x32xf32, #tpu.memory_space<hbm>>
      %dma_start3A_160 = arith.constant 0 : i32
      %dma_start3A_161 = tpu.memref_slice %arg2[%mul3A_158, %dma_start3A_160] : memref<80000x32xf32, #tpu.memory_space<hbm>> -> memref<128x32xf32, #tpu.memory_space<hbm>>
      tpu.enqueue_dma source(%dma_start3A_161 : memref<128x32xf32, #tpu.memory_space<hbm>>) target(%arg6 : memref<128x32xf32, #tpu.memory_space<vmem>>) target_semaphore(%arg10 : memref<!tpu.dma_semaphore, #tpu.memory_space<semaphore_mem>>)
    } else {
    }
    %gt3A_92 = arith.constant 1 : i32
    %gt3A_93 = arith.cmpi sgt, %min3A, %gt3A_92 : i32
    %convert_element_type3A_94 = arith.extui %gt3A_93 : i1 to i32
    %cond3A_95 = arith.constant 0 : i32
    %cond3A_96 = arith.cmpi ne, %convert_element_type3A_94, %cond3A_95 : i32
    scf.if %cond3A_96 {
      %add3A_157 = arith.constant 1 : i32
      %add3A_158 = arith.addi %mul3A_2, %add3A_157 : i32
      %mul3A_159 = arith.constant 128 : i32
      %mul3A_160 = arith.muli %add3A_158, %mul3A_159 : i32
      %dma_start3A = arith.constant 0 : i32
      %dma_start3A_161 = tpu.memref_slice %arg2[%mul3A_160, %dma_start3A] : memref<80000x32xf32, #tpu.memory_space<hbm>> -> memref<128x32xf32, #tpu.memory_space<hbm>>
      %dma_start3A_162 = arith.constant 0 : i32
      %dma_start3A_163 = tpu.memref_slice %arg2[%mul3A_160, %dma_start3A_162] : memref<80000x32xf32, #tpu.memory_space<hbm>> -> memref<128x32xf32, #tpu.memory_space<hbm>>
      tpu.enqueue_dma source(%dma_start3A_163 : memref<128x32xf32, #tpu.memory_space<hbm>>) target(%arg7 : memref<128x32xf32, #tpu.memory_space<vmem>>) target_semaphore(%arg11 : memref<!tpu.dma_semaphore, #tpu.memory_space<semaphore_mem>>)
    } else {
    }
    %jit3A_97 = arith.constant 2 : i32
    %div3A_98 = arith.divsi %min3A, %jit3A_97 : i32
    %sign3A_99 = arith.constant 0 : i32
    %sign3A_100 = arith.cmpi sgt, %min3A, %sign3A_99 : i32
    %sign3A_101 = arith.extui %sign3A_100 : i1 to i32
    %sign3A_102 = arith.constant 0 : i32
    %sign3A_103 = arith.cmpi slt, %min3A, %sign3A_102 : i32
    %sign3A_104 = arith.extui %sign3A_103 : i1 to i32
    %sign3A_105 = arith.subi %sign3A_101, %sign3A_104 : i32
    %sign3A_106 = arith.constant 0 : i32
    %sign3A_107 = arith.cmpi sgt, %jit3A_97, %sign3A_106 : i32
    %sign3A_108 = arith.extui %sign3A_107 : i1 to i32
    %sign3A_109 = arith.constant 0 : i32
    %sign3A_110 = arith.cmpi slt, %jit3A_97, %sign3A_109 : i32
    %sign3A_111 = arith.extui %sign3A_110 : i1 to i32
    %sign3A_112 = arith.subi %sign3A_108, %sign3A_111 : i32
    %ne3A_113 = arith.cmpi ne, %sign3A_105, %sign3A_112 : i32
    %rem3A_114 = arith.remsi %min3A, %jit3A_97 : i32
    %ne3A_115 = arith.constant 0 : i32
    %ne3A_116 = arith.cmpi ne, %rem3A_114, %ne3A_115 : i32
    %and3A_117 = arith.andi %ne3A_113, %ne3A_116 : i1
    %sub3A_118 = arith.constant 1 : i32
    %sub3A_119 = arith.subi %div3A_98, %sub3A_118 : i32
    %select_n3A_120 = arith.select %and3A_117, %sub3A_119, %div3A_98 : i32
    %while3A_121 = arith.constant 0 : i32
    %while3A_122 = arith.constant 0 : i32
    %while3A_123 = arith.subi %select_n3A_120, %while3A_121 : i32
    %while3A_124 = arith.addi %while3A_121, %while3A_123 : i32
    %while3A_125 = arith.constant 1 : i32
    %while3A_126 = arith.divsi %while3A_123, %while3A_125 : i32
    %while3A_127 = arith.muli %while3A_126, %while3A_125 : i32
    %while3A_128 = arith.addi %while3A_121, %while3A_127 : i32
    %while3A_129 = arith.constant 1 : i32
    %while3A_130 = scf.for %while3A_157 = %while3A_121 to %while3A_128 step %while3A_129 iter_args(%while3A_158 = %while3A_122) -> (i32)  : i32 {
      %mul3A_159 = arith.constant 2 : i32
      %mul3A_160 = arith.muli %mul3A_159, %while3A_157 : i32
      %mul3A_161 = arith.constant 128 : i32
      %mul3A_162 = arith.muli %mul3A_2, %mul3A_161 : i32
      %dma_wait3A = arith.constant 0 : i32
      %dma_wait3A_163 = tpu.memref_slice %arg2[%mul3A_162, %dma_wait3A] : memref<80000x32xf32, #tpu.memory_space<hbm>> -> memref<128x32xf32, #tpu.memory_space<hbm>>
      %dma_wait3A_164 = arith.constant 0 : i32
      %dma_wait3A_165 = tpu.memref_slice %arg2[%mul3A_162, %dma_wait3A_164] : memref<80000x32xf32, #tpu.memory_space<hbm>> -> memref<128x32xf32, #tpu.memory_space<hbm>>
      tpu.wait_dma2 semaphore(%arg10 : memref<!tpu.dma_semaphore, #tpu.memory_space<semaphore_mem>>) src(%dma_wait3A_165 : memref<128x32xf32, #tpu.memory_space<hbm>>) dst(%arg6 : memref<128x32xf32, #tpu.memory_space<vmem>>)
      %dma_start3A = arith.constant 0 : i32
      %dma_start3A_166 = tpu.memref_slice %arg5[%mul3A_160, %dma_start3A] : memref<20x128xi32, #tpu.memory_space<vmem>> -> memref<1x128xi32, #tpu.memory_space<vmem>>
      %dma_start3A_167 = tpu.memref_squeeze %dma_start3A_166 : memref<1x128xi32, #tpu.memory_space<vmem>> -> memref<128xi32, #tpu.memory_space<vmem>>
      %dma_start3A_168 = arith.constant 0 : i32
      %dma_start3A_169 = arith.constant 0 : i32
      %dma_start3A_170 = tpu.memref_slice %arg9[%dma_start3A_168, %dma_start3A_169] : memref<10240x32xf32, #tpu.memory_space<vmem_shared>> -> memref<10240x32xf32, #tpu.memory_space<vmem_shared>>
      tpu.enqueue_indirect_dma source(%arg6 : memref<128x32xf32, #tpu.memory_space<vmem>>) target(%dma_start3A_170 : memref<10240x32xf32, #tpu.memory_space<vmem_shared>>) offsets(%dma_start3A_167 : memref<128xi32, #tpu.memory_space<vmem>>) semaphore(%arg12 : memref<!tpu.dma_semaphore, #tpu.memory_space<semaphore_mem>>) {add = true}
      %mul3A_171 = arith.constant 128 : i32
      %mul3A_172 = arith.muli %mul3A_2, %mul3A_171 : i32
      %dma_wait3A_173 = arith.constant 0 : i32
      %dma_wait3A_174 = tpu.memref_slice %arg2[%mul3A_172, %dma_wait3A_173] : memref<80000x32xf32, #tpu.memory_space<hbm>> -> memref<128x32xf32, #tpu.memory_space<hbm>>
      %dma_wait3A_175 = arith.constant 0 : i32
      %dma_wait3A_176 = tpu.memref_slice %arg2[%mul3A_172, %dma_wait3A_175] : memref<80000x32xf32, #tpu.memory_space<hbm>> -> memref<128x32xf32, #tpu.memory_space<hbm>>
      tpu.wait_dma2 semaphore(%arg11 : memref<!tpu.dma_semaphore, #tpu.memory_space<semaphore_mem>>) src(%dma_wait3A_176 : memref<128x32xf32, #tpu.memory_space<hbm>>) dst(%arg7 : memref<128x32xf32, #tpu.memory_space<vmem>>)
      %add3A_177 = arith.constant 1 : i32
      %add3A_178 = arith.addi %mul3A_160, %add3A_177 : i32
      %dma_start3A_179 = arith.constant 0 : i32
      %dma_start3A_180 = tpu.memref_slice %arg5[%add3A_178, %dma_start3A_179] : memref<20x128xi32, #tpu.memory_space<vmem>> -> memref<1x128xi32, #tpu.memory_space<vmem>>
      %dma_start3A_181 = tpu.memref_squeeze %dma_start3A_180 : memref<1x128xi32, #tpu.memory_space<vmem>> -> memref<128xi32, #tpu.memory_space<vmem>>
      %dma_start3A_182 = arith.constant 0 : i32
      %dma_start3A_183 = arith.constant 0 : i32
      %dma_start3A_184 = tpu.memref_slice %arg9[%dma_start3A_182, %dma_start3A_183] : memref<10240x32xf32, #tpu.memory_space<vmem_shared>> -> memref<10240x32xf32, #tpu.memory_space<vmem_shared>>
      tpu.enqueue_indirect_dma source(%arg7 : memref<128x32xf32, #tpu.memory_space<vmem>>) target(%dma_start3A_184 : memref<10240x32xf32, #tpu.memory_space<vmem_shared>>) offsets(%dma_start3A_181 : memref<128xi32, #tpu.memory_space<vmem>>) semaphore(%arg13 : memref<!tpu.dma_semaphore, #tpu.memory_space<semaphore_mem>>) {add = true}
      %dma_wait3A_185 = arith.constant 0 : i32
      %dma_wait3A_186 = tpu.memref_slice %arg5[%mul3A_160, %dma_wait3A_185] : memref<20x128xi32, #tpu.memory_space<vmem>> -> memref<1x128xi32, #tpu.memory_space<vmem>>
      %dma_wait3A_187 = tpu.memref_squeeze %dma_wait3A_186 : memref<1x128xi32, #tpu.memory_space<vmem>> -> memref<128xi32, #tpu.memory_space<vmem>>
      %dma_wait3A_188 = arith.constant 0 : i32
      %dma_wait3A_189 = arith.constant 0 : i32
      %dma_wait3A_190 = tpu.memref_slice %arg9[%dma_wait3A_188, %dma_wait3A_189] : memref<10240x32xf32, #tpu.memory_space<vmem_shared>> -> memref<10240x32xf32, #tpu.memory_space<vmem_shared>>
      tpu.wait_indirect_dma semaphore(%arg12 : memref<!tpu.dma_semaphore, #tpu.memory_space<semaphore_mem>>) src(%arg6 : memref<128x32xf32, #tpu.memory_space<vmem>>) dst(%dma_wait3A_190 : memref<10240x32xf32, #tpu.memory_space<vmem_shared>>)
      %add3A_191 = arith.constant 2 : i32
      %add3A_192 = arith.addi %mul3A_160, %add3A_191 : i32
      %lt3A_193 = arith.cmpi slt, %add3A_192, %min3A : i32
      %convert_element_type3A_194 = arith.extui %lt3A_193 : i1 to i32
      %cond3A_195 = arith.constant 0 : i32
      %cond3A_196 = arith.cmpi ne, %convert_element_type3A_194, %cond3A_195 : i32
      scf.if %cond3A_196 {
        %add3A_212 = arith.addi %mul3A_2, %mul3A_160 : i32
        %add3A_213 = arith.constant 2 : i32
        %add3A_214 = arith.addi %add3A_212, %add3A_213 : i32
        %mul3A_215 = arith.constant 128 : i32
        %mul3A_216 = arith.muli %add3A_214, %mul3A_215 : i32
        %dma_start3A_217 = arith.constant 0 : i32
        %dma_start3A_218 = tpu.memref_slice %arg2[%mul3A_216, %dma_start3A_217] : memref<80000x32xf32, #tpu.memory_space<hbm>> -> memref<128x32xf32, #tpu.memory_space<hbm>>
        %dma_start3A_219 = arith.constant 0 : i32
        %dma_start3A_220 = tpu.memref_slice %arg2[%mul3A_216, %dma_start3A_219] : memref<80000x32xf32, #tpu.memory_space<hbm>> -> memref<128x32xf32, #tpu.memory_space<hbm>>
        tpu.enqueue_dma source(%dma_start3A_220 : memref<128x32xf32, #tpu.memory_space<hbm>>) target(%arg6 : memref<128x32xf32, #tpu.memory_space<vmem>>) target_semaphore(%arg10 : memref<!tpu.dma_semaphore, #tpu.memory_space<semaphore_mem>>)
      } else {
      }
      %add3A_197 = arith.constant 1 : i32
      %add3A_198 = arith.addi %mul3A_160, %add3A_197 : i32
      %dma_wait3A_199 = arith.constant 0 : i32
      %dma_wait3A_200 = tpu.memref_slice %arg5[%add3A_198, %dma_wait3A_199] : memref<20x128xi32, #tpu.memory_space<vmem>> -> memref<1x128xi32, #tpu.memory_space<vmem>>
      %dma_wait3A_201 = tpu.memref_squeeze %dma_wait3A_200 : memref<1x128xi32, #tpu.memory_space<vmem>> -> memref<128xi32, #tpu.memory_space<vmem>>
      %dma_wait3A_202 = arith.constant 0 : i32
      %dma_wait3A_203 = arith.constant 0 : i32
      %dma_wait3A_204 = tpu.memref_slice %arg9[%dma_wait3A_202, %dma_wait3A_203] : memref<10240x32xf32, #tpu.memory_space<vmem_shared>> -> memref<10240x32xf32, #tpu.memory_space<vmem_shared>>
      tpu.wait_indirect_dma semaphore(%arg13 : memref<!tpu.dma_semaphore, #tpu.memory_space<semaphore_mem>>) src(%arg7 : memref<128x32xf32, #tpu.memory_space<vmem>>) dst(%dma_wait3A_204 : memref<10240x32xf32, #tpu.memory_space<vmem_shared>>)
      %add3A_205 = arith.constant 3 : i32
      %add3A_206 = arith.addi %mul3A_160, %add3A_205 : i32
      %lt3A_207 = arith.cmpi slt, %add3A_206, %min3A : i32
      %convert_element_type3A_208 = arith.extui %lt3A_207 : i1 to i32
      %cond3A_209 = arith.constant 0 : i32
      %cond3A_210 = arith.cmpi ne, %convert_element_type3A_208, %cond3A_209 : i32
      scf.if %cond3A_210 {
        %add3A_212 = arith.addi %mul3A_2, %mul3A_160 : i32
        %add3A_213 = arith.constant 3 : i32
        %add3A_214 = arith.addi %add3A_212, %add3A_213 : i32
        %mul3A_215 = arith.constant 128 : i32
        %mul3A_216 = arith.muli %add3A_214, %mul3A_215 : i32
        %dma_start3A_217 = arith.constant 0 : i32
        %dma_start3A_218 = tpu.memref_slice %arg2[%mul3A_216, %dma_start3A_217] : memref<80000x32xf32, #tpu.memory_space<hbm>> -> memref<128x32xf32, #tpu.memory_space<hbm>>
        %dma_start3A_219 = arith.constant 0 : i32
        %dma_start3A_220 = tpu.memref_slice %arg2[%mul3A_216, %dma_start3A_219] : memref<80000x32xf32, #tpu.memory_space<hbm>> -> memref<128x32xf32, #tpu.memory_space<hbm>>
        tpu.enqueue_dma source(%dma_start3A_220 : memref<128x32xf32, #tpu.memory_space<hbm>>) target(%arg7 : memref<128x32xf32, #tpu.memory_space<vmem>>) target_semaphore(%arg11 : memref<!tpu.dma_semaphore, #tpu.memory_space<semaphore_mem>>)
      } else {
      }
      %while3A_211 = arith.constant 0 : i32
      scf.yield %while3A_211 : i32
    }
    %while3A_131 = arith.constant 1 : i32
    %while3A_132 = scf.for %while3A_157 = %while3A_128 to %while3A_124 step %while3A_131 iter_args(%while3A_158 = %while3A_130) -> (i32)  : i32 {
      %mul3A_159 = arith.constant 2 : i32
      %mul3A_160 = arith.muli %mul3A_159, %while3A_157 : i32
      %mul3A_161 = arith.constant 128 : i32
      %mul3A_162 = arith.muli %mul3A_2, %mul3A_161 : i32
      %dma_wait3A = arith.constant 0 : i32
      %dma_wait3A_163 = tpu.memref_slice %arg2[%mul3A_162, %dma_wait3A] : memref<80000x32xf32, #tpu.memory_space<hbm>> -> memref<128x32xf32, #tpu.memory_space<hbm>>
      %dma_wait3A_164 = arith.constant 0 : i32
      %dma_wait3A_165 = tpu.memref_slice %arg2[%mul3A_162, %dma_wait3A_164] : memref<80000x32xf32, #tpu.memory_space<hbm>> -> memref<128x32xf32, #tpu.memory_space<hbm>>
      tpu.wait_dma2 semaphore(%arg10 : memref<!tpu.dma_semaphore, #tpu.memory_space<semaphore_mem>>) src(%dma_wait3A_165 : memref<128x32xf32, #tpu.memory_space<hbm>>) dst(%arg6 : memref<128x32xf32, #tpu.memory_space<vmem>>)
      %dma_start3A = arith.constant 0 : i32
      %dma_start3A_166 = tpu.memref_slice %arg5[%mul3A_160, %dma_start3A] : memref<20x128xi32, #tpu.memory_space<vmem>> -> memref<1x128xi32, #tpu.memory_space<vmem>>
      %dma_start3A_167 = tpu.memref_squeeze %dma_start3A_166 : memref<1x128xi32, #tpu.memory_space<vmem>> -> memref<128xi32, #tpu.memory_space<vmem>>
      %dma_start3A_168 = arith.constant 0 : i32
      %dma_start3A_169 = arith.constant 0 : i32
      %dma_start3A_170 = tpu.memref_slice %arg9[%dma_start3A_168, %dma_start3A_169] : memref<10240x32xf32, #tpu.memory_space<vmem_shared>> -> memref<10240x32xf32, #tpu.memory_space<vmem_shared>>
      tpu.enqueue_indirect_dma source(%arg6 : memref<128x32xf32, #tpu.memory_space<vmem>>) target(%dma_start3A_170 : memref<10240x32xf32, #tpu.memory_space<vmem_shared>>) offsets(%dma_start3A_167 : memref<128xi32, #tpu.memory_space<vmem>>) semaphore(%arg12 : memref<!tpu.dma_semaphore, #tpu.memory_space<semaphore_mem>>) {add = true}
      %mul3A_171 = arith.constant 128 : i32
      %mul3A_172 = arith.muli %mul3A_2, %mul3A_171 : i32
      %dma_wait3A_173 = arith.constant 0 : i32
      %dma_wait3A_174 = tpu.memref_slice %arg2[%mul3A_172, %dma_wait3A_173] : memref<80000x32xf32, #tpu.memory_space<hbm>> -> memref<128x32xf32, #tpu.memory_space<hbm>>
      %dma_wait3A_175 = arith.constant 0 : i32
      %dma_wait3A_176 = tpu.memref_slice %arg2[%mul3A_172, %dma_wait3A_175] : memref<80000x32xf32, #tpu.memory_space<hbm>> -> memref<128x32xf32, #tpu.memory_space<hbm>>
      tpu.wait_dma2 semaphore(%arg11 : memref<!tpu.dma_semaphore, #tpu.memory_space<semaphore_mem>>) src(%dma_wait3A_176 : memref<128x32xf32, #tpu.memory_space<hbm>>) dst(%arg7 : memref<128x32xf32, #tpu.memory_space<vmem>>)
      %add3A_177 = arith.constant 1 : i32
      %add3A_178 = arith.addi %mul3A_160, %add3A_177 : i32
      %dma_start3A_179 = arith.constant 0 : i32
      %dma_start3A_180 = tpu.memref_slice %arg5[%add3A_178, %dma_start3A_179] : memref<20x128xi32, #tpu.memory_space<vmem>> -> memref<1x128xi32, #tpu.memory_space<vmem>>
      %dma_start3A_181 = tpu.memref_squeeze %dma_start3A_180 : memref<1x128xi32, #tpu.memory_space<vmem>> -> memref<128xi32, #tpu.memory_space<vmem>>
      %dma_start3A_182 = arith.constant 0 : i32
      %dma_start3A_183 = arith.constant 0 : i32
      %dma_start3A_184 = tpu.memref_slice %arg9[%dma_start3A_182, %dma_start3A_183] : memref<10240x32xf32, #tpu.memory_space<vmem_shared>> -> memref<10240x32xf32, #tpu.memory_space<vmem_shared>>
      tpu.enqueue_indirect_dma source(%arg7 : memref<128x32xf32, #tpu.memory_space<vmem>>) target(%dma_start3A_184 : memref<10240x32xf32, #tpu.memory_space<vmem_shared>>) offsets(%dma_start3A_181 : memref<128xi32, #tpu.memory_space<vmem>>) semaphore(%arg13 : memref<!tpu.dma_semaphore, #tpu.memory_space<semaphore_mem>>) {add = true}
      %dma_wait3A_185 = arith.constant 0 : i32
      %dma_wait3A_186 = tpu.memref_slice %arg5[%mul3A_160, %dma_wait3A_185] : memref<20x128xi32, #tpu.memory_space<vmem>> -> memref<1x128xi32, #tpu.memory_space<vmem>>
      %dma_wait3A_187 = tpu.memref_squeeze %dma_wait3A_186 : memref<1x128xi32, #tpu.memory_space<vmem>> -> memref<128xi32, #tpu.memory_space<vmem>>
      %dma_wait3A_188 = arith.constant 0 : i32
      %dma_wait3A_189 = arith.constant 0 : i32
      %dma_wait3A_190 = tpu.memref_slice %arg9[%dma_wait3A_188, %dma_wait3A_189] : memref<10240x32xf32, #tpu.memory_space<vmem_shared>> -> memref<10240x32xf32, #tpu.memory_space<vmem_shared>>
      tpu.wait_indirect_dma semaphore(%arg12 : memref<!tpu.dma_semaphore, #tpu.memory_space<semaphore_mem>>) src(%arg6 : memref<128x32xf32, #tpu.memory_space<vmem>>) dst(%dma_wait3A_190 : memref<10240x32xf32, #tpu.memory_space<vmem_shared>>)
      %add3A_191 = arith.constant 2 : i32
      %add3A_192 = arith.addi %mul3A_160, %add3A_191 : i32
      %lt3A_193 = arith.cmpi slt, %add3A_192, %min3A : i32
      %convert_element_type3A_194 = arith.extui %lt3A_193 : i1 to i32
      %cond3A_195 = arith.constant 0 : i32
      %cond3A_196 = arith.cmpi ne, %convert_element_type3A_194, %cond3A_195 : i32
      scf.if %cond3A_196 {
        %add3A_212 = arith.addi %mul3A_2, %mul3A_160 : i32
        %add3A_213 = arith.constant 2 : i32
        %add3A_214 = arith.addi %add3A_212, %add3A_213 : i32
        %mul3A_215 = arith.constant 128 : i32
        %mul3A_216 = arith.muli %add3A_214, %mul3A_215 : i32
        %dma_start3A_217 = arith.constant 0 : i32
        %dma_start3A_218 = tpu.memref_slice %arg2[%mul3A_216, %dma_start3A_217] : memref<80000x32xf32, #tpu.memory_space<hbm>> -> memref<128x32xf32, #tpu.memory_space<hbm>>
        %dma_start3A_219 = arith.constant 0 : i32
        %dma_start3A_220 = tpu.memref_slice %arg2[%mul3A_216, %dma_start3A_219] : memref<80000x32xf32, #tpu.memory_space<hbm>> -> memref<128x32xf32, #tpu.memory_space<hbm>>
        tpu.enqueue_dma source(%dma_start3A_220 : memref<128x32xf32, #tpu.memory_space<hbm>>) target(%arg6 : memref<128x32xf32, #tpu.memory_space<vmem>>) target_semaphore(%arg10 : memref<!tpu.dma_semaphore, #tpu.memory_space<semaphore_mem>>)
      } else {
      }
      %add3A_197 = arith.constant 1 : i32
      %add3A_198 = arith.addi %mul3A_160, %add3A_197 : i32
      %dma_wait3A_199 = arith.constant 0 : i32
      %dma_wait3A_200 = tpu.memref_slice %arg5[%add3A_198, %dma_wait3A_199] : memref<20x128xi32, #tpu.memory_space<vmem>> -> memref<1x128xi32, #tpu.memory_space<vmem>>
      %dma_wait3A_201 = tpu.memref_squeeze %dma_wait3A_200 : memref<1x128xi32, #tpu.memory_space<vmem>> -> memref<128xi32, #tpu.memory_space<vmem>>
      %dma_wait3A_202 = arith.constant 0 : i32
      %dma_wait3A_203 = arith.constant 0 : i32
      %dma_wait3A_204 = tpu.memref_slice %arg9[%dma_wait3A_202, %dma_wait3A_203] : memref<10240x32xf32, #tpu.memory_space<vmem_shared>> -> memref<10240x32xf32, #tpu.memory_space<vmem_shared>>
      tpu.wait_indirect_dma semaphore(%arg13 : memref<!tpu.dma_semaphore, #tpu.memory_space<semaphore_mem>>) src(%arg7 : memref<128x32xf32, #tpu.memory_space<vmem>>) dst(%dma_wait3A_204 : memref<10240x32xf32, #tpu.memory_space<vmem_shared>>)
      %add3A_205 = arith.constant 3 : i32
      %add3A_206 = arith.addi %mul3A_160, %add3A_205 : i32
      %lt3A_207 = arith.cmpi slt, %add3A_206, %min3A : i32
      %convert_element_type3A_208 = arith.extui %lt3A_207 : i1 to i32
      %cond3A_209 = arith.constant 0 : i32
      %cond3A_210 = arith.cmpi ne, %convert_element_type3A_208, %cond3A_209 : i32
      scf.if %cond3A_210 {
        %add3A_212 = arith.addi %mul3A_2, %mul3A_160 : i32
        %add3A_213 = arith.constant 3 : i32
        %add3A_214 = arith.addi %add3A_212, %add3A_213 : i32
        %mul3A_215 = arith.constant 128 : i32
        %mul3A_216 = arith.muli %add3A_214, %mul3A_215 : i32
        %dma_start3A_217 = arith.constant 0 : i32
        %dma_start3A_218 = tpu.memref_slice %arg2[%mul3A_216, %dma_start3A_217] : memref<80000x32xf32, #tpu.memory_space<hbm>> -> memref<128x32xf32, #tpu.memory_space<hbm>>
        %dma_start3A_219 = arith.constant 0 : i32
        %dma_start3A_220 = tpu.memref_slice %arg2[%mul3A_216, %dma_start3A_219] : memref<80000x32xf32, #tpu.memory_space<hbm>> -> memref<128x32xf32, #tpu.memory_space<hbm>>
        tpu.enqueue_dma source(%dma_start3A_220 : memref<128x32xf32, #tpu.memory_space<hbm>>) target(%arg7 : memref<128x32xf32, #tpu.memory_space<vmem>>) target_semaphore(%arg11 : memref<!tpu.dma_semaphore, #tpu.memory_space<semaphore_mem>>)
      } else {
      }
      %while3A_211 = arith.constant 0 : i32
      scf.yield %while3A_211 : i32
    }
    %jit3A_133 = arith.constant 2 : i32
    %eq3A = arith.constant 0 : i32
    %eq3A_134 = arith.cmpi eq, %jit3A_133, %eq3A : i32
    %jit3A_135 = arith.constant 1 : i32
    %select_n3A_136 = arith.select %eq3A_134, %jit3A_135, %jit3A_133 : i32
    %rem3A_137 = arith.remsi %min3A, %select_n3A_136 : i32
    %ne3A_138 = arith.constant 0 : i32
    %ne3A_139 = arith.cmpi ne, %rem3A_137, %ne3A_138 : i32
    %lt3A = arith.constant 0 : i32
    %lt3A_140 = arith.cmpi slt, %rem3A_137, %lt3A : i32
    %lt3A_141 = arith.constant 0 : i32
    %lt3A_142 = arith.cmpi slt, %select_n3A_136, %lt3A_141 : i32
    %ne3A_143 = arith.xori %lt3A_140, %lt3A_142 : i1
    %and3A_144 = arith.andi %ne3A_143, %ne3A_139 : i1
    %add3A_145 = arith.addi %rem3A_137, %select_n3A_136 : i32
    %select_n3A_146 = arith.select %and3A_144, %add3A_145, %rem3A_137 : i32
    %eq3A_147 = arith.constant 1 : i32
    %eq3A_148 = arith.cmpi eq, %select_n3A_146, %eq3A_147 : i32
    %convert_element_type3A_149 = arith.extui %eq3A_148 : i1 to i32
    %cond3A_150 = arith.constant 0 : i32
    %cond3A_151 = arith.cmpi ne, %convert_element_type3A_149, %cond3A_150 : i32
    scf.if %cond3A_151 {
      %sub3A_157 = arith.constant 1 : i32
      %sub3A_158 = arith.subi %min3A, %sub3A_157 : i32
      %mul3A_159 = arith.constant 128 : i32
      %mul3A_160 = arith.muli %mul3A_2, %mul3A_159 : i32
      %dma_wait3A = arith.constant 0 : i32
      %dma_wait3A_161 = tpu.memref_slice %arg2[%mul3A_160, %dma_wait3A] : memref<80000x32xf32, #tpu.memory_space<hbm>> -> memref<128x32xf32, #tpu.memory_space<hbm>>
      %dma_wait3A_162 = arith.constant 0 : i32
      %dma_wait3A_163 = tpu.memref_slice %arg2[%mul3A_160, %dma_wait3A_162] : memref<80000x32xf32, #tpu.memory_space<hbm>> -> memref<128x32xf32, #tpu.memory_space<hbm>>
      tpu.wait_dma2 semaphore(%arg10 : memref<!tpu.dma_semaphore, #tpu.memory_space<semaphore_mem>>) src(%dma_wait3A_163 : memref<128x32xf32, #tpu.memory_space<hbm>>) dst(%arg6 : memref<128x32xf32, #tpu.memory_space<vmem>>)
      %dma_start3A = arith.constant 0 : i32
      %dma_start3A_164 = tpu.memref_slice %arg5[%sub3A_158, %dma_start3A] : memref<20x128xi32, #tpu.memory_space<vmem>> -> memref<1x128xi32, #tpu.memory_space<vmem>>
      %dma_start3A_165 = tpu.memref_squeeze %dma_start3A_164 : memref<1x128xi32, #tpu.memory_space<vmem>> -> memref<128xi32, #tpu.memory_space<vmem>>
      %dma_start3A_166 = arith.constant 0 : i32
      %dma_start3A_167 = arith.constant 0 : i32
      %dma_start3A_168 = tpu.memref_slice %arg9[%dma_start3A_166, %dma_start3A_167] : memref<10240x32xf32, #tpu.memory_space<vmem_shared>> -> memref<10240x32xf32, #tpu.memory_space<vmem_shared>>
      tpu.enqueue_indirect_dma source(%arg6 : memref<128x32xf32, #tpu.memory_space<vmem>>) target(%dma_start3A_168 : memref<10240x32xf32, #tpu.memory_space<vmem_shared>>) offsets(%dma_start3A_165 : memref<128xi32, #tpu.memory_space<vmem>>) semaphore(%arg12 : memref<!tpu.dma_semaphore, #tpu.memory_space<semaphore_mem>>) {add = true}
      %dma_wait3A_169 = arith.constant 0 : i32
      %dma_wait3A_170 = tpu.memref_slice %arg5[%sub3A_158, %dma_wait3A_169] : memref<20x128xi32, #tpu.memory_space<vmem>> -> memref<1x128xi32, #tpu.memory_space<vmem>>
      %dma_wait3A_171 = tpu.memref_squeeze %dma_wait3A_170 : memref<1x128xi32, #tpu.memory_space<vmem>> -> memref<128xi32, #tpu.memory_space<vmem>>
      %dma_wait3A_172 = arith.constant 0 : i32
      %dma_wait3A_173 = arith.constant 0 : i32
      %dma_wait3A_174 = tpu.memref_slice %arg9[%dma_wait3A_172, %dma_wait3A_173] : memref<10240x32xf32, #tpu.memory_space<vmem_shared>> -> memref<10240x32xf32, #tpu.memory_space<vmem_shared>>
      tpu.wait_indirect_dma semaphore(%arg12 : memref<!tpu.dma_semaphore, #tpu.memory_space<semaphore_mem>>) src(%arg6 : memref<128x32xf32, #tpu.memory_space<vmem>>) dst(%dma_wait3A_174 : memref<10240x32xf32, #tpu.memory_space<vmem_shared>>)
    } else {
    }
    %barrier3A_152 = arith.constant 0 : index
    tpu.barrier barrier_id(%barrier3A_152)
    %mul3A_153 = arith.constant 640 : i32
    %mul3A_154 = arith.muli %arg1, %mul3A_153 : i32
    %mul3A_155 = arith.constant 640 : i32
    %mul3A_156 = arith.muli %arg1, %mul3A_155 : i32
    "tpu.region"() ({
      %run_scoped3A = tpu.sem_alloc : memref<!tpu.dma_semaphore, #tpu.memory_space<semaphore_mem>>
      %dma_start3A = arith.constant 0 : i32
      %dma_start3A_157 = tpu.memref_slice %arg4[%arg0, %mul3A_156, %dma_start3A] : memref<2x10240x32xf32, #tpu.memory_space<hbm>> -> memref<1x640x32xf32, #tpu.memory_space<hbm>>
      %dma_start3A_158 = tpu.memref_squeeze %dma_start3A_157 : memref<1x640x32xf32, #tpu.memory_space<hbm>> -> memref<640x32xf32, #tpu.memory_space<hbm>>
      %dma_start3A_159 = arith.constant 0 : i32
      %dma_start3A_160 = tpu.memref_slice %arg9[%mul3A_154, %dma_start3A_159] : memref<10240x32xf32, #tpu.memory_space<vmem_shared>> -> memref<640x32xf32, #tpu.memory_space<vmem_shared>>
      tpu.enqueue_dma source(%dma_start3A_160 : memref<640x32xf32, #tpu.memory_space<vmem_shared>>) target(%dma_start3A_158 : memref<640x32xf32, #tpu.memory_space<hbm>>) target_semaphore(%run_scoped3A : memref<!tpu.dma_semaphore, #tpu.memory_space<semaphore_mem>>)
      %dma_wait3A = arith.constant 0 : i32
      %dma_wait3A_161 = tpu.memref_slice %arg4[%arg0, %mul3A_156, %dma_wait3A] : memref<2x10240x32xf32, #tpu.memory_space<hbm>> -> memref<1x640x32xf32, #tpu.memory_space<hbm>>
      %dma_wait3A_162 = tpu.memref_squeeze %dma_wait3A_161 : memref<1x640x32xf32, #tpu.memory_space<hbm>> -> memref<640x32xf32, #tpu.memory_space<hbm>>
      %dma_wait3A_163 = arith.constant 0 : i32
      %dma_wait3A_164 = tpu.memref_slice %arg9[%mul3A_154, %dma_wait3A_163] : memref<10240x32xf32, #tpu.memory_space<vmem_shared>> -> memref<640x32xf32, #tpu.memory_space<vmem_shared>>
      tpu.wait_dma2 semaphore(%run_scoped3A : memref<!tpu.dma_semaphore, #tpu.memory_space<semaphore_mem>>) src(%dma_wait3A_164 : memref<640x32xf32, #tpu.memory_space<vmem_shared>>) dst(%dma_wait3A_162 : memref<640x32xf32, #tpu.memory_space<hbm>>)
      tpu.yield
    }) : () -> ()
    return
  }
}

#map = affine_map<(d0, d1) -> (0, 0)>
module attributes {stable_mosaic.version = 14 : i64} {
  func.func @_sc_gather_body(%arg0: i32, %arg1: i32, %arg2: memref<10000x16xf32, #tpu.memory_space<hbm>>, %arg3: memref<1250x128xi32, #tpu.memory_space<hbm>>, %arg4: memref<80000x16xf32, #tpu.memory_space<hbm>>, %arg5: memref<20x128xi32, #tpu.memory_space<vmem>>, %arg6: memref<2560x16xf32, #tpu.memory_space<vmem>>, %arg7: memref<!tpu.dma_semaphore, #tpu.memory_space<semaphore_mem>>, %arg8: memref<!tpu.dma_semaphore, #tpu.memory_space<semaphore_mem>>) attributes {dimension_semantics = [#tpu.dimension_semantics<core_parallel>, #tpu.dimension_semantics<subcore_parallel>], iteration_bounds = array<i64: 2, 16>, scalar_prefetch = 0 : i64, scratch_operands = 4 : i64, tpu.core_type = #tpu.core_type<sc_vector_subcore>, window_params = [{transform_indices = #map}, {transform_indices = #map}, {transform_indices = #map}]} {
    %mul3A = arith.constant 2 : i32
    %mul3A_0 = arith.muli %arg1, %mul3A : i32
    %add3A = arith.addi %mul3A_0, %arg0 : i32
    %mul3A_1 = arith.constant 20 : i32
    %mul3A_2 = arith.muli %add3A, %mul3A_1 : i32
    %sub3A = arith.constant 625 : i32
    %sub3A_3 = arith.subi %sub3A, %mul3A_2 : i32
    %jit3A = arith.constant 0 : i32
    %jit3A_4 = arith.constant 20 : i32
    %max3A = arith.maxsi %jit3A, %sub3A_3 : i32
    %min3A = arith.minsi %jit3A_4, %max3A : i32
    %jit3A_5 = arith.constant 5 : i32
    %div3A = arith.divsi %min3A, %jit3A_5 : i32
    %sign3A = arith.constant 0 : i32
    %sign3A_6 = arith.cmpi sgt, %min3A, %sign3A : i32
    %sign3A_7 = arith.extui %sign3A_6 : i1 to i32
    %sign3A_8 = arith.constant 0 : i32
    %sign3A_9 = arith.cmpi slt, %min3A, %sign3A_8 : i32
    %sign3A_10 = arith.extui %sign3A_9 : i1 to i32
    %sign3A_11 = arith.subi %sign3A_7, %sign3A_10 : i32
    %sign3A_12 = arith.constant 0 : i32
    %sign3A_13 = arith.cmpi sgt, %jit3A_5, %sign3A_12 : i32
    %sign3A_14 = arith.extui %sign3A_13 : i1 to i32
    %sign3A_15 = arith.constant 0 : i32
    %sign3A_16 = arith.cmpi slt, %jit3A_5, %sign3A_15 : i32
    %sign3A_17 = arith.extui %sign3A_16 : i1 to i32
    %sign3A_18 = arith.subi %sign3A_14, %sign3A_17 : i32
    %ne3A = arith.cmpi ne, %sign3A_11, %sign3A_18 : i32
    %rem3A = arith.remsi %min3A, %jit3A_5 : i32
    %ne3A_19 = arith.constant 0 : i32
    %ne3A_20 = arith.cmpi ne, %rem3A, %ne3A_19 : i32
    %and3A = arith.andi %ne3A, %ne3A_20 : i1
    %sub3A_21 = arith.constant 1 : i32
    %sub3A_22 = arith.subi %div3A, %sub3A_21 : i32
    %select_n3A = arith.select %and3A, %sub3A_22, %div3A : i32
    %gt3A = arith.constant 0 : i32
    %gt3A_23 = arith.cmpi sgt, %select_n3A, %gt3A : i32
    %convert_element_type3A = arith.extui %gt3A_23 : i1 to i32
    %cond3A = arith.constant 0 : i32
    %cond3A_24 = arith.cmpi ne, %convert_element_type3A, %cond3A : i32
    scf.if %cond3A_24 {
      %add3A_48 = arith.constant 625 : i32
      %add3A_49 = arith.addi %add3A_48, %mul3A_2 : i32
      %add3A_50 = arith.constant 0 : i32
      %add3A_51 = arith.addi %add3A_49, %add3A_50 : i32
      "tpu.region"() ({
        %run_scoped3A = tpu.sem_alloc : memref<!tpu.dma_semaphore, #tpu.memory_space<semaphore_mem>>
        %dma_start3A_101 = arith.constant 0 : i32
        %dma_start3A_102 = arith.constant 0 : i32
        %dma_start3A_103 = tpu.memref_slice %arg5[%dma_start3A_101, %dma_start3A_102] : memref<20x128xi32, #tpu.memory_space<vmem>> -> memref<5x128xi32, #tpu.memory_space<vmem>>
        %dma_start3A_104 = arith.constant 0 : i32
        %dma_start3A_105 = tpu.memref_slice %arg3[%add3A_51, %dma_start3A_104] : memref<1250x128xi32, #tpu.memory_space<hbm>> -> memref<5x128xi32, #tpu.memory_space<hbm>>
        %dma_start3A_106 = arith.constant 0 : i32
        %dma_start3A_107 = arith.constant 0 : i32
        %dma_start3A_108 = tpu.memref_slice %arg5[%dma_start3A_106, %dma_start3A_107] : memref<20x128xi32, #tpu.memory_space<vmem>> -> memref<5x128xi32, #tpu.memory_space<vmem>>
        %dma_start3A_109 = arith.constant 0 : i32
        %dma_start3A_110 = tpu.memref_slice %arg3[%add3A_51, %dma_start3A_109] : memref<1250x128xi32, #tpu.memory_space<hbm>> -> memref<5x128xi32, #tpu.memory_space<hbm>>
        tpu.enqueue_dma source(%dma_start3A_110 : memref<5x128xi32, #tpu.memory_space<hbm>>) target(%dma_start3A_108 : memref<5x128xi32, #tpu.memory_space<vmem>>) target_semaphore(%run_scoped3A : memref<!tpu.dma_semaphore, #tpu.memory_space<semaphore_mem>>)
        %dma_wait3A = arith.constant 0 : i32
        %dma_wait3A_111 = arith.constant 0 : i32
        %dma_wait3A_112 = tpu.memref_slice %arg5[%dma_wait3A, %dma_wait3A_111] : memref<20x128xi32, #tpu.memory_space<vmem>> -> memref<5x128xi32, #tpu.memory_space<vmem>>
        %dma_wait3A_113 = arith.constant 0 : i32
        %dma_wait3A_114 = tpu.memref_slice %arg3[%add3A_51, %dma_wait3A_113] : memref<1250x128xi32, #tpu.memory_space<hbm>> -> memref<5x128xi32, #tpu.memory_space<hbm>>
        %dma_wait3A_115 = arith.constant 0 : i32
        %dma_wait3A_116 = arith.constant 0 : i32
        %dma_wait3A_117 = tpu.memref_slice %arg5[%dma_wait3A_115, %dma_wait3A_116] : memref<20x128xi32, #tpu.memory_space<vmem>> -> memref<5x128xi32, #tpu.memory_space<vmem>>
        %dma_wait3A_118 = arith.constant 0 : i32
        %dma_wait3A_119 = tpu.memref_slice %arg3[%add3A_51, %dma_wait3A_118] : memref<1250x128xi32, #tpu.memory_space<hbm>> -> memref<5x128xi32, #tpu.memory_space<hbm>>
        tpu.wait_dma2 semaphore(%run_scoped3A : memref<!tpu.dma_semaphore, #tpu.memory_space<semaphore_mem>>) src(%dma_wait3A_119 : memref<5x128xi32, #tpu.memory_space<hbm>>) dst(%dma_wait3A_117 : memref<5x128xi32, #tpu.memory_space<vmem>>)
        tpu.yield
      }) : () -> ()
      %dma_start3A = arith.constant 0 : i32
      %dma_start3A_52 = arith.constant 0 : i32
      %dma_start3A_53 = arith.constant 0 : i32
      %dma_start3A_54 = tpu.memref_slice %arg6[%dma_start3A_52, %dma_start3A_53] : memref<2560x16xf32, #tpu.memory_space<vmem>> -> memref<128x16xf32, #tpu.memory_space<vmem>>
      %dma_start3A_55 = arith.constant 0 : i32
      %dma_start3A_56 = tpu.memref_slice %arg5[%dma_start3A, %dma_start3A_55] : memref<20x128xi32, #tpu.memory_space<vmem>> -> memref<1x128xi32, #tpu.memory_space<vmem>>
      %dma_start3A_57 = tpu.memref_squeeze %dma_start3A_56 : memref<1x128xi32, #tpu.memory_space<vmem>> -> memref<128xi32, #tpu.memory_space<vmem>>
      %dma_start3A_58 = arith.constant 0 : i32
      %dma_start3A_59 = arith.constant 0 : i32
      %dma_start3A_60 = tpu.memref_slice %arg2[%dma_start3A_58, %dma_start3A_59] : memref<10000x16xf32, #tpu.memory_space<hbm>> -> memref<10000x16xf32, #tpu.memory_space<hbm>>
      tpu.enqueue_indirect_dma source(%dma_start3A_60 : memref<10000x16xf32, #tpu.memory_space<hbm>>) target(%dma_start3A_54 : memref<128x16xf32, #tpu.memory_space<vmem>>) offsets(%dma_start3A_57 : memref<128xi32, #tpu.memory_space<vmem>>) semaphore(%arg7 : memref<!tpu.dma_semaphore, #tpu.memory_space<semaphore_mem>>)
      %dma_start3A_61 = arith.constant 1 : i32
      %dma_start3A_62 = arith.constant 128 : i32
      %dma_start3A_63 = arith.constant 0 : i32
      %dma_start3A_64 = tpu.memref_slice %arg6[%dma_start3A_62, %dma_start3A_63] : memref<2560x16xf32, #tpu.memory_space<vmem>> -> memref<128x16xf32, #tpu.memory_space<vmem>>
      %dma_start3A_65 = arith.constant 0 : i32
      %dma_start3A_66 = tpu.memref_slice %arg5[%dma_start3A_61, %dma_start3A_65] : memref<20x128xi32, #tpu.memory_space<vmem>> -> memref<1x128xi32, #tpu.memory_space<vmem>>
      %dma_start3A_67 = tpu.memref_squeeze %dma_start3A_66 : memref<1x128xi32, #tpu.memory_space<vmem>> -> memref<128xi32, #tpu.memory_space<vmem>>
      %dma_start3A_68 = arith.constant 0 : i32
      %dma_start3A_69 = arith.constant 0 : i32
      %dma_start3A_70 = tpu.memref_slice %arg2[%dma_start3A_68, %dma_start3A_69] : memref<10000x16xf32, #tpu.memory_space<hbm>> -> memref<10000x16xf32, #tpu.memory_space<hbm>>
      tpu.enqueue_indirect_dma source(%dma_start3A_70 : memref<10000x16xf32, #tpu.memory_space<hbm>>) target(%dma_start3A_64 : memref<128x16xf32, #tpu.memory_space<vmem>>) offsets(%dma_start3A_67 : memref<128xi32, #tpu.memory_space<vmem>>) semaphore(%arg7 : memref<!tpu.dma_semaphore, #tpu.memory_space<semaphore_mem>>)
      %dma_start3A_71 = arith.constant 2 : i32
      %dma_start3A_72 = arith.constant 256 : i32
      %dma_start3A_73 = arith.constant 0 : i32
      %dma_start3A_74 = tpu.memref_slice %arg6[%dma_start3A_72, %dma_start3A_73] : memref<2560x16xf32, #tpu.memory_space<vmem>> -> memref<128x16xf32, #tpu.memory_space<vmem>>
      %dma_start3A_75 = arith.constant 0 : i32
      %dma_start3A_76 = tpu.memref_slice %arg5[%dma_start3A_71, %dma_start3A_75] : memref<20x128xi32, #tpu.memory_space<vmem>> -> memref<1x128xi32, #tpu.memory_space<vmem>>
      %dma_start3A_77 = tpu.memref_squeeze %dma_start3A_76 : memref<1x128xi32, #tpu.memory_space<vmem>> -> memref<128xi32, #tpu.memory_space<vmem>>
      %dma_start3A_78 = arith.constant 0 : i32
      %dma_start3A_79 = arith.constant 0 : i32
      %dma_start3A_80 = tpu.memref_slice %arg2[%dma_start3A_78, %dma_start3A_79] : memref<10000x16xf32, #tpu.memory_space<hbm>> -> memref<10000x16xf32, #tpu.memory_space<hbm>>
      tpu.enqueue_indirect_dma source(%dma_start3A_80 : memref<10000x16xf32, #tpu.memory_space<hbm>>) target(%dma_start3A_74 : memref<128x16xf32, #tpu.memory_space<vmem>>) offsets(%dma_start3A_77 : memref<128xi32, #tpu.memory_space<vmem>>) semaphore(%arg7 : memref<!tpu.dma_semaphore, #tpu.memory_space<semaphore_mem>>)
      %dma_start3A_81 = arith.constant 3 : i32
      %dma_start3A_82 = arith.constant 384 : i32
      %dma_start3A_83 = arith.constant 0 : i32
      %dma_start3A_84 = tpu.memref_slice %arg6[%dma_start3A_82, %dma_start3A_83] : memref<2560x16xf32, #tpu.memory_space<vmem>> -> memref<128x16xf32, #tpu.memory_space<vmem>>
      %dma_start3A_85 = arith.constant 0 : i32
      %dma_start3A_86 = tpu.memref_slice %arg5[%dma_start3A_81, %dma_start3A_85] : memref<20x128xi32, #tpu.memory_space<vmem>> -> memref<1x128xi32, #tpu.memory_space<vmem>>
      %dma_start3A_87 = tpu.memref_squeeze %dma_start3A_86 : memref<1x128xi32, #tpu.memory_space<vmem>> -> memref<128xi32, #tpu.memory_space<vmem>>
      %dma_start3A_88 = arith.constant 0 : i32
      %dma_start3A_89 = arith.constant 0 : i32
      %dma_start3A_90 = tpu.memref_slice %arg2[%dma_start3A_88, %dma_start3A_89] : memref<10000x16xf32, #tpu.memory_space<hbm>> -> memref<10000x16xf32, #tpu.memory_space<hbm>>
      tpu.enqueue_indirect_dma source(%dma_start3A_90 : memref<10000x16xf32, #tpu.memory_space<hbm>>) target(%dma_start3A_84 : memref<128x16xf32, #tpu.memory_space<vmem>>) offsets(%dma_start3A_87 : memref<128xi32, #tpu.memory_space<vmem>>) semaphore(%arg7 : memref<!tpu.dma_semaphore, #tpu.memory_space<semaphore_mem>>)
      %dma_start3A_91 = arith.constant 4 : i32
      %dma_start3A_92 = arith.constant 512 : i32
      %dma_start3A_93 = arith.constant 0 : i32
      %dma_start3A_94 = tpu.memref_slice %arg6[%dma_start3A_92, %dma_start3A_93] : memref<2560x16xf32, #tpu.memory_space<vmem>> -> memref<128x16xf32, #tpu.memory_space<vmem>>
      %dma_start3A_95 = arith.constant 0 : i32
      %dma_start3A_96 = tpu.memref_slice %arg5[%dma_start3A_91, %dma_start3A_95] : memref<20x128xi32, #tpu.memory_space<vmem>> -> memref<1x128xi32, #tpu.memory_space<vmem>>
      %dma_start3A_97 = tpu.memref_squeeze %dma_start3A_96 : memref<1x128xi32, #tpu.memory_space<vmem>> -> memref<128xi32, #tpu.memory_space<vmem>>
      %dma_start3A_98 = arith.constant 0 : i32
      %dma_start3A_99 = arith.constant 0 : i32
      %dma_start3A_100 = tpu.memref_slice %arg2[%dma_start3A_98, %dma_start3A_99] : memref<10000x16xf32, #tpu.memory_space<hbm>> -> memref<10000x16xf32, #tpu.memory_space<hbm>>
      tpu.enqueue_indirect_dma source(%dma_start3A_100 : memref<10000x16xf32, #tpu.memory_space<hbm>>) target(%dma_start3A_94 : memref<128x16xf32, #tpu.memory_space<vmem>>) offsets(%dma_start3A_97 : memref<128xi32, #tpu.memory_space<vmem>>) semaphore(%arg7 : memref<!tpu.dma_semaphore, #tpu.memory_space<semaphore_mem>>)
    } else {
    }
    %while3A = arith.constant 0 : i32
    %while3A_25 = arith.constant 0 : i32
    %while3A_26 = arith.subi %select_n3A, %while3A : i32
    %while3A_27 = arith.addi %while3A, %while3A_26 : i32
    %while3A_28 = arith.constant 1 : i32
    %while3A_29 = arith.divsi %while3A_26, %while3A_28 : i32
    %while3A_30 = arith.muli %while3A_29, %while3A_28 : i32
    %while3A_31 = arith.addi %while3A, %while3A_30 : i32
    %while3A_32 = arith.constant 1 : i32
    %while3A_33 = scf.for %while3A_48 = %while3A to %while3A_31 step %while3A_32 iter_args(%while3A_49 = %while3A_25) -> (i32)  : i32 {
      %add3A_50 = arith.constant 1 : i32
      %add3A_51 = arith.addi %while3A_48, %add3A_50 : i32
      %lt3A = arith.cmpi slt, %add3A_51, %select_n3A : i32
      %convert_element_type3A_52 = arith.extui %lt3A : i1 to i32
      %cond3A_53 = arith.constant 0 : i32
      %cond3A_54 = arith.cmpi ne, %convert_element_type3A_52, %cond3A_53 : i32
      scf.if %cond3A_54 {
        %add3A_121 = arith.constant 1 : i32
        %add3A_122 = arith.addi %while3A_48, %add3A_121 : i32
        %add3A_123 = arith.constant 625 : i32
        %add3A_124 = arith.addi %add3A_123, %mul3A_2 : i32
        %mul3A_125 = arith.constant 5 : i32
        %mul3A_126 = arith.muli %add3A_122, %mul3A_125 : i32
        %add3A_127 = arith.addi %add3A_124, %mul3A_126 : i32
        %mul3A_128 = arith.constant 5 : i32
        %mul3A_129 = arith.muli %add3A_122, %mul3A_128 : i32
        "tpu.region"() ({
          %run_scoped3A = tpu.sem_alloc : memref<!tpu.dma_semaphore, #tpu.memory_space<semaphore_mem>>
          %dma_start3A_200 = arith.constant 0 : i32
          %dma_start3A_201 = tpu.memref_slice %arg5[%mul3A_129, %dma_start3A_200] : memref<20x128xi32, #tpu.memory_space<vmem>> -> memref<5x128xi32, #tpu.memory_space<vmem>>
          %dma_start3A_202 = arith.constant 0 : i32
          %dma_start3A_203 = tpu.memref_slice %arg3[%add3A_127, %dma_start3A_202] : memref<1250x128xi32, #tpu.memory_space<hbm>> -> memref<5x128xi32, #tpu.memory_space<hbm>>
          %dma_start3A_204 = arith.constant 0 : i32
          %dma_start3A_205 = tpu.memref_slice %arg5[%mul3A_129, %dma_start3A_204] : memref<20x128xi32, #tpu.memory_space<vmem>> -> memref<5x128xi32, #tpu.memory_space<vmem>>
          %dma_start3A_206 = arith.constant 0 : i32
          %dma_start3A_207 = tpu.memref_slice %arg3[%add3A_127, %dma_start3A_206] : memref<1250x128xi32, #tpu.memory_space<hbm>> -> memref<5x128xi32, #tpu.memory_space<hbm>>
          tpu.enqueue_dma source(%dma_start3A_207 : memref<5x128xi32, #tpu.memory_space<hbm>>) target(%dma_start3A_205 : memref<5x128xi32, #tpu.memory_space<vmem>>) target_semaphore(%run_scoped3A : memref<!tpu.dma_semaphore, #tpu.memory_space<semaphore_mem>>)
          %dma_wait3A_208 = arith.constant 0 : i32
          %dma_wait3A_209 = tpu.memref_slice %arg5[%mul3A_129, %dma_wait3A_208] : memref<20x128xi32, #tpu.memory_space<vmem>> -> memref<5x128xi32, #tpu.memory_space<vmem>>
          %dma_wait3A_210 = arith.constant 0 : i32
          %dma_wait3A_211 = tpu.memref_slice %arg3[%add3A_127, %dma_wait3A_210] : memref<1250x128xi32, #tpu.memory_space<hbm>> -> memref<5x128xi32, #tpu.memory_space<hbm>>
          %dma_wait3A_212 = arith.constant 0 : i32
          %dma_wait3A_213 = tpu.memref_slice %arg5[%mul3A_129, %dma_wait3A_212] : memref<20x128xi32, #tpu.memory_space<vmem>> -> memref<5x128xi32, #tpu.memory_space<vmem>>
          %dma_wait3A_214 = arith.constant 0 : i32
          %dma_wait3A_215 = tpu.memref_slice %arg3[%add3A_127, %dma_wait3A_214] : memref<1250x128xi32, #tpu.memory_space<hbm>> -> memref<5x128xi32, #tpu.memory_space<hbm>>
          tpu.wait_dma2 semaphore(%run_scoped3A : memref<!tpu.dma_semaphore, #tpu.memory_space<semaphore_mem>>) src(%dma_wait3A_215 : memref<5x128xi32, #tpu.memory_space<hbm>>) dst(%dma_wait3A_213 : memref<5x128xi32, #tpu.memory_space<vmem>>)
          tpu.yield
        }) : () -> ()
        %mul3A_130 = arith.constant 5 : i32
        %mul3A_131 = arith.muli %add3A_122, %mul3A_130 : i32
        %add3A_132 = arith.constant 0 : i32
        %add3A_133 = arith.addi %mul3A_131, %add3A_132 : i32
        %mul3A_134 = arith.constant 128 : i32
        %mul3A_135 = arith.muli %add3A_133, %mul3A_134 : i32
        %dma_start3A_136 = arith.constant 0 : i32
        %dma_start3A_137 = tpu.memref_slice %arg6[%mul3A_135, %dma_start3A_136] : memref<2560x16xf32, #tpu.memory_space<vmem>> -> memref<128x16xf32, #tpu.memory_space<vmem>>
        %dma_start3A_138 = arith.constant 0 : i32
        %dma_start3A_139 = tpu.memref_slice %arg5[%add3A_133, %dma_start3A_138] : memref<20x128xi32, #tpu.memory_space<vmem>> -> memref<1x128xi32, #tpu.memory_space<vmem>>
        %dma_start3A_140 = tpu.memref_squeeze %dma_start3A_139 : memref<1x128xi32, #tpu.memory_space<vmem>> -> memref<128xi32, #tpu.memory_space<vmem>>
        %dma_start3A_141 = arith.constant 0 : i32
        %dma_start3A_142 = arith.constant 0 : i32
        %dma_start3A_143 = tpu.memref_slice %arg2[%dma_start3A_141, %dma_start3A_142] : memref<10000x16xf32, #tpu.memory_space<hbm>> -> memref<10000x16xf32, #tpu.memory_space<hbm>>
        tpu.enqueue_indirect_dma source(%dma_start3A_143 : memref<10000x16xf32, #tpu.memory_space<hbm>>) target(%dma_start3A_137 : memref<128x16xf32, #tpu.memory_space<vmem>>) offsets(%dma_start3A_140 : memref<128xi32, #tpu.memory_space<vmem>>) semaphore(%arg7 : memref<!tpu.dma_semaphore, #tpu.memory_space<semaphore_mem>>)
        %mul3A_144 = arith.constant 5 : i32
        %mul3A_145 = arith.muli %add3A_122, %mul3A_144 : i32
        %add3A_146 = arith.constant 1 : i32
        %add3A_147 = arith.addi %mul3A_145, %add3A_146 : i32
        %mul3A_148 = arith.constant 128 : i32
        %mul3A_149 = arith.muli %add3A_147, %mul3A_148 : i32
        %dma_start3A_150 = arith.constant 0 : i32
        %dma_start3A_151 = tpu.memref_slice %arg6[%mul3A_149, %dma_start3A_150] : memref<2560x16xf32, #tpu.memory_space<vmem>> -> memref<128x16xf32, #tpu.memory_space<vmem>>
        %dma_start3A_152 = arith.constant 0 : i32
        %dma_start3A_153 = tpu.memref_slice %arg5[%add3A_147, %dma_start3A_152] : memref<20x128xi32, #tpu.memory_space<vmem>> -> memref<1x128xi32, #tpu.memory_space<vmem>>
        %dma_start3A_154 = tpu.memref_squeeze %dma_start3A_153 : memref<1x128xi32, #tpu.memory_space<vmem>> -> memref<128xi32, #tpu.memory_space<vmem>>
        %dma_start3A_155 = arith.constant 0 : i32
        %dma_start3A_156 = arith.constant 0 : i32
        %dma_start3A_157 = tpu.memref_slice %arg2[%dma_start3A_155, %dma_start3A_156] : memref<10000x16xf32, #tpu.memory_space<hbm>> -> memref<10000x16xf32, #tpu.memory_space<hbm>>
        tpu.enqueue_indirect_dma source(%dma_start3A_157 : memref<10000x16xf32, #tpu.memory_space<hbm>>) target(%dma_start3A_151 : memref<128x16xf32, #tpu.memory_space<vmem>>) offsets(%dma_start3A_154 : memref<128xi32, #tpu.memory_space<vmem>>) semaphore(%arg7 : memref<!tpu.dma_semaphore, #tpu.memory_space<semaphore_mem>>)
        %mul3A_158 = arith.constant 5 : i32
        %mul3A_159 = arith.muli %add3A_122, %mul3A_158 : i32
        %add3A_160 = arith.constant 2 : i32
        %add3A_161 = arith.addi %mul3A_159, %add3A_160 : i32
        %mul3A_162 = arith.constant 128 : i32
        %mul3A_163 = arith.muli %add3A_161, %mul3A_162 : i32
        %dma_start3A_164 = arith.constant 0 : i32
        %dma_start3A_165 = tpu.memref_slice %arg6[%mul3A_163, %dma_start3A_164] : memref<2560x16xf32, #tpu.memory_space<vmem>> -> memref<128x16xf32, #tpu.memory_space<vmem>>
        %dma_start3A_166 = arith.constant 0 : i32
        %dma_start3A_167 = tpu.memref_slice %arg5[%add3A_161, %dma_start3A_166] : memref<20x128xi32, #tpu.memory_space<vmem>> -> memref<1x128xi32, #tpu.memory_space<vmem>>
        %dma_start3A_168 = tpu.memref_squeeze %dma_start3A_167 : memref<1x128xi32, #tpu.memory_space<vmem>> -> memref<128xi32, #tpu.memory_space<vmem>>
        %dma_start3A_169 = arith.constant 0 : i32
        %dma_start3A_170 = arith.constant 0 : i32
        %dma_start3A_171 = tpu.memref_slice %arg2[%dma_start3A_169, %dma_start3A_170] : memref<10000x16xf32, #tpu.memory_space<hbm>> -> memref<10000x16xf32, #tpu.memory_space<hbm>>
        tpu.enqueue_indirect_dma source(%dma_start3A_171 : memref<10000x16xf32, #tpu.memory_space<hbm>>) target(%dma_start3A_165 : memref<128x16xf32, #tpu.memory_space<vmem>>) offsets(%dma_start3A_168 : memref<128xi32, #tpu.memory_space<vmem>>) semaphore(%arg7 : memref<!tpu.dma_semaphore, #tpu.memory_space<semaphore_mem>>)
        %mul3A_172 = arith.constant 5 : i32
        %mul3A_173 = arith.muli %add3A_122, %mul3A_172 : i32
        %add3A_174 = arith.constant 3 : i32
        %add3A_175 = arith.addi %mul3A_173, %add3A_174 : i32
        %mul3A_176 = arith.constant 128 : i32
        %mul3A_177 = arith.muli %add3A_175, %mul3A_176 : i32
        %dma_start3A_178 = arith.constant 0 : i32
        %dma_start3A_179 = tpu.memref_slice %arg6[%mul3A_177, %dma_start3A_178] : memref<2560x16xf32, #tpu.memory_space<vmem>> -> memref<128x16xf32, #tpu.memory_space<vmem>>
        %dma_start3A_180 = arith.constant 0 : i32
        %dma_start3A_181 = tpu.memref_slice %arg5[%add3A_175, %dma_start3A_180] : memref<20x128xi32, #tpu.memory_space<vmem>> -> memref<1x128xi32, #tpu.memory_space<vmem>>
        %dma_start3A_182 = tpu.memref_squeeze %dma_start3A_181 : memref<1x128xi32, #tpu.memory_space<vmem>> -> memref<128xi32, #tpu.memory_space<vmem>>
        %dma_start3A_183 = arith.constant 0 : i32
        %dma_start3A_184 = arith.constant 0 : i32
        %dma_start3A_185 = tpu.memref_slice %arg2[%dma_start3A_183, %dma_start3A_184] : memref<10000x16xf32, #tpu.memory_space<hbm>> -> memref<10000x16xf32, #tpu.memory_space<hbm>>
        tpu.enqueue_indirect_dma source(%dma_start3A_185 : memref<10000x16xf32, #tpu.memory_space<hbm>>) target(%dma_start3A_179 : memref<128x16xf32, #tpu.memory_space<vmem>>) offsets(%dma_start3A_182 : memref<128xi32, #tpu.memory_space<vmem>>) semaphore(%arg7 : memref<!tpu.dma_semaphore, #tpu.memory_space<semaphore_mem>>)
        %mul3A_186 = arith.constant 5 : i32
        %mul3A_187 = arith.muli %add3A_122, %mul3A_186 : i32
        %add3A_188 = arith.constant 4 : i32
        %add3A_189 = arith.addi %mul3A_187, %add3A_188 : i32
        %mul3A_190 = arith.constant 128 : i32
        %mul3A_191 = arith.muli %add3A_189, %mul3A_190 : i32
        %dma_start3A_192 = arith.constant 0 : i32
        %dma_start3A_193 = tpu.memref_slice %arg6[%mul3A_191, %dma_start3A_192] : memref<2560x16xf32, #tpu.memory_space<vmem>> -> memref<128x16xf32, #tpu.memory_space<vmem>>
        %dma_start3A_194 = arith.constant 0 : i32
        %dma_start3A_195 = tpu.memref_slice %arg5[%add3A_189, %dma_start3A_194] : memref<20x128xi32, #tpu.memory_space<vmem>> -> memref<1x128xi32, #tpu.memory_space<vmem>>
        %dma_start3A_196 = tpu.memref_squeeze %dma_start3A_195 : memref<1x128xi32, #tpu.memory_space<vmem>> -> memref<128xi32, #tpu.memory_space<vmem>>
        %dma_start3A_197 = arith.constant 0 : i32
        %dma_start3A_198 = arith.constant 0 : i32
        %dma_start3A_199 = tpu.memref_slice %arg2[%dma_start3A_197, %dma_start3A_198] : memref<10000x16xf32, #tpu.memory_space<hbm>> -> memref<10000x16xf32, #tpu.memory_space<hbm>>
        tpu.enqueue_indirect_dma source(%dma_start3A_199 : memref<10000x16xf32, #tpu.memory_space<hbm>>) target(%dma_start3A_193 : memref<128x16xf32, #tpu.memory_space<vmem>>) offsets(%dma_start3A_196 : memref<128xi32, #tpu.memory_space<vmem>>) semaphore(%arg7 : memref<!tpu.dma_semaphore, #tpu.memory_space<semaphore_mem>>)
      } else {
      }
      %dma_wait3A = arith.constant 0 : i32
      %dma_wait3A_55 = arith.constant 0 : i32
      %dma_wait3A_56 = arith.constant 0 : i32
      %dma_wait3A_57 = tpu.memref_slice %arg6[%dma_wait3A_55, %dma_wait3A_56] : memref<2560x16xf32, #tpu.memory_space<vmem>> -> memref<128x16xf32, #tpu.memory_space<vmem>>
      %dma_wait3A_58 = arith.constant 0 : i32
      %dma_wait3A_59 = tpu.memref_slice %arg5[%dma_wait3A, %dma_wait3A_58] : memref<20x128xi32, #tpu.memory_space<vmem>> -> memref<1x128xi32, #tpu.memory_space<vmem>>
      %dma_wait3A_60 = tpu.memref_squeeze %dma_wait3A_59 : memref<1x128xi32, #tpu.memory_space<vmem>> -> memref<128xi32, #tpu.memory_space<vmem>>
      %dma_wait3A_61 = arith.constant 0 : i32
      %dma_wait3A_62 = arith.constant 0 : i32
      %dma_wait3A_63 = tpu.memref_slice %arg2[%dma_wait3A_61, %dma_wait3A_62] : memref<10000x16xf32, #tpu.memory_space<hbm>> -> memref<10000x16xf32, #tpu.memory_space<hbm>>
      tpu.wait_indirect_dma semaphore(%arg7 : memref<!tpu.dma_semaphore, #tpu.memory_space<semaphore_mem>>) src(%dma_wait3A_63 : memref<10000x16xf32, #tpu.memory_space<hbm>>) dst(%dma_wait3A_57 : memref<128x16xf32, #tpu.memory_space<vmem>>)
      %dma_wait3A_64 = arith.constant 0 : i32
      %dma_wait3A_65 = arith.constant 0 : i32
      %dma_wait3A_66 = arith.constant 0 : i32
      %dma_wait3A_67 = tpu.memref_slice %arg6[%dma_wait3A_65, %dma_wait3A_66] : memref<2560x16xf32, #tpu.memory_space<vmem>> -> memref<128x16xf32, #tpu.memory_space<vmem>>
      %dma_wait3A_68 = arith.constant 0 : i32
      %dma_wait3A_69 = tpu.memref_slice %arg5[%dma_wait3A_64, %dma_wait3A_68] : memref<20x128xi32, #tpu.memory_space<vmem>> -> memref<1x128xi32, #tpu.memory_space<vmem>>
      %dma_wait3A_70 = tpu.memref_squeeze %dma_wait3A_69 : memref<1x128xi32, #tpu.memory_space<vmem>> -> memref<128xi32, #tpu.memory_space<vmem>>
      %dma_wait3A_71 = arith.constant 0 : i32
      %dma_wait3A_72 = arith.constant 0 : i32
      %dma_wait3A_73 = tpu.memref_slice %arg2[%dma_wait3A_71, %dma_wait3A_72] : memref<10000x16xf32, #tpu.memory_space<hbm>> -> memref<10000x16xf32, #tpu.memory_space<hbm>>
      tpu.wait_indirect_dma semaphore(%arg7 : memref<!tpu.dma_semaphore, #tpu.memory_space<semaphore_mem>>) src(%dma_wait3A_73 : memref<10000x16xf32, #tpu.memory_space<hbm>>) dst(%dma_wait3A_67 : memref<128x16xf32, #tpu.memory_space<vmem>>)
      %dma_wait3A_74 = arith.constant 0 : i32
      %dma_wait3A_75 = arith.constant 0 : i32
      %dma_wait3A_76 = arith.constant 0 : i32
      %dma_wait3A_77 = tpu.memref_slice %arg6[%dma_wait3A_75, %dma_wait3A_76] : memref<2560x16xf32, #tpu.memory_space<vmem>> -> memref<128x16xf32, #tpu.memory_space<vmem>>
      %dma_wait3A_78 = arith.constant 0 : i32
      %dma_wait3A_79 = tpu.memref_slice %arg5[%dma_wait3A_74, %dma_wait3A_78] : memref<20x128xi32, #tpu.memory_space<vmem>> -> memref<1x128xi32, #tpu.memory_space<vmem>>
      %dma_wait3A_80 = tpu.memref_squeeze %dma_wait3A_79 : memref<1x128xi32, #tpu.memory_space<vmem>> -> memref<128xi32, #tpu.memory_space<vmem>>
      %dma_wait3A_81 = arith.constant 0 : i32
      %dma_wait3A_82 = arith.constant 0 : i32
      %dma_wait3A_83 = tpu.memref_slice %arg2[%dma_wait3A_81, %dma_wait3A_82] : memref<10000x16xf32, #tpu.memory_space<hbm>> -> memref<10000x16xf32, #tpu.memory_space<hbm>>
      tpu.wait_indirect_dma semaphore(%arg7 : memref<!tpu.dma_semaphore, #tpu.memory_space<semaphore_mem>>) src(%dma_wait3A_83 : memref<10000x16xf32, #tpu.memory_space<hbm>>) dst(%dma_wait3A_77 : memref<128x16xf32, #tpu.memory_space<vmem>>)
      %dma_wait3A_84 = arith.constant 0 : i32
      %dma_wait3A_85 = arith.constant 0 : i32
      %dma_wait3A_86 = arith.constant 0 : i32
      %dma_wait3A_87 = tpu.memref_slice %arg6[%dma_wait3A_85, %dma_wait3A_86] : memref<2560x16xf32, #tpu.memory_space<vmem>> -> memref<128x16xf32, #tpu.memory_space<vmem>>
      %dma_wait3A_88 = arith.constant 0 : i32
      %dma_wait3A_89 = tpu.memref_slice %arg5[%dma_wait3A_84, %dma_wait3A_88] : memref<20x128xi32, #tpu.memory_space<vmem>> -> memref<1x128xi32, #tpu.memory_space<vmem>>
      %dma_wait3A_90 = tpu.memref_squeeze %dma_wait3A_89 : memref<1x128xi32, #tpu.memory_space<vmem>> -> memref<128xi32, #tpu.memory_space<vmem>>
      %dma_wait3A_91 = arith.constant 0 : i32
      %dma_wait3A_92 = arith.constant 0 : i32
      %dma_wait3A_93 = tpu.memref_slice %arg2[%dma_wait3A_91, %dma_wait3A_92] : memref<10000x16xf32, #tpu.memory_space<hbm>> -> memref<10000x16xf32, #tpu.memory_space<hbm>>
      tpu.wait_indirect_dma semaphore(%arg7 : memref<!tpu.dma_semaphore, #tpu.memory_space<semaphore_mem>>) src(%dma_wait3A_93 : memref<10000x16xf32, #tpu.memory_space<hbm>>) dst(%dma_wait3A_87 : memref<128x16xf32, #tpu.memory_space<vmem>>)
      %dma_wait3A_94 = arith.constant 0 : i32
      %dma_wait3A_95 = arith.constant 0 : i32
      %dma_wait3A_96 = arith.constant 0 : i32
      %dma_wait3A_97 = tpu.memref_slice %arg6[%dma_wait3A_95, %dma_wait3A_96] : memref<2560x16xf32, #tpu.memory_space<vmem>> -> memref<128x16xf32, #tpu.memory_space<vmem>>
      %dma_wait3A_98 = arith.constant 0 : i32
      %dma_wait3A_99 = tpu.memref_slice %arg5[%dma_wait3A_94, %dma_wait3A_98] : memref<20x128xi32, #tpu.memory_space<vmem>> -> memref<1x128xi32, #tpu.memory_space<vmem>>
      %dma_wait3A_100 = tpu.memref_squeeze %dma_wait3A_99 : memref<1x128xi32, #tpu.memory_space<vmem>> -> memref<128xi32, #tpu.memory_space<vmem>>
      %dma_wait3A_101 = arith.constant 0 : i32
      %dma_wait3A_102 = arith.constant 0 : i32
      %dma_wait3A_103 = tpu.memref_slice %arg2[%dma_wait3A_101, %dma_wait3A_102] : memref<10000x16xf32, #tpu.memory_space<hbm>> -> memref<10000x16xf32, #tpu.memory_space<hbm>>
      tpu.wait_indirect_dma semaphore(%arg7 : memref<!tpu.dma_semaphore, #tpu.memory_space<semaphore_mem>>) src(%dma_wait3A_103 : memref<10000x16xf32, #tpu.memory_space<hbm>>) dst(%dma_wait3A_97 : memref<128x16xf32, #tpu.memory_space<vmem>>)
      %mul3A_104 = arith.constant 5 : i32
      %mul3A_105 = arith.muli %while3A_48, %mul3A_104 : i32
      %mul3A_106 = arith.constant 128 : i32
      %mul3A_107 = arith.muli %mul3A_105, %mul3A_106 : i32
      %mul3A_108 = arith.constant 5 : i32
      %mul3A_109 = arith.muli %while3A_48, %mul3A_108 : i32
      %add3A_110 = arith.addi %mul3A_2, %mul3A_109 : i32
      %mul3A_111 = arith.constant 128 : i32
      %mul3A_112 = arith.muli %add3A_110, %mul3A_111 : i32
      %dma_start3A = arith.constant 0 : i32
      %dma_start3A_113 = tpu.memref_slice %arg6[%mul3A_107, %dma_start3A] : memref<2560x16xf32, #tpu.memory_space<vmem>> -> memref<640x16xf32, #tpu.memory_space<vmem>>
      %dma_start3A_114 = arith.constant 0 : i32
      %dma_start3A_115 = tpu.memref_slice %arg4[%mul3A_112, %dma_start3A_114] : memref<80000x16xf32, #tpu.memory_space<hbm>> -> memref<640x16xf32, #tpu.memory_space<hbm>>
      %dma_start3A_116 = arith.constant 0 : i32
      %dma_start3A_117 = tpu.memref_slice %arg4[%mul3A_112, %dma_start3A_116] : memref<80000x16xf32, #tpu.memory_space<hbm>> -> memref<640x16xf32, #tpu.memory_space<hbm>>
      %dma_start3A_118 = arith.constant 0 : i32
      %dma_start3A_119 = tpu.memref_slice %arg6[%mul3A_107, %dma_start3A_118] : memref<2560x16xf32, #tpu.memory_space<vmem>> -> memref<640x16xf32, #tpu.memory_space<vmem>>
      tpu.enqueue_dma source(%dma_start3A_119 : memref<640x16xf32, #tpu.memory_space<vmem>>) target(%dma_start3A_117 : memref<640x16xf32, #tpu.memory_space<hbm>>) target_semaphore(%arg8 : memref<!tpu.dma_semaphore, #tpu.memory_space<semaphore_mem>>)
      %while3A_120 = arith.constant 0 : i32
      scf.yield %while3A_120 : i32
    }
    %while3A_34 = arith.constant 1 : i32
    %while3A_35 = scf.for %while3A_48 = %while3A_31 to %while3A_27 step %while3A_34 iter_args(%while3A_49 = %while3A_33) -> (i32)  : i32 {
      %add3A_50 = arith.constant 1 : i32
      %add3A_51 = arith.addi %while3A_48, %add3A_50 : i32
      %lt3A = arith.cmpi slt, %add3A_51, %select_n3A : i32
      %convert_element_type3A_52 = arith.extui %lt3A : i1 to i32
      %cond3A_53 = arith.constant 0 : i32
      %cond3A_54 = arith.cmpi ne, %convert_element_type3A_52, %cond3A_53 : i32
      scf.if %cond3A_54 {
        %add3A_121 = arith.constant 1 : i32
        %add3A_122 = arith.addi %while3A_48, %add3A_121 : i32
        %add3A_123 = arith.constant 625 : i32
        %add3A_124 = arith.addi %add3A_123, %mul3A_2 : i32
        %mul3A_125 = arith.constant 5 : i32
        %mul3A_126 = arith.muli %add3A_122, %mul3A_125 : i32
        %add3A_127 = arith.addi %add3A_124, %mul3A_126 : i32
        %mul3A_128 = arith.constant 5 : i32
        %mul3A_129 = arith.muli %add3A_122, %mul3A_128 : i32
        "tpu.region"() ({
          %run_scoped3A = tpu.sem_alloc : memref<!tpu.dma_semaphore, #tpu.memory_space<semaphore_mem>>
          %dma_start3A_200 = arith.constant 0 : i32
          %dma_start3A_201 = tpu.memref_slice %arg5[%mul3A_129, %dma_start3A_200] : memref<20x128xi32, #tpu.memory_space<vmem>> -> memref<5x128xi32, #tpu.memory_space<vmem>>
          %dma_start3A_202 = arith.constant 0 : i32
          %dma_start3A_203 = tpu.memref_slice %arg3[%add3A_127, %dma_start3A_202] : memref<1250x128xi32, #tpu.memory_space<hbm>> -> memref<5x128xi32, #tpu.memory_space<hbm>>
          %dma_start3A_204 = arith.constant 0 : i32
          %dma_start3A_205 = tpu.memref_slice %arg5[%mul3A_129, %dma_start3A_204] : memref<20x128xi32, #tpu.memory_space<vmem>> -> memref<5x128xi32, #tpu.memory_space<vmem>>
          %dma_start3A_206 = arith.constant 0 : i32
          %dma_start3A_207 = tpu.memref_slice %arg3[%add3A_127, %dma_start3A_206] : memref<1250x128xi32, #tpu.memory_space<hbm>> -> memref<5x128xi32, #tpu.memory_space<hbm>>
          tpu.enqueue_dma source(%dma_start3A_207 : memref<5x128xi32, #tpu.memory_space<hbm>>) target(%dma_start3A_205 : memref<5x128xi32, #tpu.memory_space<vmem>>) target_semaphore(%run_scoped3A : memref<!tpu.dma_semaphore, #tpu.memory_space<semaphore_mem>>)
          %dma_wait3A_208 = arith.constant 0 : i32
          %dma_wait3A_209 = tpu.memref_slice %arg5[%mul3A_129, %dma_wait3A_208] : memref<20x128xi32, #tpu.memory_space<vmem>> -> memref<5x128xi32, #tpu.memory_space<vmem>>
          %dma_wait3A_210 = arith.constant 0 : i32
          %dma_wait3A_211 = tpu.memref_slice %arg3[%add3A_127, %dma_wait3A_210] : memref<1250x128xi32, #tpu.memory_space<hbm>> -> memref<5x128xi32, #tpu.memory_space<hbm>>
          %dma_wait3A_212 = arith.constant 0 : i32
          %dma_wait3A_213 = tpu.memref_slice %arg5[%mul3A_129, %dma_wait3A_212] : memref<20x128xi32, #tpu.memory_space<vmem>> -> memref<5x128xi32, #tpu.memory_space<vmem>>
          %dma_wait3A_214 = arith.constant 0 : i32
          %dma_wait3A_215 = tpu.memref_slice %arg3[%add3A_127, %dma_wait3A_214] : memref<1250x128xi32, #tpu.memory_space<hbm>> -> memref<5x128xi32, #tpu.memory_space<hbm>>
          tpu.wait_dma2 semaphore(%run_scoped3A : memref<!tpu.dma_semaphore, #tpu.memory_space<semaphore_mem>>) src(%dma_wait3A_215 : memref<5x128xi32, #tpu.memory_space<hbm>>) dst(%dma_wait3A_213 : memref<5x128xi32, #tpu.memory_space<vmem>>)
          tpu.yield
        }) : () -> ()
        %mul3A_130 = arith.constant 5 : i32
        %mul3A_131 = arith.muli %add3A_122, %mul3A_130 : i32
        %add3A_132 = arith.constant 0 : i32
        %add3A_133 = arith.addi %mul3A_131, %add3A_132 : i32
        %mul3A_134 = arith.constant 128 : i32
        %mul3A_135 = arith.muli %add3A_133, %mul3A_134 : i32
        %dma_start3A_136 = arith.constant 0 : i32
        %dma_start3A_137 = tpu.memref_slice %arg6[%mul3A_135, %dma_start3A_136] : memref<2560x16xf32, #tpu.memory_space<vmem>> -> memref<128x16xf32, #tpu.memory_space<vmem>>
        %dma_start3A_138 = arith.constant 0 : i32
        %dma_start3A_139 = tpu.memref_slice %arg5[%add3A_133, %dma_start3A_138] : memref<20x128xi32, #tpu.memory_space<vmem>> -> memref<1x128xi32, #tpu.memory_space<vmem>>
        %dma_start3A_140 = tpu.memref_squeeze %dma_start3A_139 : memref<1x128xi32, #tpu.memory_space<vmem>> -> memref<128xi32, #tpu.memory_space<vmem>>
        %dma_start3A_141 = arith.constant 0 : i32
        %dma_start3A_142 = arith.constant 0 : i32
        %dma_start3A_143 = tpu.memref_slice %arg2[%dma_start3A_141, %dma_start3A_142] : memref<10000x16xf32, #tpu.memory_space<hbm>> -> memref<10000x16xf32, #tpu.memory_space<hbm>>
        tpu.enqueue_indirect_dma source(%dma_start3A_143 : memref<10000x16xf32, #tpu.memory_space<hbm>>) target(%dma_start3A_137 : memref<128x16xf32, #tpu.memory_space<vmem>>) offsets(%dma_start3A_140 : memref<128xi32, #tpu.memory_space<vmem>>) semaphore(%arg7 : memref<!tpu.dma_semaphore, #tpu.memory_space<semaphore_mem>>)
        %mul3A_144 = arith.constant 5 : i32
        %mul3A_145 = arith.muli %add3A_122, %mul3A_144 : i32
        %add3A_146 = arith.constant 1 : i32
        %add3A_147 = arith.addi %mul3A_145, %add3A_146 : i32
        %mul3A_148 = arith.constant 128 : i32
        %mul3A_149 = arith.muli %add3A_147, %mul3A_148 : i32
        %dma_start3A_150 = arith.constant 0 : i32
        %dma_start3A_151 = tpu.memref_slice %arg6[%mul3A_149, %dma_start3A_150] : memref<2560x16xf32, #tpu.memory_space<vmem>> -> memref<128x16xf32, #tpu.memory_space<vmem>>
        %dma_start3A_152 = arith.constant 0 : i32
        %dma_start3A_153 = tpu.memref_slice %arg5[%add3A_147, %dma_start3A_152] : memref<20x128xi32, #tpu.memory_space<vmem>> -> memref<1x128xi32, #tpu.memory_space<vmem>>
        %dma_start3A_154 = tpu.memref_squeeze %dma_start3A_153 : memref<1x128xi32, #tpu.memory_space<vmem>> -> memref<128xi32, #tpu.memory_space<vmem>>
        %dma_start3A_155 = arith.constant 0 : i32
        %dma_start3A_156 = arith.constant 0 : i32
        %dma_start3A_157 = tpu.memref_slice %arg2[%dma_start3A_155, %dma_start3A_156] : memref<10000x16xf32, #tpu.memory_space<hbm>> -> memref<10000x16xf32, #tpu.memory_space<hbm>>
        tpu.enqueue_indirect_dma source(%dma_start3A_157 : memref<10000x16xf32, #tpu.memory_space<hbm>>) target(%dma_start3A_151 : memref<128x16xf32, #tpu.memory_space<vmem>>) offsets(%dma_start3A_154 : memref<128xi32, #tpu.memory_space<vmem>>) semaphore(%arg7 : memref<!tpu.dma_semaphore, #tpu.memory_space<semaphore_mem>>)
        %mul3A_158 = arith.constant 5 : i32
        %mul3A_159 = arith.muli %add3A_122, %mul3A_158 : i32
        %add3A_160 = arith.constant 2 : i32
        %add3A_161 = arith.addi %mul3A_159, %add3A_160 : i32
        %mul3A_162 = arith.constant 128 : i32
        %mul3A_163 = arith.muli %add3A_161, %mul3A_162 : i32
        %dma_start3A_164 = arith.constant 0 : i32
        %dma_start3A_165 = tpu.memref_slice %arg6[%mul3A_163, %dma_start3A_164] : memref<2560x16xf32, #tpu.memory_space<vmem>> -> memref<128x16xf32, #tpu.memory_space<vmem>>
        %dma_start3A_166 = arith.constant 0 : i32
        %dma_start3A_167 = tpu.memref_slice %arg5[%add3A_161, %dma_start3A_166] : memref<20x128xi32, #tpu.memory_space<vmem>> -> memref<1x128xi32, #tpu.memory_space<vmem>>
        %dma_start3A_168 = tpu.memref_squeeze %dma_start3A_167 : memref<1x128xi32, #tpu.memory_space<vmem>> -> memref<128xi32, #tpu.memory_space<vmem>>
        %dma_start3A_169 = arith.constant 0 : i32
        %dma_start3A_170 = arith.constant 0 : i32
        %dma_start3A_171 = tpu.memref_slice %arg2[%dma_start3A_169, %dma_start3A_170] : memref<10000x16xf32, #tpu.memory_space<hbm>> -> memref<10000x16xf32, #tpu.memory_space<hbm>>
        tpu.enqueue_indirect_dma source(%dma_start3A_171 : memref<10000x16xf32, #tpu.memory_space<hbm>>) target(%dma_start3A_165 : memref<128x16xf32, #tpu.memory_space<vmem>>) offsets(%dma_start3A_168 : memref<128xi32, #tpu.memory_space<vmem>>) semaphore(%arg7 : memref<!tpu.dma_semaphore, #tpu.memory_space<semaphore_mem>>)
        %mul3A_172 = arith.constant 5 : i32
        %mul3A_173 = arith.muli %add3A_122, %mul3A_172 : i32
        %add3A_174 = arith.constant 3 : i32
        %add3A_175 = arith.addi %mul3A_173, %add3A_174 : i32
        %mul3A_176 = arith.constant 128 : i32
        %mul3A_177 = arith.muli %add3A_175, %mul3A_176 : i32
        %dma_start3A_178 = arith.constant 0 : i32
        %dma_start3A_179 = tpu.memref_slice %arg6[%mul3A_177, %dma_start3A_178] : memref<2560x16xf32, #tpu.memory_space<vmem>> -> memref<128x16xf32, #tpu.memory_space<vmem>>
        %dma_start3A_180 = arith.constant 0 : i32
        %dma_start3A_181 = tpu.memref_slice %arg5[%add3A_175, %dma_start3A_180] : memref<20x128xi32, #tpu.memory_space<vmem>> -> memref<1x128xi32, #tpu.memory_space<vmem>>
        %dma_start3A_182 = tpu.memref_squeeze %dma_start3A_181 : memref<1x128xi32, #tpu.memory_space<vmem>> -> memref<128xi32, #tpu.memory_space<vmem>>
        %dma_start3A_183 = arith.constant 0 : i32
        %dma_start3A_184 = arith.constant 0 : i32
        %dma_start3A_185 = tpu.memref_slice %arg2[%dma_start3A_183, %dma_start3A_184] : memref<10000x16xf32, #tpu.memory_space<hbm>> -> memref<10000x16xf32, #tpu.memory_space<hbm>>
        tpu.enqueue_indirect_dma source(%dma_start3A_185 : memref<10000x16xf32, #tpu.memory_space<hbm>>) target(%dma_start3A_179 : memref<128x16xf32, #tpu.memory_space<vmem>>) offsets(%dma_start3A_182 : memref<128xi32, #tpu.memory_space<vmem>>) semaphore(%arg7 : memref<!tpu.dma_semaphore, #tpu.memory_space<semaphore_mem>>)
        %mul3A_186 = arith.constant 5 : i32
        %mul3A_187 = arith.muli %add3A_122, %mul3A_186 : i32
        %add3A_188 = arith.constant 4 : i32
        %add3A_189 = arith.addi %mul3A_187, %add3A_188 : i32
        %mul3A_190 = arith.constant 128 : i32
        %mul3A_191 = arith.muli %add3A_189, %mul3A_190 : i32
        %dma_start3A_192 = arith.constant 0 : i32
        %dma_start3A_193 = tpu.memref_slice %arg6[%mul3A_191, %dma_start3A_192] : memref<2560x16xf32, #tpu.memory_space<vmem>> -> memref<128x16xf32, #tpu.memory_space<vmem>>
        %dma_start3A_194 = arith.constant 0 : i32
        %dma_start3A_195 = tpu.memref_slice %arg5[%add3A_189, %dma_start3A_194] : memref<20x128xi32, #tpu.memory_space<vmem>> -> memref<1x128xi32, #tpu.memory_space<vmem>>
        %dma_start3A_196 = tpu.memref_squeeze %dma_start3A_195 : memref<1x128xi32, #tpu.memory_space<vmem>> -> memref<128xi32, #tpu.memory_space<vmem>>
        %dma_start3A_197 = arith.constant 0 : i32
        %dma_start3A_198 = arith.constant 0 : i32
        %dma_start3A_199 = tpu.memref_slice %arg2[%dma_start3A_197, %dma_start3A_198] : memref<10000x16xf32, #tpu.memory_space<hbm>> -> memref<10000x16xf32, #tpu.memory_space<hbm>>
        tpu.enqueue_indirect_dma source(%dma_start3A_199 : memref<10000x16xf32, #tpu.memory_space<hbm>>) target(%dma_start3A_193 : memref<128x16xf32, #tpu.memory_space<vmem>>) offsets(%dma_start3A_196 : memref<128xi32, #tpu.memory_space<vmem>>) semaphore(%arg7 : memref<!tpu.dma_semaphore, #tpu.memory_space<semaphore_mem>>)
      } else {
      }
      %dma_wait3A = arith.constant 0 : i32
      %dma_wait3A_55 = arith.constant 0 : i32
      %dma_wait3A_56 = arith.constant 0 : i32
      %dma_wait3A_57 = tpu.memref_slice %arg6[%dma_wait3A_55, %dma_wait3A_56] : memref<2560x16xf32, #tpu.memory_space<vmem>> -> memref<128x16xf32, #tpu.memory_space<vmem>>
      %dma_wait3A_58 = arith.constant 0 : i32
      %dma_wait3A_59 = tpu.memref_slice %arg5[%dma_wait3A, %dma_wait3A_58] : memref<20x128xi32, #tpu.memory_space<vmem>> -> memref<1x128xi32, #tpu.memory_space<vmem>>
      %dma_wait3A_60 = tpu.memref_squeeze %dma_wait3A_59 : memref<1x128xi32, #tpu.memory_space<vmem>> -> memref<128xi32, #tpu.memory_space<vmem>>
      %dma_wait3A_61 = arith.constant 0 : i32
      %dma_wait3A_62 = arith.constant 0 : i32
      %dma_wait3A_63 = tpu.memref_slice %arg2[%dma_wait3A_61, %dma_wait3A_62] : memref<10000x16xf32, #tpu.memory_space<hbm>> -> memref<10000x16xf32, #tpu.memory_space<hbm>>
      tpu.wait_indirect_dma semaphore(%arg7 : memref<!tpu.dma_semaphore, #tpu.memory_space<semaphore_mem>>) src(%dma_wait3A_63 : memref<10000x16xf32, #tpu.memory_space<hbm>>) dst(%dma_wait3A_57 : memref<128x16xf32, #tpu.memory_space<vmem>>)
      %dma_wait3A_64 = arith.constant 0 : i32
      %dma_wait3A_65 = arith.constant 0 : i32
      %dma_wait3A_66 = arith.constant 0 : i32
      %dma_wait3A_67 = tpu.memref_slice %arg6[%dma_wait3A_65, %dma_wait3A_66] : memref<2560x16xf32, #tpu.memory_space<vmem>> -> memref<128x16xf32, #tpu.memory_space<vmem>>
      %dma_wait3A_68 = arith.constant 0 : i32
      %dma_wait3A_69 = tpu.memref_slice %arg5[%dma_wait3A_64, %dma_wait3A_68] : memref<20x128xi32, #tpu.memory_space<vmem>> -> memref<1x128xi32, #tpu.memory_space<vmem>>
      %dma_wait3A_70 = tpu.memref_squeeze %dma_wait3A_69 : memref<1x128xi32, #tpu.memory_space<vmem>> -> memref<128xi32, #tpu.memory_space<vmem>>
      %dma_wait3A_71 = arith.constant 0 : i32
      %dma_wait3A_72 = arith.constant 0 : i32
      %dma_wait3A_73 = tpu.memref_slice %arg2[%dma_wait3A_71, %dma_wait3A_72] : memref<10000x16xf32, #tpu.memory_space<hbm>> -> memref<10000x16xf32, #tpu.memory_space<hbm>>
      tpu.wait_indirect_dma semaphore(%arg7 : memref<!tpu.dma_semaphore, #tpu.memory_space<semaphore_mem>>) src(%dma_wait3A_73 : memref<10000x16xf32, #tpu.memory_space<hbm>>) dst(%dma_wait3A_67 : memref<128x16xf32, #tpu.memory_space<vmem>>)
      %dma_wait3A_74 = arith.constant 0 : i32
      %dma_wait3A_75 = arith.constant 0 : i32
      %dma_wait3A_76 = arith.constant 0 : i32
      %dma_wait3A_77 = tpu.memref_slice %arg6[%dma_wait3A_75, %dma_wait3A_76] : memref<2560x16xf32, #tpu.memory_space<vmem>> -> memref<128x16xf32, #tpu.memory_space<vmem>>
      %dma_wait3A_78 = arith.constant 0 : i32
      %dma_wait3A_79 = tpu.memref_slice %arg5[%dma_wait3A_74, %dma_wait3A_78] : memref<20x128xi32, #tpu.memory_space<vmem>> -> memref<1x128xi32, #tpu.memory_space<vmem>>
      %dma_wait3A_80 = tpu.memref_squeeze %dma_wait3A_79 : memref<1x128xi32, #tpu.memory_space<vmem>> -> memref<128xi32, #tpu.memory_space<vmem>>
      %dma_wait3A_81 = arith.constant 0 : i32
      %dma_wait3A_82 = arith.constant 0 : i32
      %dma_wait3A_83 = tpu.memref_slice %arg2[%dma_wait3A_81, %dma_wait3A_82] : memref<10000x16xf32, #tpu.memory_space<hbm>> -> memref<10000x16xf32, #tpu.memory_space<hbm>>
      tpu.wait_indirect_dma semaphore(%arg7 : memref<!tpu.dma_semaphore, #tpu.memory_space<semaphore_mem>>) src(%dma_wait3A_83 : memref<10000x16xf32, #tpu.memory_space<hbm>>) dst(%dma_wait3A_77 : memref<128x16xf32, #tpu.memory_space<vmem>>)
      %dma_wait3A_84 = arith.constant 0 : i32
      %dma_wait3A_85 = arith.constant 0 : i32
      %dma_wait3A_86 = arith.constant 0 : i32
      %dma_wait3A_87 = tpu.memref_slice %arg6[%dma_wait3A_85, %dma_wait3A_86] : memref<2560x16xf32, #tpu.memory_space<vmem>> -> memref<128x16xf32, #tpu.memory_space<vmem>>
      %dma_wait3A_88 = arith.constant 0 : i32
      %dma_wait3A_89 = tpu.memref_slice %arg5[%dma_wait3A_84, %dma_wait3A_88] : memref<20x128xi32, #tpu.memory_space<vmem>> -> memref<1x128xi32, #tpu.memory_space<vmem>>
      %dma_wait3A_90 = tpu.memref_squeeze %dma_wait3A_89 : memref<1x128xi32, #tpu.memory_space<vmem>> -> memref<128xi32, #tpu.memory_space<vmem>>
      %dma_wait3A_91 = arith.constant 0 : i32
      %dma_wait3A_92 = arith.constant 0 : i32
      %dma_wait3A_93 = tpu.memref_slice %arg2[%dma_wait3A_91, %dma_wait3A_92] : memref<10000x16xf32, #tpu.memory_space<hbm>> -> memref<10000x16xf32, #tpu.memory_space<hbm>>
      tpu.wait_indirect_dma semaphore(%arg7 : memref<!tpu.dma_semaphore, #tpu.memory_space<semaphore_mem>>) src(%dma_wait3A_93 : memref<10000x16xf32, #tpu.memory_space<hbm>>) dst(%dma_wait3A_87 : memref<128x16xf32, #tpu.memory_space<vmem>>)
      %dma_wait3A_94 = arith.constant 0 : i32
      %dma_wait3A_95 = arith.constant 0 : i32
      %dma_wait3A_96 = arith.constant 0 : i32
      %dma_wait3A_97 = tpu.memref_slice %arg6[%dma_wait3A_95, %dma_wait3A_96] : memref<2560x16xf32, #tpu.memory_space<vmem>> -> memref<128x16xf32, #tpu.memory_space<vmem>>
      %dma_wait3A_98 = arith.constant 0 : i32
      %dma_wait3A_99 = tpu.memref_slice %arg5[%dma_wait3A_94, %dma_wait3A_98] : memref<20x128xi32, #tpu.memory_space<vmem>> -> memref<1x128xi32, #tpu.memory_space<vmem>>
      %dma_wait3A_100 = tpu.memref_squeeze %dma_wait3A_99 : memref<1x128xi32, #tpu.memory_space<vmem>> -> memref<128xi32, #tpu.memory_space<vmem>>
      %dma_wait3A_101 = arith.constant 0 : i32
      %dma_wait3A_102 = arith.constant 0 : i32
      %dma_wait3A_103 = tpu.memref_slice %arg2[%dma_wait3A_101, %dma_wait3A_102] : memref<10000x16xf32, #tpu.memory_space<hbm>> -> memref<10000x16xf32, #tpu.memory_space<hbm>>
      tpu.wait_indirect_dma semaphore(%arg7 : memref<!tpu.dma_semaphore, #tpu.memory_space<semaphore_mem>>) src(%dma_wait3A_103 : memref<10000x16xf32, #tpu.memory_space<hbm>>) dst(%dma_wait3A_97 : memref<128x16xf32, #tpu.memory_space<vmem>>)
      %mul3A_104 = arith.constant 5 : i32
      %mul3A_105 = arith.muli %while3A_48, %mul3A_104 : i32
      %mul3A_106 = arith.constant 128 : i32
      %mul3A_107 = arith.muli %mul3A_105, %mul3A_106 : i32
      %mul3A_108 = arith.constant 5 : i32
      %mul3A_109 = arith.muli %while3A_48, %mul3A_108 : i32
      %add3A_110 = arith.addi %mul3A_2, %mul3A_109 : i32
      %mul3A_111 = arith.constant 128 : i32
      %mul3A_112 = arith.muli %add3A_110, %mul3A_111 : i32
      %dma_start3A = arith.constant 0 : i32
      %dma_start3A_113 = tpu.memref_slice %arg6[%mul3A_107, %dma_start3A] : memref<2560x16xf32, #tpu.memory_space<vmem>> -> memref<640x16xf32, #tpu.memory_space<vmem>>
      %dma_start3A_114 = arith.constant 0 : i32
      %dma_start3A_115 = tpu.memref_slice %arg4[%mul3A_112, %dma_start3A_114] : memref<80000x16xf32, #tpu.memory_space<hbm>> -> memref<640x16xf32, #tpu.memory_space<hbm>>
      %dma_start3A_116 = arith.constant 0 : i32
      %dma_start3A_117 = tpu.memref_slice %arg4[%mul3A_112, %dma_start3A_116] : memref<80000x16xf32, #tpu.memory_space<hbm>> -> memref<640x16xf32, #tpu.memory_space<hbm>>
      %dma_start3A_118 = arith.constant 0 : i32
      %dma_start3A_119 = tpu.memref_slice %arg6[%mul3A_107, %dma_start3A_118] : memref<2560x16xf32, #tpu.memory_space<vmem>> -> memref<640x16xf32, #tpu.memory_space<vmem>>
      tpu.enqueue_dma source(%dma_start3A_119 : memref<640x16xf32, #tpu.memory_space<vmem>>) target(%dma_start3A_117 : memref<640x16xf32, #tpu.memory_space<hbm>>) target_semaphore(%arg8 : memref<!tpu.dma_semaphore, #tpu.memory_space<semaphore_mem>>)
      %while3A_120 = arith.constant 0 : i32
      scf.yield %while3A_120 : i32
    }
    %while3A_36 = arith.constant 0 : i32
    %while3A_37 = arith.constant 0 : i32
    %while3A_38 = arith.subi %select_n3A, %while3A_36 : i32
    %while3A_39 = arith.addi %while3A_36, %while3A_38 : i32
    %while3A_40 = arith.constant 1 : i32
    %while3A_41 = arith.divsi %while3A_38, %while3A_40 : i32
    %while3A_42 = arith.muli %while3A_41, %while3A_40 : i32
    %while3A_43 = arith.addi %while3A_36, %while3A_42 : i32
    %while3A_44 = arith.constant 1 : i32
    %while3A_45 = scf.for %while3A_48 = %while3A_36 to %while3A_43 step %while3A_44 iter_args(%while3A_49 = %while3A_37) -> (i32)  : i32 {
      %mul3A_50 = arith.constant 128 : i32
      %mul3A_51 = arith.muli %mul3A_2, %mul3A_50 : i32
      %dma_wait3A = arith.constant 0 : i32
      %dma_wait3A_52 = arith.constant 0 : i32
      %dma_wait3A_53 = tpu.memref_slice %arg6[%dma_wait3A, %dma_wait3A_52] : memref<2560x16xf32, #tpu.memory_space<vmem>> -> memref<640x16xf32, #tpu.memory_space<vmem>>
      %dma_wait3A_54 = arith.constant 0 : i32
      %dma_wait3A_55 = tpu.memref_slice %arg4[%mul3A_51, %dma_wait3A_54] : memref<80000x16xf32, #tpu.memory_space<hbm>> -> memref<640x16xf32, #tpu.memory_space<hbm>>
      %dma_wait3A_56 = arith.constant 0 : i32
      %dma_wait3A_57 = tpu.memref_slice %arg4[%mul3A_51, %dma_wait3A_56] : memref<80000x16xf32, #tpu.memory_space<hbm>> -> memref<640x16xf32, #tpu.memory_space<hbm>>
      %dma_wait3A_58 = arith.constant 0 : i32
      %dma_wait3A_59 = arith.constant 0 : i32
      %dma_wait3A_60 = tpu.memref_slice %arg6[%dma_wait3A_58, %dma_wait3A_59] : memref<2560x16xf32, #tpu.memory_space<vmem>> -> memref<640x16xf32, #tpu.memory_space<vmem>>
      tpu.wait_dma2 semaphore(%arg8 : memref<!tpu.dma_semaphore, #tpu.memory_space<semaphore_mem>>) src(%dma_wait3A_60 : memref<640x16xf32, #tpu.memory_space<vmem>>) dst(%dma_wait3A_57 : memref<640x16xf32, #tpu.memory_space<hbm>>)
      %while3A_61 = arith.constant 0 : i32
      scf.yield %while3A_61 : i32
    }
    %while3A_46 = arith.constant 1 : i32
    %while3A_47 = scf.for %while3A_48 = %while3A_43 to %while3A_39 step %while3A_46 iter_args(%while3A_49 = %while3A_45) -> (i32)  : i32 {
      %mul3A_50 = arith.constant 128 : i32
      %mul3A_51 = arith.muli %mul3A_2, %mul3A_50 : i32
      %dma_wait3A = arith.constant 0 : i32
      %dma_wait3A_52 = arith.constant 0 : i32
      %dma_wait3A_53 = tpu.memref_slice %arg6[%dma_wait3A, %dma_wait3A_52] : memref<2560x16xf32, #tpu.memory_space<vmem>> -> memref<640x16xf32, #tpu.memory_space<vmem>>
      %dma_wait3A_54 = arith.constant 0 : i32
      %dma_wait3A_55 = tpu.memref_slice %arg4[%mul3A_51, %dma_wait3A_54] : memref<80000x16xf32, #tpu.memory_space<hbm>> -> memref<640x16xf32, #tpu.memory_space<hbm>>
      %dma_wait3A_56 = arith.constant 0 : i32
      %dma_wait3A_57 = tpu.memref_slice %arg4[%mul3A_51, %dma_wait3A_56] : memref<80000x16xf32, #tpu.memory_space<hbm>> -> memref<640x16xf32, #tpu.memory_space<hbm>>
      %dma_wait3A_58 = arith.constant 0 : i32
      %dma_wait3A_59 = arith.constant 0 : i32
      %dma_wait3A_60 = tpu.memref_slice %arg6[%dma_wait3A_58, %dma_wait3A_59] : memref<2560x16xf32, #tpu.memory_space<vmem>> -> memref<640x16xf32, #tpu.memory_space<vmem>>
      tpu.wait_dma2 semaphore(%arg8 : memref<!tpu.dma_semaphore, #tpu.memory_space<semaphore_mem>>) src(%dma_wait3A_60 : memref<640x16xf32, #tpu.memory_space<vmem>>) dst(%dma_wait3A_57 : memref<640x16xf32, #tpu.memory_space<hbm>>)
      %while3A_61 = arith.constant 0 : i32
      scf.yield %while3A_61 : i32
    }
    return
  }
}

#map = affine_map<(d0, d1) -> (0, 0)>
module attributes {stable_mosaic.version = 14 : i64} {
  func.func @_sc_gather_body(%arg0: i32, %arg1: i32, %arg2: memref<10000x16xf32, #tpu.memory_space<hbm>>, %arg3: memref<1250x128xi32, #tpu.memory_space<hbm>>, %arg4: memref<80000x16xf32, #tpu.memory_space<hbm>>, %arg5: memref<20x128xi32, #tpu.memory_space<vmem>>, %arg6: memref<2560x16xf32, #tpu.memory_space<vmem>>, %arg7: memref<!tpu.dma_semaphore, #tpu.memory_space<semaphore_mem>>, %arg8: memref<!tpu.dma_semaphore, #tpu.memory_space<semaphore_mem>>) attributes {dimension_semantics = [#tpu.dimension_semantics<core_parallel>, #tpu.dimension_semantics<subcore_parallel>], iteration_bounds = array<i64: 2, 16>, scalar_prefetch = 0 : i64, scratch_operands = 4 : i64, tpu.core_type = #tpu.core_type<sc_vector_subcore>, window_params = [{transform_indices = #map}, {transform_indices = #map}, {transform_indices = #map}]} {
    %mul3A = arith.constant 2 : i32
    %mul3A_0 = arith.muli %arg1, %mul3A : i32
    %add3A = arith.addi %mul3A_0, %arg0 : i32
    %mul3A_1 = arith.constant 20 : i32
    %mul3A_2 = arith.muli %add3A, %mul3A_1 : i32
    %sub3A = arith.constant 625 : i32
    %sub3A_3 = arith.subi %sub3A, %mul3A_2 : i32
    %jit3A = arith.constant 0 : i32
    %jit3A_4 = arith.constant 20 : i32
    %max3A = arith.maxsi %jit3A, %sub3A_3 : i32
    %min3A = arith.minsi %jit3A_4, %max3A : i32
    %jit3A_5 = arith.constant 5 : i32
    %div3A = arith.divsi %min3A, %jit3A_5 : i32
    %sign3A = arith.constant 0 : i32
    %sign3A_6 = arith.cmpi sgt, %min3A, %sign3A : i32
    %sign3A_7 = arith.extui %sign3A_6 : i1 to i32
    %sign3A_8 = arith.constant 0 : i32
    %sign3A_9 = arith.cmpi slt, %min3A, %sign3A_8 : i32
    %sign3A_10 = arith.extui %sign3A_9 : i1 to i32
    %sign3A_11 = arith.subi %sign3A_7, %sign3A_10 : i32
    %sign3A_12 = arith.constant 0 : i32
    %sign3A_13 = arith.cmpi sgt, %jit3A_5, %sign3A_12 : i32
    %sign3A_14 = arith.extui %sign3A_13 : i1 to i32
    %sign3A_15 = arith.constant 0 : i32
    %sign3A_16 = arith.cmpi slt, %jit3A_5, %sign3A_15 : i32
    %sign3A_17 = arith.extui %sign3A_16 : i1 to i32
    %sign3A_18 = arith.subi %sign3A_14, %sign3A_17 : i32
    %ne3A = arith.cmpi ne, %sign3A_11, %sign3A_18 : i32
    %rem3A = arith.remsi %min3A, %jit3A_5 : i32
    %ne3A_19 = arith.constant 0 : i32
    %ne3A_20 = arith.cmpi ne, %rem3A, %ne3A_19 : i32
    %and3A = arith.andi %ne3A, %ne3A_20 : i1
    %sub3A_21 = arith.constant 1 : i32
    %sub3A_22 = arith.subi %div3A, %sub3A_21 : i32
    %select_n3A = arith.select %and3A, %sub3A_22, %div3A : i32
    %gt3A = arith.constant 0 : i32
    %gt3A_23 = arith.cmpi sgt, %select_n3A, %gt3A : i32
    %convert_element_type3A = arith.extui %gt3A_23 : i1 to i32
    %cond3A = arith.constant 0 : i32
    %cond3A_24 = arith.cmpi ne, %convert_element_type3A, %cond3A : i32
    scf.if %cond3A_24 {
      %add3A_48 = arith.constant 0 : i32
      %add3A_49 = arith.addi %add3A_48, %mul3A_2 : i32
      %add3A_50 = arith.constant 0 : i32
      %add3A_51 = arith.addi %add3A_49, %add3A_50 : i32
      "tpu.region"() ({
        %run_scoped3A = tpu.sem_alloc : memref<!tpu.dma_semaphore, #tpu.memory_space<semaphore_mem>>
        %dma_start3A_101 = arith.constant 0 : i32
        %dma_start3A_102 = arith.constant 0 : i32
        %dma_start3A_103 = tpu.memref_slice %arg5[%dma_start3A_101, %dma_start3A_102] : memref<20x128xi32, #tpu.memory_space<vmem>> -> memref<5x128xi32, #tpu.memory_space<vmem>>
        %dma_start3A_104 = arith.constant 0 : i32
        %dma_start3A_105 = tpu.memref_slice %arg3[%add3A_51, %dma_start3A_104] : memref<1250x128xi32, #tpu.memory_space<hbm>> -> memref<5x128xi32, #tpu.memory_space<hbm>>
        %dma_start3A_106 = arith.constant 0 : i32
        %dma_start3A_107 = arith.constant 0 : i32
        %dma_start3A_108 = tpu.memref_slice %arg5[%dma_start3A_106, %dma_start3A_107] : memref<20x128xi32, #tpu.memory_space<vmem>> -> memref<5x128xi32, #tpu.memory_space<vmem>>
        %dma_start3A_109 = arith.constant 0 : i32
        %dma_start3A_110 = tpu.memref_slice %arg3[%add3A_51, %dma_start3A_109] : memref<1250x128xi32, #tpu.memory_space<hbm>> -> memref<5x128xi32, #tpu.memory_space<hbm>>
        tpu.enqueue_dma source(%dma_start3A_110 : memref<5x128xi32, #tpu.memory_space<hbm>>) target(%dma_start3A_108 : memref<5x128xi32, #tpu.memory_space<vmem>>) target_semaphore(%run_scoped3A : memref<!tpu.dma_semaphore, #tpu.memory_space<semaphore_mem>>)
        %dma_wait3A = arith.constant 0 : i32
        %dma_wait3A_111 = arith.constant 0 : i32
        %dma_wait3A_112 = tpu.memref_slice %arg5[%dma_wait3A, %dma_wait3A_111] : memref<20x128xi32, #tpu.memory_space<vmem>> -> memref<5x128xi32, #tpu.memory_space<vmem>>
        %dma_wait3A_113 = arith.constant 0 : i32
        %dma_wait3A_114 = tpu.memref_slice %arg3[%add3A_51, %dma_wait3A_113] : memref<1250x128xi32, #tpu.memory_space<hbm>> -> memref<5x128xi32, #tpu.memory_space<hbm>>
        %dma_wait3A_115 = arith.constant 0 : i32
        %dma_wait3A_116 = arith.constant 0 : i32
        %dma_wait3A_117 = tpu.memref_slice %arg5[%dma_wait3A_115, %dma_wait3A_116] : memref<20x128xi32, #tpu.memory_space<vmem>> -> memref<5x128xi32, #tpu.memory_space<vmem>>
        %dma_wait3A_118 = arith.constant 0 : i32
        %dma_wait3A_119 = tpu.memref_slice %arg3[%add3A_51, %dma_wait3A_118] : memref<1250x128xi32, #tpu.memory_space<hbm>> -> memref<5x128xi32, #tpu.memory_space<hbm>>
        tpu.wait_dma2 semaphore(%run_scoped3A : memref<!tpu.dma_semaphore, #tpu.memory_space<semaphore_mem>>) src(%dma_wait3A_119 : memref<5x128xi32, #tpu.memory_space<hbm>>) dst(%dma_wait3A_117 : memref<5x128xi32, #tpu.memory_space<vmem>>)
        tpu.yield
      }) : () -> ()
      %dma_start3A = arith.constant 0 : i32
      %dma_start3A_52 = arith.constant 0 : i32
      %dma_start3A_53 = arith.constant 0 : i32
      %dma_start3A_54 = tpu.memref_slice %arg6[%dma_start3A_52, %dma_start3A_53] : memref<2560x16xf32, #tpu.memory_space<vmem>> -> memref<128x16xf32, #tpu.memory_space<vmem>>
      %dma_start3A_55 = arith.constant 0 : i32
      %dma_start3A_56 = tpu.memref_slice %arg5[%dma_start3A, %dma_start3A_55] : memref<20x128xi32, #tpu.memory_space<vmem>> -> memref<1x128xi32, #tpu.memory_space<vmem>>
      %dma_start3A_57 = tpu.memref_squeeze %dma_start3A_56 : memref<1x128xi32, #tpu.memory_space<vmem>> -> memref<128xi32, #tpu.memory_space<vmem>>
      %dma_start3A_58 = arith.constant 0 : i32
      %dma_start3A_59 = arith.constant 0 : i32
      %dma_start3A_60 = tpu.memref_slice %arg2[%dma_start3A_58, %dma_start3A_59] : memref<10000x16xf32, #tpu.memory_space<hbm>> -> memref<10000x16xf32, #tpu.memory_space<hbm>>
      tpu.enqueue_indirect_dma source(%dma_start3A_60 : memref<10000x16xf32, #tpu.memory_space<hbm>>) target(%dma_start3A_54 : memref<128x16xf32, #tpu.memory_space<vmem>>) offsets(%dma_start3A_57 : memref<128xi32, #tpu.memory_space<vmem>>) semaphore(%arg7 : memref<!tpu.dma_semaphore, #tpu.memory_space<semaphore_mem>>)
      %dma_start3A_61 = arith.constant 1 : i32
      %dma_start3A_62 = arith.constant 128 : i32
      %dma_start3A_63 = arith.constant 0 : i32
      %dma_start3A_64 = tpu.memref_slice %arg6[%dma_start3A_62, %dma_start3A_63] : memref<2560x16xf32, #tpu.memory_space<vmem>> -> memref<128x16xf32, #tpu.memory_space<vmem>>
      %dma_start3A_65 = arith.constant 0 : i32
      %dma_start3A_66 = tpu.memref_slice %arg5[%dma_start3A_61, %dma_start3A_65] : memref<20x128xi32, #tpu.memory_space<vmem>> -> memref<1x128xi32, #tpu.memory_space<vmem>>
      %dma_start3A_67 = tpu.memref_squeeze %dma_start3A_66 : memref<1x128xi32, #tpu.memory_space<vmem>> -> memref<128xi32, #tpu.memory_space<vmem>>
      %dma_start3A_68 = arith.constant 0 : i32
      %dma_start3A_69 = arith.constant 0 : i32
      %dma_start3A_70 = tpu.memref_slice %arg2[%dma_start3A_68, %dma_start3A_69] : memref<10000x16xf32, #tpu.memory_space<hbm>> -> memref<10000x16xf32, #tpu.memory_space<hbm>>
      tpu.enqueue_indirect_dma source(%dma_start3A_70 : memref<10000x16xf32, #tpu.memory_space<hbm>>) target(%dma_start3A_64 : memref<128x16xf32, #tpu.memory_space<vmem>>) offsets(%dma_start3A_67 : memref<128xi32, #tpu.memory_space<vmem>>) semaphore(%arg7 : memref<!tpu.dma_semaphore, #tpu.memory_space<semaphore_mem>>)
      %dma_start3A_71 = arith.constant 2 : i32
      %dma_start3A_72 = arith.constant 256 : i32
      %dma_start3A_73 = arith.constant 0 : i32
      %dma_start3A_74 = tpu.memref_slice %arg6[%dma_start3A_72, %dma_start3A_73] : memref<2560x16xf32, #tpu.memory_space<vmem>> -> memref<128x16xf32, #tpu.memory_space<vmem>>
      %dma_start3A_75 = arith.constant 0 : i32
      %dma_start3A_76 = tpu.memref_slice %arg5[%dma_start3A_71, %dma_start3A_75] : memref<20x128xi32, #tpu.memory_space<vmem>> -> memref<1x128xi32, #tpu.memory_space<vmem>>
      %dma_start3A_77 = tpu.memref_squeeze %dma_start3A_76 : memref<1x128xi32, #tpu.memory_space<vmem>> -> memref<128xi32, #tpu.memory_space<vmem>>
      %dma_start3A_78 = arith.constant 0 : i32
      %dma_start3A_79 = arith.constant 0 : i32
      %dma_start3A_80 = tpu.memref_slice %arg2[%dma_start3A_78, %dma_start3A_79] : memref<10000x16xf32, #tpu.memory_space<hbm>> -> memref<10000x16xf32, #tpu.memory_space<hbm>>
      tpu.enqueue_indirect_dma source(%dma_start3A_80 : memref<10000x16xf32, #tpu.memory_space<hbm>>) target(%dma_start3A_74 : memref<128x16xf32, #tpu.memory_space<vmem>>) offsets(%dma_start3A_77 : memref<128xi32, #tpu.memory_space<vmem>>) semaphore(%arg7 : memref<!tpu.dma_semaphore, #tpu.memory_space<semaphore_mem>>)
      %dma_start3A_81 = arith.constant 3 : i32
      %dma_start3A_82 = arith.constant 384 : i32
      %dma_start3A_83 = arith.constant 0 : i32
      %dma_start3A_84 = tpu.memref_slice %arg6[%dma_start3A_82, %dma_start3A_83] : memref<2560x16xf32, #tpu.memory_space<vmem>> -> memref<128x16xf32, #tpu.memory_space<vmem>>
      %dma_start3A_85 = arith.constant 0 : i32
      %dma_start3A_86 = tpu.memref_slice %arg5[%dma_start3A_81, %dma_start3A_85] : memref<20x128xi32, #tpu.memory_space<vmem>> -> memref<1x128xi32, #tpu.memory_space<vmem>>
      %dma_start3A_87 = tpu.memref_squeeze %dma_start3A_86 : memref<1x128xi32, #tpu.memory_space<vmem>> -> memref<128xi32, #tpu.memory_space<vmem>>
      %dma_start3A_88 = arith.constant 0 : i32
      %dma_start3A_89 = arith.constant 0 : i32
      %dma_start3A_90 = tpu.memref_slice %arg2[%dma_start3A_88, %dma_start3A_89] : memref<10000x16xf32, #tpu.memory_space<hbm>> -> memref<10000x16xf32, #tpu.memory_space<hbm>>
      tpu.enqueue_indirect_dma source(%dma_start3A_90 : memref<10000x16xf32, #tpu.memory_space<hbm>>) target(%dma_start3A_84 : memref<128x16xf32, #tpu.memory_space<vmem>>) offsets(%dma_start3A_87 : memref<128xi32, #tpu.memory_space<vmem>>) semaphore(%arg7 : memref<!tpu.dma_semaphore, #tpu.memory_space<semaphore_mem>>)
      %dma_start3A_91 = arith.constant 4 : i32
      %dma_start3A_92 = arith.constant 512 : i32
      %dma_start3A_93 = arith.constant 0 : i32
      %dma_start3A_94 = tpu.memref_slice %arg6[%dma_start3A_92, %dma_start3A_93] : memref<2560x16xf32, #tpu.memory_space<vmem>> -> memref<128x16xf32, #tpu.memory_space<vmem>>
      %dma_start3A_95 = arith.constant 0 : i32
      %dma_start3A_96 = tpu.memref_slice %arg5[%dma_start3A_91, %dma_start3A_95] : memref<20x128xi32, #tpu.memory_space<vmem>> -> memref<1x128xi32, #tpu.memory_space<vmem>>
      %dma_start3A_97 = tpu.memref_squeeze %dma_start3A_96 : memref<1x128xi32, #tpu.memory_space<vmem>> -> memref<128xi32, #tpu.memory_space<vmem>>
      %dma_start3A_98 = arith.constant 0 : i32
      %dma_start3A_99 = arith.constant 0 : i32
      %dma_start3A_100 = tpu.memref_slice %arg2[%dma_start3A_98, %dma_start3A_99] : memref<10000x16xf32, #tpu.memory_space<hbm>> -> memref<10000x16xf32, #tpu.memory_space<hbm>>
      tpu.enqueue_indirect_dma source(%dma_start3A_100 : memref<10000x16xf32, #tpu.memory_space<hbm>>) target(%dma_start3A_94 : memref<128x16xf32, #tpu.memory_space<vmem>>) offsets(%dma_start3A_97 : memref<128xi32, #tpu.memory_space<vmem>>) semaphore(%arg7 : memref<!tpu.dma_semaphore, #tpu.memory_space<semaphore_mem>>)
    } else {
    }
    %while3A = arith.constant 0 : i32
    %while3A_25 = arith.constant 0 : i32
    %while3A_26 = arith.subi %select_n3A, %while3A : i32
    %while3A_27 = arith.addi %while3A, %while3A_26 : i32
    %while3A_28 = arith.constant 1 : i32
    %while3A_29 = arith.divsi %while3A_26, %while3A_28 : i32
    %while3A_30 = arith.muli %while3A_29, %while3A_28 : i32
    %while3A_31 = arith.addi %while3A, %while3A_30 : i32
    %while3A_32 = arith.constant 1 : i32
    %while3A_33 = scf.for %while3A_48 = %while3A to %while3A_31 step %while3A_32 iter_args(%while3A_49 = %while3A_25) -> (i32)  : i32 {
      %add3A_50 = arith.constant 1 : i32
      %add3A_51 = arith.addi %while3A_48, %add3A_50 : i32
      %lt3A = arith.cmpi slt, %add3A_51, %select_n3A : i32
      %convert_element_type3A_52 = arith.extui %lt3A : i1 to i32
      %cond3A_53 = arith.constant 0 : i32
      %cond3A_54 = arith.cmpi ne, %convert_element_type3A_52, %cond3A_53 : i32
      scf.if %cond3A_54 {
        %add3A_121 = arith.constant 1 : i32
        %add3A_122 = arith.addi %while3A_48, %add3A_121 : i32
        %add3A_123 = arith.constant 0 : i32
        %add3A_124 = arith.addi %add3A_123, %mul3A_2 : i32
        %mul3A_125 = arith.constant 5 : i32
        %mul3A_126 = arith.muli %add3A_122, %mul3A_125 : i32
        %add3A_127 = arith.addi %add3A_124, %mul3A_126 : i32
        %mul3A_128 = arith.constant 5 : i32
        %mul3A_129 = arith.muli %add3A_122, %mul3A_128 : i32
        "tpu.region"() ({
          %run_scoped3A = tpu.sem_alloc : memref<!tpu.dma_semaphore, #tpu.memory_space<semaphore_mem>>
          %dma_start3A_200 = arith.constant 0 : i32
          %dma_start3A_201 = tpu.memref_slice %arg5[%mul3A_129, %dma_start3A_200] : memref<20x128xi32, #tpu.memory_space<vmem>> -> memref<5x128xi32, #tpu.memory_space<vmem>>
          %dma_start3A_202 = arith.constant 0 : i32
          %dma_start3A_203 = tpu.memref_slice %arg3[%add3A_127, %dma_start3A_202] : memref<1250x128xi32, #tpu.memory_space<hbm>> -> memref<5x128xi32, #tpu.memory_space<hbm>>
          %dma_start3A_204 = arith.constant 0 : i32
          %dma_start3A_205 = tpu.memref_slice %arg5[%mul3A_129, %dma_start3A_204] : memref<20x128xi32, #tpu.memory_space<vmem>> -> memref<5x128xi32, #tpu.memory_space<vmem>>
          %dma_start3A_206 = arith.constant 0 : i32
          %dma_start3A_207 = tpu.memref_slice %arg3[%add3A_127, %dma_start3A_206] : memref<1250x128xi32, #tpu.memory_space<hbm>> -> memref<5x128xi32, #tpu.memory_space<hbm>>
          tpu.enqueue_dma source(%dma_start3A_207 : memref<5x128xi32, #tpu.memory_space<hbm>>) target(%dma_start3A_205 : memref<5x128xi32, #tpu.memory_space<vmem>>) target_semaphore(%run_scoped3A : memref<!tpu.dma_semaphore, #tpu.memory_space<semaphore_mem>>)
          %dma_wait3A_208 = arith.constant 0 : i32
          %dma_wait3A_209 = tpu.memref_slice %arg5[%mul3A_129, %dma_wait3A_208] : memref<20x128xi32, #tpu.memory_space<vmem>> -> memref<5x128xi32, #tpu.memory_space<vmem>>
          %dma_wait3A_210 = arith.constant 0 : i32
          %dma_wait3A_211 = tpu.memref_slice %arg3[%add3A_127, %dma_wait3A_210] : memref<1250x128xi32, #tpu.memory_space<hbm>> -> memref<5x128xi32, #tpu.memory_space<hbm>>
          %dma_wait3A_212 = arith.constant 0 : i32
          %dma_wait3A_213 = tpu.memref_slice %arg5[%mul3A_129, %dma_wait3A_212] : memref<20x128xi32, #tpu.memory_space<vmem>> -> memref<5x128xi32, #tpu.memory_space<vmem>>
          %dma_wait3A_214 = arith.constant 0 : i32
          %dma_wait3A_215 = tpu.memref_slice %arg3[%add3A_127, %dma_wait3A_214] : memref<1250x128xi32, #tpu.memory_space<hbm>> -> memref<5x128xi32, #tpu.memory_space<hbm>>
          tpu.wait_dma2 semaphore(%run_scoped3A : memref<!tpu.dma_semaphore, #tpu.memory_space<semaphore_mem>>) src(%dma_wait3A_215 : memref<5x128xi32, #tpu.memory_space<hbm>>) dst(%dma_wait3A_213 : memref<5x128xi32, #tpu.memory_space<vmem>>)
          tpu.yield
        }) : () -> ()
        %mul3A_130 = arith.constant 5 : i32
        %mul3A_131 = arith.muli %add3A_122, %mul3A_130 : i32
        %add3A_132 = arith.constant 0 : i32
        %add3A_133 = arith.addi %mul3A_131, %add3A_132 : i32
        %mul3A_134 = arith.constant 128 : i32
        %mul3A_135 = arith.muli %add3A_133, %mul3A_134 : i32
        %dma_start3A_136 = arith.constant 0 : i32
        %dma_start3A_137 = tpu.memref_slice %arg6[%mul3A_135, %dma_start3A_136] : memref<2560x16xf32, #tpu.memory_space<vmem>> -> memref<128x16xf32, #tpu.memory_space<vmem>>
        %dma_start3A_138 = arith.constant 0 : i32
        %dma_start3A_139 = tpu.memref_slice %arg5[%add3A_133, %dma_start3A_138] : memref<20x128xi32, #tpu.memory_space<vmem>> -> memref<1x128xi32, #tpu.memory_space<vmem>>
        %dma_start3A_140 = tpu.memref_squeeze %dma_start3A_139 : memref<1x128xi32, #tpu.memory_space<vmem>> -> memref<128xi32, #tpu.memory_space<vmem>>
        %dma_start3A_141 = arith.constant 0 : i32
        %dma_start3A_142 = arith.constant 0 : i32
        %dma_start3A_143 = tpu.memref_slice %arg2[%dma_start3A_141, %dma_start3A_142] : memref<10000x16xf32, #tpu.memory_space<hbm>> -> memref<10000x16xf32, #tpu.memory_space<hbm>>
        tpu.enqueue_indirect_dma source(%dma_start3A_143 : memref<10000x16xf32, #tpu.memory_space<hbm>>) target(%dma_start3A_137 : memref<128x16xf32, #tpu.memory_space<vmem>>) offsets(%dma_start3A_140 : memref<128xi32, #tpu.memory_space<vmem>>) semaphore(%arg7 : memref<!tpu.dma_semaphore, #tpu.memory_space<semaphore_mem>>)
        %mul3A_144 = arith.constant 5 : i32
        %mul3A_145 = arith.muli %add3A_122, %mul3A_144 : i32
        %add3A_146 = arith.constant 1 : i32
        %add3A_147 = arith.addi %mul3A_145, %add3A_146 : i32
        %mul3A_148 = arith.constant 128 : i32
        %mul3A_149 = arith.muli %add3A_147, %mul3A_148 : i32
        %dma_start3A_150 = arith.constant 0 : i32
        %dma_start3A_151 = tpu.memref_slice %arg6[%mul3A_149, %dma_start3A_150] : memref<2560x16xf32, #tpu.memory_space<vmem>> -> memref<128x16xf32, #tpu.memory_space<vmem>>
        %dma_start3A_152 = arith.constant 0 : i32
        %dma_start3A_153 = tpu.memref_slice %arg5[%add3A_147, %dma_start3A_152] : memref<20x128xi32, #tpu.memory_space<vmem>> -> memref<1x128xi32, #tpu.memory_space<vmem>>
        %dma_start3A_154 = tpu.memref_squeeze %dma_start3A_153 : memref<1x128xi32, #tpu.memory_space<vmem>> -> memref<128xi32, #tpu.memory_space<vmem>>
        %dma_start3A_155 = arith.constant 0 : i32
        %dma_start3A_156 = arith.constant 0 : i32
        %dma_start3A_157 = tpu.memref_slice %arg2[%dma_start3A_155, %dma_start3A_156] : memref<10000x16xf32, #tpu.memory_space<hbm>> -> memref<10000x16xf32, #tpu.memory_space<hbm>>
        tpu.enqueue_indirect_dma source(%dma_start3A_157 : memref<10000x16xf32, #tpu.memory_space<hbm>>) target(%dma_start3A_151 : memref<128x16xf32, #tpu.memory_space<vmem>>) offsets(%dma_start3A_154 : memref<128xi32, #tpu.memory_space<vmem>>) semaphore(%arg7 : memref<!tpu.dma_semaphore, #tpu.memory_space<semaphore_mem>>)
        %mul3A_158 = arith.constant 5 : i32
        %mul3A_159 = arith.muli %add3A_122, %mul3A_158 : i32
        %add3A_160 = arith.constant 2 : i32
        %add3A_161 = arith.addi %mul3A_159, %add3A_160 : i32
        %mul3A_162 = arith.constant 128 : i32
        %mul3A_163 = arith.muli %add3A_161, %mul3A_162 : i32
        %dma_start3A_164 = arith.constant 0 : i32
        %dma_start3A_165 = tpu.memref_slice %arg6[%mul3A_163, %dma_start3A_164] : memref<2560x16xf32, #tpu.memory_space<vmem>> -> memref<128x16xf32, #tpu.memory_space<vmem>>
        %dma_start3A_166 = arith.constant 0 : i32
        %dma_start3A_167 = tpu.memref_slice %arg5[%add3A_161, %dma_start3A_166] : memref<20x128xi32, #tpu.memory_space<vmem>> -> memref<1x128xi32, #tpu.memory_space<vmem>>
        %dma_start3A_168 = tpu.memref_squeeze %dma_start3A_167 : memref<1x128xi32, #tpu.memory_space<vmem>> -> memref<128xi32, #tpu.memory_space<vmem>>
        %dma_start3A_169 = arith.constant 0 : i32
        %dma_start3A_170 = arith.constant 0 : i32
        %dma_start3A_171 = tpu.memref_slice %arg2[%dma_start3A_169, %dma_start3A_170] : memref<10000x16xf32, #tpu.memory_space<hbm>> -> memref<10000x16xf32, #tpu.memory_space<hbm>>
        tpu.enqueue_indirect_dma source(%dma_start3A_171 : memref<10000x16xf32, #tpu.memory_space<hbm>>) target(%dma_start3A_165 : memref<128x16xf32, #tpu.memory_space<vmem>>) offsets(%dma_start3A_168 : memref<128xi32, #tpu.memory_space<vmem>>) semaphore(%arg7 : memref<!tpu.dma_semaphore, #tpu.memory_space<semaphore_mem>>)
        %mul3A_172 = arith.constant 5 : i32
        %mul3A_173 = arith.muli %add3A_122, %mul3A_172 : i32
        %add3A_174 = arith.constant 3 : i32
        %add3A_175 = arith.addi %mul3A_173, %add3A_174 : i32
        %mul3A_176 = arith.constant 128 : i32
        %mul3A_177 = arith.muli %add3A_175, %mul3A_176 : i32
        %dma_start3A_178 = arith.constant 0 : i32
        %dma_start3A_179 = tpu.memref_slice %arg6[%mul3A_177, %dma_start3A_178] : memref<2560x16xf32, #tpu.memory_space<vmem>> -> memref<128x16xf32, #tpu.memory_space<vmem>>
        %dma_start3A_180 = arith.constant 0 : i32
        %dma_start3A_181 = tpu.memref_slice %arg5[%add3A_175, %dma_start3A_180] : memref<20x128xi32, #tpu.memory_space<vmem>> -> memref<1x128xi32, #tpu.memory_space<vmem>>
        %dma_start3A_182 = tpu.memref_squeeze %dma_start3A_181 : memref<1x128xi32, #tpu.memory_space<vmem>> -> memref<128xi32, #tpu.memory_space<vmem>>
        %dma_start3A_183 = arith.constant 0 : i32
        %dma_start3A_184 = arith.constant 0 : i32
        %dma_start3A_185 = tpu.memref_slice %arg2[%dma_start3A_183, %dma_start3A_184] : memref<10000x16xf32, #tpu.memory_space<hbm>> -> memref<10000x16xf32, #tpu.memory_space<hbm>>
        tpu.enqueue_indirect_dma source(%dma_start3A_185 : memref<10000x16xf32, #tpu.memory_space<hbm>>) target(%dma_start3A_179 : memref<128x16xf32, #tpu.memory_space<vmem>>) offsets(%dma_start3A_182 : memref<128xi32, #tpu.memory_space<vmem>>) semaphore(%arg7 : memref<!tpu.dma_semaphore, #tpu.memory_space<semaphore_mem>>)
        %mul3A_186 = arith.constant 5 : i32
        %mul3A_187 = arith.muli %add3A_122, %mul3A_186 : i32
        %add3A_188 = arith.constant 4 : i32
        %add3A_189 = arith.addi %mul3A_187, %add3A_188 : i32
        %mul3A_190 = arith.constant 128 : i32
        %mul3A_191 = arith.muli %add3A_189, %mul3A_190 : i32
        %dma_start3A_192 = arith.constant 0 : i32
        %dma_start3A_193 = tpu.memref_slice %arg6[%mul3A_191, %dma_start3A_192] : memref<2560x16xf32, #tpu.memory_space<vmem>> -> memref<128x16xf32, #tpu.memory_space<vmem>>
        %dma_start3A_194 = arith.constant 0 : i32
        %dma_start3A_195 = tpu.memref_slice %arg5[%add3A_189, %dma_start3A_194] : memref<20x128xi32, #tpu.memory_space<vmem>> -> memref<1x128xi32, #tpu.memory_space<vmem>>
        %dma_start3A_196 = tpu.memref_squeeze %dma_start3A_195 : memref<1x128xi32, #tpu.memory_space<vmem>> -> memref<128xi32, #tpu.memory_space<vmem>>
        %dma_start3A_197 = arith.constant 0 : i32
        %dma_start3A_198 = arith.constant 0 : i32
        %dma_start3A_199 = tpu.memref_slice %arg2[%dma_start3A_197, %dma_start3A_198] : memref<10000x16xf32, #tpu.memory_space<hbm>> -> memref<10000x16xf32, #tpu.memory_space<hbm>>
        tpu.enqueue_indirect_dma source(%dma_start3A_199 : memref<10000x16xf32, #tpu.memory_space<hbm>>) target(%dma_start3A_193 : memref<128x16xf32, #tpu.memory_space<vmem>>) offsets(%dma_start3A_196 : memref<128xi32, #tpu.memory_space<vmem>>) semaphore(%arg7 : memref<!tpu.dma_semaphore, #tpu.memory_space<semaphore_mem>>)
      } else {
      }
      %dma_wait3A = arith.constant 0 : i32
      %dma_wait3A_55 = arith.constant 0 : i32
      %dma_wait3A_56 = arith.constant 0 : i32
      %dma_wait3A_57 = tpu.memref_slice %arg6[%dma_wait3A_55, %dma_wait3A_56] : memref<2560x16xf32, #tpu.memory_space<vmem>> -> memref<128x16xf32, #tpu.memory_space<vmem>>
      %dma_wait3A_58 = arith.constant 0 : i32
      %dma_wait3A_59 = tpu.memref_slice %arg5[%dma_wait3A, %dma_wait3A_58] : memref<20x128xi32, #tpu.memory_space<vmem>> -> memref<1x128xi32, #tpu.memory_space<vmem>>
      %dma_wait3A_60 = tpu.memref_squeeze %dma_wait3A_59 : memref<1x128xi32, #tpu.memory_space<vmem>> -> memref<128xi32, #tpu.memory_space<vmem>>
      %dma_wait3A_61 = arith.constant 0 : i32
      %dma_wait3A_62 = arith.constant 0 : i32
      %dma_wait3A_63 = tpu.memref_slice %arg2[%dma_wait3A_61, %dma_wait3A_62] : memref<10000x16xf32, #tpu.memory_space<hbm>> -> memref<10000x16xf32, #tpu.memory_space<hbm>>
      tpu.wait_indirect_dma semaphore(%arg7 : memref<!tpu.dma_semaphore, #tpu.memory_space<semaphore_mem>>) src(%dma_wait3A_63 : memref<10000x16xf32, #tpu.memory_space<hbm>>) dst(%dma_wait3A_57 : memref<128x16xf32, #tpu.memory_space<vmem>>)
      %dma_wait3A_64 = arith.constant 0 : i32
      %dma_wait3A_65 = arith.constant 0 : i32
      %dma_wait3A_66 = arith.constant 0 : i32
      %dma_wait3A_67 = tpu.memref_slice %arg6[%dma_wait3A_65, %dma_wait3A_66] : memref<2560x16xf32, #tpu.memory_space<vmem>> -> memref<128x16xf32, #tpu.memory_space<vmem>>
      %dma_wait3A_68 = arith.constant 0 : i32
      %dma_wait3A_69 = tpu.memref_slice %arg5[%dma_wait3A_64, %dma_wait3A_68] : memref<20x128xi32, #tpu.memory_space<vmem>> -> memref<1x128xi32, #tpu.memory_space<vmem>>
      %dma_wait3A_70 = tpu.memref_squeeze %dma_wait3A_69 : memref<1x128xi32, #tpu.memory_space<vmem>> -> memref<128xi32, #tpu.memory_space<vmem>>
      %dma_wait3A_71 = arith.constant 0 : i32
      %dma_wait3A_72 = arith.constant 0 : i32
      %dma_wait3A_73 = tpu.memref_slice %arg2[%dma_wait3A_71, %dma_wait3A_72] : memref<10000x16xf32, #tpu.memory_space<hbm>> -> memref<10000x16xf32, #tpu.memory_space<hbm>>
      tpu.wait_indirect_dma semaphore(%arg7 : memref<!tpu.dma_semaphore, #tpu.memory_space<semaphore_mem>>) src(%dma_wait3A_73 : memref<10000x16xf32, #tpu.memory_space<hbm>>) dst(%dma_wait3A_67 : memref<128x16xf32, #tpu.memory_space<vmem>>)
      %dma_wait3A_74 = arith.constant 0 : i32
      %dma_wait3A_75 = arith.constant 0 : i32
      %dma_wait3A_76 = arith.constant 0 : i32
      %dma_wait3A_77 = tpu.memref_slice %arg6[%dma_wait3A_75, %dma_wait3A_76] : memref<2560x16xf32, #tpu.memory_space<vmem>> -> memref<128x16xf32, #tpu.memory_space<vmem>>
      %dma_wait3A_78 = arith.constant 0 : i32
      %dma_wait3A_79 = tpu.memref_slice %arg5[%dma_wait3A_74, %dma_wait3A_78] : memref<20x128xi32, #tpu.memory_space<vmem>> -> memref<1x128xi32, #tpu.memory_space<vmem>>
      %dma_wait3A_80 = tpu.memref_squeeze %dma_wait3A_79 : memref<1x128xi32, #tpu.memory_space<vmem>> -> memref<128xi32, #tpu.memory_space<vmem>>
      %dma_wait3A_81 = arith.constant 0 : i32
      %dma_wait3A_82 = arith.constant 0 : i32
      %dma_wait3A_83 = tpu.memref_slice %arg2[%dma_wait3A_81, %dma_wait3A_82] : memref<10000x16xf32, #tpu.memory_space<hbm>> -> memref<10000x16xf32, #tpu.memory_space<hbm>>
      tpu.wait_indirect_dma semaphore(%arg7 : memref<!tpu.dma_semaphore, #tpu.memory_space<semaphore_mem>>) src(%dma_wait3A_83 : memref<10000x16xf32, #tpu.memory_space<hbm>>) dst(%dma_wait3A_77 : memref<128x16xf32, #tpu.memory_space<vmem>>)
      %dma_wait3A_84 = arith.constant 0 : i32
      %dma_wait3A_85 = arith.constant 0 : i32
      %dma_wait3A_86 = arith.constant 0 : i32
      %dma_wait3A_87 = tpu.memref_slice %arg6[%dma_wait3A_85, %dma_wait3A_86] : memref<2560x16xf32, #tpu.memory_space<vmem>> -> memref<128x16xf32, #tpu.memory_space<vmem>>
      %dma_wait3A_88 = arith.constant 0 : i32
      %dma_wait3A_89 = tpu.memref_slice %arg5[%dma_wait3A_84, %dma_wait3A_88] : memref<20x128xi32, #tpu.memory_space<vmem>> -> memref<1x128xi32, #tpu.memory_space<vmem>>
      %dma_wait3A_90 = tpu.memref_squeeze %dma_wait3A_89 : memref<1x128xi32, #tpu.memory_space<vmem>> -> memref<128xi32, #tpu.memory_space<vmem>>
      %dma_wait3A_91 = arith.constant 0 : i32
      %dma_wait3A_92 = arith.constant 0 : i32
      %dma_wait3A_93 = tpu.memref_slice %arg2[%dma_wait3A_91, %dma_wait3A_92] : memref<10000x16xf32, #tpu.memory_space<hbm>> -> memref<10000x16xf32, #tpu.memory_space<hbm>>
      tpu.wait_indirect_dma semaphore(%arg7 : memref<!tpu.dma_semaphore, #tpu.memory_space<semaphore_mem>>) src(%dma_wait3A_93 : memref<10000x16xf32, #tpu.memory_space<hbm>>) dst(%dma_wait3A_87 : memref<128x16xf32, #tpu.memory_space<vmem>>)
      %dma_wait3A_94 = arith.constant 0 : i32
      %dma_wait3A_95 = arith.constant 0 : i32
      %dma_wait3A_96 = arith.constant 0 : i32
      %dma_wait3A_97 = tpu.memref_slice %arg6[%dma_wait3A_95, %dma_wait3A_96] : memref<2560x16xf32, #tpu.memory_space<vmem>> -> memref<128x16xf32, #tpu.memory_space<vmem>>
      %dma_wait3A_98 = arith.constant 0 : i32
      %dma_wait3A_99 = tpu.memref_slice %arg5[%dma_wait3A_94, %dma_wait3A_98] : memref<20x128xi32, #tpu.memory_space<vmem>> -> memref<1x128xi32, #tpu.memory_space<vmem>>
      %dma_wait3A_100 = tpu.memref_squeeze %dma_wait3A_99 : memref<1x128xi32, #tpu.memory_space<vmem>> -> memref<128xi32, #tpu.memory_space<vmem>>
      %dma_wait3A_101 = arith.constant 0 : i32
      %dma_wait3A_102 = arith.constant 0 : i32
      %dma_wait3A_103 = tpu.memref_slice %arg2[%dma_wait3A_101, %dma_wait3A_102] : memref<10000x16xf32, #tpu.memory_space<hbm>> -> memref<10000x16xf32, #tpu.memory_space<hbm>>
      tpu.wait_indirect_dma semaphore(%arg7 : memref<!tpu.dma_semaphore, #tpu.memory_space<semaphore_mem>>) src(%dma_wait3A_103 : memref<10000x16xf32, #tpu.memory_space<hbm>>) dst(%dma_wait3A_97 : memref<128x16xf32, #tpu.memory_space<vmem>>)
      %mul3A_104 = arith.constant 5 : i32
      %mul3A_105 = arith.muli %while3A_48, %mul3A_104 : i32
      %mul3A_106 = arith.constant 128 : i32
      %mul3A_107 = arith.muli %mul3A_105, %mul3A_106 : i32
      %mul3A_108 = arith.constant 5 : i32
      %mul3A_109 = arith.muli %while3A_48, %mul3A_108 : i32
      %add3A_110 = arith.addi %mul3A_2, %mul3A_109 : i32
      %mul3A_111 = arith.constant 128 : i32
      %mul3A_112 = arith.muli %add3A_110, %mul3A_111 : i32
      %dma_start3A = arith.constant 0 : i32
      %dma_start3A_113 = tpu.memref_slice %arg6[%mul3A_107, %dma_start3A] : memref<2560x16xf32, #tpu.memory_space<vmem>> -> memref<640x16xf32, #tpu.memory_space<vmem>>
      %dma_start3A_114 = arith.constant 0 : i32
      %dma_start3A_115 = tpu.memref_slice %arg4[%mul3A_112, %dma_start3A_114] : memref<80000x16xf32, #tpu.memory_space<hbm>> -> memref<640x16xf32, #tpu.memory_space<hbm>>
      %dma_start3A_116 = arith.constant 0 : i32
      %dma_start3A_117 = tpu.memref_slice %arg4[%mul3A_112, %dma_start3A_116] : memref<80000x16xf32, #tpu.memory_space<hbm>> -> memref<640x16xf32, #tpu.memory_space<hbm>>
      %dma_start3A_118 = arith.constant 0 : i32
      %dma_start3A_119 = tpu.memref_slice %arg6[%mul3A_107, %dma_start3A_118] : memref<2560x16xf32, #tpu.memory_space<vmem>> -> memref<640x16xf32, #tpu.memory_space<vmem>>
      tpu.enqueue_dma source(%dma_start3A_119 : memref<640x16xf32, #tpu.memory_space<vmem>>) target(%dma_start3A_117 : memref<640x16xf32, #tpu.memory_space<hbm>>) target_semaphore(%arg8 : memref<!tpu.dma_semaphore, #tpu.memory_space<semaphore_mem>>)
      %while3A_120 = arith.constant 0 : i32
      scf.yield %while3A_120 : i32
    }
    %while3A_34 = arith.constant 1 : i32
    %while3A_35 = scf.for %while3A_48 = %while3A_31 to %while3A_27 step %while3A_34 iter_args(%while3A_49 = %while3A_33) -> (i32)  : i32 {
      %add3A_50 = arith.constant 1 : i32
      %add3A_51 = arith.addi %while3A_48, %add3A_50 : i32
      %lt3A = arith.cmpi slt, %add3A_51, %select_n3A : i32
      %convert_element_type3A_52 = arith.extui %lt3A : i1 to i32
      %cond3A_53 = arith.constant 0 : i32
      %cond3A_54 = arith.cmpi ne, %convert_element_type3A_52, %cond3A_53 : i32
      scf.if %cond3A_54 {
        %add3A_121 = arith.constant 1 : i32
        %add3A_122 = arith.addi %while3A_48, %add3A_121 : i32
        %add3A_123 = arith.constant 0 : i32
        %add3A_124 = arith.addi %add3A_123, %mul3A_2 : i32
        %mul3A_125 = arith.constant 5 : i32
        %mul3A_126 = arith.muli %add3A_122, %mul3A_125 : i32
        %add3A_127 = arith.addi %add3A_124, %mul3A_126 : i32
        %mul3A_128 = arith.constant 5 : i32
        %mul3A_129 = arith.muli %add3A_122, %mul3A_128 : i32
        "tpu.region"() ({
          %run_scoped3A = tpu.sem_alloc : memref<!tpu.dma_semaphore, #tpu.memory_space<semaphore_mem>>
          %dma_start3A_200 = arith.constant 0 : i32
          %dma_start3A_201 = tpu.memref_slice %arg5[%mul3A_129, %dma_start3A_200] : memref<20x128xi32, #tpu.memory_space<vmem>> -> memref<5x128xi32, #tpu.memory_space<vmem>>
          %dma_start3A_202 = arith.constant 0 : i32
          %dma_start3A_203 = tpu.memref_slice %arg3[%add3A_127, %dma_start3A_202] : memref<1250x128xi32, #tpu.memory_space<hbm>> -> memref<5x128xi32, #tpu.memory_space<hbm>>
          %dma_start3A_204 = arith.constant 0 : i32
          %dma_start3A_205 = tpu.memref_slice %arg5[%mul3A_129, %dma_start3A_204] : memref<20x128xi32, #tpu.memory_space<vmem>> -> memref<5x128xi32, #tpu.memory_space<vmem>>
          %dma_start3A_206 = arith.constant 0 : i32
          %dma_start3A_207 = tpu.memref_slice %arg3[%add3A_127, %dma_start3A_206] : memref<1250x128xi32, #tpu.memory_space<hbm>> -> memref<5x128xi32, #tpu.memory_space<hbm>>
          tpu.enqueue_dma source(%dma_start3A_207 : memref<5x128xi32, #tpu.memory_space<hbm>>) target(%dma_start3A_205 : memref<5x128xi32, #tpu.memory_space<vmem>>) target_semaphore(%run_scoped3A : memref<!tpu.dma_semaphore, #tpu.memory_space<semaphore_mem>>)
          %dma_wait3A_208 = arith.constant 0 : i32
          %dma_wait3A_209 = tpu.memref_slice %arg5[%mul3A_129, %dma_wait3A_208] : memref<20x128xi32, #tpu.memory_space<vmem>> -> memref<5x128xi32, #tpu.memory_space<vmem>>
          %dma_wait3A_210 = arith.constant 0 : i32
          %dma_wait3A_211 = tpu.memref_slice %arg3[%add3A_127, %dma_wait3A_210] : memref<1250x128xi32, #tpu.memory_space<hbm>> -> memref<5x128xi32, #tpu.memory_space<hbm>>
          %dma_wait3A_212 = arith.constant 0 : i32
          %dma_wait3A_213 = tpu.memref_slice %arg5[%mul3A_129, %dma_wait3A_212] : memref<20x128xi32, #tpu.memory_space<vmem>> -> memref<5x128xi32, #tpu.memory_space<vmem>>
          %dma_wait3A_214 = arith.constant 0 : i32
          %dma_wait3A_215 = tpu.memref_slice %arg3[%add3A_127, %dma_wait3A_214] : memref<1250x128xi32, #tpu.memory_space<hbm>> -> memref<5x128xi32, #tpu.memory_space<hbm>>
          tpu.wait_dma2 semaphore(%run_scoped3A : memref<!tpu.dma_semaphore, #tpu.memory_space<semaphore_mem>>) src(%dma_wait3A_215 : memref<5x128xi32, #tpu.memory_space<hbm>>) dst(%dma_wait3A_213 : memref<5x128xi32, #tpu.memory_space<vmem>>)
          tpu.yield
        }) : () -> ()
        %mul3A_130 = arith.constant 5 : i32
        %mul3A_131 = arith.muli %add3A_122, %mul3A_130 : i32
        %add3A_132 = arith.constant 0 : i32
        %add3A_133 = arith.addi %mul3A_131, %add3A_132 : i32
        %mul3A_134 = arith.constant 128 : i32
        %mul3A_135 = arith.muli %add3A_133, %mul3A_134 : i32
        %dma_start3A_136 = arith.constant 0 : i32
        %dma_start3A_137 = tpu.memref_slice %arg6[%mul3A_135, %dma_start3A_136] : memref<2560x16xf32, #tpu.memory_space<vmem>> -> memref<128x16xf32, #tpu.memory_space<vmem>>
        %dma_start3A_138 = arith.constant 0 : i32
        %dma_start3A_139 = tpu.memref_slice %arg5[%add3A_133, %dma_start3A_138] : memref<20x128xi32, #tpu.memory_space<vmem>> -> memref<1x128xi32, #tpu.memory_space<vmem>>
        %dma_start3A_140 = tpu.memref_squeeze %dma_start3A_139 : memref<1x128xi32, #tpu.memory_space<vmem>> -> memref<128xi32, #tpu.memory_space<vmem>>
        %dma_start3A_141 = arith.constant 0 : i32
        %dma_start3A_142 = arith.constant 0 : i32
        %dma_start3A_143 = tpu.memref_slice %arg2[%dma_start3A_141, %dma_start3A_142] : memref<10000x16xf32, #tpu.memory_space<hbm>> -> memref<10000x16xf32, #tpu.memory_space<hbm>>
        tpu.enqueue_indirect_dma source(%dma_start3A_143 : memref<10000x16xf32, #tpu.memory_space<hbm>>) target(%dma_start3A_137 : memref<128x16xf32, #tpu.memory_space<vmem>>) offsets(%dma_start3A_140 : memref<128xi32, #tpu.memory_space<vmem>>) semaphore(%arg7 : memref<!tpu.dma_semaphore, #tpu.memory_space<semaphore_mem>>)
        %mul3A_144 = arith.constant 5 : i32
        %mul3A_145 = arith.muli %add3A_122, %mul3A_144 : i32
        %add3A_146 = arith.constant 1 : i32
        %add3A_147 = arith.addi %mul3A_145, %add3A_146 : i32
        %mul3A_148 = arith.constant 128 : i32
        %mul3A_149 = arith.muli %add3A_147, %mul3A_148 : i32
        %dma_start3A_150 = arith.constant 0 : i32
        %dma_start3A_151 = tpu.memref_slice %arg6[%mul3A_149, %dma_start3A_150] : memref<2560x16xf32, #tpu.memory_space<vmem>> -> memref<128x16xf32, #tpu.memory_space<vmem>>
        %dma_start3A_152 = arith.constant 0 : i32
        %dma_start3A_153 = tpu.memref_slice %arg5[%add3A_147, %dma_start3A_152] : memref<20x128xi32, #tpu.memory_space<vmem>> -> memref<1x128xi32, #tpu.memory_space<vmem>>
        %dma_start3A_154 = tpu.memref_squeeze %dma_start3A_153 : memref<1x128xi32, #tpu.memory_space<vmem>> -> memref<128xi32, #tpu.memory_space<vmem>>
        %dma_start3A_155 = arith.constant 0 : i32
        %dma_start3A_156 = arith.constant 0 : i32
        %dma_start3A_157 = tpu.memref_slice %arg2[%dma_start3A_155, %dma_start3A_156] : memref<10000x16xf32, #tpu.memory_space<hbm>> -> memref<10000x16xf32, #tpu.memory_space<hbm>>
        tpu.enqueue_indirect_dma source(%dma_start3A_157 : memref<10000x16xf32, #tpu.memory_space<hbm>>) target(%dma_start3A_151 : memref<128x16xf32, #tpu.memory_space<vmem>>) offsets(%dma_start3A_154 : memref<128xi32, #tpu.memory_space<vmem>>) semaphore(%arg7 : memref<!tpu.dma_semaphore, #tpu.memory_space<semaphore_mem>>)
        %mul3A_158 = arith.constant 5 : i32
        %mul3A_159 = arith.muli %add3A_122, %mul3A_158 : i32
        %add3A_160 = arith.constant 2 : i32
        %add3A_161 = arith.addi %mul3A_159, %add3A_160 : i32
        %mul3A_162 = arith.constant 128 : i32
        %mul3A_163 = arith.muli %add3A_161, %mul3A_162 : i32
        %dma_start3A_164 = arith.constant 0 : i32
        %dma_start3A_165 = tpu.memref_slice %arg6[%mul3A_163, %dma_start3A_164] : memref<2560x16xf32, #tpu.memory_space<vmem>> -> memref<128x16xf32, #tpu.memory_space<vmem>>
        %dma_start3A_166 = arith.constant 0 : i32
        %dma_start3A_167 = tpu.memref_slice %arg5[%add3A_161, %dma_start3A_166] : memref<20x128xi32, #tpu.memory_space<vmem>> -> memref<1x128xi32, #tpu.memory_space<vmem>>
        %dma_start3A_168 = tpu.memref_squeeze %dma_start3A_167 : memref<1x128xi32, #tpu.memory_space<vmem>> -> memref<128xi32, #tpu.memory_space<vmem>>
        %dma_start3A_169 = arith.constant 0 : i32
        %dma_start3A_170 = arith.constant 0 : i32
        %dma_start3A_171 = tpu.memref_slice %arg2[%dma_start3A_169, %dma_start3A_170] : memref<10000x16xf32, #tpu.memory_space<hbm>> -> memref<10000x16xf32, #tpu.memory_space<hbm>>
        tpu.enqueue_indirect_dma source(%dma_start3A_171 : memref<10000x16xf32, #tpu.memory_space<hbm>>) target(%dma_start3A_165 : memref<128x16xf32, #tpu.memory_space<vmem>>) offsets(%dma_start3A_168 : memref<128xi32, #tpu.memory_space<vmem>>) semaphore(%arg7 : memref<!tpu.dma_semaphore, #tpu.memory_space<semaphore_mem>>)
        %mul3A_172 = arith.constant 5 : i32
        %mul3A_173 = arith.muli %add3A_122, %mul3A_172 : i32
        %add3A_174 = arith.constant 3 : i32
        %add3A_175 = arith.addi %mul3A_173, %add3A_174 : i32
        %mul3A_176 = arith.constant 128 : i32
        %mul3A_177 = arith.muli %add3A_175, %mul3A_176 : i32
        %dma_start3A_178 = arith.constant 0 : i32
        %dma_start3A_179 = tpu.memref_slice %arg6[%mul3A_177, %dma_start3A_178] : memref<2560x16xf32, #tpu.memory_space<vmem>> -> memref<128x16xf32, #tpu.memory_space<vmem>>
        %dma_start3A_180 = arith.constant 0 : i32
        %dma_start3A_181 = tpu.memref_slice %arg5[%add3A_175, %dma_start3A_180] : memref<20x128xi32, #tpu.memory_space<vmem>> -> memref<1x128xi32, #tpu.memory_space<vmem>>
        %dma_start3A_182 = tpu.memref_squeeze %dma_start3A_181 : memref<1x128xi32, #tpu.memory_space<vmem>> -> memref<128xi32, #tpu.memory_space<vmem>>
        %dma_start3A_183 = arith.constant 0 : i32
        %dma_start3A_184 = arith.constant 0 : i32
        %dma_start3A_185 = tpu.memref_slice %arg2[%dma_start3A_183, %dma_start3A_184] : memref<10000x16xf32, #tpu.memory_space<hbm>> -> memref<10000x16xf32, #tpu.memory_space<hbm>>
        tpu.enqueue_indirect_dma source(%dma_start3A_185 : memref<10000x16xf32, #tpu.memory_space<hbm>>) target(%dma_start3A_179 : memref<128x16xf32, #tpu.memory_space<vmem>>) offsets(%dma_start3A_182 : memref<128xi32, #tpu.memory_space<vmem>>) semaphore(%arg7 : memref<!tpu.dma_semaphore, #tpu.memory_space<semaphore_mem>>)
        %mul3A_186 = arith.constant 5 : i32
        %mul3A_187 = arith.muli %add3A_122, %mul3A_186 : i32
        %add3A_188 = arith.constant 4 : i32
        %add3A_189 = arith.addi %mul3A_187, %add3A_188 : i32
        %mul3A_190 = arith.constant 128 : i32
        %mul3A_191 = arith.muli %add3A_189, %mul3A_190 : i32
        %dma_start3A_192 = arith.constant 0 : i32
        %dma_start3A_193 = tpu.memref_slice %arg6[%mul3A_191, %dma_start3A_192] : memref<2560x16xf32, #tpu.memory_space<vmem>> -> memref<128x16xf32, #tpu.memory_space<vmem>>
        %dma_start3A_194 = arith.constant 0 : i32
        %dma_start3A_195 = tpu.memref_slice %arg5[%add3A_189, %dma_start3A_194] : memref<20x128xi32, #tpu.memory_space<vmem>> -> memref<1x128xi32, #tpu.memory_space<vmem>>
        %dma_start3A_196 = tpu.memref_squeeze %dma_start3A_195 : memref<1x128xi32, #tpu.memory_space<vmem>> -> memref<128xi32, #tpu.memory_space<vmem>>
        %dma_start3A_197 = arith.constant 0 : i32
        %dma_start3A_198 = arith.constant 0 : i32
        %dma_start3A_199 = tpu.memref_slice %arg2[%dma_start3A_197, %dma_start3A_198] : memref<10000x16xf32, #tpu.memory_space<hbm>> -> memref<10000x16xf32, #tpu.memory_space<hbm>>
        tpu.enqueue_indirect_dma source(%dma_start3A_199 : memref<10000x16xf32, #tpu.memory_space<hbm>>) target(%dma_start3A_193 : memref<128x16xf32, #tpu.memory_space<vmem>>) offsets(%dma_start3A_196 : memref<128xi32, #tpu.memory_space<vmem>>) semaphore(%arg7 : memref<!tpu.dma_semaphore, #tpu.memory_space<semaphore_mem>>)
      } else {
      }
      %dma_wait3A = arith.constant 0 : i32
      %dma_wait3A_55 = arith.constant 0 : i32
      %dma_wait3A_56 = arith.constant 0 : i32
      %dma_wait3A_57 = tpu.memref_slice %arg6[%dma_wait3A_55, %dma_wait3A_56] : memref<2560x16xf32, #tpu.memory_space<vmem>> -> memref<128x16xf32, #tpu.memory_space<vmem>>
      %dma_wait3A_58 = arith.constant 0 : i32
      %dma_wait3A_59 = tpu.memref_slice %arg5[%dma_wait3A, %dma_wait3A_58] : memref<20x128xi32, #tpu.memory_space<vmem>> -> memref<1x128xi32, #tpu.memory_space<vmem>>
      %dma_wait3A_60 = tpu.memref_squeeze %dma_wait3A_59 : memref<1x128xi32, #tpu.memory_space<vmem>> -> memref<128xi32, #tpu.memory_space<vmem>>
      %dma_wait3A_61 = arith.constant 0 : i32
      %dma_wait3A_62 = arith.constant 0 : i32
      %dma_wait3A_63 = tpu.memref_slice %arg2[%dma_wait3A_61, %dma_wait3A_62] : memref<10000x16xf32, #tpu.memory_space<hbm>> -> memref<10000x16xf32, #tpu.memory_space<hbm>>
      tpu.wait_indirect_dma semaphore(%arg7 : memref<!tpu.dma_semaphore, #tpu.memory_space<semaphore_mem>>) src(%dma_wait3A_63 : memref<10000x16xf32, #tpu.memory_space<hbm>>) dst(%dma_wait3A_57 : memref<128x16xf32, #tpu.memory_space<vmem>>)
      %dma_wait3A_64 = arith.constant 0 : i32
      %dma_wait3A_65 = arith.constant 0 : i32
      %dma_wait3A_66 = arith.constant 0 : i32
      %dma_wait3A_67 = tpu.memref_slice %arg6[%dma_wait3A_65, %dma_wait3A_66] : memref<2560x16xf32, #tpu.memory_space<vmem>> -> memref<128x16xf32, #tpu.memory_space<vmem>>
      %dma_wait3A_68 = arith.constant 0 : i32
      %dma_wait3A_69 = tpu.memref_slice %arg5[%dma_wait3A_64, %dma_wait3A_68] : memref<20x128xi32, #tpu.memory_space<vmem>> -> memref<1x128xi32, #tpu.memory_space<vmem>>
      %dma_wait3A_70 = tpu.memref_squeeze %dma_wait3A_69 : memref<1x128xi32, #tpu.memory_space<vmem>> -> memref<128xi32, #tpu.memory_space<vmem>>
      %dma_wait3A_71 = arith.constant 0 : i32
      %dma_wait3A_72 = arith.constant 0 : i32
      %dma_wait3A_73 = tpu.memref_slice %arg2[%dma_wait3A_71, %dma_wait3A_72] : memref<10000x16xf32, #tpu.memory_space<hbm>> -> memref<10000x16xf32, #tpu.memory_space<hbm>>
      tpu.wait_indirect_dma semaphore(%arg7 : memref<!tpu.dma_semaphore, #tpu.memory_space<semaphore_mem>>) src(%dma_wait3A_73 : memref<10000x16xf32, #tpu.memory_space<hbm>>) dst(%dma_wait3A_67 : memref<128x16xf32, #tpu.memory_space<vmem>>)
      %dma_wait3A_74 = arith.constant 0 : i32
      %dma_wait3A_75 = arith.constant 0 : i32
      %dma_wait3A_76 = arith.constant 0 : i32
      %dma_wait3A_77 = tpu.memref_slice %arg6[%dma_wait3A_75, %dma_wait3A_76] : memref<2560x16xf32, #tpu.memory_space<vmem>> -> memref<128x16xf32, #tpu.memory_space<vmem>>
      %dma_wait3A_78 = arith.constant 0 : i32
      %dma_wait3A_79 = tpu.memref_slice %arg5[%dma_wait3A_74, %dma_wait3A_78] : memref<20x128xi32, #tpu.memory_space<vmem>> -> memref<1x128xi32, #tpu.memory_space<vmem>>
      %dma_wait3A_80 = tpu.memref_squeeze %dma_wait3A_79 : memref<1x128xi32, #tpu.memory_space<vmem>> -> memref<128xi32, #tpu.memory_space<vmem>>
      %dma_wait3A_81 = arith.constant 0 : i32
      %dma_wait3A_82 = arith.constant 0 : i32
      %dma_wait3A_83 = tpu.memref_slice %arg2[%dma_wait3A_81, %dma_wait3A_82] : memref<10000x16xf32, #tpu.memory_space<hbm>> -> memref<10000x16xf32, #tpu.memory_space<hbm>>
      tpu.wait_indirect_dma semaphore(%arg7 : memref<!tpu.dma_semaphore, #tpu.memory_space<semaphore_mem>>) src(%dma_wait3A_83 : memref<10000x16xf32, #tpu.memory_space<hbm>>) dst(%dma_wait3A_77 : memref<128x16xf32, #tpu.memory_space<vmem>>)
      %dma_wait3A_84 = arith.constant 0 : i32
      %dma_wait3A_85 = arith.constant 0 : i32
      %dma_wait3A_86 = arith.constant 0 : i32
      %dma_wait3A_87 = tpu.memref_slice %arg6[%dma_wait3A_85, %dma_wait3A_86] : memref<2560x16xf32, #tpu.memory_space<vmem>> -> memref<128x16xf32, #tpu.memory_space<vmem>>
      %dma_wait3A_88 = arith.constant 0 : i32
      %dma_wait3A_89 = tpu.memref_slice %arg5[%dma_wait3A_84, %dma_wait3A_88] : memref<20x128xi32, #tpu.memory_space<vmem>> -> memref<1x128xi32, #tpu.memory_space<vmem>>
      %dma_wait3A_90 = tpu.memref_squeeze %dma_wait3A_89 : memref<1x128xi32, #tpu.memory_space<vmem>> -> memref<128xi32, #tpu.memory_space<vmem>>
      %dma_wait3A_91 = arith.constant 0 : i32
      %dma_wait3A_92 = arith.constant 0 : i32
      %dma_wait3A_93 = tpu.memref_slice %arg2[%dma_wait3A_91, %dma_wait3A_92] : memref<10000x16xf32, #tpu.memory_space<hbm>> -> memref<10000x16xf32, #tpu.memory_space<hbm>>
      tpu.wait_indirect_dma semaphore(%arg7 : memref<!tpu.dma_semaphore, #tpu.memory_space<semaphore_mem>>) src(%dma_wait3A_93 : memref<10000x16xf32, #tpu.memory_space<hbm>>) dst(%dma_wait3A_87 : memref<128x16xf32, #tpu.memory_space<vmem>>)
      %dma_wait3A_94 = arith.constant 0 : i32
      %dma_wait3A_95 = arith.constant 0 : i32
      %dma_wait3A_96 = arith.constant 0 : i32
      %dma_wait3A_97 = tpu.memref_slice %arg6[%dma_wait3A_95, %dma_wait3A_96] : memref<2560x16xf32, #tpu.memory_space<vmem>> -> memref<128x16xf32, #tpu.memory_space<vmem>>
      %dma_wait3A_98 = arith.constant 0 : i32
      %dma_wait3A_99 = tpu.memref_slice %arg5[%dma_wait3A_94, %dma_wait3A_98] : memref<20x128xi32, #tpu.memory_space<vmem>> -> memref<1x128xi32, #tpu.memory_space<vmem>>
      %dma_wait3A_100 = tpu.memref_squeeze %dma_wait3A_99 : memref<1x128xi32, #tpu.memory_space<vmem>> -> memref<128xi32, #tpu.memory_space<vmem>>
      %dma_wait3A_101 = arith.constant 0 : i32
      %dma_wait3A_102 = arith.constant 0 : i32
      %dma_wait3A_103 = tpu.memref_slice %arg2[%dma_wait3A_101, %dma_wait3A_102] : memref<10000x16xf32, #tpu.memory_space<hbm>> -> memref<10000x16xf32, #tpu.memory_space<hbm>>
      tpu.wait_indirect_dma semaphore(%arg7 : memref<!tpu.dma_semaphore, #tpu.memory_space<semaphore_mem>>) src(%dma_wait3A_103 : memref<10000x16xf32, #tpu.memory_space<hbm>>) dst(%dma_wait3A_97 : memref<128x16xf32, #tpu.memory_space<vmem>>)
      %mul3A_104 = arith.constant 5 : i32
      %mul3A_105 = arith.muli %while3A_48, %mul3A_104 : i32
      %mul3A_106 = arith.constant 128 : i32
      %mul3A_107 = arith.muli %mul3A_105, %mul3A_106 : i32
      %mul3A_108 = arith.constant 5 : i32
      %mul3A_109 = arith.muli %while3A_48, %mul3A_108 : i32
      %add3A_110 = arith.addi %mul3A_2, %mul3A_109 : i32
      %mul3A_111 = arith.constant 128 : i32
      %mul3A_112 = arith.muli %add3A_110, %mul3A_111 : i32
      %dma_start3A = arith.constant 0 : i32
      %dma_start3A_113 = tpu.memref_slice %arg6[%mul3A_107, %dma_start3A] : memref<2560x16xf32, #tpu.memory_space<vmem>> -> memref<640x16xf32, #tpu.memory_space<vmem>>
      %dma_start3A_114 = arith.constant 0 : i32
      %dma_start3A_115 = tpu.memref_slice %arg4[%mul3A_112, %dma_start3A_114] : memref<80000x16xf32, #tpu.memory_space<hbm>> -> memref<640x16xf32, #tpu.memory_space<hbm>>
      %dma_start3A_116 = arith.constant 0 : i32
      %dma_start3A_117 = tpu.memref_slice %arg4[%mul3A_112, %dma_start3A_116] : memref<80000x16xf32, #tpu.memory_space<hbm>> -> memref<640x16xf32, #tpu.memory_space<hbm>>
      %dma_start3A_118 = arith.constant 0 : i32
      %dma_start3A_119 = tpu.memref_slice %arg6[%mul3A_107, %dma_start3A_118] : memref<2560x16xf32, #tpu.memory_space<vmem>> -> memref<640x16xf32, #tpu.memory_space<vmem>>
      tpu.enqueue_dma source(%dma_start3A_119 : memref<640x16xf32, #tpu.memory_space<vmem>>) target(%dma_start3A_117 : memref<640x16xf32, #tpu.memory_space<hbm>>) target_semaphore(%arg8 : memref<!tpu.dma_semaphore, #tpu.memory_space<semaphore_mem>>)
      %while3A_120 = arith.constant 0 : i32
      scf.yield %while3A_120 : i32
    }
    %while3A_36 = arith.constant 0 : i32
    %while3A_37 = arith.constant 0 : i32
    %while3A_38 = arith.subi %select_n3A, %while3A_36 : i32
    %while3A_39 = arith.addi %while3A_36, %while3A_38 : i32
    %while3A_40 = arith.constant 1 : i32
    %while3A_41 = arith.divsi %while3A_38, %while3A_40 : i32
    %while3A_42 = arith.muli %while3A_41, %while3A_40 : i32
    %while3A_43 = arith.addi %while3A_36, %while3A_42 : i32
    %while3A_44 = arith.constant 1 : i32
    %while3A_45 = scf.for %while3A_48 = %while3A_36 to %while3A_43 step %while3A_44 iter_args(%while3A_49 = %while3A_37) -> (i32)  : i32 {
      %mul3A_50 = arith.constant 128 : i32
      %mul3A_51 = arith.muli %mul3A_2, %mul3A_50 : i32
      %dma_wait3A = arith.constant 0 : i32
      %dma_wait3A_52 = arith.constant 0 : i32
      %dma_wait3A_53 = tpu.memref_slice %arg6[%dma_wait3A, %dma_wait3A_52] : memref<2560x16xf32, #tpu.memory_space<vmem>> -> memref<640x16xf32, #tpu.memory_space<vmem>>
      %dma_wait3A_54 = arith.constant 0 : i32
      %dma_wait3A_55 = tpu.memref_slice %arg4[%mul3A_51, %dma_wait3A_54] : memref<80000x16xf32, #tpu.memory_space<hbm>> -> memref<640x16xf32, #tpu.memory_space<hbm>>
      %dma_wait3A_56 = arith.constant 0 : i32
      %dma_wait3A_57 = tpu.memref_slice %arg4[%mul3A_51, %dma_wait3A_56] : memref<80000x16xf32, #tpu.memory_space<hbm>> -> memref<640x16xf32, #tpu.memory_space<hbm>>
      %dma_wait3A_58 = arith.constant 0 : i32
      %dma_wait3A_59 = arith.constant 0 : i32
      %dma_wait3A_60 = tpu.memref_slice %arg6[%dma_wait3A_58, %dma_wait3A_59] : memref<2560x16xf32, #tpu.memory_space<vmem>> -> memref<640x16xf32, #tpu.memory_space<vmem>>
      tpu.wait_dma2 semaphore(%arg8 : memref<!tpu.dma_semaphore, #tpu.memory_space<semaphore_mem>>) src(%dma_wait3A_60 : memref<640x16xf32, #tpu.memory_space<vmem>>) dst(%dma_wait3A_57 : memref<640x16xf32, #tpu.memory_space<hbm>>)
      %while3A_61 = arith.constant 0 : i32
      scf.yield %while3A_61 : i32
    }
    %while3A_46 = arith.constant 1 : i32
    %while3A_47 = scf.for %while3A_48 = %while3A_43 to %while3A_39 step %while3A_46 iter_args(%while3A_49 = %while3A_45) -> (i32)  : i32 {
      %mul3A_50 = arith.constant 128 : i32
      %mul3A_51 = arith.muli %mul3A_2, %mul3A_50 : i32
      %dma_wait3A = arith.constant 0 : i32
      %dma_wait3A_52 = arith.constant 0 : i32
      %dma_wait3A_53 = tpu.memref_slice %arg6[%dma_wait3A, %dma_wait3A_52] : memref<2560x16xf32, #tpu.memory_space<vmem>> -> memref<640x16xf32, #tpu.memory_space<vmem>>
      %dma_wait3A_54 = arith.constant 0 : i32
      %dma_wait3A_55 = tpu.memref_slice %arg4[%mul3A_51, %dma_wait3A_54] : memref<80000x16xf32, #tpu.memory_space<hbm>> -> memref<640x16xf32, #tpu.memory_space<hbm>>
      %dma_wait3A_56 = arith.constant 0 : i32
      %dma_wait3A_57 = tpu.memref_slice %arg4[%mul3A_51, %dma_wait3A_56] : memref<80000x16xf32, #tpu.memory_space<hbm>> -> memref<640x16xf32, #tpu.memory_space<hbm>>
      %dma_wait3A_58 = arith.constant 0 : i32
      %dma_wait3A_59 = arith.constant 0 : i32
      %dma_wait3A_60 = tpu.memref_slice %arg6[%dma_wait3A_58, %dma_wait3A_59] : memref<2560x16xf32, #tpu.memory_space<vmem>> -> memref<640x16xf32, #tpu.memory_space<vmem>>
      tpu.wait_dma2 semaphore(%arg8 : memref<!tpu.dma_semaphore, #tpu.memory_space<semaphore_mem>>) src(%dma_wait3A_60 : memref<640x16xf32, #tpu.memory_space<vmem>>) dst(%dma_wait3A_57 : memref<640x16xf32, #tpu.memory_space<hbm>>)
      %while3A_61 = arith.constant 0 : i32
      scf.yield %while3A_61 : i32
    }
    return
  }
}

module attributes {stable_mosaic.version = 14 : i64} {
  func.func @_lin_in_body(%arg0: i32, %arg1: memref<2000x128xf32, #tpu.memory_space<vmem>>, %arg2: memref<128x16xf32, #tpu.memory_space<vmem>>, %arg3: memref<1x16xf32, #tpu.memory_space<vmem>>, %arg4: memref<2000x16xf32, #tpu.memory_space<vmem>>) attributes {dimension_semantics = [#tpu.dimension_semantics<arbitrary>], iteration_bounds = array<i64: 5>, scalar_prefetch = 0 : i64, scratch_operands = 0 : i64, tpu.core_type = #tpu.core_type<tc>, window_params = [{transform_indices = @transform_0, window_bounds = array<i64: 2000, 128>}, {pipeline_mode = #tpu.pipeline_mode<synchronous>, transform_indices = @transform_1, window_bounds = array<i64: 128, 16>}, {pipeline_mode = #tpu.pipeline_mode<synchronous>, transform_indices = @transform_2, window_bounds = array<i64: 1, 16>}, {transform_indices = @transform_3, window_bounds = array<i64: 2000, 16>}]} {
    %get3A = arith.constant 0 : index
    %get3A_0 = arith.constant 0 : index
    %get3A_1 = vector.load %arg1[%get3A, %get3A_0] : memref<2000x128xf32, #tpu.memory_space<vmem>>, vector<2000x128xf32>
    %get3A_2 = arith.constant 0 : index
    %get3A_3 = arith.constant 0 : index
    %get3A_4 = vector.load %arg2[%get3A_2, %get3A_3] : memref<128x16xf32, #tpu.memory_space<vmem>>, vector<128x16xf32>
    %dot_general3A = arith.constant dense<0.000000e+00> : vector<2000x16xf32>
    %dot_general3A_5 = tpu.matmul %get3A_1, %get3A_4, %dot_general3A {dimension_numbers = #tpu.dot_dimension_numbers<[1], [0], [0], [1], [0, 0, 1, 1], [], []>, transpose_lhs_hint = false} : vector<2000x128xf32>, vector<128x16xf32>, vector<2000x16xf32> -> vector<2000x16xf32>
    %get3A_6 = arith.constant 0 : index
    %get3A_7 = arith.constant 0 : index
    %get3A_8 = vector.load %arg3[%get3A_6, %get3A_7] : memref<1x16xf32, #tpu.memory_space<vmem>>, vector<1x16xf32>
    %add3A = vector.broadcast %get3A_8 : vector<1x16xf32> to vector<2000x16xf32>
    %add3A_9 = arith.addf %dot_general3A_5, %add3A : vector<2000x16xf32>
    %max3A = arith.constant 0.000000e+00 : f32
    %max3A_10 = vector.broadcast %max3A : f32 to vector<2000x16xf32>
    %max3A_11 = arith.maximumf %add3A_9, %max3A_10 : vector<2000x16xf32>
    %swap3A = arith.constant 0 : index
    %swap3A_12 = arith.constant 0 : index
    %swap3A_13 = vector.load %arg4[%swap3A, %swap3A_12] : memref<2000x16xf32, #tpu.memory_space<vmem>>, vector<2000x16xf32>
    tpu.vector_store %arg4[%swap3A, %swap3A_12], %max3A_11 {strides = array<i32>} : memref<2000x16xf32, #tpu.memory_space<vmem>>, vector<2000x16xf32>,
    return
  }
  func.func @transform_0(%arg0: i32) -> (i32, i32) {
    %c0_i32 = arith.constant 0 : i32
    %c0_i32_0 = arith.constant 0 : i32
    return %arg0, %c0_i32 : i32, i32
  }
  func.func @transform_1(%arg0: i32) -> (i32, i32) {
    %c0_i32 = arith.constant 0 : i32
    %c0_i32_0 = arith.constant 0 : i32
    %c0_i32_1 = arith.constant 0 : i32
    return %c0_i32, %c0_i32_0 : i32, i32
  }
  func.func @transform_2(%arg0: i32) -> (i32, i32) {
    %c0_i32 = arith.constant 0 : i32
    %c0_i32_0 = arith.constant 0 : i32
    %c0_i32_1 = arith.constant 0 : i32
    return %c0_i32, %c0_i32_0 : i32, i32
  }
  func.func @transform_3(%arg0: i32) -> (i32, i32) {
    %c0_i32 = arith.constant 0 : i32
    %c0_i32_0 = arith.constant 0 : i32
    return %arg0, %c0_i32 : i32, i32
  }
}

module attributes {stable_mosaic.version = 14 : i64} {
  func.func @_msg_body(%arg0: i32, %arg1: memref<4x3200xf32, #tpu.memory_space<vmem>>, %arg2: memref<400x128xf32, #tpu.memory_space<vmem>>, %arg3: memref<4x256xf32, #tpu.memory_space<vmem>>, %arg4: memref<1x256xf32, #tpu.memory_space<vmem>>, %arg5: memref<800x128xf32, #tpu.memory_space<vmem>>) attributes {dimension_semantics = [#tpu.dimension_semantics<arbitrary>], iteration_bounds = array<i64: 25>, scalar_prefetch = 0 : i64, scratch_operands = 0 : i64, tpu.core_type = #tpu.core_type<tc>, window_params = [{transform_indices = @transform_0, window_bounds = array<i64: 4, 3200>}, {transform_indices = @transform_1, window_bounds = array<i64: 400, 128>}, {pipeline_mode = #tpu.pipeline_mode<synchronous>, transform_indices = @transform_2, window_bounds = array<i64: 4, 256>}, {pipeline_mode = #tpu.pipeline_mode<synchronous>, transform_indices = @transform_3, window_bounds = array<i64: 1, 256>}, {transform_indices = @transform_4, window_bounds = array<i64: 800, 128>}]} {
    %get3A = arith.constant 0 : index
    %get3A_0 = arith.constant 0 : index
    %get3A_1 = vector.load %arg1[%get3A, %get3A_0] : memref<4x3200xf32, #tpu.memory_space<vmem>>, vector<4x3200xf32>
    %get3A_2 = arith.constant 0 : index
    %get3A_3 = arith.constant 0 : index
    %get3A_4 = vector.load %arg3[%get3A_2, %get3A_3] : memref<4x256xf32, #tpu.memory_space<vmem>>, vector<4x256xf32>
    %dot_general3A = arith.constant dense<0.000000e+00> : vector<3200x256xf32>
    %dot_general3A_5 = tpu.matmul %get3A_1, %get3A_4, %dot_general3A {dimension_numbers = #tpu.dot_dimension_numbers<[0], [0], [1], [1], [0, 1, 1, 1], [], []>, transpose_lhs_hint = false} : vector<4x3200xf32>, vector<4x256xf32>, vector<3200x256xf32> -> vector<3200x256xf32>
    %get3A_6 = arith.constant 0 : index
    %get3A_7 = arith.constant 0 : index
    %get3A_8 = vector.load %arg4[%get3A_6, %get3A_7] : memref<1x256xf32, #tpu.memory_space<vmem>>, vector<1x256xf32>
    %add3A = vector.broadcast %get3A_8 : vector<1x256xf32> to vector<3200x256xf32>
    %add3A_9 = arith.addf %dot_general3A_5, %add3A : vector<3200x256xf32>
    %max3A = arith.constant 0.000000e+00 : f32
    %max3A_10 = vector.broadcast %max3A : f32 to vector<3200x256xf32>
    %max3A_11 = arith.maximumf %add3A_9, %max3A_10 : vector<3200x256xf32>
    %get3A_12 = arith.constant 0 : index
    %get3A_13 = arith.constant 0 : index
    %get3A_14 = vector.load %arg2[%get3A_12, %get3A_13] : memref<400x128xf32, #tpu.memory_space<vmem>>, vector<400x128xf32>
    %slice3A = vector.extract_strided_slice %get3A_14 {offsets = [0, 0], sizes = [400, 16], strides = [1, 1]} : vector<400x128xf32> to vector<400x16xf32>
    %slice3A_15 = vector.extract_strided_slice %get3A_14 {offsets = [0, 16], sizes = [400, 16], strides = [1, 1]} : vector<400x128xf32> to vector<400x16xf32>
    %slice3A_16 = vector.extract_strided_slice %get3A_14 {offsets = [0, 32], sizes = [400, 16], strides = [1, 1]} : vector<400x128xf32> to vector<400x16xf32>
    %slice3A_17 = vector.extract_strided_slice %get3A_14 {offsets = [0, 48], sizes = [400, 16], strides = [1, 1]} : vector<400x128xf32> to vector<400x16xf32>
    %slice3A_18 = vector.extract_strided_slice %get3A_14 {offsets = [0, 64], sizes = [400, 16], strides = [1, 1]} : vector<400x128xf32> to vector<400x16xf32>
    %slice3A_19 = vector.extract_strided_slice %get3A_14 {offsets = [0, 80], sizes = [400, 16], strides = [1, 1]} : vector<400x128xf32> to vector<400x16xf32>
    %slice3A_20 = vector.extract_strided_slice %get3A_14 {offsets = [0, 96], sizes = [400, 16], strides = [1, 1]} : vector<400x128xf32> to vector<400x16xf32>
    %slice3A_21 = vector.extract_strided_slice %get3A_14 {offsets = [0, 112], sizes = [400, 16], strides = [1, 1]} : vector<400x128xf32> to vector<400x16xf32>
    %concatenate3A = tpu.concatenate %slice3A, %slice3A_15, %slice3A_16, %slice3A_17, %slice3A_18, %slice3A_19, %slice3A_20, %slice3A_21 in 0 : vector<400x16xf32>, vector<400x16xf32>, vector<400x16xf32>, vector<400x16xf32>, vector<400x16xf32>, vector<400x16xf32>, vector<400x16xf32>, vector<400x16xf32> -> vector<3200x16xf32>
    %iota3A = tpu.iota {dimensions = array<i32: 1>} : vector<16x256xi32>
    %iota3A_22 = tpu.iota {dimensions = array<i32: 0>} : vector<16x256xi32>
    %jit3A = arith.constant 16 : i32
    %div3A = vector.broadcast %jit3A : i32 to vector<16x256xi32>
    %div3A_23 = arith.divsi %iota3A, %div3A : vector<16x256xi32>
    %sign3A = arith.constant 0 : i32
    %sign3A_24 = vector.broadcast %sign3A : i32 to vector<16x256xi32>
    %sign3A_25 = arith.cmpi sgt, %iota3A, %sign3A_24 : vector<16x256xi32>
    %sign3A_26 = arith.extui %sign3A_25 : vector<16x256xi1> to vector<16x256xi32>
    %sign3A_27 = arith.constant 0 : i32
    %sign3A_28 = vector.broadcast %sign3A_27 : i32 to vector<16x256xi32>
    %sign3A_29 = arith.cmpi slt, %iota3A, %sign3A_28 : vector<16x256xi32>
    %sign3A_30 = arith.extui %sign3A_29 : vector<16x256xi1> to vector<16x256xi32>
    %sign3A_31 = arith.subi %sign3A_26, %sign3A_30 : vector<16x256xi32>
    %sign3A_32 = arith.constant 0 : i32
    %sign3A_33 = arith.cmpi sgt, %jit3A, %sign3A_32 : i32
    %sign3A_34 = arith.extui %sign3A_33 : i1 to i32
    %sign3A_35 = arith.constant 0 : i32
    %sign3A_36 = arith.cmpi slt, %jit3A, %sign3A_35 : i32
    %sign3A_37 = arith.extui %sign3A_36 : i1 to i32
    %sign3A_38 = arith.subi %sign3A_34, %sign3A_37 : i32
    %ne3A = vector.broadcast %sign3A_38 : i32 to vector<16x256xi32>
    %ne3A_39 = arith.cmpi ne, %sign3A_31, %ne3A : vector<16x256xi32>
    %rem3A = vector.broadcast %jit3A : i32 to vector<16x256xi32>
    %rem3A_40 = arith.remsi %iota3A, %rem3A : vector<16x256xi32>
    %ne3A_41 = arith.constant 0 : i32
    %ne3A_42 = vector.broadcast %ne3A_41 : i32 to vector<16x256xi32>
    %ne3A_43 = arith.cmpi ne, %rem3A_40, %ne3A_42 : vector<16x256xi32>
    %and3A = arith.andi %ne3A_39, %ne3A_43 : vector<16x256xi1>
    %sub3A = arith.constant 1 : i32
    %sub3A_44 = vector.broadcast %sub3A : i32 to vector<16x256xi32>
    %sub3A_45 = arith.subi %div3A_23, %sub3A_44 : vector<16x256xi32>
    %select_n3A = arith.select %and3A, %sub3A_45, %div3A_23 : vector<16x256xi1>, vector<16x256xi32>
    %mul3A = arith.constant 16 : i32
    %mul3A_46 = vector.broadcast %mul3A : i32 to vector<16x256xi32>
    %mul3A_47 = arith.muli %select_n3A, %mul3A_46 : vector<16x256xi32>
    %sub3A_48 = arith.subi %iota3A, %mul3A_47 : vector<16x256xi32>
    %eq3A = arith.cmpi eq, %sub3A_48, %iota3A_22 : vector<16x256xi32>
    %convert_element_type3A = arith.extui %eq3A : vector<16x256xi1> to vector<16x256xi32>
    %convert_element_type3A_49 = arith.sitofp %convert_element_type3A : vector<16x256xi32> to vector<16x256xf32>
    %dot_general3A_50 = arith.constant dense<0.000000e+00> : vector<3200x256xf32>
    %dot_general3A_51 = tpu.matmul %concatenate3A, %convert_element_type3A_49, %dot_general3A_50 {dimension_numbers = #tpu.dot_dimension_numbers<[1], [0], [0], [1], [0, 0, 1, 1], [], []>, transpose_lhs_hint = false} : vector<3200x16xf32>, vector<16x256xf32>, vector<3200x256xf32> -> vector<3200x256xf32>
    %mul3A_52 = arith.mulf %max3A_11, %dot_general3A_51 : vector<3200x256xf32>
    %iota3A_53 = tpu.iota {dimensions = array<i32: 0>} : vector<256x32xi32>
    %jit3A_54 = arith.constant 16 : i32
    %div3A_55 = vector.broadcast %jit3A_54 : i32 to vector<256x32xi32>
    %div3A_56 = arith.divsi %iota3A_53, %div3A_55 : vector<256x32xi32>
    %sign3A_57 = arith.constant 0 : i32
    %sign3A_58 = vector.broadcast %sign3A_57 : i32 to vector<256x32xi32>
    %sign3A_59 = arith.cmpi sgt, %iota3A_53, %sign3A_58 : vector<256x32xi32>
    %sign3A_60 = arith.extui %sign3A_59 : vector<256x32xi1> to vector<256x32xi32>
    %sign3A_61 = arith.constant 0 : i32
    %sign3A_62 = vector.broadcast %sign3A_61 : i32 to vector<256x32xi32>
    %sign3A_63 = arith.cmpi slt, %iota3A_53, %sign3A_62 : vector<256x32xi32>
    %sign3A_64 = arith.extui %sign3A_63 : vector<256x32xi1> to vector<256x32xi32>
    %sign3A_65 = arith.subi %sign3A_60, %sign3A_64 : vector<256x32xi32>
    %sign3A_66 = arith.constant 0 : i32
    %sign3A_67 = arith.cmpi sgt, %jit3A_54, %sign3A_66 : i32
    %sign3A_68 = arith.extui %sign3A_67 : i1 to i32
    %sign3A_69 = arith.constant 0 : i32
    %sign3A_70 = arith.cmpi slt, %jit3A_54, %sign3A_69 : i32
    %sign3A_71 = arith.extui %sign3A_70 : i1 to i32
    %sign3A_72 = arith.subi %sign3A_68, %sign3A_71 : i32
    %ne3A_73 = vector.broadcast %sign3A_72 : i32 to vector<256x32xi32>
    %ne3A_74 = arith.cmpi ne, %sign3A_65, %ne3A_73 : vector<256x32xi32>
    %rem3A_75 = vector.broadcast %jit3A_54 : i32 to vector<256x32xi32>
    %rem3A_76 = arith.remsi %iota3A_53, %rem3A_75 : vector<256x32xi32>
    %ne3A_77 = arith.constant 0 : i32
    %ne3A_78 = vector.broadcast %ne3A_77 : i32 to vector<256x32xi32>
    %ne3A_79 = arith.cmpi ne, %rem3A_76, %ne3A_78 : vector<256x32xi32>
    %and3A_80 = arith.andi %ne3A_74, %ne3A_79 : vector<256x32xi1>
    %sub3A_81 = arith.constant 1 : i32
    %sub3A_82 = vector.broadcast %sub3A_81 : i32 to vector<256x32xi32>
    %sub3A_83 = arith.subi %div3A_56, %sub3A_82 : vector<256x32xi32>
    %select_n3A_84 = arith.select %and3A_80, %sub3A_83, %div3A_56 : vector<256x32xi1>, vector<256x32xi32>
    %iota3A_85 = tpu.iota {dimensions = array<i32: 1>} : vector<256x32xi32>
    %eq3A_86 = arith.cmpi eq, %select_n3A_84, %iota3A_85 : vector<256x32xi32>
    %convert_element_type3A_87 = arith.extui %eq3A_86 : vector<256x32xi1> to vector<256x32xi32>
    %convert_element_type3A_88 = arith.sitofp %convert_element_type3A_87 : vector<256x32xi32> to vector<256x32xf32>
    %convert_element_type3A_89 = arith.truncf %convert_element_type3A_88 : vector<256x32xf32> to vector<256x32xbf16>
    %convert_element_type3A_90 = arith.truncf %mul3A_52 : vector<3200x256xf32> to vector<3200x256xbf16>
    %dot_general3A_91 = arith.constant dense<0.000000e+00> : vector<3200x32xf32>
    %dot_general3A_92 = tpu.matmul %convert_element_type3A_90, %convert_element_type3A_89, %dot_general3A_91 {dimension_numbers = #tpu.dot_dimension_numbers<[1], [0], [0], [1], [0, 0, 1, 1], [], []>, transpose_lhs_hint = false} : vector<3200x256xbf16>, vector<256x32xbf16>, vector<3200x32xf32> -> vector<3200x32xf32>
    %iota3A_93 = tpu.iota {dimensions = array<i32: 1>} : vector<1x32xi32>
    %eq3A_94 = arith.constant 16 : i32
    %eq3A_95 = vector.broadcast %eq3A_94 : i32 to vector<1x32xi32>
    %eq3A_96 = arith.cmpi eq, %iota3A_93, %eq3A_95 : vector<1x32xi32>
    %convert_element_type3A_97 = arith.extui %eq3A_96 : vector<1x32xi1> to vector<1x32xi32>
    %convert_element_type3A_98 = arith.sitofp %convert_element_type3A_97 : vector<1x32xi32> to vector<1x32xf32>
    %add3A_99 = vector.broadcast %convert_element_type3A_98 : vector<1x32xf32> to vector<3200x32xf32>
    %add3A_100 = arith.addf %dot_general3A_92, %add3A_99 : vector<3200x32xf32>
    %slice3A_101 = vector.extract_strided_slice %add3A_100 {offsets = [0, 0], sizes = [800, 32], strides = [1, 1]} : vector<3200x32xf32> to vector<800x32xf32>
    %slice3A_102 = vector.extract_strided_slice %add3A_100 {offsets = [800, 0], sizes = [800, 32], strides = [1, 1]} : vector<3200x32xf32> to vector<800x32xf32>
    %slice3A_103 = vector.extract_strided_slice %add3A_100 {offsets = [1600, 0], sizes = [800, 32], strides = [1, 1]} : vector<3200x32xf32> to vector<800x32xf32>
    %slice3A_104 = vector.extract_strided_slice %add3A_100 {offsets = [2400, 0], sizes = [800, 32], strides = [1, 1]} : vector<3200x32xf32> to vector<800x32xf32>
    %concatenate3A_105 = tpu.concatenate %slice3A_101, %slice3A_102, %slice3A_103, %slice3A_104 in 1 : vector<800x32xf32>, vector<800x32xf32>, vector<800x32xf32>, vector<800x32xf32> -> vector<800x128xf32>
    %swap3A = arith.constant 0 : index
    %swap3A_106 = arith.constant 0 : index
    %swap3A_107 = vector.load %arg5[%swap3A, %swap3A_106] : memref<800x128xf32, #tpu.memory_space<vmem>>, vector<800x128xf32>
    tpu.vector_store %arg5[%swap3A, %swap3A_106], %concatenate3A_105 {strides = array<i32>} : memref<800x128xf32, #tpu.memory_space<vmem>>, vector<800x128xf32>,
    return
  }
  func.func @transform_0(%arg0: i32) -> (i32, i32) {
    %add3A = arith.constant 25 : i32
    %add3A_0 = arith.addi %arg0, %add3A : i32
    %c0_i32 = arith.constant 0 : i32
    %c0_i32_1 = arith.constant 0 : i32
    return %c0_i32, %add3A_0 : i32, i32
  }
  func.func @transform_1(%arg0: i32) -> (i32, i32) {
    %add3A = arith.constant 0 : i32
    %add3A_0 = arith.addi %arg0, %add3A : i32
    %c0_i32 = arith.constant 0 : i32
    %c0_i32_1 = arith.constant 0 : i32
    return %add3A_0, %c0_i32 : i32, i32
  }
  func.func @transform_2(%arg0: i32) -> (i32, i32) {
    %c0_i32 = arith.constant 0 : i32
    %c0_i32_0 = arith.constant 0 : i32
    %c0_i32_1 = arith.constant 0 : i32
    return %c0_i32, %c0_i32_0 : i32, i32
  }
  func.func @transform_3(%arg0: i32) -> (i32, i32) {
    %c0_i32 = arith.constant 0 : i32
    %c0_i32_0 = arith.constant 0 : i32
    %c0_i32_1 = arith.constant 0 : i32
    return %c0_i32, %c0_i32_0 : i32, i32
  }
  func.func @transform_4(%arg0: i32) -> (i32, i32) {
    %c0_i32 = arith.constant 0 : i32
    %c0_i32_0 = arith.constant 0 : i32
    return %arg0, %c0_i32 : i32, i32
  }
}

module attributes {stable_mosaic.version = 14 : i64} {
  func.func @_msg_body(%arg0: i32, %arg1: memref<4x3200xf32, #tpu.memory_space<vmem>>, %arg2: memref<400x128xf32, #tpu.memory_space<vmem>>, %arg3: memref<4x256xf32, #tpu.memory_space<vmem>>, %arg4: memref<1x256xf32, #tpu.memory_space<vmem>>, %arg5: memref<800x128xf32, #tpu.memory_space<vmem>>) attributes {dimension_semantics = [#tpu.dimension_semantics<arbitrary>], iteration_bounds = array<i64: 25>, scalar_prefetch = 0 : i64, scratch_operands = 0 : i64, tpu.core_type = #tpu.core_type<tc>, window_params = [{transform_indices = @transform_0, window_bounds = array<i64: 4, 3200>}, {transform_indices = @transform_1, window_bounds = array<i64: 400, 128>}, {pipeline_mode = #tpu.pipeline_mode<synchronous>, transform_indices = @transform_2, window_bounds = array<i64: 4, 256>}, {pipeline_mode = #tpu.pipeline_mode<synchronous>, transform_indices = @transform_3, window_bounds = array<i64: 1, 256>}, {transform_indices = @transform_4, window_bounds = array<i64: 800, 128>}]} {
    %get3A = arith.constant 0 : index
    %get3A_0 = arith.constant 0 : index
    %get3A_1 = vector.load %arg1[%get3A, %get3A_0] : memref<4x3200xf32, #tpu.memory_space<vmem>>, vector<4x3200xf32>
    %get3A_2 = arith.constant 0 : index
    %get3A_3 = arith.constant 0 : index
    %get3A_4 = vector.load %arg3[%get3A_2, %get3A_3] : memref<4x256xf32, #tpu.memory_space<vmem>>, vector<4x256xf32>
    %dot_general3A = arith.constant dense<0.000000e+00> : vector<3200x256xf32>
    %dot_general3A_5 = tpu.matmul %get3A_1, %get3A_4, %dot_general3A {dimension_numbers = #tpu.dot_dimension_numbers<[0], [0], [1], [1], [0, 1, 1, 1], [], []>, transpose_lhs_hint = false} : vector<4x3200xf32>, vector<4x256xf32>, vector<3200x256xf32> -> vector<3200x256xf32>
    %get3A_6 = arith.constant 0 : index
    %get3A_7 = arith.constant 0 : index
    %get3A_8 = vector.load %arg4[%get3A_6, %get3A_7] : memref<1x256xf32, #tpu.memory_space<vmem>>, vector<1x256xf32>
    %add3A = vector.broadcast %get3A_8 : vector<1x256xf32> to vector<3200x256xf32>
    %add3A_9 = arith.addf %dot_general3A_5, %add3A : vector<3200x256xf32>
    %max3A = arith.constant 0.000000e+00 : f32
    %max3A_10 = vector.broadcast %max3A : f32 to vector<3200x256xf32>
    %max3A_11 = arith.maximumf %add3A_9, %max3A_10 : vector<3200x256xf32>
    %get3A_12 = arith.constant 0 : index
    %get3A_13 = arith.constant 0 : index
    %get3A_14 = vector.load %arg2[%get3A_12, %get3A_13] : memref<400x128xf32, #tpu.memory_space<vmem>>, vector<400x128xf32>
    %slice3A = vector.extract_strided_slice %get3A_14 {offsets = [0, 0], sizes = [400, 16], strides = [1, 1]} : vector<400x128xf32> to vector<400x16xf32>
    %slice3A_15 = vector.extract_strided_slice %get3A_14 {offsets = [0, 16], sizes = [400, 16], strides = [1, 1]} : vector<400x128xf32> to vector<400x16xf32>
    %slice3A_16 = vector.extract_strided_slice %get3A_14 {offsets = [0, 32], sizes = [400, 16], strides = [1, 1]} : vector<400x128xf32> to vector<400x16xf32>
    %slice3A_17 = vector.extract_strided_slice %get3A_14 {offsets = [0, 48], sizes = [400, 16], strides = [1, 1]} : vector<400x128xf32> to vector<400x16xf32>
    %slice3A_18 = vector.extract_strided_slice %get3A_14 {offsets = [0, 64], sizes = [400, 16], strides = [1, 1]} : vector<400x128xf32> to vector<400x16xf32>
    %slice3A_19 = vector.extract_strided_slice %get3A_14 {offsets = [0, 80], sizes = [400, 16], strides = [1, 1]} : vector<400x128xf32> to vector<400x16xf32>
    %slice3A_20 = vector.extract_strided_slice %get3A_14 {offsets = [0, 96], sizes = [400, 16], strides = [1, 1]} : vector<400x128xf32> to vector<400x16xf32>
    %slice3A_21 = vector.extract_strided_slice %get3A_14 {offsets = [0, 112], sizes = [400, 16], strides = [1, 1]} : vector<400x128xf32> to vector<400x16xf32>
    %concatenate3A = tpu.concatenate %slice3A, %slice3A_15, %slice3A_16, %slice3A_17, %slice3A_18, %slice3A_19, %slice3A_20, %slice3A_21 in 0 : vector<400x16xf32>, vector<400x16xf32>, vector<400x16xf32>, vector<400x16xf32>, vector<400x16xf32>, vector<400x16xf32>, vector<400x16xf32>, vector<400x16xf32> -> vector<3200x16xf32>
    %iota3A = tpu.iota {dimensions = array<i32: 1>} : vector<16x256xi32>
    %iota3A_22 = tpu.iota {dimensions = array<i32: 0>} : vector<16x256xi32>
    %jit3A = arith.constant 16 : i32
    %div3A = vector.broadcast %jit3A : i32 to vector<16x256xi32>
    %div3A_23 = arith.divsi %iota3A, %div3A : vector<16x256xi32>
    %sign3A = arith.constant 0 : i32
    %sign3A_24 = vector.broadcast %sign3A : i32 to vector<16x256xi32>
    %sign3A_25 = arith.cmpi sgt, %iota3A, %sign3A_24 : vector<16x256xi32>
    %sign3A_26 = arith.extui %sign3A_25 : vector<16x256xi1> to vector<16x256xi32>
    %sign3A_27 = arith.constant 0 : i32
    %sign3A_28 = vector.broadcast %sign3A_27 : i32 to vector<16x256xi32>
    %sign3A_29 = arith.cmpi slt, %iota3A, %sign3A_28 : vector<16x256xi32>
    %sign3A_30 = arith.extui %sign3A_29 : vector<16x256xi1> to vector<16x256xi32>
    %sign3A_31 = arith.subi %sign3A_26, %sign3A_30 : vector<16x256xi32>
    %sign3A_32 = arith.constant 0 : i32
    %sign3A_33 = arith.cmpi sgt, %jit3A, %sign3A_32 : i32
    %sign3A_34 = arith.extui %sign3A_33 : i1 to i32
    %sign3A_35 = arith.constant 0 : i32
    %sign3A_36 = arith.cmpi slt, %jit3A, %sign3A_35 : i32
    %sign3A_37 = arith.extui %sign3A_36 : i1 to i32
    %sign3A_38 = arith.subi %sign3A_34, %sign3A_37 : i32
    %ne3A = vector.broadcast %sign3A_38 : i32 to vector<16x256xi32>
    %ne3A_39 = arith.cmpi ne, %sign3A_31, %ne3A : vector<16x256xi32>
    %rem3A = vector.broadcast %jit3A : i32 to vector<16x256xi32>
    %rem3A_40 = arith.remsi %iota3A, %rem3A : vector<16x256xi32>
    %ne3A_41 = arith.constant 0 : i32
    %ne3A_42 = vector.broadcast %ne3A_41 : i32 to vector<16x256xi32>
    %ne3A_43 = arith.cmpi ne, %rem3A_40, %ne3A_42 : vector<16x256xi32>
    %and3A = arith.andi %ne3A_39, %ne3A_43 : vector<16x256xi1>
    %sub3A = arith.constant 1 : i32
    %sub3A_44 = vector.broadcast %sub3A : i32 to vector<16x256xi32>
    %sub3A_45 = arith.subi %div3A_23, %sub3A_44 : vector<16x256xi32>
    %select_n3A = arith.select %and3A, %sub3A_45, %div3A_23 : vector<16x256xi1>, vector<16x256xi32>
    %mul3A = arith.constant 16 : i32
    %mul3A_46 = vector.broadcast %mul3A : i32 to vector<16x256xi32>
    %mul3A_47 = arith.muli %select_n3A, %mul3A_46 : vector<16x256xi32>
    %sub3A_48 = arith.subi %iota3A, %mul3A_47 : vector<16x256xi32>
    %eq3A = arith.cmpi eq, %sub3A_48, %iota3A_22 : vector<16x256xi32>
    %convert_element_type3A = arith.extui %eq3A : vector<16x256xi1> to vector<16x256xi32>
    %convert_element_type3A_49 = arith.sitofp %convert_element_type3A : vector<16x256xi32> to vector<16x256xf32>
    %dot_general3A_50 = arith.constant dense<0.000000e+00> : vector<3200x256xf32>
    %dot_general3A_51 = tpu.matmul %concatenate3A, %convert_element_type3A_49, %dot_general3A_50 {dimension_numbers = #tpu.dot_dimension_numbers<[1], [0], [0], [1], [0, 0, 1, 1], [], []>, transpose_lhs_hint = false} : vector<3200x16xf32>, vector<16x256xf32>, vector<3200x256xf32> -> vector<3200x256xf32>
    %mul3A_52 = arith.mulf %max3A_11, %dot_general3A_51 : vector<3200x256xf32>
    %iota3A_53 = tpu.iota {dimensions = array<i32: 0>} : vector<256x32xi32>
    %jit3A_54 = arith.constant 16 : i32
    %div3A_55 = vector.broadcast %jit3A_54 : i32 to vector<256x32xi32>
    %div3A_56 = arith.divsi %iota3A_53, %div3A_55 : vector<256x32xi32>
    %sign3A_57 = arith.constant 0 : i32
    %sign3A_58 = vector.broadcast %sign3A_57 : i32 to vector<256x32xi32>
    %sign3A_59 = arith.cmpi sgt, %iota3A_53, %sign3A_58 : vector<256x32xi32>
    %sign3A_60 = arith.extui %sign3A_59 : vector<256x32xi1> to vector<256x32xi32>
    %sign3A_61 = arith.constant 0 : i32
    %sign3A_62 = vector.broadcast %sign3A_61 : i32 to vector<256x32xi32>
    %sign3A_63 = arith.cmpi slt, %iota3A_53, %sign3A_62 : vector<256x32xi32>
    %sign3A_64 = arith.extui %sign3A_63 : vector<256x32xi1> to vector<256x32xi32>
    %sign3A_65 = arith.subi %sign3A_60, %sign3A_64 : vector<256x32xi32>
    %sign3A_66 = arith.constant 0 : i32
    %sign3A_67 = arith.cmpi sgt, %jit3A_54, %sign3A_66 : i32
    %sign3A_68 = arith.extui %sign3A_67 : i1 to i32
    %sign3A_69 = arith.constant 0 : i32
    %sign3A_70 = arith.cmpi slt, %jit3A_54, %sign3A_69 : i32
    %sign3A_71 = arith.extui %sign3A_70 : i1 to i32
    %sign3A_72 = arith.subi %sign3A_68, %sign3A_71 : i32
    %ne3A_73 = vector.broadcast %sign3A_72 : i32 to vector<256x32xi32>
    %ne3A_74 = arith.cmpi ne, %sign3A_65, %ne3A_73 : vector<256x32xi32>
    %rem3A_75 = vector.broadcast %jit3A_54 : i32 to vector<256x32xi32>
    %rem3A_76 = arith.remsi %iota3A_53, %rem3A_75 : vector<256x32xi32>
    %ne3A_77 = arith.constant 0 : i32
    %ne3A_78 = vector.broadcast %ne3A_77 : i32 to vector<256x32xi32>
    %ne3A_79 = arith.cmpi ne, %rem3A_76, %ne3A_78 : vector<256x32xi32>
    %and3A_80 = arith.andi %ne3A_74, %ne3A_79 : vector<256x32xi1>
    %sub3A_81 = arith.constant 1 : i32
    %sub3A_82 = vector.broadcast %sub3A_81 : i32 to vector<256x32xi32>
    %sub3A_83 = arith.subi %div3A_56, %sub3A_82 : vector<256x32xi32>
    %select_n3A_84 = arith.select %and3A_80, %sub3A_83, %div3A_56 : vector<256x32xi1>, vector<256x32xi32>
    %iota3A_85 = tpu.iota {dimensions = array<i32: 1>} : vector<256x32xi32>
    %eq3A_86 = arith.cmpi eq, %select_n3A_84, %iota3A_85 : vector<256x32xi32>
    %convert_element_type3A_87 = arith.extui %eq3A_86 : vector<256x32xi1> to vector<256x32xi32>
    %convert_element_type3A_88 = arith.sitofp %convert_element_type3A_87 : vector<256x32xi32> to vector<256x32xf32>
    %convert_element_type3A_89 = arith.truncf %convert_element_type3A_88 : vector<256x32xf32> to vector<256x32xbf16>
    %convert_element_type3A_90 = arith.truncf %mul3A_52 : vector<3200x256xf32> to vector<3200x256xbf16>
    %dot_general3A_91 = arith.constant dense<0.000000e+00> : vector<3200x32xf32>
    %dot_general3A_92 = tpu.matmul %convert_element_type3A_90, %convert_element_type3A_89, %dot_general3A_91 {dimension_numbers = #tpu.dot_dimension_numbers<[1], [0], [0], [1], [0, 0, 1, 1], [], []>, transpose_lhs_hint = false} : vector<3200x256xbf16>, vector<256x32xbf16>, vector<3200x32xf32> -> vector<3200x32xf32>
    %iota3A_93 = tpu.iota {dimensions = array<i32: 1>} : vector<1x32xi32>
    %eq3A_94 = arith.constant 16 : i32
    %eq3A_95 = vector.broadcast %eq3A_94 : i32 to vector<1x32xi32>
    %eq3A_96 = arith.cmpi eq, %iota3A_93, %eq3A_95 : vector<1x32xi32>
    %convert_element_type3A_97 = arith.extui %eq3A_96 : vector<1x32xi1> to vector<1x32xi32>
    %convert_element_type3A_98 = arith.sitofp %convert_element_type3A_97 : vector<1x32xi32> to vector<1x32xf32>
    %add3A_99 = vector.broadcast %convert_element_type3A_98 : vector<1x32xf32> to vector<3200x32xf32>
    %add3A_100 = arith.addf %dot_general3A_92, %add3A_99 : vector<3200x32xf32>
    %slice3A_101 = vector.extract_strided_slice %add3A_100 {offsets = [0, 0], sizes = [800, 32], strides = [1, 1]} : vector<3200x32xf32> to vector<800x32xf32>
    %slice3A_102 = vector.extract_strided_slice %add3A_100 {offsets = [800, 0], sizes = [800, 32], strides = [1, 1]} : vector<3200x32xf32> to vector<800x32xf32>
    %slice3A_103 = vector.extract_strided_slice %add3A_100 {offsets = [1600, 0], sizes = [800, 32], strides = [1, 1]} : vector<3200x32xf32> to vector<800x32xf32>
    %slice3A_104 = vector.extract_strided_slice %add3A_100 {offsets = [2400, 0], sizes = [800, 32], strides = [1, 1]} : vector<3200x32xf32> to vector<800x32xf32>
    %concatenate3A_105 = tpu.concatenate %slice3A_101, %slice3A_102, %slice3A_103, %slice3A_104 in 1 : vector<800x32xf32>, vector<800x32xf32>, vector<800x32xf32>, vector<800x32xf32> -> vector<800x128xf32>
    %swap3A = arith.constant 0 : index
    %swap3A_106 = arith.constant 0 : index
    %swap3A_107 = vector.load %arg5[%swap3A, %swap3A_106] : memref<800x128xf32, #tpu.memory_space<vmem>>, vector<800x128xf32>
    tpu.vector_store %arg5[%swap3A, %swap3A_106], %concatenate3A_105 {strides = array<i32>} : memref<800x128xf32, #tpu.memory_space<vmem>>, vector<800x128xf32>,
    return
  }
  func.func @transform_0(%arg0: i32) -> (i32, i32) {
    %add3A = arith.constant 0 : i32
    %add3A_0 = arith.addi %arg0, %add3A : i32
    %c0_i32 = arith.constant 0 : i32
    %c0_i32_1 = arith.constant 0 : i32
    return %c0_i32, %add3A_0 : i32, i32
  }
  func.func @transform_1(%arg0: i32) -> (i32, i32) {
    %add3A = arith.constant 0 : i32
    %add3A_0 = arith.addi %arg0, %add3A : i32
    %c0_i32 = arith.constant 0 : i32
    %c0_i32_1 = arith.constant 0 : i32
    return %add3A_0, %c0_i32 : i32, i32
  }
  func.func @transform_2(%arg0: i32) -> (i32, i32) {
    %c0_i32 = arith.constant 0 : i32
    %c0_i32_0 = arith.constant 0 : i32
    %c0_i32_1 = arith.constant 0 : i32
    return %c0_i32, %c0_i32_0 : i32, i32
  }
  func.func @transform_3(%arg0: i32) -> (i32, i32) {
    %c0_i32 = arith.constant 0 : i32
    %c0_i32_0 = arith.constant 0 : i32
    %c0_i32_1 = arith.constant 0 : i32
    return %c0_i32, %c0_i32_0 : i32, i32
  }
  func.func @transform_4(%arg0: i32) -> (i32, i32) {
    %c0_i32 = arith.constant 0 : i32
    %c0_i32_0 = arith.constant 0 : i32
    return %arg0, %c0_i32 : i32, i32
  }
}

module attributes {stable_mosaic.version = 14 : i64} {
  func.func @_final_body(%arg0: i32, %arg1: memref<2x2000x32xf32, #tpu.memory_space<vmem>>, %arg2: memref<2x2000x32xf32, #tpu.memory_space<vmem>>, %arg3: memref<2000x16xf32, #tpu.memory_space<vmem>>, %arg4: memref<16x16xf32, #tpu.memory_space<vmem>>, %arg5: memref<1x16xf32, #tpu.memory_space<vmem>>, %arg6: memref<16x16xf32, #tpu.memory_space<vmem>>, %arg7: memref<1x16xf32, #tpu.memory_space<vmem>>, %arg8: memref<16x16xf32, #tpu.memory_space<vmem>>, %arg9: memref<1x16xf32, #tpu.memory_space<vmem>>, %arg10: memref<2000x16xf32, #tpu.memory_space<vmem>>, %arg11: memref<2000x16xf32, #tpu.memory_space<vmem>>) attributes {dimension_semantics = [#tpu.dimension_semantics<arbitrary>], iteration_bounds = array<i64: 5>, scalar_prefetch = 0 : i64, scratch_operands = 0 : i64, tpu.core_type = #tpu.core_type<tc>, window_params = [{transform_indices = @transform_0, window_bounds = array<i64: 2, 2000, 32>}, {transform_indices = @transform_1, window_bounds = array<i64: 2, 2000, 32>}, {transform_indices = @transform_2, window_bounds = array<i64: 2000, 16>}, {pipeline_mode = #tpu.pipeline_mode<synchronous>, transform_indices = @transform_3, window_bounds = array<i64: 16, 16>}, {pipeline_mode = #tpu.pipeline_mode<synchronous>, transform_indices = @transform_4, window_bounds = array<i64: 1, 16>}, {pipeline_mode = #tpu.pipeline_mode<synchronous>, transform_indices = @transform_5, window_bounds = array<i64: 16, 16>}, {pipeline_mode = #tpu.pipeline_mode<synchronous>, transform_indices = @transform_6, window_bounds = array<i64: 1, 16>}, {pipeline_mode = #tpu.pipeline_mode<synchronous>, transform_indices = @transform_7, window_bounds = array<i64: 16, 16>}, {pipeline_mode = #tpu.pipeline_mode<synchronous>, transform_indices = @transform_8, window_bounds = array<i64: 1, 16>}, {transform_indices = @transform_9, window_bounds = array<i64: 2000, 16>}, {transform_indices = @transform_10, window_bounds = array<i64: 2000, 16>}]} {
    %get3A = arith.constant 0 : index
    %get3A_0 = arith.constant 0 : index
    %get3A_1 = arith.constant 0 : index
    %get3A_2 = vector.load %arg1[%get3A, %get3A_0, %get3A_1] : memref<2x2000x32xf32, #tpu.memory_space<vmem>>, vector<1x2000x32xf32>
    %get3A_3 = vector.shape_cast %get3A_2 : vector<1x2000x32xf32> to vector<2000x32xf32>
    %get3A_4 = arith.constant 1 : index
    %get3A_5 = arith.constant 0 : index
    %get3A_6 = arith.constant 0 : index
    %get3A_7 = vector.load %arg1[%get3A_4, %get3A_5, %get3A_6] : memref<2x2000x32xf32, #tpu.memory_space<vmem>>, vector<1x2000x32xf32>
    %get3A_8 = vector.shape_cast %get3A_7 : vector<1x2000x32xf32> to vector<2000x32xf32>
    %add3A = arith.addf %get3A_3, %get3A_8 : vector<2000x32xf32>
    %get3A_9 = arith.constant 0 : index
    %get3A_10 = arith.constant 0 : index
    %get3A_11 = arith.constant 0 : index
    %get3A_12 = vector.load %arg2[%get3A_9, %get3A_10, %get3A_11] : memref<2x2000x32xf32, #tpu.memory_space<vmem>>, vector<1x2000x32xf32>
    %get3A_13 = vector.shape_cast %get3A_12 : vector<1x2000x32xf32> to vector<2000x32xf32>
    %add3A_14 = arith.addf %add3A, %get3A_13 : vector<2000x32xf32>
    %get3A_15 = arith.constant 1 : index
    %get3A_16 = arith.constant 0 : index
    %get3A_17 = arith.constant 0 : index
    %get3A_18 = vector.load %arg2[%get3A_15, %get3A_16, %get3A_17] : memref<2x2000x32xf32, #tpu.memory_space<vmem>>, vector<1x2000x32xf32>
    %get3A_19 = vector.shape_cast %get3A_18 : vector<1x2000x32xf32> to vector<2000x32xf32>
    %add3A_20 = arith.addf %add3A_14, %get3A_19 : vector<2000x32xf32>
    %slice3A = vector.extract_strided_slice %add3A_20 {offsets = [0, 16], sizes = [2000, 1], strides = [1, 1]} : vector<2000x32xf32> to vector<2000x1xf32>
    %max3A = arith.constant 1.000000e+00 : f32
    %max3A_21 = vector.broadcast %max3A : f32 to vector<2000x1xf32>
    %max3A_22 = arith.maximumf %slice3A, %max3A_21 : vector<2000x1xf32>
    %slice3A_23 = vector.extract_strided_slice %add3A_20 {offsets = [0, 0], sizes = [2000, 16], strides = [1, 1]} : vector<2000x32xf32> to vector<2000x16xf32>
    %div3A = vector.broadcast %max3A_22 : vector<2000x1xf32> to vector<2000x16xf32>
    %div3A_24 = arith.divf %slice3A_23, %div3A : vector<2000x16xf32>
    %get3A_25 = arith.constant 0 : index
    %get3A_26 = arith.constant 0 : index
    %get3A_27 = vector.load %arg3[%get3A_25, %get3A_26] : memref<2000x16xf32, #tpu.memory_space<vmem>>, vector<2000x16xf32>
    %get3A_28 = arith.constant 0 : index
    %get3A_29 = arith.constant 0 : index
    %get3A_30 = vector.load %arg4[%get3A_28, %get3A_29] : memref<16x16xf32, #tpu.memory_space<vmem>>, vector<16x16xf32>
    %dot_general3A = arith.constant dense<0.000000e+00> : vector<2000x16xf32>
    %dot_general3A_31 = tpu.matmul %get3A_27, %get3A_30, %dot_general3A {dimension_numbers = #tpu.dot_dimension_numbers<[1], [0], [0], [1], [0, 0, 1, 1], [], []>, transpose_lhs_hint = false} : vector<2000x16xf32>, vector<16x16xf32>, vector<2000x16xf32> -> vector<2000x16xf32>
    %add3A_32 = arith.addf %div3A_24, %dot_general3A_31 : vector<2000x16xf32>
    %get3A_33 = arith.constant 0 : index
    %get3A_34 = arith.constant 0 : index
    %get3A_35 = vector.load %arg5[%get3A_33, %get3A_34] : memref<1x16xf32, #tpu.memory_space<vmem>>, vector<1x16xf32>
    %add3A_36 = vector.broadcast %get3A_35 : vector<1x16xf32> to vector<2000x16xf32>
    %add3A_37 = arith.addf %add3A_32, %add3A_36 : vector<2000x16xf32>
    %max3A_38 = arith.constant 0.000000e+00 : f32
    %max3A_39 = vector.broadcast %max3A_38 : f32 to vector<2000x16xf32>
    %max3A_40 = arith.maximumf %add3A_37, %max3A_39 : vector<2000x16xf32>
    %get3A_41 = arith.constant 0 : index
    %get3A_42 = arith.constant 0 : index
    %get3A_43 = vector.load %arg6[%get3A_41, %get3A_42] : memref<16x16xf32, #tpu.memory_space<vmem>>, vector<16x16xf32>
    %dot_general3A_44 = arith.constant dense<0.000000e+00> : vector<2000x16xf32>
    %dot_general3A_45 = tpu.matmul %max3A_40, %get3A_43, %dot_general3A_44 {dimension_numbers = #tpu.dot_dimension_numbers<[1], [0], [0], [1], [0, 0, 1, 1], [], []>, transpose_lhs_hint = false} : vector<2000x16xf32>, vector<16x16xf32>, vector<2000x16xf32> -> vector<2000x16xf32>
    %get3A_46 = arith.constant 0 : index
    %get3A_47 = arith.constant 0 : index
    %get3A_48 = vector.load %arg7[%get3A_46, %get3A_47] : memref<1x16xf32, #tpu.memory_space<vmem>>, vector<1x16xf32>
    %add3A_49 = vector.broadcast %get3A_48 : vector<1x16xf32> to vector<2000x16xf32>
    %add3A_50 = arith.addf %dot_general3A_45, %add3A_49 : vector<2000x16xf32>
    %swap3A = arith.constant 0 : index
    %swap3A_51 = arith.constant 0 : index
    %swap3A_52 = vector.load %arg10[%swap3A, %swap3A_51] : memref<2000x16xf32, #tpu.memory_space<vmem>>, vector<2000x16xf32>
    tpu.vector_store %arg10[%swap3A, %swap3A_51], %add3A_50 {strides = array<i32>} : memref<2000x16xf32, #tpu.memory_space<vmem>>, vector<2000x16xf32>,
    %get3A_53 = arith.constant 0 : index
    %get3A_54 = arith.constant 0 : index
    %get3A_55 = vector.load %arg8[%get3A_53, %get3A_54] : memref<16x16xf32, #tpu.memory_space<vmem>>, vector<16x16xf32>
    %dot_general3A_56 = arith.constant dense<0.000000e+00> : vector<2000x16xf32>
    %dot_general3A_57 = tpu.matmul %max3A_40, %get3A_55, %dot_general3A_56 {dimension_numbers = #tpu.dot_dimension_numbers<[1], [0], [0], [1], [0, 0, 1, 1], [], []>, transpose_lhs_hint = false} : vector<2000x16xf32>, vector<16x16xf32>, vector<2000x16xf32> -> vector<2000x16xf32>
    %get3A_58 = arith.constant 0 : index
    %get3A_59 = arith.constant 0 : index
    %get3A_60 = vector.load %arg9[%get3A_58, %get3A_59] : memref<1x16xf32, #tpu.memory_space<vmem>>, vector<1x16xf32>
    %add3A_61 = vector.broadcast %get3A_60 : vector<1x16xf32> to vector<2000x16xf32>
    %add3A_62 = arith.addf %dot_general3A_57, %add3A_61 : vector<2000x16xf32>
    %swap3A_63 = arith.constant 0 : index
    %swap3A_64 = arith.constant 0 : index
    %swap3A_65 = vector.load %arg11[%swap3A_63, %swap3A_64] : memref<2000x16xf32, #tpu.memory_space<vmem>>, vector<2000x16xf32>
    tpu.vector_store %arg11[%swap3A_63, %swap3A_64], %add3A_62 {strides = array<i32>} : memref<2000x16xf32, #tpu.memory_space<vmem>>, vector<2000x16xf32>,
    return
  }
  func.func @transform_0(%arg0: i32) -> (i32, i32, i32) {
    %c0_i32 = arith.constant 0 : i32
    %c0_i32_0 = arith.constant 0 : i32
    %c0_i32_1 = arith.constant 0 : i32
    return %c0_i32, %arg0, %c0_i32_0 : i32, i32, i32
  }
  func.func @transform_1(%arg0: i32) -> (i32, i32, i32) {
    %c0_i32 = arith.constant 0 : i32
    %c0_i32_0 = arith.constant 0 : i32
    %c0_i32_1 = arith.constant 0 : i32
    return %c0_i32, %arg0, %c0_i32_0 : i32, i32, i32
  }
  func.func @transform_2(%arg0: i32) -> (i32, i32) {
    %c0_i32 = arith.constant 0 : i32
    %c0_i32_0 = arith.constant 0 : i32
    return %arg0, %c0_i32 : i32, i32
  }
  func.func @transform_3(%arg0: i32) -> (i32, i32) {
    %c0_i32 = arith.constant 0 : i32
    %c0_i32_0 = arith.constant 0 : i32
    %c0_i32_1 = arith.constant 0 : i32
    return %c0_i32, %c0_i32_0 : i32, i32
  }
  func.func @transform_4(%arg0: i32) -> (i32, i32) {
    %c0_i32 = arith.constant 0 : i32
    %c0_i32_0 = arith.constant 0 : i32
    %c0_i32_1 = arith.constant 0 : i32
    return %c0_i32, %c0_i32_0 : i32, i32
  }
  func.func @transform_5(%arg0: i32) -> (i32, i32) {
    %c0_i32 = arith.constant 0 : i32
    %c0_i32_0 = arith.constant 0 : i32
    %c0_i32_1 = arith.constant 0 : i32
    return %c0_i32, %c0_i32_0 : i32, i32
  }
  func.func @transform_6(%arg0: i32) -> (i32, i32) {
    %c0_i32 = arith.constant 0 : i32
    %c0_i32_0 = arith.constant 0 : i32
    %c0_i32_1 = arith.constant 0 : i32
    return %c0_i32, %c0_i32_0 : i32, i32
  }
  func.func @transform_7(%arg0: i32) -> (i32, i32) {
    %c0_i32 = arith.constant 0 : i32
    %c0_i32_0 = arith.constant 0 : i32
    %c0_i32_1 = arith.constant 0 : i32
    return %c0_i32, %c0_i32_0 : i32, i32
  }
  func.func @transform_8(%arg0: i32) -> (i32, i32) {
    %c0_i32 = arith.constant 0 : i32
    %c0_i32_0 = arith.constant 0 : i32
    %c0_i32_1 = arith.constant 0 : i32
    return %c0_i32, %c0_i32_0 : i32, i32
  }
  func.func @transform_9(%arg0: i32) -> (i32, i32) {
    %c0_i32 = arith.constant 0 : i32
    %c0_i32_0 = arith.constant 0 : i32
    return %arg0, %c0_i32 : i32, i32
  }
  func.func @transform_10(%arg0: i32) -> (i32, i32) {
    %c0_i32 = arith.constant 0 : i32
    %c0_i32_0 = arith.constant 0 : i32
    return %arg0, %c0_i32 : i32, i32
  }
}

</mosaic_0001>

<sc_bundles>
// kernel: kernel.10.cloned.1.call-start
scs
__scs_entry_jumppad:
0x0: {  	(pc) =	sbr.rel $0x88, $3  }
0x1: {  	(tag) =	ssettag $0x0;
	lr =	simm.s32 $0x1  }
0x2: {  	[smem:$0x3F94] =	sst lr;
	_ =	strace $0xD0000000  }
0x3: {  	_ = 	snop  }
0x4: {  	_ = 	snop  }
0x5: {  	_ = 	snop  }
0x6: {  	_ = 	snop  }
0x7: {  	_ = 	snop  }
__scs_overlays_trampoline_lowered:
0x8: {  	[smem:$0x3FA3] =	sst s0  }
0x9: {  	[smem:$0x3FA4] =	sst s1  }
0xa: {  	[smem:$0x3FA5] =	sst s2  }
0xb: {  	[smem:$0x3FA6] =	sst s3  }
0xc: {  	[smem:$0x3FA7] =	sst s4  }
0xd: {  	[smem:$0x3FA8] =	sst s5  }
0xe: {  	[smem:$0x3FA9] =	sst s6  }
0xf: {  	[smem:$0x3FAA] =	sst s7  }
0x10: {  	[smem:$0x3FAB] =	sst s8  }
0x11: {  	[smem:$0x3FAC] =	sst s9;
	s0 =	simm.s32 @!p0 $0x0  }
0x12: {  	s1 =	sld [smem:$0x3F92];
	s0 =	simm.s32 @p0 $0x1  }
0x13: {  	[smem:$0x3FAD] =	sst s0;
	s0 =	simm.s32 @!p1 $0x0  }
0x14: {  	s2 =	sld [smem:$0x3F91];
	s0 =	simm.s32 @p1 $0x1  }
0x15: {  	[smem:$0x3FAE] =	sst s0;
	s0 =	simm.s32 @!p2 $0x0  }
0x16: {  	s3 =	sld [smem:$0x3FDB];
	s0 =	simm.s32 @p2 $0x1  }
0x17: {  	s4 =	simm.s32 $0x1BF5;
	[smem:$0x3FB0] =	sst s0  }
0x18: {  	s0 =	sld [smem:$0x3F93];
	_ =	swait.ge [sflag:s4], $0x0  }
0x19: {  	s7 =	sld [smem:$0x3F94]  }
0x1a: {  	s8 =	sadd.s32 $0xFFFFE003, lr  }
0x1b: {  	s9 =	sadd.s32 $0xFFFFFEF7, lr;
	s5 =	simm.s32 $0xFFFFFFFF;
	p2 =	slt.u32 s8, $0xFFFFF086  }
0x1c: {  	p1 =	slt.u32 s9, $0xF7A;
	s5 =	simm.s32 @!p2 $0x0  }
0x1d: {  	s5 =	simm.s32 @p1 $0x1;
	p0 =	seq.s32 s7, s2  }
0x1e: {  	s7 =	smul.u32 @!p0 $0xF7A, s2;
	p2 =	seq.s32 @!p0 s5, $0x0  }
0x1f: {  	s9 =	smul.u32 $0xF7A, s1;
	s8 =	simm.s32 @!p0 $0x1BF5;
	p2 =	por !p2, p0  }
0x20: {  	[sflag:s8] =	ssyncset.s32 @!p0 $0xFFFFF086;
	s6 =	sadd.s32 @!p0 s3, s7;
	s7 =	simm.s32 @!p0 $0x108  }
0x21: {  	s3 =	sadd.s32 s3, s9;
	s6 =	sadd.s32 @!p0 $0x88, s6;
	s7 =	simm.s32 @p2 $0x1082  }
0x22: {  	[simem:s7], [sflag:s8] =	dma.local @!p0 [hbm:s6], $0xF7A  }
0x23: {  	s9 =	sor.u32 $0xD0000000, s2;
	s6 =	simm.s32 $0x108;
	_ =	swait.ge @!p0 [sflag:s8], $0x0  }
0x24: {  	s3 =	sadd.s32 $0x88, s3;
	s6 =	simm.s32 @!p1 $0x1082;
	[sflag:s4] =	ssyncset.s32 $0xFFFFF086  }
0x25: {  	[simem:s6], [sflag:s4] =	dma.local [hbm:s3], $0xF7A  }
0x26: {  	[smem:$0x3F94] =	sst s1;
	(tag) =	ssettag s2;
	_ =	strace s9  }
0x27: {  	s1 =	sld [smem:$0x3FA4]  }
0x28: {  	s2 =	sld [smem:$0x3FA5]  }
0x29: {  	s4 =	sld [smem:$0x3FA7]  }
0x2a: {  	p0 =	seq.s32 s5, $0x0;
	s5 =	sld [smem:$0x3FA8]  }
0x2b: {  	s6 =	sld [smem:$0x3FA9]  }
0x2c: {  	s7 =	sld [smem:$0x3FAA]  }
0x2d: {  	s3 =	simm.s32 $0x108;
	s8 =	sld [smem:$0x3FAB]  }
0x2e: {  	s3 =	simm.s32 @!p0 $0x1082;
	s9 =	sld [smem:$0x3FAC]  }
0x2f: {  	lr =	sadd.s32 s0, s3;
	s0 =	sld [smem:$0x3FA3]  }
0x30: {  	s3 =	sld [smem:$0x3FA6]  }
0x31: {  	[smem:$0x3FAF] =	sst s10  }
0x32: {  	s10 =	sld [smem:$0x3FAD];
	_ =	sdelay $0x3  }
0x33: {  	p0 =	seq.s32 s10, $0x1;
	s10 =	sld [smem:$0x3FAF];
	_ =	sdelay $0x3  }
0x34: {  	[smem:$0x3FAF] =	sst s10  }
0x35: {  	s10 =	sld [smem:$0x3FAE];
	_ =	sdelay $0x3  }
0x36: {  	p1 =	seq.s32 s10, $0x1;
	s10 =	sld [smem:$0x3FAF];
	_ =	sdelay $0x3  }
0x37: {  	[smem:$0x3FAF] =	sst s10  }
0x38: {  	s10 =	sld [smem:$0x3FB0]  }
0x39: {  	_ = 	snop;
	(pc) =	sbr.ind lr, $3  }
0x3a: {  	_ = 	snop  }
0x3b: {  	_ = 	snop  }
0x3c: {  	p2 =	seq.s32 s10, $0x1;
	s10 =	sld [smem:$0x3FAF]  }
0x3d: {  	_ =	shalt  }
0x3e: {  	_ =	shalt  }
0x3f: {  	_ =	shalt  }
0x40: {  	_ =	shalt  }
0x41: {  	_ =	shalt  }
0x42: {  	_ =	shalt  }
0x43: {  	_ =	shalt  }
0x44: {  	_ =	shalt  }
0x45: {  	_ =	shalt  }
0x46: {  	_ =	shalt  }
0x47: {  	_ =	shalt  }
0x48: {  	_ =	shalt  }
0x49: {  	_ =	shalt  }
0x4a: {  	_ =	shalt  }
0x4b: {  	_ =	shalt  }
0x4c: {  	_ =	shalt  }
0x4d: {  	_ =	shalt  }
0x4e: {  	_ =	shalt  }
0x4f: {  	_ =	shalt  }
0x50: {  	_ =	shalt  }
0x51: {  	_ =	shalt  }
0x52: {  	_ =	shalt  }
0x53: {  	_ =	shalt  }
0x54: {  	_ =	shalt  }
0x55: {  	_ =	shalt  }
0x56: {  	_ =	shalt  }
0x57: {  	_ =	shalt  }
0x58: {  	_ =	shalt  }
0x59: {  	_ =	shalt  }
0x5a: {  	_ =	shalt  }
0x5b: {  	_ =	shalt  }
0x5c: {  	_ =	shalt  }
0x5d: {  	_ =	shalt  }
0x5e: {  	_ =	shalt  }
0x5f: {  	_ =	shalt  }
0x60: {  	_ =	shalt  }
0x61: {  	_ =	shalt  }
0x62: {  	_ =	shalt  }
0x63: {  	_ =	shalt  }
0x64: {  	_ =	shalt  }
0x65: {  	_ =	shalt  }
0x66: {  	_ =	shalt  }
0x67: {  	_ =	shalt  }
0x68: {  	_ =	shalt  }
0x69: {  	_ =	shalt  }
0x6a: {  	_ =	shalt  }
0x6b: {  	_ =	shalt  }
0x6c: {  	_ =	shalt  }
0x6d: {  	_ =	shalt  }
0x6e: {  	_ =	shalt  }
0x6f: {  	_ =	shalt  }
0x70: {  	_ =	shalt  }
0x71: {  	_ =	shalt  }
0x72: {  	_ =	shalt  }
0x73: {  	_ =	shalt  }
0x74: {  	_ =	shalt  }
0x75: {  	_ =	shalt  }
0x76: {  	_ =	shalt  }
0x77: {  	_ =	shalt  }
0x78: {  	_ =	shalt  }
0x79: {  	_ =	shalt  }
0x7a: {  	_ =	shalt  }
0x7b: {  	_ =	shalt  }
0x7c: {  	_ =	shalt  }
0x7d: {  	_ =	shalt  }
0x7e: {  	_ =	shalt  }
0x7f: {  	_ =	shalt  }
0x80: {  	_ =	shalt  }
0x81: {  	_ =	shalt  }
0x82: {  	_ =	shalt  }
0x83: {  	_ =	shalt  }
0x84: {  	_ =	shalt  }
0x85: {  	_ =	shalt  }
0x86: {  	_ =	shalt  }
0x87: {  	_ =	shalt  }
.Lfunc_end0:
.L_simem_size_0:
called_computation_lowered:
.L_overlay_start_0:
0x88: {  	s2 =	sld [smem:$0x3FD9]  }
0x89: {  	s3 =	sld [smem:$0x3FFE];
	_ =	sdelay $0x1  }
0x8a: {  	s1 =	srdreg.scid  }
0x8b: {  	s0 =	sand.u32 $0x1, s1  }
0x8c: {  	s15 =	sshll.u32 s0, $0xA;
	s2 =	sadd.s32 s3, s2  }
0x8d: {  	s2 =	sadd.s32 s2, s15  }
0x8e: {  	[smem:$0x3FBB] =	sst s2  }
0x8f: {  	_ = 	snop  }
0x90: {  	s2 =	sld [smem:$0x3FD0];
	_ =	sdelay $0x2  }
0x91: {  	s4 =	simm.s32 $0xB;
	s16 =	simm.s32 $0x10  }
0x92: {  	[smem:s16], [sflag:s4] =	dma.local [hbm:s2], $0x1  }
0x93: {  	_ =	swait.eq [sflag:s4], $0x1  }
0x94: {  	[sflag:s4] =	ssyncset.done $0x0  }
0x95: {  	s17 =	sld [smem:$0x10];
	[sflag:s4] =	ssyncadd.s32 $0xFFFFFFFF  }
0x96: {  	s18 =	sld [smem:$0x11];
	(tm) =	ssettm $0x1  }
0x97: {  	s19 =	sld [smem:$0x3FFB];
	_ =	sdelay $0x3  }
0x98: {  	_ =	strace s19  }
0x99: {  	s2 =	sld [smem:$0x3FFC];
	_ =	sdelay $0x3  }
0x9a: {  	_ =	strace s2  }
0x9b: {  	s2 =	sld [smem:$0x3FFD];
	_ =	sdelay $0x3  }
0x9c: {  	_ =	strace s2  }
0x9d: {  	_ =	strace $0x8FFFFFFF  }
0x9e: {  	s20 =	sld [smem:$0x3FDB];
	_ =	sdelay $0x1  }
0x9f: {  	s5 =	simm.s32 $_scs_section_size  }
0xa0: {  	s6 =	simm.s32 $_size__tile_overlayer_lowered;
	s7 =	simm.s32 $_tile_overlayer_lowered  }
0xa1: {  	s8 =	simm.s32 $0x1BFF;
	s21 =	sshll.u32 s7, $0x1;
	s5 =	sadd.s32 s5, s20  }
0xa2: {  	s22 =	simm.s32 $0x0;
	s6 =	sshll.u32 s6, $0x1;
	s7 =	sadd.s32 s21, s5  }
0xa3: {  	[timem:s22], [sflag:s8] =	dma.local [hbm:s7], s6  }
0xa4: {  	_ =	swait.ge [sflag:s8], s6  }
0xa5: {  	s6 =	ssub.s32 $0x0, s6;
	[sflag:s8] =	ssyncset.done $0x0  }
0xa6: {  	[sflag:s8] =	ssyncadd.s32 s6;
	_ =	sdelay $0x1  }
0xa7: {  	s23 =	simm.s32 $0x1B8B  }
0xa8: {  	_ =	swait.ge [sflag:s23], $0x1  }
0xa9: {  	[sflag:s23] =	ssyncset.done $0x0  }
0xaa: {  	[sflag:s23] =	ssyncadd.s32 $0xFFFFFFFF  }
0xab: {  	s6 =	sld [smem:$0x0]  }
0xac: {  	s7 =	sand.u32 $0xFFFFFFFE, s1  }
0xad: {  	p0 =	sne.s32 s1, s7  }
0xae: {  	s7 =	sshll.u32 @p0 s7, $0xE  }
0xaf: {  	s7 =	sadd.s32 @p0 $0x11B8D, s7;
	s8 =	sshll.u32 @p0 s6, $0x11  }
0xb0: {  	s7 =	sor.u32 @p0 s8, s7  }
0xb1: {  	[sflag:s7] =	ssyncadd.remote.s32 @p0 $0x1;
	_ =	sdelay $0x1  }
0xb2: {  	s7 =	simm.s32 @p0 $0x1B8D  }
0xb3: {  	_ =	swait.eq @p0 [sflag:s7], $0x1  }
0xb4: {  	[sflag:s7] =	ssyncadd.s32 @p0 $0xFFFFFFFF  }
0xb5: {  	s8 =	sshll.u32 @!p0 s1, $0xE  }
0xb6: {  	s8 =	sor.u32 @!p0 $0x4000, s8;
	s7 =	simm.s32 @!p0 $0x1B8D  }
0xb7: {  	s6 =	sshll.u32 @!p0 s6, $0x11;
	s8 =	sadd.s32 @!p0 $0x11B8D, s8;
	_ =	swait.eq @!p0 [sflag:s7], $0x1  }
0xb8: {  	s6 =	sor.u32 @!p0 s6, s8;
	[sflag:s7] =	ssyncadd.s32 @!p0 $0xFFFFFFFF  }
0xb9: {  	s25 =	simm.s32 $0x1B8E;
	s24 =	sld [smem:$0x3FFE];
	[sflag:s6] =	ssyncadd.remote.s32 @!p0 $0x1  }
0xba: {  	s26 =	simm.s32 $execute0_lowered;
	[smem:$0x3FD2] =	sst s25  }
0xbb: {  	s7 =	sshll.u32 s26, $0x1;
	_ =	strace $0x80000049;
	[dreg:$0x1] =	wrdreg $0xFFFFFFFF  }
0xbc: {  	s28 =	simm.s32 $_size_execute0_lowered;
	s5 =	sadd.s32 s5, s7;
	[dreg:$0x0] =	wrdreg $0x0  }
0xbd: {  	s7 =	sshll.u32 s28, $0x1;
	[dreg:$0x2] =	wrdreg s5  }
0xbe: {  	[dreg:$0x3] =	wrdreg s7  }
0xbf: {  	[dreg:$0x4] =	wrdreg $0xC0  }
0xc0: {  	_ =	task [dreg:s22], $0x5FFFF  }
0xc1: {  	[dreg:$0x1] =	wrdreg $0xFFFFFFFF  }
0xc2: {  	[dreg:$0x0] =	wrdreg $0x60  }
0xc3: {  	[dreg:$0x2] =	wrdreg s18  }
0xc4: {  	[dreg:$0x3] =	wrdreg s17  }
0xc5: {  	[dreg:$0x4] =	wrdreg s24  }
0xc6: {  	[dreg:$0x5] =	wrdreg $0x9  }
0xc7: {  	_ =	task.clear_ibuf [dreg:s22], $0x6FFFF;
	_ =	strace $0x90000049  }
0xc8: {  	s29 =	simm.s32 $0x9;
	_ =	strace $0x8000004B  }
0xc9: {  	_ =	swait.ge [sflag:s29], $0x1  }
0xca: {  	[sflag:s29] =	ssyncadd.s32 $0xFFFFFFFF  }
0xcb: {  	_ =	strace $0x9000004B  }
0xcc: {  	_ =	sfence  }
0xcd: {  	s30 =	sld [smem:$0x0];
	_ =	sdelay $0x2  }
0xce: {  	s31 =	sshll.u32 s1, $0xD;
	s1 =	sshrl.u32 s1, $0x2  }
0xcf: {  	s4 =	sand.u32 $0x4000, s31;
	s1 =	sadd.s32 s1, s30  }
0xd0: {  	s0 =	sor.u32 s4, s0;
	s1 =	sshll.u32 s1, $0x11  }
0xd1: {  	s0 =	sor.u32 s1, s0  }
0xd2: {  	s0 =	sadd.s32 $0x8F2B, s0  }
0xd3: {  	[sflag:s0] =	ssyncadd.remote.s32 $0x1  }
0xd4: {  	_ =	sfence.sel $0xFFFF  }
0xd5: {  	[dreg:$0x0] =	wrdreg $0xFFFFFFFF;
	(pc) =	sbr.abs _section_cstart, $3  }
0xd6: {  	[dreg:$0x1] =	wrdreg $0xFFFFFFFF  }
0xd7: {  	_ =	task.clear_ibuf [dreg:s22], $0x2FFFF;
	_ =	strace $0x9FFFFFFF  }
0xd8: {  	(tm) =	ssettm $0x7FFFFFFF  }
0xd9: {  	_ =	shalt  }
tec
execute0_lowered:
.L_overlay_start_1:
0x0: {  	(tag) =	ssettag $0x1  }
0x1: {  	s10 =	stileid.u32  }
0x2: {  	s4 =	smul.u32 $0x2800, s10  }
0x3: {  	s0 =	srdreg.scid;
	s9 =	smul.u32 $0xFFFFFFD8, s10  }
0x4: {  	s6 =	rddreg [dreg:$0x1];
	s0 =	sand.u32 $0x1, s0;
	s25 =	smul.u32 $0x28, s10  }
0x5: {  	s7 =	rddreg [dreg:$0x2];
	s21 =	simm.s32 $0x1;
	s5 =	smul.u32 $0xFFFFFFEC, s0  }
0x6: {  	s22 =	simm.s32 $0x2;
	s1 =	sshll.u32 s10, $0x1;
	s11 =	smul.u32 $0x14, s0  }
0x7: {  	s2 =	sor.u32 s0, s1;
	s26 =	ssub.s32 $0x2, s0;
	s0 =	smul.u32 $0x1400, s0  }
0x8: {  	s23 =	simm.s32 $0x0;
	s1 =	rddreg [dreg:$0x0];
	s3 =	smul.u32 $0x14, s2  }
0x9: {  	s2 =	smul.u32 $0x140, s2;
	s7 =	sadd.s32 s4, s7;
	s28 =	sshrl.u32 s26, $0x1  }
0xa: {  	s5 =	sadd.s32 s9, s5;
	s10 =	ssub.s32 s26, s28;
	s9 =	sadd.s32 s11, s25  }
0xb: {  	s0 =	sadd.s32 s0, s7;
	s11 =	simm.s32 $0x3;
	s3 =	ssub.s32 $0x271, s3  }
0xc: {  	s5 =	sadd.s32 $0x271, s5;
	s2 =	sadd.s32 s6, s2;
	s29 =	sshll.u32 s9, $0x4  }
0xd: {  	s31 =	smax.u32 s10, $0x1;
	s8 =	smin.u32 s3, $0x14;
	s3 =	simm.s32 $0x0  }
0xe: {  	s5 =	smin.u32 s5, $0x14;
	s8 =	smul.u32 $0x34, s8;
	[smem:$0x7FF] =	sst s3  }
0xf: {  	s12 =	smul.u32 $0x34, s5;
	_ =	strace $0x8000004A;
	[dreg:$0x4] =	wrdreg s2  }
0x10: {  	s0 =	sadd.s32 $0x2A200, s0;
	s2 =	sadd.s32 s29, s6;
	[dreg:$0x5] =	wrdreg s31  }
0x11: {  	s4 =	sshrl.u32 s8, $0x8;
	s30 =	sshrl.u32 s12, $0x8;
	s8 =	sadd.s32 $0x50, s2  }
0x12: {  	s12 =	simm.s32 $0x80;
	s9 =	smul.u32 $0xA000, s30;
	s10 =	ssub.s32 $0x0, s30  }
.LBB2_1:
0x13: {  	s2 =	rddreg [dreg:$0x4]  }
0x14: {  	[tilespmem:s3], [sflag:$0x3] =	stream.linear.gather [hbm4b:s2+s3], $0x280, $0x38;
	[tilespmem:$0xAA00] =	vst v63  }
0x15: {  	s19 =	simm.s32 $0xA00;
	_ =	swait.ge [sflag:s11], $0x280  }
0x16: {  	s20 =	simm.s32 $0x1200;
	s24 =	simm.s32 $0x100;
	[sflag:s11] =	ssyncset.done $0x0  }
0x17: {  	s5 =	simm.s32 $0x1A00;
	s25 =	simm.s32 $0x180;
	[sflag:s11] =	ssyncadd.s32 $0xFFFFFD80  }
0x18: {  	[tilespmem:s19], [sflag:$0x1] =	stream.indirect.gather [hbm4b:s1+s12], $0x10, s3, s12, $0xb8;
	[tilespmem:$0xAA00] =	vst v63  }
0x19: {  	s26 =	simm.s32 $0x2200;
	s28 =	simm.s32 $0x200;
	s31 =	simm.s32 $0x2A00  }
0x1a: {  	[tilespmem:s20], [sflag:$0x1] =	stream.indirect.gather [hbm4b:s1+s12], $0x10, s12, s12, $0xb8;
	[tilespmem:$0xAA00] =	vst v63  }
0x1b: {  	p0 =	sle.u32 s4, $0x1;
	p1 =	por $0x0, $0x0;
	p2 =	sne.s32 s9, $0xA000  }
0x1c: {  	[tilespmem:s5], [sflag:$0x1] =	stream.indirect.gather [hbm4b:s1+s12], $0x10, s24, s12, $0xb8;
	[tilespmem:$0xAA00] =	vst v63  }
.Ltmp0:
0x1d: {  	s14 =	simm.s32 @!p0 $0x3200;
	s13 =	simm.s32 @!p0 $0x3A00;
	(pc) =	sbr.rel @!p2 .LBB2_2-.Ltmp0, $4  }
0x1e: {  	s2 =	simm.s32 @!p0 $0x4200;
	s30 =	simm.s32 @!p0 $0x4A00;
	s29 =	simm.s32 @!p0 $0x5200  }
0x1f: {  	[tilespmem:s26], [sflag:$0x1] =	stream.indirect.gather [hbm4b:s1+s12], $0x10, s25, s12, $0xb8;
	[tilespmem:$0xAA00] =	vst v63  }
0x20: {  	p0 =	por p0, p0;
	s24 =	simm.s32 $0xA000;
	s25 =	simm.s32 $0x280  }
0x21: {  	[tilespmem:s31], [sflag:$0x1] =	stream.indirect.gather [hbm4b:s1+s12], $0x10, s28, s12, $0xb8;
	[tilespmem:$0xAA00] =	vst v63  }
0x22: {  	s7 =	simm.s32 @!p0 $0x0;
	s15 =	simm.s32 @!p0 $0x3  }
0x23: {  	[tilespmem:s25], [sflag:$0x3] =	stream.linear.gather @!p0 [hbm4b:s8+s7], $0x280, $0x38;
	[tilespmem:$0xAA00] =	vst v63  }
0x24: {  	_ =	swait.ge @!p0 [sflag:s15], $0x280  }
0x25: {  	[sflag:s15] =	ssyncset.done @!p0 $0x0  }
0x26: {  	s7 =	simm.s32 @!p0 $0x80;
	[sflag:s15] =	ssyncadd.s32 @!p0 $0xFFFFFD80  }
0x27: {  	[tilespmem:s14], [sflag:$0x1] =	stream.indirect.gather @!p0 [hbm4b:s1+s7], $0x10, s25, s7, $0xb8;
	[tilespmem:$0xAA00] =	vst v63  }
0x28: {  	s14 =	simm.s32 @!p0 $0x300  }
0x29: {  	[tilespmem:s13], [sflag:$0x1] =	stream.indirect.gather @!p0 [hbm4b:s1+s7], $0x10, s14, s7, $0xb8;
	[tilespmem:$0xAA00] =	vst v63  }
0x2a: {  	s13 =	simm.s32 @!p0 $0x380  }
0x2b: {  	[tilespmem:s2], [sflag:$0x1] =	stream.indirect.gather @!p0 [hbm4b:s1+s7], $0x10, s13, s7, $0xb8;
	[tilespmem:$0xAA00] =	vst v63  }
0x2c: {  	s2 =	simm.s32 @!p0 $0x400  }
0x2d: {  	[tilespmem:s30], [sflag:$0x1] =	stream.indirect.gather @!p0 [hbm4b:s1+s7], $0x10, s2, s7, $0xb8;
	[tilespmem:$0xAA00] =	vst v63  }
0x2e: {  	s2 =	simm.s32 @!p0 $0x480  }
0x2f: {  	[tilespmem:s29], [sflag:$0x1] =	stream.indirect.gather @!p0 [hbm4b:s1+s7], $0x10, s2, s7, $0xb8;
	[tilespmem:$0xAA00] =	vst v63  }
0x30: {  	_ =	swait.ge [sflag:s21], $0x800  }
0x31: {  	[sflag:s21] =	ssyncset.done $0x0  }
0x32: {  	[sflag:s21] =	ssyncadd.s32 $0xFFFFF800  }
0x33: {  	_ =	swait.ge [sflag:s21], $0x800  }
0x34: {  	[sflag:s21] =	ssyncset.done $0x0  }
0x35: {  	[sflag:s21] =	ssyncadd.s32 $0xFFFFF800  }
0x36: {  	s31 =	simm.s32 $0x14000;
	_ =	swait.ge [sflag:s21], $0x800  }
0x37: {  	p2 =	sne.s32 s9, $0x14000;
	s28 =	sadd.s32 $0x50, s8;
	[sflag:s21] =	ssyncset.done $0x0  }
0x38: {  	s26 =	sadd.s32 $0x500, s0;
	s16 =	simm.s32 $0xA00;
	[sflag:s21] =	ssyncadd.s32 $0xFFFFF800  }
0x39: {  	p1 =	por $0x1, $0x1;
	s15 =	simm.s32 $0x3;
	_ =	swait.ge [sflag:s21], $0x800  }
.Ltmp1:
0x3a: {  	s25 =	simm.s32 $0x500;
	[sflag:s21] =	ssyncset.done $0x0;
	(pc) =	sbr.rel @!p2 .LBB2_4-.Ltmp1, $4  }
0x3b: {  	p0 =	sle.u32 s4, $0x2;
	s7 =	smov.u32 s0;
	[sflag:s21] =	ssyncadd.s32 $0xFFFFF800  }
0x3c: {  	s14 =	simm.s32 @!p0 $0x5A00;
	s13 =	simm.s32 @!p0 $0x6200;
	_ =	swait.ge [sflag:s21], $0x800  }
0x3d: {  	s2 =	simm.s32 @!p0 $0x6A00;
	s30 =	simm.s32 @!p0 $0x7200;
	[sflag:s21] =	ssyncset.done $0x0  }
0x3e: {  	s29 =	simm.s32 @!p0 $0x7A00;
	p0 =	por p0, p0;
	[sflag:s21] =	ssyncadd.s32 $0xFFFFF800  }
.LBB2_5:
0x3f: {  	[hbm4b:s7+s3] =	stream.linear.scatter [tilespmem:s16], [sflag:$0x2], $0x2800, $0x38;
	[tilespmem:$0xAA00] =	vst v63  }
0x40: {  	s16 =	smov.u32 s24;
	s24 =	smov.u32 s31;
	s7 =	smov.u32 s26  }
0x41: {  	p3 =	sge.u32 s15, s4;
	s17 =	simm.s32 @!p0 $0x0;
	s18 =	simm.s32 @!p0 $0x3  }
0x42: {  	[tilespmem:s25], [sflag:$0x3] =	stream.linear.gather @!p0 [hbm4b:s28+s17], $0x280, $0x38;
	[tilespmem:$0xAA00] =	vst v63  }
0x43: {  	s31 =	sadd.s32 $0xA000, s31;
	s17 =	sshra.s32 @!p3 s24, $0x2;
	_ =	swait.ge @!p0 [sflag:s18], $0x280  }
0x44: {  	s19 =	sadd.s32 @!p3 $0x3200, s17;
	s20 =	sadd.s32 @!p3 $0x3A00, s17;
	[sflag:s18] =	ssyncset.done @!p0 $0x0  }
0x45: {  	s5 =	sadd.s32 @!p3 $0x4200, s17;
	[sflag:s18] =	ssyncadd.s32 @!p0 $0xFFFFFD80;
	s18 =	simm.s32 @!p0 $0x80  }
0x46: {  	[tilespmem:s14], [sflag:$0x1] =	stream.indirect.gather @!p0 [hbm4b:s1+s18], $0x10, s25, s18, $0xb8;
	[tilespmem:$0xAA00] =	vst v63  }
0x47: {  	s6 =	sadd.s32 @!p3 $0x4A00, s17;
	s17 =	sadd.s32 @!p3 $0x5200, s17;
	s14 =	sadd.s32 @!p0 $0x80, s25  }
0x48: {  	[tilespmem:s13], [sflag:$0x1] =	stream.indirect.gather @!p0 [hbm4b:s1+s18], $0x10, s14, s18, $0xb8;
	[tilespmem:$0xAA00] =	vst v63  }
0x49: {  	p2 =	sne.s32 s9, s31;
	s13 =	sadd.s32 @!p0 $0x100, s25;
	s14 =	smov.u32 s19  }
0x4a: {  	[tilespmem:s2], [sflag:$0x1] =	stream.indirect.gather @!p0 [hbm4b:s1+s18], $0x10, s13, s18, $0xb8;
	[tilespmem:$0xAA00] =	vst v63  }
0x4b: {  	s19 =	sadd.s32 @!p0 $0x180, s25;
	s13 =	smov.u32 s20;
	s2 =	smov.u32 s5  }
0x4c: {  	[tilespmem:s30], [sflag:$0x1] =	stream.indirect.gather @!p0 [hbm4b:s1+s18], $0x10, s19, s18, $0xb8;
	[tilespmem:$0xAA00] =	vst v63  }
0x4d: {  	s5 =	sadd.s32 @!p0 $0x200, s25;
	s30 =	smov.u32 s6  }
0x4e: {  	[tilespmem:s29], [sflag:$0x1] =	stream.indirect.gather @!p0 [hbm4b:s1+s18], $0x10, s5, s18, $0xb8;
	[tilespmem:$0xAA00] =	vst v63  }
0x4f: {  	s29 =	smov.u32 s17;
	p0 =	por p3, p3;
	_ =	swait.ge [sflag:s21], $0x800  }
0x50: {  	[sflag:s21] =	ssyncset.done $0x0  }
0x51: {  	[sflag:s21] =	ssyncadd.s32 $0xFFFFF800  }
0x52: {  	_ =	swait.ge [sflag:s21], $0x800  }
0x53: {  	[sflag:s21] =	ssyncset.done $0x0  }
0x54: {  	[sflag:s21] =	ssyncadd.s32 $0xFFFFF800  }
0x55: {  	_ =	swait.ge [sflag:s21], $0x800  }
0x56: {  	[sflag:s21] =	ssyncset.done $0x0  }
0x57: {  	[sflag:s21] =	ssyncadd.s32 $0xFFFFF800  }
0x58: {  	_ =	swait.ge [sflag:s21], $0x800  }
.Ltmp2:
0x59: {  	[sflag:s21] =	ssyncset.done $0x0;
	(pc) =	sbr.rel @p2 .LBB2_5-.Ltmp2, $4  }
0x5a: {  	[sflag:s21] =	ssyncadd.s32 $0xFFFFF800  }
0x5b: {  	s28 =	sadd.s32 $0x50, s28;
	s25 =	sadd.s32 $0x280, s25;
	_ =	swait.ge [sflag:s21], $0x800  }
0x5c: {  	s26 =	sadd.s32 $0x500, s26;
	s5 =	sshra.s32 s16, $0x2;
	[sflag:s21] =	ssyncset.done $0x0  }
0x5d: {  	s15 =	sadd.s32 $0x1, s15;
	s16 =	sadd.s32 $0xA00, s5;
	[sflag:s21] =	ssyncadd.s32 $0xFFFFF800  }
.LBB2_6:
0x5e: {  	[hbm4b:s7+s3] =	stream.linear.scatter @p1 [tilespmem:s16], [sflag:$0x2], $0x2800, $0x38;
	[tilespmem:$0xAA00] =	vst v63  }
0x5f: {  	s5 =	simm.s32 @!p0 $0x0;
	s6 =	simm.s32 @!p0 $0x3  }
0x60: {  	[tilespmem:s25], [sflag:$0x3] =	stream.linear.gather @!p0 [hbm4b:s28+s5], $0x280, $0x38;
	[tilespmem:$0xAA00] =	vst v63  }
0x61: {  	_ =	swait.ge @!p0 [sflag:s6], $0x280  }
0x62: {  	[sflag:s6] =	ssyncset.done @!p0 $0x0  }
0x63: {  	s5 =	simm.s32 @!p0 $0x80;
	[sflag:s6] =	ssyncadd.s32 @!p0 $0xFFFFFD80  }
0x64: {  	[tilespmem:s14], [sflag:$0x1] =	stream.indirect.gather @!p0 [hbm4b:s1+s5], $0x10, s25, s5, $0xb8;
	[tilespmem:$0xAA00] =	vst v63  }
0x65: {  	s6 =	sadd.s32 @!p0 $0x80, s25  }
0x66: {  	[tilespmem:s13], [sflag:$0x1] =	stream.indirect.gather @!p0 [hbm4b:s1+s5], $0x10, s6, s5, $0xb8;
	[tilespmem:$0xAA00] =	vst v63  }
0x67: {  	s6 =	sadd.s32 @!p0 $0x100, s25  }
0x68: {  	[tilespmem:s2], [sflag:$0x1] =	stream.indirect.gather @!p0 [hbm4b:s1+s5], $0x10, s6, s5, $0xb8;
	[tilespmem:$0xAA00] =	vst v63  }
0x69: {  	s2 =	sadd.s32 @!p0 $0x180, s25  }
0x6a: {  	[tilespmem:s30], [sflag:$0x1] =	stream.indirect.gather @!p0 [hbm4b:s1+s5], $0x10, s2, s5, $0xb8;
	[tilespmem:$0xAA00] =	vst v63  }
0x6b: {  	s2 =	sadd.s32 @!p0 $0x200, s25  }
0x6c: {  	[tilespmem:s29], [sflag:$0x1] =	stream.indirect.gather @!p0 [hbm4b:s1+s5], $0x10, s2, s5, $0xb8;
	[tilespmem:$0xAA00] =	vst v63  }
0x6d: {  	_ =	swait.ge [sflag:s21], $0x800  }
0x6e: {  	[sflag:s21] =	ssyncset.done $0x0  }
0x6f: {  	[sflag:s21] =	ssyncadd.s32 $0xFFFFF800  }
0x70: {  	_ =	swait.ge [sflag:s21], $0x800  }
0x71: {  	[sflag:s21] =	ssyncset.done $0x0  }
0x72: {  	[sflag:s21] =	ssyncadd.s32 $0xFFFFF800  }
0x73: {  	_ =	swait.ge [sflag:s21], $0x800  }
0x74: {  	[sflag:s21] =	ssyncset.done $0x0  }
0x75: {  	[sflag:s21] =	ssyncadd.s32 $0xFFFFF800  }
0x76: {  	_ =	swait.ge [sflag:s21], $0x800  }
0x77: {  	[sflag:s21] =	ssyncset.done $0x0  }
0x78: {  	[sflag:s21] =	ssyncadd.s32 $0xFFFFF800  }
0x79: {  	_ =	swait.ge [sflag:s21], $0x800  }
0x7a: {  	s31 =	sshra.s32 s24, $0x2;
	[sflag:s21] =	ssyncset.done $0x0  }
0x7b: {  	s2 =	sadd.s32 $0xA00, s31;
	[sflag:s21] =	ssyncadd.s32 $0xFFFFF800  }
0x7c: {  	[hbm4b:s26+s3] =	stream.linear.scatter [tilespmem:s2], [sflag:$0x2], $0x2800, $0x38;
	[tilespmem:$0xAA00] =	vst v63  }
0x7d: {  	s2 =	sadd.s32 $0x1, s10  }
0x7e: {  	p0 =	seq.s32 s2, $0x0  }
.Ltmp3:
0x7f: {  	_ = 	snop;
	(pc) =	sbr.rel @p0 .LBB2_8-.Ltmp3, $3  }
0x80: {  	_ =	sdelay $0x1  }
0x81: {  	_ =	swait.ge [sflag:s22], $0x2800  }
0x82: {  	[sflag:s22] =	ssyncset.done $0x0  }
.LBB2_7:
0x83: {  	s2 =	sadd.s32 $0x1, s2  }
0x84: {  	[sflag:s22] =	ssyncadd.s32 $0xFFFFD800;
	p0 =	seq.s32 s2, $0x0  }
.Ltmp4:
0x85: {  	(pc) =	sbr.rel @!p0 .LBB2_7-.Ltmp4, $3  }
0x86: {  	_ =	sdelay $0x1  }
0x87: {  	_ =	swait.ge [sflag:s22], $0x2800  }
0x88: {  	[sflag:s22] =	ssyncset.done $0x0  }
.LBB2_8:
0x89: {  	s23 =	sadd.s32 $0x1, s23;
	s2 =	rddreg [dreg:$0x5]  }
0x8a: {  	p0 =	sne.s32 s23, s2  }
.Ltmp5:
0x8b: {  	_ = 	snop;
	(pc) =	sbr.rel @p0 .LBB2_1-.Ltmp5, $4  }
.Ltmp6:
0x8c: {  	_ = 	snop;
	(pc) =	sbr.rel @!p0 .LBB2_9-.Ltmp6, $4  }
0x8d: {  	_ = 	snop  }
0x8e: {  	_ = 	snop  }
0x8f: {  	[sflag:s22] =	ssyncadd.s32 $0xFFFFD800  }
0x90: {  	_ = 	snop  }
.LBB2_2:
.Ltmp7:
0x91: {  	(pc) =	sbr.rel .LBB2_6-.Ltmp7, $2  }
0x92: {  	_ =	sdelay $0x2  }
0x93: {  	s24 =	simm.s32 $0x0;
	s26 =	smov.u32 s0;
	s28 =	smov.u32 s8  }
.LBB2_4:
.Ltmp8:
0x94: {  	(pc) =	sbr.rel .LBB2_6-.Ltmp8, $2  }
0x95: {  	_ =	sdelay $0x2  }
0x96: {  	s7 =	smov.u32 s0  }
.LBB2_9:
0x97: {  	_ =	sfence.sel $0x180000  }
0x98: {  	[bflag:$0x0] =	sbarrier.arrive $0xFFFF  }
0x99: {  	_ =	strace $0x9000004A  }
0x9a: {  	s0 =	stileid.u32;
	[bflag:$0x2] =	sbarrier.arrive $0xFFFF  }
0x9b: {  	p0 =	sne.s32 s0, $0x0;
	s0 =	rddreg [dreg:$0x3]  }
0x9c: {  	s0 =	sadd.s32 @!p0 $0x100000, s0  }
0x9d: {  	[sflag:s0] =	ssyncadd.tile.s32 @!p0 $0x1;
	_ =	shalt  }
.Lfunc_end2:
_tile_overlayer_lowered:
.L_overlay_start_2:
0x9e: {  	(tag) =	ssettag $0x2  }
0x9f: {  	s0 =	rddreg [dreg:$0x0];
	s2 =	stileid.u32  }
0xa0: {  	s1 =	rddreg [dreg:$0x1];
	p0 =	sne.s32 s2, $0x0  }
0xa1: {  	s3 =	rddreg [dreg:$0x2];
	[bflag:$0x3] =	sbarrier.arrive $0xFFFF;
	s2 =	simm.s32 @!p0 $0x1C03  }
0xa2: {  	[timem:s3], [sflag:s2] =	dma.local @!p0 [hbm:s0], s1  }
0xa3: {  	s0 =	simm.s32 @!p0 $0x3  }
0xa4: {  	_ =	swait.ge @!p0 [sflag:s0], s1  }
0xa5: {  	s1 =	ssub.s32 @!p0 $0x0, s1;
	[sflag:s0] =	ssyncset.done @!p0 $0x0  }
0xa6: {  	[sflag:s0] =	ssyncadd.s32 @!p0 s1  }
0xa7: {  	[bflag:$0x3] =	sbarrier.arrive $0xFFFF  }
0xa8: {  	_ =	shalt  }

// kernel: kernel.13.cloned.1.call-start
scs
__scs_entry_jumppad:
0x0: {  	(pc) =	sbr.rel $0x88, $3  }
0x1: {  	(tag) =	ssettag $0x0;
	lr =	simm.s32 $0x1  }
0x2: {  	[smem:$0x3F94] =	sst lr;
	_ =	strace $0xD0000000  }
0x3: {  	_ = 	snop  }
0x4: {  	_ = 	snop  }
0x5: {  	_ = 	snop  }
0x6: {  	_ = 	snop  }
0x7: {  	_ = 	snop  }
__scs_overlays_trampoline_lowered:
0x8: {  	[smem:$0x3FA3] =	sst s0  }
0x9: {  	[smem:$0x3FA4] =	sst s1  }
0xa: {  	[smem:$0x3FA5] =	sst s2  }
0xb: {  	[smem:$0x3FA6] =	sst s3  }
0xc: {  	[smem:$0x3FA7] =	sst s4  }
0xd: {  	[smem:$0x3FA8] =	sst s5  }
0xe: {  	[smem:$0x3FA9] =	sst s6  }
0xf: {  	[smem:$0x3FAA] =	sst s7  }
0x10: {  	[smem:$0x3FAB] =	sst s8  }
0x11: {  	[smem:$0x3FAC] =	sst s9;
	s0 =	simm.s32 @!p0 $0x0  }
0x12: {  	s1 =	sld [smem:$0x3F92];
	s0 =	simm.s32 @p0 $0x1  }
0x13: {  	[smem:$0x3FAD] =	sst s0;
	s0 =	simm.s32 @!p1 $0x0  }
0x14: {  	s2 =	sld [smem:$0x3F91];
	s0 =	simm.s32 @p1 $0x1  }
0x15: {  	[smem:$0x3FAE] =	sst s0;
	s0 =	simm.s32 @!p2 $0x0  }
0x16: {  	s3 =	sld [smem:$0x3FDB];
	s0 =	simm.s32 @p2 $0x1  }
0x17: {  	s4 =	simm.s32 $0x1BF5;
	[smem:$0x3FB0] =	sst s0  }
0x18: {  	s0 =	sld [smem:$0x3F93];
	_ =	swait.ge [sflag:s4], $0x0  }
0x19: {  	s7 =	sld [smem:$0x3F94]  }
0x1a: {  	s8 =	sadd.s32 $0xFFFFE003, lr  }
0x1b: {  	s9 =	sadd.s32 $0xFFFFFEF7, lr;
	s5 =	simm.s32 $0xFFFFFFFF;
	p2 =	slt.u32 s8, $0xFFFFF086  }
0x1c: {  	p1 =	slt.u32 s9, $0xF7A;
	s5 =	simm.s32 @!p2 $0x0  }
0x1d: {  	s5 =	simm.s32 @p1 $0x1;
	p0 =	seq.s32 s7, s2  }
0x1e: {  	s7 =	smul.u32 @!p0 $0xF7A, s2;
	p2 =	seq.s32 @!p0 s5, $0x0  }
0x1f: {  	s9 =	smul.u32 $0xF7A, s1;
	s8 =	simm.s32 @!p0 $0x1BF5;
	p2 =	por !p2, p0  }
0x20: {  	[sflag:s8] =	ssyncset.s32 @!p0 $0xFFFFF086;
	s6 =	sadd.s32 @!p0 s3, s7;
	s7 =	simm.s32 @!p0 $0x108  }
0x21: {  	s3 =	sadd.s32 s3, s9;
	s6 =	sadd.s32 @!p0 $0x88, s6;
	s7 =	simm.s32 @p2 $0x1082  }
0x22: {  	[simem:s7], [sflag:s8] =	dma.local @!p0 [hbm:s6], $0xF7A  }
0x23: {  	s9 =	sor.u32 $0xD0000000, s2;
	s6 =	simm.s32 $0x108;
	_ =	swait.ge @!p0 [sflag:s8], $0x0  }
0x24: {  	s3 =	sadd.s32 $0x88, s3;
	s6 =	simm.s32 @!p1 $0x1082;
	[sflag:s4] =	ssyncset.s32 $0xFFFFF086  }
0x25: {  	[simem:s6], [sflag:s4] =	dma.local [hbm:s3], $0xF7A  }
0x26: {  	[smem:$0x3F94] =	sst s1;
	(tag) =	ssettag s2;
	_ =	strace s9  }
0x27: {  	s1 =	sld [smem:$0x3FA4]  }
0x28: {  	s2 =	sld [smem:$0x3FA5]  }
0x29: {  	s4 =	sld [smem:$0x3FA7]  }
0x2a: {  	p0 =	seq.s32 s5, $0x0;
	s5 =	sld [smem:$0x3FA8]  }
0x2b: {  	s6 =	sld [smem:$0x3FA9]  }
0x2c: {  	s7 =	sld [smem:$0x3FAA]  }
0x2d: {  	s3 =	simm.s32 $0x108;
	s8 =	sld [smem:$0x3FAB]  }
0x2e: {  	s3 =	simm.s32 @!p0 $0x1082;
	s9 =	sld [smem:$0x3FAC]  }
0x2f: {  	lr =	sadd.s32 s0, s3;
	s0 =	sld [smem:$0x3FA3]  }
0x30: {  	s3 =	sld [smem:$0x3FA6]  }
0x31: {  	[smem:$0x3FAF] =	sst s10  }
0x32: {  	s10 =	sld [smem:$0x3FAD];
	_ =	sdelay $0x3  }
0x33: {  	p0 =	seq.s32 s10, $0x1;
	s10 =	sld [smem:$0x3FAF];
	_ =	sdelay $0x3  }
0x34: {  	[smem:$0x3FAF] =	sst s10  }
0x35: {  	s10 =	sld [smem:$0x3FAE];
	_ =	sdelay $0x3  }
0x36: {  	p1 =	seq.s32 s10, $0x1;
	s10 =	sld [smem:$0x3FAF];
	_ =	sdelay $0x3  }
0x37: {  	[smem:$0x3FAF] =	sst s10  }
0x38: {  	s10 =	sld [smem:$0x3FB0]  }
0x39: {  	_ = 	snop;
	(pc) =	sbr.ind lr, $3  }
0x3a: {  	_ = 	snop  }
0x3b: {  	_ = 	snop  }
0x3c: {  	p2 =	seq.s32 s10, $0x1;
	s10 =	sld [smem:$0x3FAF]  }
0x3d: {  	_ =	shalt  }
0x3e: {  	_ =	shalt  }
0x3f: {  	_ =	shalt  }
0x40: {  	_ =	shalt  }
0x41: {  	_ =	shalt  }
0x42: {  	_ =	shalt  }
0x43: {  	_ =	shalt  }
0x44: {  	_ =	shalt  }
0x45: {  	_ =	shalt  }
0x46: {  	_ =	shalt  }
0x47: {  	_ =	shalt  }
0x48: {  	_ =	shalt  }
0x49: {  	_ =	shalt  }
0x4a: {  	_ =	shalt  }
0x4b: {  	_ =	shalt  }
0x4c: {  	_ =	shalt  }
0x4d: {  	_ =	shalt  }
0x4e: {  	_ =	shalt  }
0x4f: {  	_ =	shalt  }
0x50: {  	_ =	shalt  }
0x51: {  	_ =	shalt  }
0x52: {  	_ =	shalt  }
0x53: {  	_ =	shalt  }
0x54: {  	_ =	shalt  }
0x55: {  	_ =	shalt  }
0x56: {  	_ =	shalt  }
0x57: {  	_ =	shalt  }
0x58: {  	_ =	shalt  }
0x59: {  	_ =	shalt  }
0x5a: {  	_ =	shalt  }
0x5b: {  	_ =	shalt  }
0x5c: {  	_ =	shalt  }
0x5d: {  	_ =	shalt  }
0x5e: {  	_ =	shalt  }
0x5f: {  	_ =	shalt  }
0x60: {  	_ =	shalt  }
0x61: {  	_ =	shalt  }
0x62: {  	_ =	shalt  }
0x63: {  	_ =	shalt  }
0x64: {  	_ =	shalt  }
0x65: {  	_ =	shalt  }
0x66: {  	_ =	shalt  }
0x67: {  	_ =	shalt  }
0x68: {  	_ =	shalt  }
0x69: {  	_ =	shalt  }
0x6a: {  	_ =	shalt  }
0x6b: {  	_ =	shalt  }
0x6c: {  	_ =	shalt  }
0x6d: {  	_ =	shalt  }
0x6e: {  	_ =	shalt  }
0x6f: {  	_ =	shalt  }
0x70: {  	_ =	shalt  }
0x71: {  	_ =	shalt  }
0x72: {  	_ =	shalt  }
0x73: {  	_ =	shalt  }
0x74: {  	_ =	shalt  }
0x75: {  	_ =	shalt  }
0x76: {  	_ =	shalt  }
0x77: {  	_ =	shalt  }
0x78: {  	_ =	shalt  }
0x79: {  	_ =	shalt  }
0x7a: {  	_ =	shalt  }
0x7b: {  	_ =	shalt  }
0x7c: {  	_ =	shalt  }
0x7d: {  	_ =	shalt  }
0x7e: {  	_ =	shalt  }
0x7f: {  	_ =	shalt  }
0x80: {  	_ =	shalt  }
0x81: {  	_ =	shalt  }
0x82: {  	_ =	shalt  }
0x83: {  	_ =	shalt  }
0x84: {  	_ =	shalt  }
0x85: {  	_ =	shalt  }
0x86: {  	_ =	shalt  }
0x87: {  	_ =	shalt  }
.Lfunc_end0:
.L_simem_size_0:
called_computation.1_lowered:
.L_overlay_start_0:
0x88: {  	s2 =	sld [smem:$0x3FD9]  }
0x89: {  	s3 =	sld [smem:$0x3FFE];
	_ =	sdelay $0x1  }
0x8a: {  	s1 =	srdreg.scid  }
0x8b: {  	s0 =	sand.u32 $0x1, s1  }
0x8c: {  	s14 =	sshll.u32 s0, $0xA;
	s2 =	sadd.s32 s3, s2  }
0x8d: {  	s2 =	sadd.s32 s2, s14  }
0x8e: {  	[smem:$0x3FBB] =	sst s2  }
0x8f: {  	_ = 	snop  }
0x90: {  	s2 =	sld [smem:$0x3FD0];
	_ =	sdelay $0x2  }
0x91: {  	s15 =	simm.s32 $0xB;
	s4 =	simm.s32 $0x10  }
0x92: {  	[smem:s4], [sflag:s15] =	dma.local [hbm:s2], $0x1  }
0x93: {  	_ =	swait.eq [sflag:s15], $0x1  }
0x94: {  	[sflag:s15] =	ssyncset.done $0x0  }
0x95: {  	s16 =	sld [smem:$0x10];
	[sflag:s15] =	ssyncadd.s32 $0xFFFFFFFF  }
0x96: {  	s17 =	sld [smem:$0x11];
	(tm) =	ssettm $0x1  }
0x97: {  	s18 =	sld [smem:$0x3FFB];
	_ =	sdelay $0x3  }
0x98: {  	_ =	strace s18  }
0x99: {  	s4 =	sld [smem:$0x3FFC];
	_ =	sdelay $0x3  }
0x9a: {  	_ =	strace s4  }
0x9b: {  	s4 =	sld [smem:$0x3FFD];
	_ =	sdelay $0x3  }
0x9c: {  	_ =	strace s4  }
0x9d: {  	_ =	strace $0x8FFFFFFF  }
0x9e: {  	s19 =	sld [smem:$0x3FDB];
	_ =	sdelay $0x1  }
0x9f: {  	s5 =	simm.s32 $_scs_section_size  }
0xa0: {  	s6 =	simm.s32 $_size__tile_overlayer_lowered;
	s7 =	simm.s32 $_tile_overlayer_lowered  }
0xa1: {  	s22 =	simm.s32 $0x1BFF;
	s21 =	sshll.u32 s7, $0x1;
	s4 =	sadd.s32 s5, s19  }
0xa2: {  	s8 =	simm.s32 $0x0;
	s20 =	sshll.u32 s6, $0x1;
	s6 =	sadd.s32 s21, s4  }
0xa3: {  	[timem:s8], [sflag:s22] =	dma.local [hbm:s6], s20  }
0xa4: {  	_ =	swait.ge [sflag:s22], s20  }
0xa5: {  	s5 =	ssub.s32 $0x0, s20;
	[sflag:s22] =	ssyncset.done $0x0  }
0xa6: {  	[sflag:s22] =	ssyncadd.s32 s5;
	_ =	sdelay $0x1  }
0xa7: {  	s23 =	simm.s32 $0x1B8B  }
0xa8: {  	_ =	swait.ge [sflag:s23], $0x1  }
0xa9: {  	[sflag:s23] =	ssyncset.done $0x0  }
0xaa: {  	s25 =	simm.s32 $0x1B8E;
	s24 =	sld [smem:$0x3FFE];
	[sflag:s23] =	ssyncadd.s32 $0xFFFFFFFF  }
0xab: {  	s26 =	simm.s32 $execute0_lowered;
	[smem:$0x3FD2] =	sst s25  }
0xac: {  	s6 =	sshll.u32 s26, $0x1;
	_ =	strace $0x80000046;
	[dreg:$0x1] =	wrdreg $0xFFFFFFFF  }
0xad: {  	s28 =	simm.s32 $_size_execute0_lowered;
	s4 =	sadd.s32 s4, s6;
	[dreg:$0x0] =	wrdreg $0x0  }
0xae: {  	s6 =	sshll.u32 s28, $0x1;
	[dreg:$0x2] =	wrdreg s4  }
0xaf: {  	[dreg:$0x3] =	wrdreg s6  }
0xb0: {  	[dreg:$0x4] =	wrdreg $0xC0  }
0xb1: {  	_ =	task [dreg:s8], $0x5FFFF  }
0xb2: {  	[dreg:$0x1] =	wrdreg $0xFFFFFFFF  }
0xb3: {  	[dreg:$0x0] =	wrdreg $0x60  }
0xb4: {  	[dreg:$0x2] =	wrdreg s17  }
0xb5: {  	[dreg:$0x3] =	wrdreg s16  }
0xb6: {  	[dreg:$0x4] =	wrdreg s24  }
0xb7: {  	[dreg:$0x5] =	wrdreg $0xA  }
0xb8: {  	_ =	task.clear_ibuf [dreg:s8], $0x6FFFF;
	_ =	strace $0x90000046  }
0xb9: {  	s29 =	simm.s32 $0xA;
	_ =	strace $0x80000048  }
0xba: {  	_ =	swait.ge [sflag:s29], $0x1  }
0xbb: {  	[sflag:s29] =	ssyncadd.s32 $0xFFFFFFFF  }
0xbc: {  	_ =	strace $0x90000048  }
0xbd: {  	_ =	sfence  }
0xbe: {  	s30 =	sld [smem:$0x0];
	_ =	sdelay $0x2  }
0xbf: {  	s31 =	sshll.u32 s1, $0xD;
	s1 =	sshrl.u32 s1, $0x2  }
0xc0: {  	s3 =	sand.u32 $0x4000, s31;
	s1 =	sadd.s32 s1, s30  }
0xc1: {  	s0 =	sor.u32 s3, s0;
	s1 =	sshll.u32 s1, $0x11  }
0xc2: {  	s0 =	sor.u32 s1, s0  }
0xc3: {  	s0 =	sadd.s32 $0x8F2B, s0  }
0xc4: {  	[sflag:s0] =	ssyncadd.remote.s32 $0x1  }
0xc5: {  	_ =	sfence.sel $0xFFFF  }
0xc6: {  	[dreg:$0x0] =	wrdreg $0xFFFFFFFF;
	(pc) =	sbr.abs _section_cstart, $3  }
0xc7: {  	[dreg:$0x1] =	wrdreg $0xFFFFFFFF  }
0xc8: {  	_ =	task.clear_ibuf [dreg:s8], $0x2FFFF;
	_ =	strace $0x9FFFFFFF  }
0xc9: {  	(tm) =	ssettm $0x7FFFFFFF  }
tec
execute0_lowered:
.L_overlay_start_1:
0x0: {  	(tag) =	ssettag $0x1  }
0x1: {  	s10 =	stileid.u32;
	s1 =	rddreg [dreg:$0x0]  }
0x2: {  	s0 =	srdreg.scid;
	s6 =	rddreg [dreg:$0x1]  }
0x3: {  	s4 =	rddreg [dreg:$0x2];
	s7 =	smul.u32 $0x2800, s10  }
0x4: {  	s3 =	simm.s32 $0x0;
	s12 =	simm.s32 $0x80;
	s9 =	smul.u32 $0xFFFFFFD8, s10  }
0x5: {  	s21 =	simm.s32 $0x1;
	s0 =	sand.u32 $0x1, s0;
	s26 =	smul.u32 $0x28, s10  }
0x6: {  	s22 =	simm.s32 $0x2;
	s23 =	simm.s32 $0x0;
	s8 =	smul.u32 $0xFFFFFFEC, s0  }
0x7: {  	s2 =	sshll.u32 s10, $0x1;
	[smem:$0x7FF] =	sst s3;
	s11 =	smul.u32 $0x14, s0  }
0x8: {  	s2 =	sor.u32 s0, s2;
	s25 =	ssub.s32 $0x2, s0;
	s0 =	smul.u32 $0x1400, s0  }
0x9: {  	_ =	strace $0x80000047;
	s5 =	smul.u32 $0x14, s2;
	s7 =	sadd.s32 s7, s4  }
0xa: {  	s2 =	smul.u32 $0xA00, s2;
	s28 =	sshrl.u32 s25, $0x1;
	s24 =	sadd.s32 s9, s8  }
0xb: {  	s8 =	ssub.s32 s25, s28;
	s9 =	sadd.s32 s11, s26;
	s0 =	sadd.s32 s0, s7  }
0xc: {  	s11 =	simm.s32 $0x3;
	s5 =	ssub.s32 $0x271, s5;
	s4 =	sadd.s32 $0x271, s24  }
0xd: {  	s2 =	sshrl.u32 s2, $0x3;
	s31 =	smax.u32 s8, $0x1;
	s5 =	smin.u32 s5, $0x14  }
0xe: {  	s4 =	smin.u32 s4, $0x14;
	s2 =	sadd.s32 s6, s2;
	s5 =	smul.u32 $0x34, s5  }
0xf: {  	[dreg:$0x5] =	wrdreg s31;
	s29 =	smul.u32 $0x34, s4;
	s2 =	sadd.s32 $0x2710, s2  }
0x10: {  	s30 =	sshll.u32 s9, $0x4;
	s0 =	sadd.s32 $0x3000, s0;
	[dreg:$0x4] =	wrdreg s2  }
0x11: {  	s2 =	sadd.s32 s6, s30;
	s4 =	sshrl.u32 s5, $0x8;
	s10 =	sshrl.u32 s29, $0x8  }
0x12: {  	s8 =	sadd.s32 $0x2760, s2;
	s9 =	smul.u32 $0xA000, s10;
	s10 =	ssub.s32 $0x0, s10  }
.LBB2_1:
0x13: {  	s2 =	rddreg [dreg:$0x4]  }
0x14: {  	[tilespmem:s3], [sflag:$0x3] =	stream.linear.gather [hbm4b:s2+s3], $0x280, $0x38;
	[tilespmem:$0xAA00] =	vst v63  }
0x15: {  	s19 =	simm.s32 $0xA00;
	_ =	swait.ge [sflag:s11], $0x280  }
0x16: {  	s20 =	simm.s32 $0x1200;
	s24 =	simm.s32 $0x100;
	[sflag:s11] =	ssyncset.done $0x0  }
0x17: {  	s5 =	simm.s32 $0x1A00;
	s25 =	simm.s32 $0x180;
	[sflag:s11] =	ssyncadd.s32 $0xFFFFFD80  }
0x18: {  	[tilespmem:s19], [sflag:$0x1] =	stream.indirect.gather [hbm4b:s1+s12], $0x10, s3, s12, $0xb8;
	[tilespmem:$0xAA00] =	vst v63  }
0x19: {  	s26 =	simm.s32 $0x2200;
	s28 =	simm.s32 $0x200;
	s31 =	simm.s32 $0x2A00  }
0x1a: {  	[tilespmem:s20], [sflag:$0x1] =	stream.indirect.gather [hbm4b:s1+s12], $0x10, s12, s12, $0xb8;
	[tilespmem:$0xAA00] =	vst v63  }
0x1b: {  	p0 =	sle.u32 s4, $0x1;
	p1 =	por $0x0, $0x0;
	p2 =	sne.s32 s9, $0xA000  }
0x1c: {  	[tilespmem:s5], [sflag:$0x1] =	stream.indirect.gather [hbm4b:s1+s12], $0x10, s24, s12, $0xb8;
	[tilespmem:$0xAA00] =	vst v63  }
.Ltmp0:
0x1d: {  	s14 =	simm.s32 @!p0 $0x3200;
	s13 =	simm.s32 @!p0 $0x3A00;
	(pc) =	sbr.rel @!p2 .LBB2_2-.Ltmp0, $4  }
0x1e: {  	s2 =	simm.s32 @!p0 $0x4200;
	s30 =	simm.s32 @!p0 $0x4A00;
	s29 =	simm.s32 @!p0 $0x5200  }
0x1f: {  	[tilespmem:s26], [sflag:$0x1] =	stream.indirect.gather [hbm4b:s1+s12], $0x10, s25, s12, $0xb8;
	[tilespmem:$0xAA00] =	vst v63  }
0x20: {  	p0 =	por p0, p0;
	s24 =	simm.s32 $0xA000;
	s25 =	simm.s32 $0x280  }
0x21: {  	[tilespmem:s31], [sflag:$0x1] =	stream.indirect.gather [hbm4b:s1+s12], $0x10, s28, s12, $0xb8;
	[tilespmem:$0xAA00] =	vst v63  }
0x22: {  	s7 =	simm.s32 @!p0 $0x0;
	s15 =	simm.s32 @!p0 $0x3  }
0x23: {  	[tilespmem:s25], [sflag:$0x3] =	stream.linear.gather @!p0 [hbm4b:s8+s7], $0x280, $0x38;
	[tilespmem:$0xAA00] =	vst v63  }
0x24: {  	_ =	swait.ge @!p0 [sflag:s15], $0x280  }
0x25: {  	[sflag:s15] =	ssyncset.done @!p0 $0x0  }
0x26: {  	s7 =	simm.s32 @!p0 $0x80;
	[sflag:s15] =	ssyncadd.s32 @!p0 $0xFFFFFD80  }
0x27: {  	[tilespmem:s14], [sflag:$0x1] =	stream.indirect.gather @!p0 [hbm4b:s1+s7], $0x10, s25, s7, $0xb8;
	[tilespmem:$0xAA00] =	vst v63  }
0x28: {  	s14 =	simm.s32 @!p0 $0x300  }
0x29: {  	[tilespmem:s13], [sflag:$0x1] =	stream.indirect.gather @!p0 [hbm4b:s1+s7], $0x10, s14, s7, $0xb8;
	[tilespmem:$0xAA00] =	vst v63  }
0x2a: {  	s13 =	simm.s32 @!p0 $0x380  }
0x2b: {  	[tilespmem:s2], [sflag:$0x1] =	stream.indirect.gather @!p0 [hbm4b:s1+s7], $0x10, s13, s7, $0xb8;
	[tilespmem:$0xAA00] =	vst v63  }
0x2c: {  	s2 =	simm.s32 @!p0 $0x400  }
0x2d: {  	[tilespmem:s30], [sflag:$0x1] =	stream.indirect.gather @!p0 [hbm4b:s1+s7], $0x10, s2, s7, $0xb8;
	[tilespmem:$0xAA00] =	vst v63  }
0x2e: {  	s2 =	simm.s32 @!p0 $0x480  }
0x2f: {  	[tilespmem:s29], [sflag:$0x1] =	stream.indirect.gather @!p0 [hbm4b:s1+s7], $0x10, s2, s7, $0xb8;
	[tilespmem:$0xAA00] =	vst v63  }
0x30: {  	_ =	swait.ge [sflag:s21], $0x800  }
0x31: {  	[sflag:s21] =	ssyncset.done $0x0  }
0x32: {  	[sflag:s21] =	ssyncadd.s32 $0xFFFFF800  }
0x33: {  	_ =	swait.ge [sflag:s21], $0x800  }
0x34: {  	[sflag:s21] =	ssyncset.done $0x0  }
0x35: {  	[sflag:s21] =	ssyncadd.s32 $0xFFFFF800  }
0x36: {  	s31 =	simm.s32 $0x14000;
	_ =	swait.ge [sflag:s21], $0x800  }
0x37: {  	p2 =	sne.s32 s9, $0x14000;
	s28 =	sadd.s32 $0x50, s8;
	[sflag:s21] =	ssyncset.done $0x0  }
0x38: {  	s26 =	sadd.s32 $0x500, s0;
	s16 =	simm.s32 $0xA00;
	[sflag:s21] =	ssyncadd.s32 $0xFFFFF800  }
0x39: {  	p1 =	por $0x1, $0x1;
	s15 =	simm.s32 $0x3;
	_ =	swait.ge [sflag:s21], $0x800  }
.Ltmp1:
0x3a: {  	s25 =	simm.s32 $0x500;
	[sflag:s21] =	ssyncset.done $0x0;
	(pc) =	sbr.rel @!p2 .LBB2_4-.Ltmp1, $4  }
0x3b: {  	p0 =	sle.u32 s4, $0x2;
	s7 =	smov.u32 s0;
	[sflag:s21] =	ssyncadd.s32 $0xFFFFF800  }
0x3c: {  	s14 =	simm.s32 @!p0 $0x5A00;
	s13 =	simm.s32 @!p0 $0x6200;
	_ =	swait.ge [sflag:s21], $0x800  }
0x3d: {  	s2 =	simm.s32 @!p0 $0x6A00;
	s30 =	simm.s32 @!p0 $0x7200;
	[sflag:s21] =	ssyncset.done $0x0  }
0x3e: {  	s29 =	simm.s32 @!p0 $0x7A00;
	p0 =	por p0, p0;
	[sflag:s21] =	ssyncadd.s32 $0xFFFFF800  }
.LBB2_5:
0x3f: {  	[hbm4b:s7+s3] =	stream.linear.scatter [tilespmem:s16], [sflag:$0x2], $0x2800, $0x38;
	[tilespmem:$0xAA00] =	vst v63  }
0x40: {  	s16 =	smov.u32 s24;
	s24 =	smov.u32 s31;
	s7 =	smov.u32 s26  }
0x41: {  	p3 =	sge.u32 s15, s4;
	s17 =	simm.s32 @!p0 $0x0;
	s18 =	simm.s32 @!p0 $0x3  }
0x42: {  	[tilespmem:s25], [sflag:$0x3] =	stream.linear.gather @!p0 [hbm4b:s28+s17], $0x280, $0x38;
	[tilespmem:$0xAA00] =	vst v63  }
0x43: {  	s31 =	sadd.s32 $0xA000, s31;
	s17 =	sshra.s32 @!p3 s24, $0x2;
	_ =	swait.ge @!p0 [sflag:s18], $0x280  }
0x44: {  	s19 =	sadd.s32 @!p3 $0x3200, s17;
	s20 =	sadd.s32 @!p3 $0x3A00, s17;
	[sflag:s18] =	ssyncset.done @!p0 $0x0  }
0x45: {  	s5 =	sadd.s32 @!p3 $0x4200, s17;
	[sflag:s18] =	ssyncadd.s32 @!p0 $0xFFFFFD80;
	s18 =	simm.s32 @!p0 $0x80  }
0x46: {  	[tilespmem:s14], [sflag:$0x1] =	stream.indirect.gather @!p0 [hbm4b:s1+s18], $0x10, s25, s18, $0xb8;
	[tilespmem:$0xAA00] =	vst v63  }
0x47: {  	s6 =	sadd.s32 @!p3 $0x4A00, s17;
	s17 =	sadd.s32 @!p3 $0x5200, s17;
	s14 =	sadd.s32 @!p0 $0x80, s25  }
0x48: {  	[tilespmem:s13], [sflag:$0x1] =	stream.indirect.gather @!p0 [hbm4b:s1+s18], $0x10, s14, s18, $0xb8;
	[tilespmem:$0xAA00] =	vst v63  }
0x49: {  	p2 =	sne.s32 s9, s31;
	s13 =	sadd.s32 @!p0 $0x100, s25;
	s14 =	smov.u32 s19  }
0x4a: {  	[tilespmem:s2], [sflag:$0x1] =	stream.indirect.gather @!p0 [hbm4b:s1+s18], $0x10, s13, s18, $0xb8;
	[tilespmem:$0xAA00] =	vst v63  }
0x4b: {  	s19 =	sadd.s32 @!p0 $0x180, s25;
	s13 =	smov.u32 s20;
	s2 =	smov.u32 s5  }
0x4c: {  	[tilespmem:s30], [sflag:$0x1] =	stream.indirect.gather @!p0 [hbm4b:s1+s18], $0x10, s19, s18, $0xb8;
	[tilespmem:$0xAA00] =	vst v63  }
0x4d: {  	s5 =	sadd.s32 @!p0 $0x200, s25;
	s30 =	smov.u32 s6  }
0x4e: {  	[tilespmem:s29], [sflag:$0x1] =	stream.indirect.gather @!p0 [hbm4b:s1+s18], $0x10, s5, s18, $0xb8;
	[tilespmem:$0xAA00] =	vst v63  }
0x4f: {  	s29 =	smov.u32 s17;
	p0 =	por p3, p3;
	_ =	swait.ge [sflag:s21], $0x800  }
0x50: {  	[sflag:s21] =	ssyncset.done $0x0  }
0x51: {  	[sflag:s21] =	ssyncadd.s32 $0xFFFFF800  }
0x52: {  	_ =	swait.ge [sflag:s21], $0x800  }
0x53: {  	[sflag:s21] =	ssyncset.done $0x0  }
0x54: {  	[sflag:s21] =	ssyncadd.s32 $0xFFFFF800  }
0x55: {  	_ =	swait.ge [sflag:s21], $0x800  }
0x56: {  	[sflag:s21] =	ssyncset.done $0x0  }
0x57: {  	[sflag:s21] =	ssyncadd.s32 $0xFFFFF800  }
0x58: {  	_ =	swait.ge [sflag:s21], $0x800  }
.Ltmp2:
0x59: {  	[sflag:s21] =	ssyncset.done $0x0;
	(pc) =	sbr.rel @p2 .LBB2_5-.Ltmp2, $4  }
0x5a: {  	[sflag:s21] =	ssyncadd.s32 $0xFFFFF800  }
0x5b: {  	s28 =	sadd.s32 $0x50, s28;
	s25 =	sadd.s32 $0x280, s25;
	_ =	swait.ge [sflag:s21], $0x800  }
0x5c: {  	s26 =	sadd.s32 $0x500, s26;
	s5 =	sshra.s32 s16, $0x2;
	[sflag:s21] =	ssyncset.done $0x0  }
0x5d: {  	s15 =	sadd.s32 $0x1, s15;
	s16 =	sadd.s32 $0xA00, s5;
	[sflag:s21] =	ssyncadd.s32 $0xFFFFF800  }
.LBB2_6:
0x5e: {  	[hbm4b:s7+s3] =	stream.linear.scatter @p1 [tilespmem:s16], [sflag:$0x2], $0x2800, $0x38;
	[tilespmem:$0xAA00] =	vst v63  }
0x5f: {  	s5 =	simm.s32 @!p0 $0x0;
	s6 =	simm.s32 @!p0 $0x3  }
0x60: {  	[tilespmem:s25], [sflag:$0x3] =	stream.linear.gather @!p0 [hbm4b:s28+s5], $0x280, $0x38;
	[tilespmem:$0xAA00] =	vst v63  }
0x61: {  	_ =	swait.ge @!p0 [sflag:s6], $0x280  }
0x62: {  	[sflag:s6] =	ssyncset.done @!p0 $0x0  }
0x63: {  	s5 =	simm.s32 @!p0 $0x80;
	[sflag:s6] =	ssyncadd.s32 @!p0 $0xFFFFFD80  }
0x64: {  	[tilespmem:s14], [sflag:$0x1] =	stream.indirect.gather @!p0 [hbm4b:s1+s5], $0x10, s25, s5, $0xb8;
	[tilespmem:$0xAA00] =	vst v63  }
0x65: {  	s6 =	sadd.s32 @!p0 $0x80, s25  }
0x66: {  	[tilespmem:s13], [sflag:$0x1] =	stream.indirect.gather @!p0 [hbm4b:s1+s5], $0x10, s6, s5, $0xb8;
	[tilespmem:$0xAA00] =	vst v63  }
0x67: {  	s6 =	sadd.s32 @!p0 $0x100, s25  }
0x68: {  	[tilespmem:s2], [sflag:$0x1] =	stream.indirect.gather @!p0 [hbm4b:s1+s5], $0x10, s6, s5, $0xb8;
	[tilespmem:$0xAA00] =	vst v63  }
0x69: {  	s2 =	sadd.s32 @!p0 $0x180, s25  }
0x6a: {  	[tilespmem:s30], [sflag:$0x1] =	stream.indirect.gather @!p0 [hbm4b:s1+s5], $0x10, s2, s5, $0xb8;
	[tilespmem:$0xAA00] =	vst v63  }
0x6b: {  	s2 =	sadd.s32 @!p0 $0x200, s25  }
0x6c: {  	[tilespmem:s29], [sflag:$0x1] =	stream.indirect.gather @!p0 [hbm4b:s1+s5], $0x10, s2, s5, $0xb8;
	[tilespmem:$0xAA00] =	vst v63  }
0x6d: {  	_ =	swait.ge [sflag:s21], $0x800  }
0x6e: {  	[sflag:s21] =	ssyncset.done $0x0  }
0x6f: {  	[sflag:s21] =	ssyncadd.s32 $0xFFFFF800  }
0x70: {  	_ =	swait.ge [sflag:s21], $0x800  }
0x71: {  	[sflag:s21] =	ssyncset.done $0x0  }
0x72: {  	[sflag:s21] =	ssyncadd.s32 $0xFFFFF800  }
0x73: {  	_ =	swait.ge [sflag:s21], $0x800  }
0x74: {  	[sflag:s21] =	ssyncset.done $0x0  }
0x75: {  	[sflag:s21] =	ssyncadd.s32 $0xFFFFF800  }
0x76: {  	_ =	swait.ge [sflag:s21], $0x800  }
0x77: {  	[sflag:s21] =	ssyncset.done $0x0  }
0x78: {  	[sflag:s21] =	ssyncadd.s32 $0xFFFFF800  }
0x79: {  	_ =	swait.ge [sflag:s21], $0x800  }
0x7a: {  	s31 =	sshra.s32 s24, $0x2;
	[sflag:s21] =	ssyncset.done $0x0  }
0x7b: {  	s2 =	sadd.s32 $0xA00, s31;
	[sflag:s21] =	ssyncadd.s32 $0xFFFFF800  }
0x7c: {  	[hbm4b:s26+s3] =	stream.linear.scatter [tilespmem:s2], [sflag:$0x2], $0x2800, $0x38;
	[tilespmem:$0xAA00] =	vst v63  }
0x7d: {  	s2 =	sadd.s32 $0x1, s10  }
0x7e: {  	p0 =	seq.s32 s2, $0x0  }
.Ltmp3:
0x7f: {  	_ = 	snop;
	(pc) =	sbr.rel @p0 .LBB2_8-.Ltmp3, $3  }
0x80: {  	_ =	sdelay $0x1  }
0x81: {  	_ =	swait.ge [sflag:s22], $0x2800  }
0x82: {  	[sflag:s22] =	ssyncset.done $0x0  }
.LBB2_7:
0x83: {  	s2 =	sadd.s32 $0x1, s2  }
0x84: {  	[sflag:s22] =	ssyncadd.s32 $0xFFFFD800;
	p0 =	seq.s32 s2, $0x0  }
.Ltmp4:
0x85: {  	(pc) =	sbr.rel @!p0 .LBB2_7-.Ltmp4, $3  }
0x86: {  	_ =	sdelay $0x1  }
0x87: {  	_ =	swait.ge [sflag:s22], $0x2800  }
0x88: {  	[sflag:s22] =	ssyncset.done $0x0  }
.LBB2_8:
0x89: {  	s23 =	sadd.s32 $0x1, s23;
	s2 =	rddreg [dreg:$0x5]  }
0x8a: {  	p0 =	sne.s32 s23, s2  }
.Ltmp5:
0x8b: {  	_ = 	snop;
	(pc) =	sbr.rel @p0 .LBB2_1-.Ltmp5, $4  }
.Ltmp6:
0x8c: {  	_ = 	snop;
	(pc) =	sbr.rel @!p0 .LBB2_9-.Ltmp6, $4  }
0x8d: {  	_ = 	snop  }
0x8e: {  	_ = 	snop  }
0x8f: {  	[sflag:s22] =	ssyncadd.s32 $0xFFFFD800  }
0x90: {  	_ = 	snop  }
.LBB2_2:
.Ltmp7:
0x91: {  	(pc) =	sbr.rel .LBB2_6-.Ltmp7, $2  }
0x92: {  	_ =	sdelay $0x2  }
0x93: {  	s24 =	simm.s32 $0x0;
	s26 =	smov.u32 s0;
	s28 =	smov.u32 s8  }
.LBB2_4:
.Ltmp8:
0x94: {  	(pc) =	sbr.rel .LBB2_6-.Ltmp8, $2  }
0x95: {  	_ =	sdelay $0x2  }
0x96: {  	s7 =	smov.u32 s0  }
.LBB2_9:
0x97: {  	_ =	sfence.sel $0x180000  }
0x98: {  	[bflag:$0x0] =	sbarrier.arrive $0xFFFF  }
0x99: {  	_ =	strace $0x90000047  }
0x9a: {  	s0 =	stileid.u32;
	[bflag:$0x2] =	sbarrier.arrive $0xFFFF  }
0x9b: {  	p0 =	sne.s32 s0, $0x0;
	s0 =	rddreg [dreg:$0x3]  }
0x9c: {  	s0 =	sadd.s32 @!p0 $0x100000, s0  }
0x9d: {  	[sflag:s0] =	ssyncadd.tile.s32 @!p0 $0x1;
	_ =	shalt  }
.Lfunc_end2:
_tile_overlayer_lowered:
.L_overlay_start_2:
0x9e: {  	(tag) =	ssettag $0x2  }
0x9f: {  	s0 =	rddreg [dreg:$0x0];
	s2 =	stileid.u32  }
0xa0: {  	s1 =	rddreg [dreg:$0x1];
	p0 =	sne.s32 s2, $0x0  }
0xa1: {  	s3 =	rddreg [dreg:$0x2];
	[bflag:$0x3] =	sbarrier.arrive $0xFFFF;
	s2 =	simm.s32 @!p0 $0x1C03  }
0xa2: {  	[timem:s3], [sflag:s2] =	dma.local @!p0 [hbm:s0], s1  }
0xa3: {  	s0 =	simm.s32 @!p0 $0x3  }
0xa4: {  	_ =	swait.ge @!p0 [sflag:s0], s1  }
0xa5: {  	s1 =	ssub.s32 @!p0 $0x0, s1;
	[sflag:s0] =	ssyncset.done @!p0 $0x0  }
0xa6: {  	[sflag:s0] =	ssyncadd.s32 @!p0 s1  }
0xa7: {  	[bflag:$0x3] =	sbarrier.arrive $0xFFFF  }
0xa8: {  	_ =	shalt  }

// kernel: kernel.16.cloned.1.call-start
scs
__scs_entry_jumppad:
0x0: {  	(pc) =	sbr.rel $0x88, $3  }
0x1: {  	(tag) =	ssettag $0x0;
	lr =	simm.s32 $0x1  }
0x2: {  	[smem:$0x3F94] =	sst lr;
	_ =	strace $0xD0000000  }
0x3: {  	_ = 	snop  }
0x4: {  	_ = 	snop  }
0x5: {  	_ = 	snop  }
0x6: {  	_ = 	snop  }
0x7: {  	_ = 	snop  }
__scs_overlays_trampoline_lowered:
0x8: {  	[smem:$0x3FA3] =	sst s0  }
0x9: {  	[smem:$0x3FA4] =	sst s1  }
0xa: {  	[smem:$0x3FA5] =	sst s2  }
0xb: {  	[smem:$0x3FA6] =	sst s3  }
0xc: {  	[smem:$0x3FA7] =	sst s4  }
0xd: {  	[smem:$0x3FA8] =	sst s5  }
0xe: {  	[smem:$0x3FA9] =	sst s6  }
0xf: {  	[smem:$0x3FAA] =	sst s7  }
0x10: {  	[smem:$0x3FAB] =	sst s8  }
0x11: {  	[smem:$0x3FAC] =	sst s9;
	s0 =	simm.s32 @!p0 $0x0  }
0x12: {  	s1 =	sld [smem:$0x3F92];
	s0 =	simm.s32 @p0 $0x1  }
0x13: {  	[smem:$0x3FAD] =	sst s0;
	s0 =	simm.s32 @!p1 $0x0  }
0x14: {  	s2 =	sld [smem:$0x3F91];
	s0 =	simm.s32 @p1 $0x1  }
0x15: {  	[smem:$0x3FAE] =	sst s0;
	s0 =	simm.s32 @!p2 $0x0  }
0x16: {  	s3 =	sld [smem:$0x3FDB];
	s0 =	simm.s32 @p2 $0x1  }
0x17: {  	s4 =	simm.s32 $0x1BF5;
	[smem:$0x3FB0] =	sst s0  }
0x18: {  	s0 =	sld [smem:$0x3F93];
	_ =	swait.ge [sflag:s4], $0x0  }
0x19: {  	s7 =	sld [smem:$0x3F94]  }
0x1a: {  	s8 =	sadd.s32 $0xFFFFE003, lr  }
0x1b: {  	s9 =	sadd.s32 $0xFFFFFEF7, lr;
	s5 =	simm.s32 $0xFFFFFFFF;
	p2 =	slt.u32 s8, $0xFFFFF086  }
0x1c: {  	p1 =	slt.u32 s9, $0xF7A;
	s5 =	simm.s32 @!p2 $0x0  }
0x1d: {  	s5 =	simm.s32 @p1 $0x1;
	p0 =	seq.s32 s7, s2  }
0x1e: {  	s7 =	smul.u32 @!p0 $0xF7A, s2;
	p2 =	seq.s32 @!p0 s5, $0x0  }
0x1f: {  	s9 =	smul.u32 $0xF7A, s1;
	s8 =	simm.s32 @!p0 $0x1BF5;
	p2 =	por !p2, p0  }
0x20: {  	[sflag:s8] =	ssyncset.s32 @!p0 $0xFFFFF086;
	s6 =	sadd.s32 @!p0 s3, s7;
	s7 =	simm.s32 @!p0 $0x108  }
0x21: {  	s3 =	sadd.s32 s3, s9;
	s6 =	sadd.s32 @!p0 $0x88, s6;
	s7 =	simm.s32 @p2 $0x1082  }
0x22: {  	[simem:s7], [sflag:s8] =	dma.local @!p0 [hbm:s6], $0xF7A  }
0x23: {  	s9 =	sor.u32 $0xD0000000, s2;
	s6 =	simm.s32 $0x108;
	_ =	swait.ge @!p0 [sflag:s8], $0x0  }
0x24: {  	s3 =	sadd.s32 $0x88, s3;
	s6 =	simm.s32 @!p1 $0x1082;
	[sflag:s4] =	ssyncset.s32 $0xFFFFF086  }
0x25: {  	[simem:s6], [sflag:s4] =	dma.local [hbm:s3], $0xF7A  }
0x26: {  	[smem:$0x3F94] =	sst s1;
	(tag) =	ssettag s2;
	_ =	strace s9  }
0x27: {  	s1 =	sld [smem:$0x3FA4]  }
0x28: {  	s2 =	sld [smem:$0x3FA5]  }
0x29: {  	s4 =	sld [smem:$0x3FA7]  }
0x2a: {  	p0 =	seq.s32 s5, $0x0;
	s5 =	sld [smem:$0x3FA8]  }
0x2b: {  	s6 =	sld [smem:$0x3FA9]  }
0x2c: {  	s7 =	sld [smem:$0x3FAA]  }
0x2d: {  	s3 =	simm.s32 $0x108;
	s8 =	sld [smem:$0x3FAB]  }
0x2e: {  	s3 =	simm.s32 @!p0 $0x1082;
	s9 =	sld [smem:$0x3FAC]  }
0x2f: {  	lr =	sadd.s32 s0, s3;
	s0 =	sld [smem:$0x3FA3]  }
0x30: {  	s3 =	sld [smem:$0x3FA6]  }
0x31: {  	[smem:$0x3FAF] =	sst s10  }
0x32: {  	s10 =	sld [smem:$0x3FAD];
	_ =	sdelay $0x3  }
0x33: {  	p0 =	seq.s32 s10, $0x1;
	s10 =	sld [smem:$0x3FAF];
	_ =	sdelay $0x3  }
0x34: {  	[smem:$0x3FAF] =	sst s10  }
0x35: {  	s10 =	sld [smem:$0x3FAE];
	_ =	sdelay $0x3  }
0x36: {  	p1 =	seq.s32 s10, $0x1;
	s10 =	sld [smem:$0x3FAF];
	_ =	sdelay $0x3  }
0x37: {  	[smem:$0x3FAF] =	sst s10  }
0x38: {  	s10 =	sld [smem:$0x3FB0]  }
0x39: {  	_ = 	snop;
	(pc) =	sbr.ind lr, $3  }
0x3a: {  	_ = 	snop  }
0x3b: {  	_ = 	snop  }
0x3c: {  	p2 =	seq.s32 s10, $0x1;
	s10 =	sld [smem:$0x3FAF]  }
0x3d: {  	_ =	shalt  }
0x3e: {  	_ =	shalt  }
0x3f: {  	_ =	shalt  }
0x40: {  	_ =	shalt  }
0x41: {  	_ =	shalt  }
0x42: {  	_ =	shalt  }
0x43: {  	_ =	shalt  }
0x44: {  	_ =	shalt  }
0x45: {  	_ =	shalt  }
0x46: {  	_ =	shalt  }
0x47: {  	_ =	shalt  }
0x48: {  	_ =	shalt  }
0x49: {  	_ =	shalt  }
0x4a: {  	_ =	shalt  }
0x4b: {  	_ =	shalt  }
0x4c: {  	_ =	shalt  }
0x4d: {  	_ =	shalt  }
0x4e: {  	_ =	shalt  }
0x4f: {  	_ =	shalt  }
0x50: {  	_ =	shalt  }
0x51: {  	_ =	shalt  }
0x52: {  	_ =	shalt  }
0x53: {  	_ =	shalt  }
0x54: {  	_ =	shalt  }
0x55: {  	_ =	shalt  }
0x56: {  	_ =	shalt  }
0x57: {  	_ =	shalt  }
0x58: {  	_ =	shalt  }
0x59: {  	_ =	shalt  }
0x5a: {  	_ =	shalt  }
0x5b: {  	_ =	shalt  }
0x5c: {  	_ =	shalt  }
0x5d: {  	_ =	shalt  }
0x5e: {  	_ =	shalt  }
0x5f: {  	_ =	shalt  }
0x60: {  	_ =	shalt  }
0x61: {  	_ =	shalt  }
0x62: {  	_ =	shalt  }
0x63: {  	_ =	shalt  }
0x64: {  	_ =	shalt  }
0x65: {  	_ =	shalt  }
0x66: {  	_ =	shalt  }
0x67: {  	_ =	shalt  }
0x68: {  	_ =	shalt  }
0x69: {  	_ =	shalt  }
0x6a: {  	_ =	shalt  }
0x6b: {  	_ =	shalt  }
0x6c: {  	_ =	shalt  }
0x6d: {  	_ =	shalt  }
0x6e: {  	_ =	shalt  }
0x6f: {  	_ =	shalt  }
0x70: {  	_ =	shalt  }
0x71: {  	_ =	shalt  }
0x72: {  	_ =	shalt  }
0x73: {  	_ =	shalt  }
0x74: {  	_ =	shalt  }
0x75: {  	_ =	shalt  }
0x76: {  	_ =	shalt  }
0x77: {  	_ =	shalt  }
0x78: {  	_ =	shalt  }
0x79: {  	_ =	shalt  }
0x7a: {  	_ =	shalt  }
0x7b: {  	_ =	shalt  }
0x7c: {  	_ =	shalt  }
0x7d: {  	_ =	shalt  }
0x7e: {  	_ =	shalt  }
0x7f: {  	_ =	shalt  }
0x80: {  	_ =	shalt  }
0x81: {  	_ =	shalt  }
0x82: {  	_ =	shalt  }
0x83: {  	_ =	shalt  }
0x84: {  	_ =	shalt  }
0x85: {  	_ =	shalt  }
0x86: {  	_ =	shalt  }
0x87: {  	_ =	shalt  }
.Lfunc_end0:
.L_simem_size_0:
called_computation.2_lowered:
.L_overlay_start_0:
0x88: {  	s2 =	sld [smem:$0x3FD9]  }
0x89: {  	s3 =	sld [smem:$0x3FFE];
	_ =	sdelay $0x1  }
0x8a: {  	s1 =	srdreg.scid  }
0x8b: {  	s0 =	sand.u32 $0x1, s1  }
0x8c: {  	s17 =	sshll.u32 s0, $0xA;
	s2 =	sadd.s32 s3, s2  }
0x8d: {  	s2 =	sadd.s32 s2, s17  }
0x8e: {  	[smem:$0x3FBB] =	sst s2  }
0x8f: {  	_ = 	snop  }
0x90: {  	(tm) =	ssettm $0x1  }
0x91: {  	s18 =	sld [smem:$0x3FFB];
	_ =	sdelay $0x3  }
0x92: {  	_ =	strace s18  }
0x93: {  	s2 =	sld [smem:$0x3FFC];
	_ =	sdelay $0x3  }
0x94: {  	_ =	strace s2  }
0x95: {  	s2 =	sld [smem:$0x3FFD];
	_ =	sdelay $0x3  }
0x96: {  	_ =	strace s2  }
0x97: {  	_ =	strace $0x8FFFFFFF  }
0x98: {  	s19 =	sld [smem:$0x3FDB];
	_ =	sdelay $0x1  }
0x99: {  	s20 =	simm.s32 $_scs_section_size  }
0x9a: {  	s4 =	simm.s32 $_size__tile_overlayer_lowered;
	s5 =	simm.s32 $_tile_overlayer_lowered  }
0x9b: {  	s6 =	simm.s32 $0x1BFF;
	s21 =	sshll.u32 s5, $0x1;
	s3 =	sadd.s32 s20, s19  }
0x9c: {  	s22 =	simm.s32 $0x0;
	s4 =	sshll.u32 s4, $0x1;
	s5 =	sadd.s32 s21, s3  }
0x9d: {  	[timem:s22], [sflag:s6] =	dma.local [hbm:s5], s4  }
0x9e: {  	_ =	swait.ge [sflag:s6], s4  }
0x9f: {  	s4 =	ssub.s32 $0x0, s4;
	[sflag:s6] =	ssyncset.done $0x0  }
0xa0: {  	[sflag:s6] =	ssyncadd.s32 s4;
	_ =	sdelay $0x1  }
0xa1: {  	s23 =	simm.s32 $0x1B8B  }
0xa2: {  	_ =	swait.ge [sflag:s23], $0x1  }
0xa3: {  	[sflag:s23] =	ssyncset.done $0x0  }
0xa4: {  	[sflag:s23] =	ssyncadd.s32 $0xFFFFFFFF  }
0xa5: {  	s4 =	sld [smem:$0x0]  }
0xa6: {  	s5 =	sand.u32 $0xFFFFFFFE, s1  }
0xa7: {  	p0 =	sne.s32 s1, s5  }
0xa8: {  	s5 =	sshll.u32 @p0 s5, $0xE  }
0xa9: {  	s5 =	sadd.s32 @p0 $0x11B8D, s5;
	s6 =	sshll.u32 @p0 s4, $0x11  }
0xaa: {  	s5 =	sor.u32 @p0 s6, s5  }
0xab: {  	[sflag:s5] =	ssyncadd.remote.s32 @p0 $0x1;
	_ =	sdelay $0x1  }
0xac: {  	s5 =	simm.s32 @p0 $0x1B8D  }
0xad: {  	_ =	swait.eq @p0 [sflag:s5], $0x1  }
0xae: {  	[sflag:s5] =	ssyncadd.s32 @p0 $0xFFFFFFFF  }
0xaf: {  	s6 =	sshll.u32 @!p0 s1, $0xE  }
0xb0: {  	s6 =	sor.u32 @!p0 $0x4000, s6;
	s5 =	simm.s32 @!p0 $0x1B8D  }
0xb1: {  	s4 =	sshll.u32 @!p0 s4, $0x11;
	s6 =	sadd.s32 @!p0 $0x11B8D, s6;
	_ =	swait.eq @!p0 [sflag:s5], $0x1  }
0xb2: {  	s4 =	sor.u32 @!p0 s4, s6;
	[sflag:s5] =	ssyncadd.s32 @!p0 $0xFFFFFFFF  }
0xb3: {  	s25 =	simm.s32 $0x1B8E;
	s24 =	sld [smem:$0x3FFE];
	[sflag:s4] =	ssyncadd.remote.s32 @!p0 $0x1  }
0xb4: {  	s26 =	simm.s32 $execute0_lowered;
	[smem:$0x3FD2] =	sst s25  }
0xb5: {  	s5 =	sshll.u32 s26, $0x1;
	_ =	strace $0x8000004F;
	[dreg:$0x1] =	wrdreg $0xFFFFFFFF  }
0xb6: {  	s28 =	simm.s32 $_size_execute0_lowered;
	s3 =	sadd.s32 s3, s5;
	[dreg:$0x0] =	wrdreg $0x0  }
0xb7: {  	s5 =	sshll.u32 s28, $0x1;
	[dreg:$0x2] =	wrdreg s3  }
0xb8: {  	[dreg:$0x3] =	wrdreg s5  }
0xb9: {  	[dreg:$0x4] =	wrdreg $0xC0  }
0xba: {  	_ =	task [dreg:s22], $0x5FFFF  }
0xbb: {  	[dreg:$0x1] =	wrdreg $0xFFFFFFFF  }
0xbc: {  	[dreg:$0x0] =	wrdreg $0x60  }
0xbd: {  	[dreg:$0x2] =	wrdreg s24  }
0xbe: {  	[dreg:$0x3] =	wrdreg $0x3A000  }
0xbf: {  	[dreg:$0x4] =	wrdreg $0x9  }
0xc0: {  	_ =	task.clear_ibuf [dreg:s22], $0x5FFFF;
	_ =	strace $0x9000004F  }
0xc1: {  	s29 =	simm.s32 $0x9;
	_ =	strace $0x80000051  }
0xc2: {  	_ =	swait.ge [sflag:s29], $0x1  }
0xc3: {  	[sflag:s29] =	ssyncadd.s32 $0xFFFFFFFF  }
0xc4: {  	_ =	strace $0x90000051  }
0xc5: {  	_ =	sfence  }
0xc6: {  	s30 =	sld [smem:$0x0];
	_ =	sdelay $0x2  }
0xc7: {  	s31 =	sshll.u32 s1, $0xD;
	s1 =	sshrl.u32 s1, $0x2  }
0xc8: {  	s4 =	sand.u32 $0x4000, s31;
	s1 =	sadd.s32 s1, s30  }
0xc9: {  	s0 =	sor.u32 s4, s0;
	s1 =	sshll.u32 s1, $0x11  }
0xca: {  	s0 =	sor.u32 s1, s0  }
0xcb: {  	s0 =	sadd.s32 $0x8F2B, s0  }
0xcc: {  	[sflag:s0] =	ssyncadd.remote.s32 $0x1  }
0xcd: {  	_ =	sfence.sel $0xFFFF  }
0xce: {  	[dreg:$0x0] =	wrdreg $0xFFFFFFFF;
	(pc) =	sbr.abs _section_cstart, $3  }
0xcf: {  	[dreg:$0x1] =	wrdreg $0xFFFFFFFF  }
0xd0: {  	_ =	task.clear_ibuf [dreg:s22], $0x2FFFF;
	_ =	strace $0x9FFFFFFF  }
0xd1: {  	(tm) =	ssettm $0x7FFFFFFF  }
tec
execute0_lowered:
.L_overlay_start_1:
0x0: {  	(tag) =	ssettag $0x1  }
0x1: {  	s14 =	stileid.u32  }
0x2: {  	s0 =	rddreg [dreg:$0x0];
	s7 =	smul.u32 $0x5000, s14  }
0x3: {  	s1 =	rddreg [dreg:$0x1];
	s11 =	smul.u32 $0xFFFFFFEC, s14  }
0x4: {  	s2 =	srdreg.scid;
	s3 =	simm.s32 $0x0;
	s16 =	smul.u32 $0x14000, s14  }
0x5: {  	s28 =	simm.s32 $0x1;
	s2 =	sand.u32 $0x1, s2;
	s22 =	smul.u32 $0x140, s14  }
0x6: {  	s29 =	simm.s32 $0x80;
	s30 =	simm.s32 $0x2;
	s4 =	smul.u32 $0x1400, s2  }
0x7: {  	s31 =	simm.s32 $0x5;
	[smem:$0x7FF] =	sst s3;
	s5 =	smul.u32 $0x50000, s2  }
0x8: {  	s8 =	sadd.s32 $0xA4600, s0;
	s6 =	sshll.u32 s2, $0x4;
	s13 =	smul.u32 $0xFFFFFEC0, s2  }
0x9: {  	_ =	strace $0x80000050;
	s10 =	ssub.s32 $0x2, s2;
	s2 =	smul.u32 $0x140000, s2  }
0xa: {  	s6 =	sor.u32 s14, s6;
	s12 =	sshrl.u32 s10, $0x1;
	s9 =	sadd.s32 s4, s0  }
0xb: {  	s26 =	smul.u32 $0x14, s6;
	s5 =	sadd.s32 s7, s5;
	s10 =	ssub.s32 s10, s12  }
0xc: {  	s6 =	smul.u32 $0x2800, s6;
	s12 =	sadd.s32 s13, s11;
	s13 =	sshrl.u32 s16, $0x2  }
0xd: {  	s2 =	sadd.s32 s16, s2;
	s5 =	sshrl.u32 s5, $0x3;
	s15 =	sadd.s32 $0x271, s12  }
0xe: {  	s10 =	smax.u32 s10, $0x1;
	s9 =	sadd.s32 s22, s9;
	s25 =	sor.u32 $0x2000, s2  }
0xf: {  	s2 =	sor.u32 $0x3000, s2;
	s22 =	simm.s32 $0x3;
	s0 =	sadd.s32 s5, s0  }
0x10: {  	s4 =	ssub.s32 $0x271, s26;
	s5 =	sadd.s32 s13, s1;
	s17 =	sadd.s32 s8, s6  }
0x11: {  	s18 =	smin.u32 s15, $0x14;
	[dreg:$0x7] =	wrdreg s10;
	s16 =	sadd.s32 $0x51400, s9  }
0x12: {  	s26 =	sshrl.u32 s25, $0x3;
	s2 =	sshrl.u32 s2, $0x3;
	s4 =	smin.u32 s4, $0x14  }
0x13: {  	[dreg:$0x3] =	wrdreg s17;
	s11 =	sadd.s32 $0x200, s17;
	s12 =	smul.u32 $0x34, s18  }
0x14: {  	s0 =	sadd.s32 $0x17000, s0;
	s23 =	sadd.s32 $0x1000, s5;
	s24 =	sadd.s32 $0x2000, s5  }
0x15: {  	s13 =	sadd.s32 $0x3000, s5;
	s14 =	sadd.s32 $0x4000, s5;
	[dreg:$0x4] =	wrdreg s11  }
0x16: {  	s18 =	sand.u32 $0x1C, s18;
	s6 =	sadd.s32 s2, s8;
	[dreg:$0x6] =	wrdreg s0  }
0x17: {  	s19 =	sshll.u32 s4, $0x7;
	s20 =	sand.u32 $0x1, s4;
	[dreg:$0x8] =	wrdreg s23  }
0x18: {  	s0 =	sadd.s32 s7, s1;
	[dreg:$0x9] =	wrdreg s24;
	s23 =	simm.s32 $0x4  }
0x19: {  	s24 =	simm.s32 $0xA00;
	s11 =	sadd.s32 $0xFFFFFF80, s19;
	s21 =	sshrl.u32 s12, $0x8  }
0x1a: {  	s19 =	sadd.s32 s26, s8;
	p0 =	seq.s32 s20, $0x0;
	s25 =	sshrl.u32 s0, $0x3  }
0x1b: {  	s26 =	simm.s32 $0x1A00;
	s0 =	simm.s32 $0x0;
	[dreg:$0x5] =	wrdreg s11  }
0x1c: {  	v0 =	vimm.f32 $0.0e+00;
	s15 =	smul.u32 $0xA00, s21;
	s17 =	ssub.s32 $0x0, s21;
	s21 =	simm.s32 $0x2A00  }
.LBB2_1:
0x1d: {  	s2 =	simm.s32 $0x80;
	s7 =	simm.s32 $0x0  }
.LBB2_2:
0x1e: {  	p1 =	sne.s32 s2, $0x3F80;
	[tilespmem:s7+$0x2A00] =	vst v0;
	s8 =	smov.u32 s2;
	s2 =	sadd.s32 $0x80, s2  }
.Ltmp0:
0x1f: {  	[tilespmem:s7+$0x2A10] =	vst v0;
	(pc) =	sbr.rel @p1 .LBB2_2-.Ltmp0, $2  }
0x20: {  	_ =	sdelay $0x2  }
0x21: {  	s7 =	sshra.s32 s8, $0x2  }
0x22: {  	[tilespmem:s7+$0x2A00] =	vst v0  }
0x23: {  	[tilespmem:s7+$0x2A10] =	vst v0  }
0x24: {  	[spmem:s5] =	stream.linear.scatter [tilespmem:s21], [sflag:$0x3], $0x1000, $0x38;
	[tilespmem:$0x8A00] =	vst v63  }
0x25: {  	s2 =	rddreg [dreg:$0x8]  }
0x26: {  	[spmem:s2] =	stream.linear.scatter [tilespmem:s21], [sflag:$0x3], $0x1000, $0x38;
	[tilespmem:$0x8A00] =	vst v63  }
0x27: {  	s20 =	rddreg [dreg:$0x9]  }
0x28: {  	[spmem:s20] =	stream.linear.scatter [tilespmem:s21], [sflag:$0x3], $0x1000, $0x38;
	[tilespmem:$0x8A00] =	vst v63  }
0x29: {  	p1 =	sne.s32 s15, $0xA00  }
0x2a: {  	[spmem:s13] =	stream.linear.scatter [tilespmem:s21], [sflag:$0x3], $0x1000, $0x38;
	[tilespmem:$0x8A00] =	vst v63  }
.Ltmp1:
0x2b: {  	_ = 	snop;
	(pc) =	sbr.rel @!p1 .LBB2_5-.Ltmp1, $4  }
0x2c: {  	_ = 	snop  }
0x2d: {  	[spmem:s14] =	stream.linear.scatter [tilespmem:s21], [sflag:$0x3], $0x1000, $0x38;
	[tilespmem:$0x8A00] =	vst v63  }
0x2e: {  	s7 =	sadd.s32 $0xFFFFF600, s15;
	s8 =	smov.u32 s16;
	s2 =	simm.s32 $0x0  }
0x2f: {  	[tilespmem:s2], [sflag:$0x4] =	stream.linear.gather [hbm4b:s16+s3], $0x280, $0x38;
	[tilespmem:$0x8A00] =	vst v63  }
.LBB2_4:
0x30: {  	p1 =	sne.s32 s7, $0xA00  }
.Ltmp2:
0x31: {  	_ = 	snop;
	(pc) =	sbr.rel @p1 .LBB2_4-.Ltmp2, $4  }
0x32: {  	_ = 	snop  }
0x33: {  	s2 =	sadd.s32 $0x280, s2;
	s8 =	sadd.s32 $0x50, s8  }
0x34: {  	s7 =	sadd.s32 $0xFFFFF600, s7  }
0x35: {  	[tilespmem:s2], [sflag:$0x4] =	stream.linear.gather [hbm4b:s8+s3], $0x280, $0x38;
	[tilespmem:$0x8A00] =	vst v63  }
.LBB2_5:
0x36: {  	_ =	swait.ge [sflag:s22], $0x1000  }
0x37: {  	[sflag:s22] =	ssyncset.done $0x0  }
0x38: {  	[sflag:s22] =	ssyncadd.s32 $0xFFFFF000  }
0x39: {  	_ =	swait.ge [sflag:s22], $0x1000  }
0x3a: {  	[sflag:s22] =	ssyncset.done $0x0  }
0x3b: {  	[sflag:s22] =	ssyncadd.s32 $0xFFFFF000  }
0x3c: {  	_ =	swait.ge [sflag:s22], $0x1000  }
0x3d: {  	[sflag:s22] =	ssyncset.done $0x0  }
0x3e: {  	[sflag:s22] =	ssyncadd.s32 $0xFFFFF000  }
0x3f: {  	_ =	swait.ge [sflag:s22], $0x1000  }
0x40: {  	s2 =	sadd.s32 $0x1, s17;
	[sflag:s22] =	ssyncset.done $0x0  }
0x41: {  	p1 =	seq.s32 s2, $0x0;
	[sflag:s22] =	ssyncadd.s32 $0xFFFFF000  }
.Ltmp3:
0x42: {  	_ =	swait.ge [sflag:s22], $0x1000;
	(pc) =	sbr.rel @p1 .LBB2_7-.Ltmp3, $4  }
0x43: {  	[sflag:s22] =	ssyncset.done $0x0  }
0x44: {  	[sflag:s22] =	ssyncadd.s32 $0xFFFFF000  }
0x45: {  	_ =	swait.ge [sflag:s23], $0x280  }
0x46: {  	[sflag:s23] =	ssyncset.done $0x0  }
.LBB2_6:
0x47: {  	s2 =	sadd.s32 $0x1, s2  }
0x48: {  	[sflag:s23] =	ssyncadd.s32 $0xFFFFFD80;
	p1 =	seq.s32 s2, $0x0  }
.Ltmp4:
0x49: {  	(pc) =	sbr.rel @!p1 .LBB2_6-.Ltmp4, $3  }
0x4a: {  	_ =	sdelay $0x1  }
0x4b: {  	_ =	swait.ge [sflag:s23], $0x280  }
0x4c: {  	[sflag:s23] =	ssyncset.done $0x0  }
.LBB2_7:
0x4d: {  	[sflag:s23] =	ssyncadd.s32 $0xFFFFFD80  }
0x4e: {  	[bflag:$0x0] =	sbarrier.arrive $0xFFFF  }
0x4f: {  	s2 =	simm.s32 $0x0;
	s7 =	rddreg [dreg:$0x3]  }
0x50: {  	[tilespmem:s24], [sflag:$0x1] =	stream.linear.gather [hbm4b:s7+s2], $0x1000, $0x38;
	[tilespmem:$0x8A00] =	vst v63  }
0x51: {  	s11 =	rddreg [dreg:$0x4]  }
0x52: {  	[tilespmem:s26], [sflag:$0x2] =	stream.linear.gather [hbm4b:s11+s2], $0x1000, $0x38;
	[tilespmem:$0x8A00] =	vst v63  }
0x53: {  	_ =	swait.ge [sflag:s28], $0x1000  }
0x54: {  	[sflag:s28] =	ssyncset.done $0x0  }
0x55: {  	s12 =	simm.s32 $0x0;
	[sflag:s28] =	ssyncadd.s32 $0xFFFFF000  }
0x56: {  	[spmem:s1] =	stream.indirect.scatter.add.f32 [tilespmem:s24], [sflag:$0x3], $0x20, s12, s29, $0xb8;
	[tilespmem:$0x8A00] =	vst v63  }
0x57: {  	_ =	swait.ge [sflag:s30], $0x1000  }
0x58: {  	[sflag:s30] =	ssyncset.done $0x0  }
0x59: {  	s20 =	simm.s32 $0x80;
	p1 =	sne.s32 s18, $0x2;
	[sflag:s30] =	ssyncadd.s32 $0xFFFFF000  }
0x5a: {  	[spmem:s1] =	stream.indirect.scatter.add.f32 [tilespmem:s26], [sflag:$0x4], $0x20, s20, s29, $0xb8;
	[tilespmem:$0x8A00] =	vst v63  }
0x5b: {  	p2 =	sle.u32 s4, $0x2;
	s9 =	simm.s32 $0x180;
	_ =	swait.ge [sflag:s22], $0x1000  }
0x5c: {  	s8 =	simm.s32 @!p2 $0xA00;
	s7 =	simm.s32 @!p2 $0x0;
	[sflag:s22] =	ssyncset.done $0x0  }
.Ltmp5:
0x5d: {  	s2 =	simm.s32 $0x2;
	[sflag:s22] =	ssyncadd.s32 $0xFFFFF000;
	(pc) =	sbr.rel @!p1 .LBB2_9-.Ltmp5, $4  }
0x5e: {  	[tilespmem:s8], [sflag:$0x1] =	stream.linear.gather @!p2 [hbm4b:s19+s7], $0x1000, $0x38;
	[tilespmem:$0x8A00] =	vst v63  }
0x5f: {  	s20 =	smov.u32 s6;
	s7 =	sadd.s32 $0x400, s6;
	_ =	swait.ge [sflag:s23], $0x1000  }
0x60: {  	s8 =	sadd.s32 $0x400, s19;
	p2 =	sle.u32 s4, $0x3;
	[sflag:s23] =	ssyncset.done $0x0  }
0x61: {  	s10 =	simm.s32 @!p2 $0x0;
	s11 =	simm.s32 @!p2 $0x1A00;
	[sflag:s23] =	ssyncadd.s32 $0xFFFFF000  }
.LBB2_8:
0x62: {  	[tilespmem:s11], [sflag:$0x2] =	stream.linear.gather @!p2 [hbm4b:s20+s10], $0x1000, $0x38;
	[tilespmem:$0x8A00] =	vst v63  }
0x63: {  	s10 =	smov.u32 s2;
	s2 =	sadd.s32 $0x2, s2;
	s20 =	smov.u32 s7  }
0x64: {  	p1 =	sne.s32 s18, s2;
	_ =	swait.ge [sflag:s28], $0x1000  }
0x65: {  	[sflag:s28] =	ssyncset.done $0x0  }
0x66: {  	s11 =	sadd.s32 $0xFFFFFF80, s9;
	[sflag:s28] =	ssyncadd.s32 $0xFFFFF000  }
0x67: {  	[spmem:s1] =	stream.indirect.scatter.add.f32 [tilespmem:s24], [sflag:$0x3], $0x20, s11, s29, $0xb8;
	[tilespmem:$0x8A00] =	vst v63  }
0x68: {  	_ =	swait.ge [sflag:s30], $0x1000  }
0x69: {  	[sflag:s30] =	ssyncset.done $0x0  }
0x6a: {  	[sflag:s30] =	ssyncadd.s32 $0xFFFFF000  }
0x6b: {  	[spmem:s1] =	stream.indirect.scatter.add.f32 [tilespmem:s26], [sflag:$0x4], $0x20, s9, s29, $0xb8;
	[tilespmem:$0x8A00] =	vst v63  }
0x6c: {  	p2 =	sge.u32 s2, s4;
	_ =	swait.ge [sflag:s22], $0x1000  }
0x6d: {  	s7 =	sadd.s32 $0x400, s7;
	s12 =	simm.s32 @!p2 $0xA00;
	[sflag:s22] =	ssyncset.done $0x0  }
.Ltmp6:
0x6e: {  	s11 =	simm.s32 @!p2 $0x0;
	[sflag:s22] =	ssyncadd.s32 $0xFFFFF000;
	(pc) =	sbr.rel @p1 .LBB2_8-.Ltmp6, $4  }
0x6f: {  	[tilespmem:s12], [sflag:$0x1] =	stream.linear.gather @!p2 [hbm4b:s8+s11], $0x1000, $0x38;
	[tilespmem:$0x8A00] =	vst v63  }
0x70: {  	s10 =	sadd.s32 $0x3, s10;
	s8 =	sadd.s32 $0x400, s8;
	_ =	swait.ge [sflag:s23], $0x1000  }
0x71: {  	s9 =	sadd.s32 $0x100, s9;
	p2 =	sge.u32 s10, s4;
	[sflag:s23] =	ssyncset.done $0x0  }
0x72: {  	s10 =	simm.s32 @!p2 $0x0;
	s11 =	simm.s32 @!p2 $0x1A00;
	[sflag:s23] =	ssyncadd.s32 $0xFFFFF000  }
.LBB2_9:
0x73: {  	[tilespmem:s11], [sflag:$0x2] =	stream.linear.gather @!p2 [hbm4b:s20+s10], $0x1000, $0x38;
	[tilespmem:$0x8A00] =	vst v63  }
0x74: {  	s2 =	simm.s32 @!p0 $0x1  }
0x75: {  	_ =	swait.ge @!p0 [sflag:s2], $0x1000  }
0x76: {  	s7 =	simm.s32 @!p0 $0xA00;
	[sflag:s2] =	ssyncset.done @!p0 $0x0  }
0x77: {  	s8 =	rddreg [dreg:$0x5];
	[sflag:s2] =	ssyncadd.s32 @!p0 $0xFFFFF000;
	s2 =	simm.s32 @!p0 $0x80  }
0x78: {  	[spmem:s1] =	stream.indirect.scatter.add.f32 @!p0 [tilespmem:s7], [sflag:$0x3], $0x20, s8, s2, $0xb8;
	[tilespmem:$0x8A00] =	vst v63  }
0x79: {  	s2 =	simm.s32 @!p0 $0x3  }
0x7a: {  	_ =	swait.ge @!p0 [sflag:s2], $0x1000  }
0x7b: {  	[sflag:s2] =	ssyncset.done @!p0 $0x0  }
0x7c: {  	s11 =	stileid.u32;
	[sflag:s2] =	ssyncadd.s32 @!p0 $0xFFFFF000  }
0x7d: {  	s2 =	sshll.u32 s11, $0x6;
	[bflag:$0x0] =	sbarrier.arrive $0xFFFF  }
0x7e: {  	s2 =	sor.u32 $0x1C05, s2;
	s12 =	rddreg [dreg:$0x6]  }
0x7f: {  	[hbm:s12], [sflag:s2] =	dma.local [spmem:s25], $0xA00  }
0x80: {  	_ =	swait.ge [sflag:s31], $0xA00  }
0x81: {  	s0 =	sadd.s32 $0x1, s0;
	s20 =	rddreg [dreg:$0x7]  }
0x82: {  	p1 =	sne.s32 s0, s20  }
.Ltmp7:
0x83: {  	_ = 	snop;
	(pc) =	sbr.rel @p1 .LBB2_1-.Ltmp7, $3  }
0x84: {  	_ =	sdelay $0x1  }
0x85: {  	[sflag:s31] =	ssyncset.done $0x0  }
0x86: {  	[sflag:s31] =	ssyncadd.s32 $0xFFFFF600  }
0x87: {  	_ =	sfence.sel $0x180000  }
0x88: {  	[bflag:$0x0] =	sbarrier.arrive $0xFFFF  }
0x89: {  	_ =	strace $0x90000050  }
0x8a: {  	s0 =	stileid.u32;
	[bflag:$0x2] =	sbarrier.arrive $0xFFFF  }
0x8b: {  	p0 =	sne.s32 s0, $0x0;
	s0 =	rddreg [dreg:$0x2]  }
0x8c: {  	s0 =	sadd.s32 @!p0 $0x100000, s0  }
0x8d: {  	[sflag:s0] =	ssyncadd.tile.s32 @!p0 $0x1;
	_ =	shalt  }
.Lfunc_end2:
_tile_overlayer_lowered:
.L_overlay_start_2:
0x8e: {  	(tag) =	ssettag $0x2  }
0x8f: {  	s0 =	rddreg [dreg:$0x0];
	s2 =	stileid.u32  }
0x90: {  	s1 =	rddreg [dreg:$0x1];
	p0 =	sne.s32 s2, $0x0  }
0x91: {  	s3 =	rddreg [dreg:$0x2];
	[bflag:$0x3] =	sbarrier.arrive $0xFFFF;
	s2 =	simm.s32 @!p0 $0x1C05  }
0x92: {  	[timem:s3], [sflag:s2] =	dma.local @!p0 [hbm:s0], s1  }
0x93: {  	s0 =	simm.s32 @!p0 $0x5  }
0x94: {  	_ =	swait.ge @!p0 [sflag:s0], s1  }
0x95: {  	s1 =	ssub.s32 @!p0 $0x0, s1;
	[sflag:s0] =	ssyncset.done @!p0 $0x0  }
0x96: {  	[sflag:s0] =	ssyncadd.s32 @!p0 s1  }
0x97: {  	[bflag:$0x3] =	sbarrier.arrive $0xFFFF  }
0x98: {  	_ =	shalt  }

// kernel: kernel.19.cloned.1.call-start
scs
__scs_entry_jumppad:
0x0: {  	(pc) =	sbr.rel $0x88, $3  }
0x1: {  	(tag) =	ssettag $0x0;
	lr =	simm.s32 $0x1  }
0x2: {  	[smem:$0x3F94] =	sst lr;
	_ =	strace $0xD0000000  }
0x3: {  	_ = 	snop  }
0x4: {  	_ = 	snop  }
0x5: {  	_ = 	snop  }
0x6: {  	_ = 	snop  }
0x7: {  	_ = 	snop  }
__scs_overlays_trampoline_lowered:
0x8: {  	[smem:$0x3FA3] =	sst s0  }
0x9: {  	[smem:$0x3FA4] =	sst s1  }
0xa: {  	[smem:$0x3FA5] =	sst s2  }
0xb: {  	[smem:$0x3FA6] =	sst s3  }
0xc: {  	[smem:$0x3FA7] =	sst s4  }
0xd: {  	[smem:$0x3FA8] =	sst s5  }
0xe: {  	[smem:$0x3FA9] =	sst s6  }
0xf: {  	[smem:$0x3FAA] =	sst s7  }
0x10: {  	[smem:$0x3FAB] =	sst s8  }
0x11: {  	[smem:$0x3FAC] =	sst s9;
	s0 =	simm.s32 @!p0 $0x0  }
0x12: {  	s1 =	sld [smem:$0x3F92];
	s0 =	simm.s32 @p0 $0x1  }
0x13: {  	[smem:$0x3FAD] =	sst s0;
	s0 =	simm.s32 @!p1 $0x0  }
0x14: {  	s2 =	sld [smem:$0x3F91];
	s0 =	simm.s32 @p1 $0x1  }
0x15: {  	[smem:$0x3FAE] =	sst s0;
	s0 =	simm.s32 @!p2 $0x0  }
0x16: {  	s3 =	sld [smem:$0x3FDB];
	s0 =	simm.s32 @p2 $0x1  }
0x17: {  	s4 =	simm.s32 $0x1BF5;
	[smem:$0x3FB0] =	sst s0  }
0x18: {  	s0 =	sld [smem:$0x3F93];
	_ =	swait.ge [sflag:s4], $0x0  }
0x19: {  	s7 =	sld [smem:$0x3F94]  }
0x1a: {  	s8 =	sadd.s32 $0xFFFFE003, lr  }
0x1b: {  	s9 =	sadd.s32 $0xFFFFFEF7, lr;
	s5 =	simm.s32 $0xFFFFFFFF;
	p2 =	slt.u32 s8, $0xFFFFF086  }
0x1c: {  	p1 =	slt.u32 s9, $0xF7A;
	s5 =	simm.s32 @!p2 $0x0  }
0x1d: {  	s5 =	simm.s32 @p1 $0x1;
	p0 =	seq.s32 s7, s2  }
0x1e: {  	s7 =	smul.u32 @!p0 $0xF7A, s2;
	p2 =	seq.s32 @!p0 s5, $0x0  }
0x1f: {  	s9 =	smul.u32 $0xF7A, s1;
	s8 =	simm.s32 @!p0 $0x1BF5;
	p2 =	por !p2, p0  }
0x20: {  	[sflag:s8] =	ssyncset.s32 @!p0 $0xFFFFF086;
	s6 =	sadd.s32 @!p0 s3, s7;
	s7 =	simm.s32 @!p0 $0x108  }
0x21: {  	s3 =	sadd.s32 s3, s9;
	s6 =	sadd.s32 @!p0 $0x88, s6;
	s7 =	simm.s32 @p2 $0x1082  }
0x22: {  	[simem:s7], [sflag:s8] =	dma.local @!p0 [hbm:s6], $0xF7A  }
0x23: {  	s9 =	sor.u32 $0xD0000000, s2;
	s6 =	simm.s32 $0x108;
	_ =	swait.ge @!p0 [sflag:s8], $0x0  }
0x24: {  	s3 =	sadd.s32 $0x88, s3;
	s6 =	simm.s32 @!p1 $0x1082;
	[sflag:s4] =	ssyncset.s32 $0xFFFFF086  }
0x25: {  	[simem:s6], [sflag:s4] =	dma.local [hbm:s3], $0xF7A  }
0x26: {  	[smem:$0x3F94] =	sst s1;
	(tag) =	ssettag s2;
	_ =	strace s9  }
0x27: {  	s1 =	sld [smem:$0x3FA4]  }
0x28: {  	s2 =	sld [smem:$0x3FA5]  }
0x29: {  	s4 =	sld [smem:$0x3FA7]  }
0x2a: {  	p0 =	seq.s32 s5, $0x0;
	s5 =	sld [smem:$0x3FA8]  }
0x2b: {  	s6 =	sld [smem:$0x3FA9]  }
0x2c: {  	s7 =	sld [smem:$0x3FAA]  }
0x2d: {  	s3 =	simm.s32 $0x108;
	s8 =	sld [smem:$0x3FAB]  }
0x2e: {  	s3 =	simm.s32 @!p0 $0x1082;
	s9 =	sld [smem:$0x3FAC]  }
0x2f: {  	lr =	sadd.s32 s0, s3;
	s0 =	sld [smem:$0x3FA3]  }
0x30: {  	s3 =	sld [smem:$0x3FA6]  }
0x31: {  	[smem:$0x3FAF] =	sst s10  }
0x32: {  	s10 =	sld [smem:$0x3FAD];
	_ =	sdelay $0x3  }
0x33: {  	p0 =	seq.s32 s10, $0x1;
	s10 =	sld [smem:$0x3FAF];
	_ =	sdelay $0x3  }
0x34: {  	[smem:$0x3FAF] =	sst s10  }
0x35: {  	s10 =	sld [smem:$0x3FAE];
	_ =	sdelay $0x3  }
0x36: {  	p1 =	seq.s32 s10, $0x1;
	s10 =	sld [smem:$0x3FAF];
	_ =	sdelay $0x3  }
0x37: {  	[smem:$0x3FAF] =	sst s10  }
0x38: {  	s10 =	sld [smem:$0x3FB0]  }
0x39: {  	_ = 	snop;
	(pc) =	sbr.ind lr, $3  }
0x3a: {  	_ = 	snop  }
0x3b: {  	_ = 	snop  }
0x3c: {  	p2 =	seq.s32 s10, $0x1;
	s10 =	sld [smem:$0x3FAF]  }
0x3d: {  	_ =	shalt  }
0x3e: {  	_ =	shalt  }
0x3f: {  	_ =	shalt  }
0x40: {  	_ =	shalt  }
0x41: {  	_ =	shalt  }
0x42: {  	_ =	shalt  }
0x43: {  	_ =	shalt  }
0x44: {  	_ =	shalt  }
0x45: {  	_ =	shalt  }
0x46: {  	_ =	shalt  }
0x47: {  	_ =	shalt  }
0x48: {  	_ =	shalt  }
0x49: {  	_ =	shalt  }
0x4a: {  	_ =	shalt  }
0x4b: {  	_ =	shalt  }
0x4c: {  	_ =	shalt  }
0x4d: {  	_ =	shalt  }
0x4e: {  	_ =	shalt  }
0x4f: {  	_ =	shalt  }
0x50: {  	_ =	shalt  }
0x51: {  	_ =	shalt  }
0x52: {  	_ =	shalt  }
0x53: {  	_ =	shalt  }
0x54: {  	_ =	shalt  }
0x55: {  	_ =	shalt  }
0x56: {  	_ =	shalt  }
0x57: {  	_ =	shalt  }
0x58: {  	_ =	shalt  }
0x59: {  	_ =	shalt  }
0x5a: {  	_ =	shalt  }
0x5b: {  	_ =	shalt  }
0x5c: {  	_ =	shalt  }
0x5d: {  	_ =	shalt  }
0x5e: {  	_ =	shalt  }
0x5f: {  	_ =	shalt  }
0x60: {  	_ =	shalt  }
0x61: {  	_ =	shalt  }
0x62: {  	_ =	shalt  }
0x63: {  	_ =	shalt  }
0x64: {  	_ =	shalt  }
0x65: {  	_ =	shalt  }
0x66: {  	_ =	shalt  }
0x67: {  	_ =	shalt  }
0x68: {  	_ =	shalt  }
0x69: {  	_ =	shalt  }
0x6a: {  	_ =	shalt  }
0x6b: {  	_ =	shalt  }
0x6c: {  	_ =	shalt  }
0x6d: {  	_ =	shalt  }
0x6e: {  	_ =	shalt  }
0x6f: {  	_ =	shalt  }
0x70: {  	_ =	shalt  }
0x71: {  	_ =	shalt  }
0x72: {  	_ =	shalt  }
0x73: {  	_ =	shalt  }
0x74: {  	_ =	shalt  }
0x75: {  	_ =	shalt  }
0x76: {  	_ =	shalt  }
0x77: {  	_ =	shalt  }
0x78: {  	_ =	shalt  }
0x79: {  	_ =	shalt  }
0x7a: {  	_ =	shalt  }
0x7b: {  	_ =	shalt  }
0x7c: {  	_ =	shalt  }
0x7d: {  	_ =	shalt  }
0x7e: {  	_ =	shalt  }
0x7f: {  	_ =	shalt  }
0x80: {  	_ =	shalt  }
0x81: {  	_ =	shalt  }
0x82: {  	_ =	shalt  }
0x83: {  	_ =	shalt  }
0x84: {  	_ =	shalt  }
0x85: {  	_ =	shalt  }
0x86: {  	_ =	shalt  }
0x87: {  	_ =	shalt  }
.Lfunc_end0:
.L_simem_size_0:
called_computation.3_lowered:
.L_overlay_start_0:
0x88: {  	s2 =	sld [smem:$0x3FD9]  }
0x89: {  	s3 =	sld [smem:$0x3FFE];
	_ =	sdelay $0x1  }
0x8a: {  	s1 =	srdreg.scid  }
0x8b: {  	s0 =	sand.u32 $0x1, s1  }
0x8c: {  	s17 =	sshll.u32 s0, $0xA;
	s2 =	sadd.s32 s3, s2  }
0x8d: {  	s2 =	sadd.s32 s2, s17  }
0x8e: {  	[smem:$0x3FBB] =	sst s2  }
0x8f: {  	_ = 	snop  }
0x90: {  	(tm) =	ssettm $0x1  }
0x91: {  	s18 =	sld [smem:$0x3FFB];
	_ =	sdelay $0x3  }
0x92: {  	_ =	strace s18  }
0x93: {  	s2 =	sld [smem:$0x3FFC];
	_ =	sdelay $0x3  }
0x94: {  	_ =	strace s2  }
0x95: {  	s2 =	sld [smem:$0x3FFD];
	_ =	sdelay $0x3  }
0x96: {  	_ =	strace s2  }
0x97: {  	_ =	strace $0x8FFFFFFF  }
0x98: {  	s19 =	sld [smem:$0x3FDB];
	_ =	sdelay $0x1  }
0x99: {  	s20 =	simm.s32 $_scs_section_size  }
0x9a: {  	s4 =	simm.s32 $_size__tile_overlayer_lowered;
	s5 =	simm.s32 $_tile_overlayer_lowered  }
0x9b: {  	s6 =	simm.s32 $0x1BFF;
	s21 =	sshll.u32 s5, $0x1;
	s3 =	sadd.s32 s20, s19  }
0x9c: {  	s22 =	simm.s32 $0x0;
	s4 =	sshll.u32 s4, $0x1;
	s5 =	sadd.s32 s21, s3  }
0x9d: {  	[timem:s22], [sflag:s6] =	dma.local [hbm:s5], s4  }
0x9e: {  	_ =	swait.ge [sflag:s6], s4  }
0x9f: {  	s4 =	ssub.s32 $0x0, s4;
	[sflag:s6] =	ssyncset.done $0x0  }
0xa0: {  	[sflag:s6] =	ssyncadd.s32 s4;
	_ =	sdelay $0x1  }
0xa1: {  	s23 =	simm.s32 $0x1B8B  }
0xa2: {  	_ =	swait.ge [sflag:s23], $0x1  }
0xa3: {  	[sflag:s23] =	ssyncset.done $0x0  }
0xa4: {  	[sflag:s23] =	ssyncadd.s32 $0xFFFFFFFF  }
0xa5: {  	s4 =	sld [smem:$0x0]  }
0xa6: {  	s5 =	sand.u32 $0xFFFFFFFE, s1  }
0xa7: {  	p0 =	sne.s32 s1, s5  }
0xa8: {  	s5 =	sshll.u32 @p0 s5, $0xE  }
0xa9: {  	s5 =	sadd.s32 @p0 $0x11B8D, s5;
	s6 =	sshll.u32 @p0 s4, $0x11  }
0xaa: {  	s5 =	sor.u32 @p0 s6, s5  }
0xab: {  	[sflag:s5] =	ssyncadd.remote.s32 @p0 $0x1;
	_ =	sdelay $0x1  }
0xac: {  	s5 =	simm.s32 @p0 $0x1B8D  }
0xad: {  	_ =	swait.eq @p0 [sflag:s5], $0x1  }
0xae: {  	[sflag:s5] =	ssyncadd.s32 @p0 $0xFFFFFFFF  }
0xaf: {  	s6 =	sshll.u32 @!p0 s1, $0xE  }
0xb0: {  	s6 =	sor.u32 @!p0 $0x4000, s6;
	s5 =	simm.s32 @!p0 $0x1B8D  }
0xb1: {  	s4 =	sshll.u32 @!p0 s4, $0x11;
	s6 =	sadd.s32 @!p0 $0x11B8D, s6;
	_ =	swait.eq @!p0 [sflag:s5], $0x1  }
0xb2: {  	s4 =	sor.u32 @!p0 s4, s6;
	[sflag:s5] =	ssyncadd.s32 @!p0 $0xFFFFFFFF  }
0xb3: {  	s25 =	simm.s32 $0x1B8E;
	s24 =	sld [smem:$0x3FFE];
	[sflag:s4] =	ssyncadd.remote.s32 @!p0 $0x1  }
0xb4: {  	s26 =	simm.s32 $execute0_lowered;
	[smem:$0x3FD2] =	sst s25  }
0xb5: {  	s5 =	sshll.u32 s26, $0x1;
	_ =	strace $0x8000004C;
	[dreg:$0x1] =	wrdreg $0xFFFFFFFF  }
0xb6: {  	s28 =	simm.s32 $_size_execute0_lowered;
	s3 =	sadd.s32 s3, s5;
	[dreg:$0x0] =	wrdreg $0x0  }
0xb7: {  	s5 =	sshll.u32 s28, $0x1;
	[dreg:$0x2] =	wrdreg s3  }
0xb8: {  	[dreg:$0x3] =	wrdreg s5  }
0xb9: {  	[dreg:$0x4] =	wrdreg $0xC0  }
0xba: {  	_ =	task [dreg:s22], $0x5FFFF  }
0xbb: {  	[dreg:$0x1] =	wrdreg $0xFFFFFFFF  }
0xbc: {  	[dreg:$0x0] =	wrdreg $0x60  }
0xbd: {  	[dreg:$0x2] =	wrdreg s24  }
0xbe: {  	[dreg:$0x3] =	wrdreg $0x3A000  }
0xbf: {  	[dreg:$0x4] =	wrdreg $0xA  }
0xc0: {  	_ =	task.clear_ibuf [dreg:s22], $0x5FFFF;
	_ =	strace $0x9000004C  }
0xc1: {  	s29 =	simm.s32 $0xA;
	_ =	strace $0x8000004E  }
0xc2: {  	_ =	swait.ge [sflag:s29], $0x1  }
0xc3: {  	[sflag:s29] =	ssyncadd.s32 $0xFFFFFFFF  }
0xc4: {  	_ =	strace $0x9000004E  }
0xc5: {  	_ =	sfence  }
0xc6: {  	s30 =	sld [smem:$0x0];
	_ =	sdelay $0x2  }
0xc7: {  	s31 =	sshll.u32 s1, $0xD;
	s1 =	sshrl.u32 s1, $0x2  }
0xc8: {  	s4 =	sand.u32 $0x4000, s31;
	s1 =	sadd.s32 s1, s30  }
0xc9: {  	s0 =	sor.u32 s4, s0;
	s1 =	sshll.u32 s1, $0x11  }
0xca: {  	s0 =	sor.u32 s1, s0  }
0xcb: {  	s0 =	sadd.s32 $0x8F2B, s0  }
0xcc: {  	[sflag:s0] =	ssyncadd.remote.s32 $0x1  }
0xcd: {  	_ =	sfence.sel $0xFFFF  }
0xce: {  	[dreg:$0x0] =	wrdreg $0xFFFFFFFF;
	(pc) =	sbr.abs _section_cstart, $3  }
0xcf: {  	[dreg:$0x1] =	wrdreg $0xFFFFFFFF  }
0xd0: {  	_ =	task.clear_ibuf [dreg:s22], $0x2FFFF;
	_ =	strace $0x9FFFFFFF  }
0xd1: {  	(tm) =	ssettm $0x7FFFFFFF  }
tec
execute0_lowered:
.L_overlay_start_1:
0x0: {  	(tag) =	ssettag $0x1  }
0x1: {  	s0 =	rddreg [dreg:$0x0];
	s14 =	stileid.u32  }
0x2: {  	s1 =	rddreg [dreg:$0x1];
	s6 =	smul.u32 $0x5000, s14  }
0x3: {  	s2 =	srdreg.scid;
	s10 =	smul.u32 $0xFFFFFFEC, s14  }
0x4: {  	s3 =	simm.s32 $0x0;
	s2 =	sand.u32 $0x1, s2;
	s22 =	smul.u32 $0x14, s14  }
0x5: {  	s28 =	simm.s32 $0x1;
	s29 =	simm.s32 $0x80;
	s4 =	smul.u32 $0x50000, s2  }
0x6: {  	s30 =	simm.s32 $0x2;
	s31 =	simm.s32 $0x5;
	s12 =	smul.u32 $0xFFFFFEC0, s2  }
0x7: {  	[smem:$0x7FF] =	sst s3;
	s5 =	sshll.u32 s2, $0x4;
	s21 =	smul.u32 $0x140, s2  }
0x8: {  	s9 =	ssub.s32 $0x2, s2;
	s2 =	smul.u32 $0x140000, s2;
	s5 =	sor.u32 s14, s5  }
0x9: {  	s7 =	sadd.s32 $0x56400, s0;
	s11 =	sshrl.u32 s9, $0x1;
	s8 =	smul.u32 $0x14, s5  }
0xa: {  	_ =	strace $0x8000004D;
	s9 =	ssub.s32 s9, s11;
	s11 =	smul.u32 $0x14000, s14  }
0xb: {  	s4 =	sadd.s32 s6, s4;
	s26 =	smul.u32 $0x2800, s5;
	s15 =	sadd.s32 s12, s10  }
0xc: {  	s6 =	sadd.s32 s6, s1;
	s4 =	sshrl.u32 s4, $0x3;
	s12 =	sadd.s32 $0x271, s15  }
0xd: {  	s9 =	smax.u32 s9, $0x1;
	s13 =	sadd.s32 s4, s0;
	s25 =	ssub.s32 $0x271, s8  }
0xe: {  	s16 =	sshrl.u32 s11, $0x2;
	s17 =	sadd.s32 s7, s26;
	s18 =	smin.u32 s12, $0x14  }
0xf: {  	[dreg:$0x7] =	wrdreg s9;
	s2 =	sadd.s32 s11, s2;
	s4 =	smin.u32 s25, $0x14  }
0x10: {  	s5 =	sadd.s32 s16, s1;
	[dreg:$0x3] =	wrdreg s17;
	s10 =	sadd.s32 $0x200, s17  }
0x11: {  	s12 =	smul.u32 $0x34, s18;
	s13 =	sadd.s32 $0x3000, s13;
	s25 =	sadd.s32 s22, s21  }
0x12: {  	s26 =	sor.u32 $0x2000, s2;
	s2 =	sor.u32 $0x3000, s2;
	s18 =	sand.u32 $0x1C, s18  }
0x13: {  	s21 =	simm.s32 $0x2A00;
	s22 =	simm.s32 $0x3;
	[dreg:$0x4] =	wrdreg s10  }
0x14: {  	s19 =	sshll.u32 s4, $0x7;
	s20 =	sand.u32 $0x1, s4;
	[dreg:$0x6] =	wrdreg s13  }
0x15: {  	s23 =	sadd.s32 $0x1000, s5;
	s24 =	sadd.s32 $0x2000, s5;
	s13 =	sadd.s32 $0x3000, s5  }
0x16: {  	s14 =	sadd.s32 $0x4000, s5;
	s9 =	sshll.u32 s25, $0x4;
	s2 =	sshrl.u32 s2, $0x3  }
0x17: {  	s25 =	sshrl.u32 s6, $0x3;
	s10 =	sadd.s32 $0xFFFFFF80, s19;
	[dreg:$0x8] =	wrdreg s23  }
0x18: {  	s17 =	sshrl.u32 s12, $0x8;
	[dreg:$0x9] =	wrdreg s24;
	s0 =	sadd.s32 s0, s9  }
0x19: {  	s9 =	sadd.s32 s2, s7;
	s23 =	simm.s32 $0x4;
	p0 =	seq.s32 s20, $0x0  }
0x1a: {  	s24 =	simm.s32 $0xA00;
	[dreg:$0x5] =	wrdreg s10;
	s15 =	smul.u32 $0xA00, s17  }
0x1b: {  	s16 =	sadd.s32 $0x53B10, s0;
	s17 =	ssub.s32 $0x0, s17;
	s0 =	sshrl.u32 s26, $0x3  }
0x1c: {  	v0 =	vimm.f32 $0.0e+00;
	s26 =	simm.s32 $0x1A00;
	s19 =	sadd.s32 s0, s7;
	s0 =	simm.s32 $0x0  }
.LBB2_1:
0x1d: {  	s2 =	simm.s32 $0x80;
	s6 =	simm.s32 $0x0  }
.LBB2_2:
0x1e: {  	p1 =	sne.s32 s2, $0x3F80;
	[tilespmem:s6+$0x2A00] =	vst v0;
	s7 =	smov.u32 s2;
	s2 =	sadd.s32 $0x80, s2  }
.Ltmp0:
0x1f: {  	[tilespmem:s6+$0x2A10] =	vst v0;
	(pc) =	sbr.rel @p1 .LBB2_2-.Ltmp0, $2  }
0x20: {  	_ =	sdelay $0x2  }
0x21: {  	s6 =	sshra.s32 s7, $0x2  }
0x22: {  	[tilespmem:s6+$0x2A00] =	vst v0  }
0x23: {  	[tilespmem:s6+$0x2A10] =	vst v0  }
0x24: {  	[spmem:s5] =	stream.linear.scatter [tilespmem:s21], [sflag:$0x3], $0x1000, $0x38;
	[tilespmem:$0x8A00] =	vst v63  }
0x25: {  	s2 =	rddreg [dreg:$0x8]  }
0x26: {  	[spmem:s2] =	stream.linear.scatter [tilespmem:s21], [sflag:$0x3], $0x1000, $0x38;
	[tilespmem:$0x8A00] =	vst v63  }
0x27: {  	s20 =	rddreg [dreg:$0x9]  }
0x28: {  	[spmem:s20] =	stream.linear.scatter [tilespmem:s21], [sflag:$0x3], $0x1000, $0x38;
	[tilespmem:$0x8A00] =	vst v63  }
0x29: {  	p1 =	sne.s32 s15, $0xA00  }
0x2a: {  	[spmem:s13] =	stream.linear.scatter [tilespmem:s21], [sflag:$0x3], $0x1000, $0x38;
	[tilespmem:$0x8A00] =	vst v63  }
.Ltmp1:
0x2b: {  	_ = 	snop;
	(pc) =	sbr.rel @!p1 .LBB2_5-.Ltmp1, $4  }
0x2c: {  	_ = 	snop  }
0x2d: {  	[spmem:s14] =	stream.linear.scatter [tilespmem:s21], [sflag:$0x3], $0x1000, $0x38;
	[tilespmem:$0x8A00] =	vst v63  }
0x2e: {  	s6 =	sadd.s32 $0xFFFFF600, s15;
	s7 =	smov.u32 s16;
	s2 =	simm.s32 $0x0  }
0x2f: {  	[tilespmem:s2], [sflag:$0x4] =	stream.linear.gather [hbm4b:s16+s3], $0x280, $0x38;
	[tilespmem:$0x8A00] =	vst v63  }
.LBB2_4:
0x30: {  	p1 =	sne.s32 s6, $0xA00  }
.Ltmp2:
0x31: {  	_ = 	snop;
	(pc) =	sbr.rel @p1 .LBB2_4-.Ltmp2, $4  }
0x32: {  	_ = 	snop  }
0x33: {  	s2 =	sadd.s32 $0x280, s2;
	s7 =	sadd.s32 $0x50, s7  }
0x34: {  	s6 =	sadd.s32 $0xFFFFF600, s6  }
0x35: {  	[tilespmem:s2], [sflag:$0x4] =	stream.linear.gather [hbm4b:s7+s3], $0x280, $0x38;
	[tilespmem:$0x8A00] =	vst v63  }
.LBB2_5:
0x36: {  	_ =	swait.ge [sflag:s22], $0x1000  }
0x37: {  	[sflag:s22] =	ssyncset.done $0x0  }
0x38: {  	[sflag:s22] =	ssyncadd.s32 $0xFFFFF000  }
0x39: {  	_ =	swait.ge [sflag:s22], $0x1000  }
0x3a: {  	[sflag:s22] =	ssyncset.done $0x0  }
0x3b: {  	[sflag:s22] =	ssyncadd.s32 $0xFFFFF000  }
0x3c: {  	_ =	swait.ge [sflag:s22], $0x1000  }
0x3d: {  	[sflag:s22] =	ssyncset.done $0x0  }
0x3e: {  	[sflag:s22] =	ssyncadd.s32 $0xFFFFF000  }
0x3f: {  	_ =	swait.ge [sflag:s22], $0x1000  }
0x40: {  	s2 =	sadd.s32 $0x1, s17;
	[sflag:s22] =	ssyncset.done $0x0  }
0x41: {  	p1 =	seq.s32 s2, $0x0;
	[sflag:s22] =	ssyncadd.s32 $0xFFFFF000  }
.Ltmp3:
0x42: {  	_ =	swait.ge [sflag:s22], $0x1000;
	(pc) =	sbr.rel @p1 .LBB2_7-.Ltmp3, $4  }
0x43: {  	[sflag:s22] =	ssyncset.done $0x0  }
0x44: {  	[sflag:s22] =	ssyncadd.s32 $0xFFFFF000  }
0x45: {  	_ =	swait.ge [sflag:s23], $0x280  }
0x46: {  	[sflag:s23] =	ssyncset.done $0x0  }
.LBB2_6:
0x47: {  	s2 =	sadd.s32 $0x1, s2  }
0x48: {  	[sflag:s23] =	ssyncadd.s32 $0xFFFFFD80;
	p1 =	seq.s32 s2, $0x0  }
.Ltmp4:
0x49: {  	(pc) =	sbr.rel @!p1 .LBB2_6-.Ltmp4, $3  }
0x4a: {  	_ =	sdelay $0x1  }
0x4b: {  	_ =	swait.ge [sflag:s23], $0x280  }
0x4c: {  	[sflag:s23] =	ssyncset.done $0x0  }
.LBB2_7:
0x4d: {  	[sflag:s23] =	ssyncadd.s32 $0xFFFFFD80  }
0x4e: {  	[bflag:$0x0] =	sbarrier.arrive $0xFFFF  }
0x4f: {  	s2 =	simm.s32 $0x0;
	s6 =	rddreg [dreg:$0x3]  }
0x50: {  	[tilespmem:s24], [sflag:$0x1] =	stream.linear.gather [hbm4b:s6+s2], $0x1000, $0x38;
	[tilespmem:$0x8A00] =	vst v63  }
0x51: {  	s11 =	rddreg [dreg:$0x4]  }
0x52: {  	[tilespmem:s26], [sflag:$0x2] =	stream.linear.gather [hbm4b:s11+s2], $0x1000, $0x38;
	[tilespmem:$0x8A00] =	vst v63  }
0x53: {  	_ =	swait.ge [sflag:s28], $0x1000  }
0x54: {  	[sflag:s28] =	ssyncset.done $0x0  }
0x55: {  	s12 =	simm.s32 $0x0;
	[sflag:s28] =	ssyncadd.s32 $0xFFFFF000  }
0x56: {  	[spmem:s1] =	stream.indirect.scatter.add.f32 [tilespmem:s24], [sflag:$0x3], $0x20, s12, s29, $0xb8;
	[tilespmem:$0x8A00] =	vst v63  }
0x57: {  	_ =	swait.ge [sflag:s30], $0x1000  }
0x58: {  	[sflag:s30] =	ssyncset.done $0x0  }
0x59: {  	s20 =	simm.s32 $0x80;
	p1 =	sne.s32 s18, $0x2;
	[sflag:s30] =	ssyncadd.s32 $0xFFFFF000  }
0x5a: {  	[spmem:s1] =	stream.indirect.scatter.add.f32 [tilespmem:s26], [sflag:$0x4], $0x20, s20, s29, $0xb8;
	[tilespmem:$0x8A00] =	vst v63  }
0x5b: {  	p2 =	sle.u32 s4, $0x2;
	s8 =	sadd.s32 $0x400, s19;
	_ =	swait.ge [sflag:s22], $0x1000  }
0x5c: {  	s7 =	simm.s32 @!p2 $0xA00;
	s6 =	simm.s32 @!p2 $0x0;
	[sflag:s22] =	ssyncset.done $0x0  }
.Ltmp5:
0x5d: {  	s2 =	simm.s32 $0x2;
	[sflag:s22] =	ssyncadd.s32 $0xFFFFF000;
	(pc) =	sbr.rel @!p1 .LBB2_9-.Ltmp5, $4  }
0x5e: {  	[tilespmem:s7], [sflag:$0x1] =	stream.linear.gather @!p2 [hbm4b:s19+s6], $0x1000, $0x38;
	[tilespmem:$0x8A00] =	vst v63  }
0x5f: {  	s20 =	smov.u32 s9;
	s7 =	sadd.s32 $0x400, s9;
	_ =	swait.ge [sflag:s23], $0x1000  }
0x60: {  	p2 =	sle.u32 s4, $0x3;
	s6 =	simm.s32 $0x180;
	[sflag:s23] =	ssyncset.done $0x0  }
0x61: {  	s10 =	simm.s32 @!p2 $0x0;
	s11 =	simm.s32 @!p2 $0x1A00;
	[sflag:s23] =	ssyncadd.s32 $0xFFFFF000  }
.LBB2_8:
0x62: {  	[tilespmem:s11], [sflag:$0x2] =	stream.linear.gather @!p2 [hbm4b:s20+s10], $0x1000, $0x38;
	[tilespmem:$0x8A00] =	vst v63  }
0x63: {  	s10 =	smov.u32 s2;
	s2 =	sadd.s32 $0x2, s2;
	s20 =	smov.u32 s7  }
0x64: {  	p1 =	sne.s32 s18, s2;
	_ =	swait.ge [sflag:s28], $0x1000  }
0x65: {  	[sflag:s28] =	ssyncset.done $0x0  }
0x66: {  	s11 =	sadd.s32 $0xFFFFFF80, s6;
	[sflag:s28] =	ssyncadd.s32 $0xFFFFF000  }
0x67: {  	[spmem:s1] =	stream.indirect.scatter.add.f32 [tilespmem:s24], [sflag:$0x3], $0x20, s11, s29, $0xb8;
	[tilespmem:$0x8A00] =	vst v63  }
0x68: {  	_ =	swait.ge [sflag:s30], $0x1000  }
0x69: {  	[sflag:s30] =	ssyncset.done $0x0  }
0x6a: {  	[sflag:s30] =	ssyncadd.s32 $0xFFFFF000  }
0x6b: {  	[spmem:s1] =	stream.indirect.scatter.add.f32 [tilespmem:s26], [sflag:$0x4], $0x20, s6, s29, $0xb8;
	[tilespmem:$0x8A00] =	vst v63  }
0x6c: {  	p2 =	sge.u32 s2, s4;
	_ =	swait.ge [sflag:s22], $0x1000  }
0x6d: {  	s7 =	sadd.s32 $0x400, s7;
	s12 =	simm.s32 @!p2 $0xA00;
	[sflag:s22] =	ssyncset.done $0x0  }
.Ltmp6:
0x6e: {  	s11 =	simm.s32 @!p2 $0x0;
	[sflag:s22] =	ssyncadd.s32 $0xFFFFF000;
	(pc) =	sbr.rel @p1 .LBB2_8-.Ltmp6, $4  }
0x6f: {  	[tilespmem:s12], [sflag:$0x1] =	stream.linear.gather @!p2 [hbm4b:s8+s11], $0x1000, $0x38;
	[tilespmem:$0x8A00] =	vst v63  }
0x70: {  	s10 =	sadd.s32 $0x3, s10;
	s8 =	sadd.s32 $0x400, s8;
	_ =	swait.ge [sflag:s23], $0x1000  }
0x71: {  	s6 =	sadd.s32 $0x100, s6;
	p2 =	sge.u32 s10, s4;
	[sflag:s23] =	ssyncset.done $0x0  }
0x72: {  	s10 =	simm.s32 @!p2 $0x0;
	s11 =	simm.s32 @!p2 $0x1A00;
	[sflag:s23] =	ssyncadd.s32 $0xFFFFF000  }
.LBB2_9:
0x73: {  	[tilespmem:s11], [sflag:$0x2] =	stream.linear.gather @!p2 [hbm4b:s20+s10], $0x1000, $0x38;
	[tilespmem:$0x8A00] =	vst v63  }
0x74: {  	s2 =	simm.s32 @!p0 $0x1  }
0x75: {  	_ =	swait.ge @!p0 [sflag:s2], $0x1000  }
0x76: {  	s6 =	simm.s32 @!p0 $0xA00;
	[sflag:s2] =	ssyncset.done @!p0 $0x0  }
0x77: {  	s7 =	rddreg [dreg:$0x5];
	[sflag:s2] =	ssyncadd.s32 @!p0 $0xFFFFF000;
	s2 =	simm.s32 @!p0 $0x80  }
0x78: {  	[spmem:s1] =	stream.indirect.scatter.add.f32 @!p0 [tilespmem:s6], [sflag:$0x3], $0x20, s7, s2, $0xb8;
	[tilespmem:$0x8A00] =	vst v63  }
0x79: {  	s2 =	simm.s32 @!p0 $0x3  }
0x7a: {  	_ =	swait.ge @!p0 [sflag:s2], $0x1000  }
0x7b: {  	[sflag:s2] =	ssyncset.done @!p0 $0x0  }
0x7c: {  	s11 =	stileid.u32;
	[sflag:s2] =	ssyncadd.s32 @!p0 $0xFFFFF000  }
0x7d: {  	s2 =	sshll.u32 s11, $0x6;
	[bflag:$0x0] =	sbarrier.arrive $0xFFFF  }
0x7e: {  	s2 =	sor.u32 $0x1C05, s2;
	s12 =	rddreg [dreg:$0x6]  }
0x7f: {  	[hbm:s12], [sflag:s2] =	dma.local [spmem:s25], $0xA00  }
0x80: {  	_ =	swait.ge [sflag:s31], $0xA00  }
0x81: {  	s0 =	sadd.s32 $0x1, s0;
	s20 =	rddreg [dreg:$0x7]  }
0x82: {  	p1 =	sne.s32 s0, s20  }
.Ltmp7:
0x83: {  	_ = 	snop;
	(pc) =	sbr.rel @p1 .LBB2_1-.Ltmp7, $3  }
0x84: {  	_ =	sdelay $0x1  }
0x85: {  	[sflag:s31] =	ssyncset.done $0x0  }
0x86: {  	[sflag:s31] =	ssyncadd.s32 $0xFFFFF600  }
0x87: {  	_ =	sfence.sel $0x180000  }
0x88: {  	[bflag:$0x0] =	sbarrier.arrive $0xFFFF  }
0x89: {  	_ =	strace $0x9000004D  }
0x8a: {  	s0 =	stileid.u32;
	[bflag:$0x2] =	sbarrier.arrive $0xFFFF  }
0x8b: {  	p0 =	sne.s32 s0, $0x0;
	s0 =	rddreg [dreg:$0x2]  }
0x8c: {  	s0 =	sadd.s32 @!p0 $0x100000, s0  }
0x8d: {  	[sflag:s0] =	ssyncadd.tile.s32 @!p0 $0x1;
	_ =	shalt  }
.Lfunc_end2:
_tile_overlayer_lowered:
.L_overlay_start_2:
0x8e: {  	(tag) =	ssettag $0x2  }
0x8f: {  	s0 =	rddreg [dreg:$0x0];
	s2 =	stileid.u32  }
0x90: {  	s1 =	rddreg [dreg:$0x1];
	p0 =	sne.s32 s2, $0x0  }
0x91: {  	s3 =	rddreg [dreg:$0x2];
	[bflag:$0x3] =	sbarrier.arrive $0xFFFF;
	s2 =	simm.s32 @!p0 $0x1C05  }
0x92: {  	[timem:s3], [sflag:s2] =	dma.local @!p0 [hbm:s0], s1  }
0x93: {  	s0 =	simm.s32 @!p0 $0x5  }
0x94: {  	_ =	swait.ge @!p0 [sflag:s0], s1  }
0x95: {  	s1 =	ssub.s32 @!p0 $0x0, s1;
	[sflag:s0] =	ssyncset.done @!p0 $0x0  }
0x96: {  	[sflag:s0] =	ssyncadd.s32 @!p0 s1  }
0x97: {  	[bflag:$0x3] =	sbarrier.arrive $0xFFFF  }
0x98: {  	_ =	shalt  }

</sc_bundles>
